<compile_context>
chip_gen: v7x
topology: tpu7x:2x2x1
jax: 0.10.2.dev20260603
libtpu: 0.0.44.dev20260713+nightly
codegen_flags: <defaults>
</compile_context>

<pallas_src>
import functools

import jax
import jax.numpy as jnp
from jax import lax
from jax.experimental import pallas as pl
from jax.experimental.pallas import tpu as pltpu
from jax.experimental.pallas import tpu_sc as plsc

N = 10000
E = 320000
D = 128
NC, NS, L = 2, 16, 16
NW = NC * NS
EPT = E // NW
NG = EPT // L
NPAD = 10240
RPC = NPAD // NS
BLK = 1000

_mesh = plsc.VectorSubcoreMesh(core_axis_name="c", subcore_axis_name="s",
                               num_cores=NC, num_subcores=NS)
_scp = pltpu.CompilerParams(needs_layout_passes=False,
                            use_tc_tiling_on_sc=False)


@functools.partial(
    pl.kernel,
    out_type=jax.ShapeDtypeStruct((NW, N), jnp.float32),
    mesh=_mesh,
    compiler_params=_scp,
    scratch_types=[pltpu.VMEM((NG, L), jnp.int32),
                   pltpu.VMEM((NG, L), jnp.float32),
                   pltpu.VMEM((N,), jnp.float32)],
)
def _deg_kernel(dst_hbm, w_hbm, out_hbm, dst_v, w_v, deg_v):
    c = lax.axis_index("c")
    s = lax.axis_index("s")
    wid = c * NS + s
    pltpu.sync_copy(dst_hbm.at[wid], dst_v)
    pltpu.sync_copy(w_hbm.at[wid], w_v)

    @pl.loop(0, N // L)
    def _zero(r):
        deg_v[pl.ds(r * L, L)] = jnp.zeros((L,), jnp.float32)

    @pl.loop(0, NG)
    def _scat(g):
        plsc.addupdate_scatter(deg_v, [dst_v[g]], w_v[g])

    pltpu.sync_copy(deg_v, out_hbm.at[wid])


@functools.partial(
    pl.kernel,
    out_type=jax.ShapeDtypeStruct((NC, NPAD, D), jnp.float32),
    mesh=_mesh,
    compiler_params=_scp,
    scratch_types=[pltpu.VMEM((NG, L), jnp.int32),
                   pltpu.VMEM((NG, L), jnp.int32),
                   pltpu.VMEM((NG, L), jnp.float32),
                   pltpu.VMEM((2, L, D), jnp.float32),
                   pltpu.VMEM((L, D), jnp.float32),
                   pltpu.VMEM_SHARED((NPAD, D), jnp.float32),
                   pltpu.SemaphoreType.DMA((2,))],
)
def _agg_kernel(z_hbm, src_hbm, dst_hbm, w_hbm, out_hbm,
                src_v, dst_v, w_v, rows_v, zer_v, acc_sh, gsem):
    c = lax.axis_index("c")
    s = lax.axis_index("s")
    wid = c * NS + s
    pltpu.sync_copy(src_hbm.at[wid], src_v)
    pltpu.sync_copy(dst_hbm.at[wid], dst_v)
    pltpu.sync_copy(w_hbm.at[wid], w_v)

    for j in range(L):
        for cc in range(D // L):
            zer_v[j, pl.ds(cc * L, L)] = jnp.zeros((L,), jnp.float32)

    base = s * RPC

    @pl.loop(0, RPC // L)
    def _zero(r):
        pltpu.sync_copy(zer_v, acc_sh.at[pl.ds(base + r * L, L)])

    plsc.subcore_barrier()

    def _scale(b, g):
        wv = w_v[g]
        for j in range(L):
            wj = jnp.take_along_axis(wv, jnp.full((L,), j, jnp.int32), axis=0)
            for cc in range(D // L):
                rows_v[b, j, pl.ds(cc * L, L)] = (
                    rows_v[b, j, pl.ds(cc * L, L)] * wj)

    pltpu.async_copy(z_hbm.at[src_v.at[0]], rows_v.at[0], gsem.at[0])

    @pl.loop(0, NG)
    def _edge(g):
        b = lax.rem(g, 2)
        nb = lax.rem(g + 1, 2)

        @pl.when(g + 1 < NG)
        def _():
            pltpu.async_copy(z_hbm.at[src_v.at[g + 1]], rows_v.at[nb],
                             gsem.at[nb])

        pltpu.make_async_copy(z_hbm.at[src_v.at[g]], rows_v.at[b],
                              gsem.at[b]).wait()
        _scale(b, g)
        pltpu.sync_copy(rows_v.at[b], acc_sh.at[dst_v.at[g]], add=True)

    plsc.subcore_barrier()
    pltpu.sync_copy(acc_sh.at[pl.ds(base, RPC)],
                    out_hbm.at[c, pl.ds(base, RPC)])


def _z_body(x_ref, w0_ref, wih_ref, bsum_ref, degt_ref, z_ref, w_s):
    @pl.when(pl.program_id(0) == 0)
    def _():
        gates = lax.dot_general(w0_ref[...], wih_ref[...],
                                (((1,), (1,)), ((), ())),
                                preferred_element_type=jnp.float32)
        gates = gates + bsum_ref[...]
        i_g = gates[:, 0:D]
        g_g = gates[:, 2 * D:3 * D]
        o_g = gates[:, 3 * D:4 * D]
        cst = jax.nn.sigmoid(i_g) * jnp.tanh(g_g)
        w_s[...] = jax.nn.sigmoid(o_g) * jnp.tanh(cst)

    deg = 1.0 + jnp.sum(degt_ref[...], axis=1, keepdims=True)
    dinv = jnp.where(deg > 0, lax.rsqrt(deg), 0.0)
    z_ref[...] = jnp.dot(x_ref[...], w_s[...],
                         preferred_element_type=jnp.float32) * dinv


_z_call = pl.pallas_call(
    _z_body,
    grid=(N // BLK,),
    in_specs=[
        pl.BlockSpec((BLK, D), lambda i: (i, 0)),
        pl.BlockSpec((D, D), lambda i: (0, 0)),
        pl.BlockSpec((4 * D, D), lambda i: (0, 0)),
        pl.BlockSpec((1, 4 * D), lambda i: (0, 0)),
        pl.BlockSpec((BLK, NW), lambda i: (i, 0)),
    ],
    out_specs=pl.BlockSpec((BLK, D), lambda i: (i, 0)),
    out_shape=jax.ShapeDtypeStruct((N, D), jnp.float32),
    scratch_shapes=[pltpu.VMEM((D, D), jnp.float32)],
)


def _head_body(s_ref, z_ref, degt_ref, bconv_ref, wfc_ref, bfc_ref, o_ref):
    deg = 1.0 + jnp.sum(degt_ref[...], axis=1, keepdims=True)
    dinv = jnp.where(deg > 0, lax.rsqrt(deg), 0.0)
    agg = dinv * (s_ref[0] + s_ref[1] + z_ref[...])
    h = jnp.maximum(agg + bconv_ref[...], 0.0)
    o_ref[...] = jnp.dot(h, wfc_ref[...],
                         preferred_element_type=jnp.float32) + bfc_ref[...]


_head_call = pl.pallas_call(
    _head_body,
    grid=(N // BLK,),
    in_specs=[
        pl.BlockSpec((NC, BLK, D), lambda i: (0, i, 0)),
        pl.BlockSpec((BLK, D), lambda i: (i, 0)),
        pl.BlockSpec((BLK, NW), lambda i: (i, 0)),
        pl.BlockSpec((1, D), lambda i: (0, 0)),
        pl.BlockSpec((D, 1), lambda i: (0, 0)),
        pl.BlockSpec((1, 1), lambda i: (0, 0)),
    ],
    out_specs=pl.BlockSpec((BLK, 1), lambda i: (i, 0)),
    out_shape=jax.ShapeDtypeStruct((N, 1), jnp.float32),
)


def kernel(x, edge_index, edge_weight, W0, W_ih, W_hh, b_ih, b_hh, b_conv,
           W_fc, b_fc):
    src = edge_index[0].reshape(NW, NG, L)
    dst = edge_index[1].reshape(NW, NG, L)
    ew = edge_weight.reshape(NW, NG, L)

    deg_part = _deg_kernel(dst, ew)
    deg_t = deg_part.T

    bsum = (b_ih + b_hh).reshape(1, 4 * D)
    z = _z_call(x, W0, W_ih, bsum, deg_t)

    s_part = _agg_kernel(z, src, dst, ew)

    return _head_call(s_part, z, deg_t, b_conv.reshape(1, D),
                      W_fc, b_fc.reshape(1, 1))

# --- scband reference (transcript-rebuilt; emitter-appended) ---
"""Pipeline reference for scband-evolve-gcnomodel-49529562857567 (READ-ONLY COPY).

The authoritative reference and input builder live on the scoring server;
editing this copy changes nothing except your own understanding.
"""

import jax, jax.numpy as jnp
import numpy as np

N_NODES = 10000
N_EDGES = 320000
D = 128


def setup_inputs(seed: int = 0) -> dict:
    key = jax.random.key(seed)
    ks = jax.random.split(key, 10)
    x = jax.random.normal(ks[0], (N_NODES, D), dtype=jnp.float32)
    edge_index = jax.random.randint(ks[1], (2, N_EDGES), 0, N_NODES, dtype=jnp.int32)
    edge_weight = jax.random.uniform(ks[2], (N_EDGES,), dtype=jnp.float32)
    # EvolveGCNO parameters: initial GCN weight evolved by a 1-layer LSTM
    W0 = jax.random.normal(ks[3], (D, D), dtype=jnp.float32) * 0.05      # initial_weight [in, in]
    W_ih = jax.random.normal(ks[4], (4 * D, D), dtype=jnp.float32) * 0.05  # LSTM input-hidden
    W_hh = jax.random.normal(ks[5], (4 * D, D), dtype=jnp.float32) * 0.05  # LSTM hidden-hidden
    b_ih = jnp.zeros((4 * D,), dtype=jnp.float32)
    b_hh = jnp.zeros((4 * D,), dtype=jnp.float32)
    b_conv = jnp.zeros((D,), dtype=jnp.float32)                            # GCNConv bias
    W_fc = jax.random.normal(ks[6], (D, 1), dtype=jnp.float32) * 0.05      # final Linear(D, 1)
    b_fc = jnp.zeros((1,), dtype=jnp.float32)
    return {"x": x, "edge_index": edge_index, "edge_weight": edge_weight,
            "W0": W0, "W_ih": W_ih, "W_hh": W_hh, "b_ih": b_ih, "b_hh": b_hh,
            "b_conv": b_conv, "W_fc": W_fc, "b_fc": b_fc}


def reference(x, edge_index, edge_weight, W0, W_ih, W_hh, b_ih, b_hh, b_conv, W_fc, b_fc):
    # --- EvolveGCNO weight evolution: single LSTM step on the weight matrix ---
    # torch LSTM with seq_len=1, batch=D, input=D, h0=c0=0. Gate order: i, f, g, o.
    gates = W0 @ W_ih.T + b_ih + b_hh
    i_g, f_g, g_g, o_g = jnp.split(gates, 4, axis=1)
    c = jax.nn.sigmoid(i_g) * jnp.tanh(g_g)
    W = jax.nn.sigmoid(o_g) * jnp.tanh(c)  # evolved GCN weight [D, D]
    # --- GCNConv_Fixed_W: x @ W, then symmetric gcn_norm propagation ---
    n = x.shape[0]
    loop = jnp.arange(n, dtype=edge_index.dtype)
    src = jnp.concatenate([edge_index[0], loop])  # add self loops (fill weight 1.0)
    dst = jnp.concatenate([edge_index[1], loop])
    w = jnp.concatenate([edge_weight, jnp.ones((n,), dtype=x.dtype)])
    deg = jnp.zeros((n,), dtype=x.dtype).at[dst].add(w)
    dinv = jnp.where(deg > 0, jax.lax.rsqrt(jnp.where(deg > 0, deg, 1.0)), 0.0)
    wn = dinv[src] * w * dinv[dst]
    xw = x @ W
    msgs = xw[src] * wn[:, None]                   # gather
    agg = jnp.zeros_like(xw).at[dst].add(msgs)     # scatter-add
    h = agg + b_conv
    # --- model head: fc(relu(h)) ---
    return jax.nn.relu(h) @ W_fc + b_fc

if __name__ == "__main__":
    import jax
    _d = setup_inputs()
    print(jax.jit(kernel)(*tuple(_d.values())))

</pallas_src>

<mosaic_0001>
#map = affine_map<(d0, d1) -> (0, 0)>
#map1 = affine_map<(d0, d1) -> (0, 0, 0)>
module attributes {stable_mosaic.version = 14 : i64} {
  func.func @_agg_kernel(%arg0: i32, %arg1: i32, %arg2: memref<10000x128xf32, #tpu.memory_space<hbm>>, %arg3: memref<32x625x16xi32, #tpu.memory_space<hbm>>, %arg4: memref<32x625x16xi32, #tpu.memory_space<hbm>>, %arg5: memref<32x625x16xf32, #tpu.memory_space<hbm>>, %arg6: memref<2x10240x128xf32, #tpu.memory_space<hbm>>, %arg7: memref<625x16xi32, #tpu.memory_space<vmem>>, %arg8: memref<625x16xi32, #tpu.memory_space<vmem>>, %arg9: memref<625x16xf32, #tpu.memory_space<vmem>>, %arg10: memref<2x16x128xf32, #tpu.memory_space<vmem>>, %arg11: memref<16x128xf32, #tpu.memory_space<vmem>>, %arg12: memref<10240x128xf32, #tpu.memory_space<vmem_shared>>, %arg13: memref<2x!tpu.dma_semaphore, #tpu.memory_space<semaphore_mem>>) attributes {dimension_semantics = [#tpu.dimension_semantics<core_parallel>, #tpu.dimension_semantics<subcore_parallel>], iteration_bounds = array<i64: 2, 16>, scalar_prefetch = 0 : i64, scratch_operands = 7 : i64, tpu.core_type = #tpu.core_type<sc_vector_subcore>, window_params = [{transform_indices = #map}, {transform_indices = #map1}, {transform_indices = #map1}, {transform_indices = #map1}, {transform_indices = #map1}]} {
    %mul3A = arith.constant 16 : i32
    %mul3A_0 = arith.muli %arg0, %mul3A : i32
    %add3A = arith.addi %mul3A_0, %arg1 : i32
    "tpu.region"() ({
      %run_scoped3A = tpu.sem_alloc : memref<!tpu.dma_semaphore, #tpu.memory_space<semaphore_mem>>
      %dma_start3A_793 = arith.constant 0 : i32
      %dma_start3A_794 = arith.constant 0 : i32
      %dma_start3A_795 = tpu.memref_slice %arg3[%add3A, %dma_start3A_793, %dma_start3A_794] : memref<32x625x16xi32, #tpu.memory_space<hbm>> -> memref<1x625x16xi32, #tpu.memory_space<hbm>>
      %dma_start3A_796 = tpu.memref_squeeze %dma_start3A_795 : memref<1x625x16xi32, #tpu.memory_space<hbm>> -> memref<625x16xi32, #tpu.memory_space<hbm>>
      %dma_start3A_797 = arith.constant 0 : i32
      %dma_start3A_798 = arith.constant 0 : i32
      %dma_start3A_799 = tpu.memref_slice %arg3[%add3A, %dma_start3A_797, %dma_start3A_798] : memref<32x625x16xi32, #tpu.memory_space<hbm>> -> memref<1x625x16xi32, #tpu.memory_space<hbm>>
      %dma_start3A_800 = tpu.memref_squeeze %dma_start3A_799 : memref<1x625x16xi32, #tpu.memory_space<hbm>> -> memref<625x16xi32, #tpu.memory_space<hbm>>
      tpu.enqueue_dma source(%dma_start3A_800 : memref<625x16xi32, #tpu.memory_space<hbm>>) target(%arg7 : memref<625x16xi32, #tpu.memory_space<vmem>>) target_semaphore(%run_scoped3A : memref<!tpu.dma_semaphore, #tpu.memory_space<semaphore_mem>>)
      %dma_wait3A = arith.constant 0 : i32
      %dma_wait3A_801 = arith.constant 0 : i32
      %dma_wait3A_802 = tpu.memref_slice %arg3[%add3A, %dma_wait3A, %dma_wait3A_801] : memref<32x625x16xi32, #tpu.memory_space<hbm>> -> memref<1x625x16xi32, #tpu.memory_space<hbm>>
      %dma_wait3A_803 = tpu.memref_squeeze %dma_wait3A_802 : memref<1x625x16xi32, #tpu.memory_space<hbm>> -> memref<625x16xi32, #tpu.memory_space<hbm>>
      %dma_wait3A_804 = arith.constant 0 : i32
      %dma_wait3A_805 = arith.constant 0 : i32
      %dma_wait3A_806 = tpu.memref_slice %arg3[%add3A, %dma_wait3A_804, %dma_wait3A_805] : memref<32x625x16xi32, #tpu.memory_space<hbm>> -> memref<1x625x16xi32, #tpu.memory_space<hbm>>
      %dma_wait3A_807 = tpu.memref_squeeze %dma_wait3A_806 : memref<1x625x16xi32, #tpu.memory_space<hbm>> -> memref<625x16xi32, #tpu.memory_space<hbm>>
      tpu.wait_dma2 semaphore(%run_scoped3A : memref<!tpu.dma_semaphore, #tpu.memory_space<semaphore_mem>>) src(%dma_wait3A_807 : memref<625x16xi32, #tpu.memory_space<hbm>>) dst(%arg7 : memref<625x16xi32, #tpu.memory_space<vmem>>)
      tpu.yield
    }) : () -> ()
    "tpu.region"() ({
      %run_scoped3A = tpu.sem_alloc : memref<!tpu.dma_semaphore, #tpu.memory_space<semaphore_mem>>
      %dma_start3A_793 = arith.constant 0 : i32
      %dma_start3A_794 = arith.constant 0 : i32
      %dma_start3A_795 = tpu.memref_slice %arg4[%add3A, %dma_start3A_793, %dma_start3A_794] : memref<32x625x16xi32, #tpu.memory_space<hbm>> -> memref<1x625x16xi32, #tpu.memory_space<hbm>>
      %dma_start3A_796 = tpu.memref_squeeze %dma_start3A_795 : memref<1x625x16xi32, #tpu.memory_space<hbm>> -> memref<625x16xi32, #tpu.memory_space<hbm>>
      %dma_start3A_797 = arith.constant 0 : i32
      %dma_start3A_798 = arith.constant 0 : i32
      %dma_start3A_799 = tpu.memref_slice %arg4[%add3A, %dma_start3A_797, %dma_start3A_798] : memref<32x625x16xi32, #tpu.memory_space<hbm>> -> memref<1x625x16xi32, #tpu.memory_space<hbm>>
      %dma_start3A_800 = tpu.memref_squeeze %dma_start3A_799 : memref<1x625x16xi32, #tpu.memory_space<hbm>> -> memref<625x16xi32, #tpu.memory_space<hbm>>
      tpu.enqueue_dma source(%dma_start3A_800 : memref<625x16xi32, #tpu.memory_space<hbm>>) target(%arg8 : memref<625x16xi32, #tpu.memory_space<vmem>>) target_semaphore(%run_scoped3A : memref<!tpu.dma_semaphore, #tpu.memory_space<semaphore_mem>>)
      %dma_wait3A = arith.constant 0 : i32
      %dma_wait3A_801 = arith.constant 0 : i32
      %dma_wait3A_802 = tpu.memref_slice %arg4[%add3A, %dma_wait3A, %dma_wait3A_801] : memref<32x625x16xi32, #tpu.memory_space<hbm>> -> memref<1x625x16xi32, #tpu.memory_space<hbm>>
      %dma_wait3A_803 = tpu.memref_squeeze %dma_wait3A_802 : memref<1x625x16xi32, #tpu.memory_space<hbm>> -> memref<625x16xi32, #tpu.memory_space<hbm>>
      %dma_wait3A_804 = arith.constant 0 : i32
      %dma_wait3A_805 = arith.constant 0 : i32
      %dma_wait3A_806 = tpu.memref_slice %arg4[%add3A, %dma_wait3A_804, %dma_wait3A_805] : memref<32x625x16xi32, #tpu.memory_space<hbm>> -> memref<1x625x16xi32, #tpu.memory_space<hbm>>
      %dma_wait3A_807 = tpu.memref_squeeze %dma_wait3A_806 : memref<1x625x16xi32, #tpu.memory_space<hbm>> -> memref<625x16xi32, #tpu.memory_space<hbm>>
      tpu.wait_dma2 semaphore(%run_scoped3A : memref<!tpu.dma_semaphore, #tpu.memory_space<semaphore_mem>>) src(%dma_wait3A_807 : memref<625x16xi32, #tpu.memory_space<hbm>>) dst(%arg8 : memref<625x16xi32, #tpu.memory_space<vmem>>)
      tpu.yield
    }) : () -> ()
    "tpu.region"() ({
      %run_scoped3A = tpu.sem_alloc : memref<!tpu.dma_semaphore, #tpu.memory_space<semaphore_mem>>
      %dma_start3A_793 = arith.constant 0 : i32
      %dma_start3A_794 = arith.constant 0 : i32
      %dma_start3A_795 = tpu.memref_slice %arg5[%add3A, %dma_start3A_793, %dma_start3A_794] : memref<32x625x16xf32, #tpu.memory_space<hbm>> -> memref<1x625x16xf32, #tpu.memory_space<hbm>>
      %dma_start3A_796 = tpu.memref_squeeze %dma_start3A_795 : memref<1x625x16xf32, #tpu.memory_space<hbm>> -> memref<625x16xf32, #tpu.memory_space<hbm>>
      %dma_start3A_797 = arith.constant 0 : i32
      %dma_start3A_798 = arith.constant 0 : i32
      %dma_start3A_799 = tpu.memref_slice %arg5[%add3A, %dma_start3A_797, %dma_start3A_798] : memref<32x625x16xf32, #tpu.memory_space<hbm>> -> memref<1x625x16xf32, #tpu.memory_space<hbm>>
      %dma_start3A_800 = tpu.memref_squeeze %dma_start3A_799 : memref<1x625x16xf32, #tpu.memory_space<hbm>> -> memref<625x16xf32, #tpu.memory_space<hbm>>
      tpu.enqueue_dma source(%dma_start3A_800 : memref<625x16xf32, #tpu.memory_space<hbm>>) target(%arg9 : memref<625x16xf32, #tpu.memory_space<vmem>>) target_semaphore(%run_scoped3A : memref<!tpu.dma_semaphore, #tpu.memory_space<semaphore_mem>>)
      %dma_wait3A = arith.constant 0 : i32
      %dma_wait3A_801 = arith.constant 0 : i32
      %dma_wait3A_802 = tpu.memref_slice %arg5[%add3A, %dma_wait3A, %dma_wait3A_801] : memref<32x625x16xf32, #tpu.memory_space<hbm>> -> memref<1x625x16xf32, #tpu.memory_space<hbm>>
      %dma_wait3A_803 = tpu.memref_squeeze %dma_wait3A_802 : memref<1x625x16xf32, #tpu.memory_space<hbm>> -> memref<625x16xf32, #tpu.memory_space<hbm>>
      %dma_wait3A_804 = arith.constant 0 : i32
      %dma_wait3A_805 = arith.constant 0 : i32
      %dma_wait3A_806 = tpu.memref_slice %arg5[%add3A, %dma_wait3A_804, %dma_wait3A_805] : memref<32x625x16xf32, #tpu.memory_space<hbm>> -> memref<1x625x16xf32, #tpu.memory_space<hbm>>
      %dma_wait3A_807 = tpu.memref_squeeze %dma_wait3A_806 : memref<1x625x16xf32, #tpu.memory_space<hbm>> -> memref<625x16xf32, #tpu.memory_space<hbm>>
      tpu.wait_dma2 semaphore(%run_scoped3A : memref<!tpu.dma_semaphore, #tpu.memory_space<semaphore_mem>>) src(%dma_wait3A_807 : memref<625x16xf32, #tpu.memory_space<hbm>>) dst(%arg9 : memref<625x16xf32, #tpu.memory_space<vmem>>)
      tpu.yield
    }) : () -> ()
    %broadcast_in_dim3A = arith.constant 0.000000e+00 : f32
    %broadcast_in_dim3A_1 = vector.broadcast %broadcast_in_dim3A : f32 to vector<16xf32>
    %swap3A = arith.constant 0 : i32
    %swap3A_2 = arith.index_cast %swap3A : i32 to index
    %swap3A_3 = arith.constant 0 : index
    %swap3A_4 = tpu.vector_load %arg11[%swap3A_2, %swap3A_3] {strides = array<i32>} : memref<16x128xf32, #tpu.memory_space<vmem>>, vector<16xf32>,
    tpu.vector_store %arg11[%swap3A_2, %swap3A_3], %broadcast_in_dim3A_1 {strides = array<i32>} : memref<16x128xf32, #tpu.memory_space<vmem>>, vector<16xf32>,
    %broadcast_in_dim3A_5 = arith.constant 0.000000e+00 : f32
    %broadcast_in_dim3A_6 = vector.broadcast %broadcast_in_dim3A_5 : f32 to vector<16xf32>
    %swap3A_7 = arith.constant 0 : i32
    %swap3A_8 = arith.index_cast %swap3A_7 : i32 to index
    %swap3A_9 = arith.constant 16 : index
    %swap3A_10 = tpu.vector_load %arg11[%swap3A_8, %swap3A_9] {strides = array<i32>} : memref<16x128xf32, #tpu.memory_space<vmem>>, vector<16xf32>,
    tpu.vector_store %arg11[%swap3A_8, %swap3A_9], %broadcast_in_dim3A_6 {strides = array<i32>} : memref<16x128xf32, #tpu.memory_space<vmem>>, vector<16xf32>,
    %broadcast_in_dim3A_11 = arith.constant 0.000000e+00 : f32
    %broadcast_in_dim3A_12 = vector.broadcast %broadcast_in_dim3A_11 : f32 to vector<16xf32>
    %swap3A_13 = arith.constant 0 : i32
    %swap3A_14 = arith.index_cast %swap3A_13 : i32 to index
    %swap3A_15 = arith.constant 32 : index
    %swap3A_16 = tpu.vector_load %arg11[%swap3A_14, %swap3A_15] {strides = array<i32>} : memref<16x128xf32, #tpu.memory_space<vmem>>, vector<16xf32>,
    tpu.vector_store %arg11[%swap3A_14, %swap3A_15], %broadcast_in_dim3A_12 {strides = array<i32>} : memref<16x128xf32, #tpu.memory_space<vmem>>, vector<16xf32>,
    %broadcast_in_dim3A_17 = arith.constant 0.000000e+00 : f32
    %broadcast_in_dim3A_18 = vector.broadcast %broadcast_in_dim3A_17 : f32 to vector<16xf32>
    %swap3A_19 = arith.constant 0 : i32
    %swap3A_20 = arith.index_cast %swap3A_19 : i32 to index
    %swap3A_21 = arith.constant 48 : index
    %swap3A_22 = tpu.vector_load %arg11[%swap3A_20, %swap3A_21] {strides = array<i32>} : memref<16x128xf32, #tpu.memory_space<vmem>>, vector<16xf32>,
    tpu.vector_store %arg11[%swap3A_20, %swap3A_21], %broadcast_in_dim3A_18 {strides = array<i32>} : memref<16x128xf32, #tpu.memory_space<vmem>>, vector<16xf32>,
    %broadcast_in_dim3A_23 = arith.constant 0.000000e+00 : f32
    %broadcast_in_dim3A_24 = vector.broadcast %broadcast_in_dim3A_23 : f32 to vector<16xf32>
    %swap3A_25 = arith.constant 0 : i32
    %swap3A_26 = arith.index_cast %swap3A_25 : i32 to index
    %swap3A_27 = arith.constant 64 : index
    %swap3A_28 = tpu.vector_load %arg11[%swap3A_26, %swap3A_27] {strides = array<i32>} : memref<16x128xf32, #tpu.memory_space<vmem>>, vector<16xf32>,
    tpu.vector_store %arg11[%swap3A_26, %swap3A_27], %broadcast_in_dim3A_24 {strides = array<i32>} : memref<16x128xf32, #tpu.memory_space<vmem>>, vector<16xf32>,
    %broadcast_in_dim3A_29 = arith.constant 0.000000e+00 : f32
    %broadcast_in_dim3A_30 = vector.broadcast %broadcast_in_dim3A_29 : f32 to vector<16xf32>
    %swap3A_31 = arith.constant 0 : i32
    %swap3A_32 = arith.index_cast %swap3A_31 : i32 to index
    %swap3A_33 = arith.constant 80 : index
    %swap3A_34 = tpu.vector_load %arg11[%swap3A_32, %swap3A_33] {strides = array<i32>} : memref<16x128xf32, #tpu.memory_space<vmem>>, vector<16xf32>,
    tpu.vector_store %arg11[%swap3A_32, %swap3A_33], %broadcast_in_dim3A_30 {strides = array<i32>} : memref<16x128xf32, #tpu.memory_space<vmem>>, vector<16xf32>,
    %broadcast_in_dim3A_35 = arith.constant 0.000000e+00 : f32
    %broadcast_in_dim3A_36 = vector.broadcast %broadcast_in_dim3A_35 : f32 to vector<16xf32>
    %swap3A_37 = arith.constant 0 : i32
    %swap3A_38 = arith.index_cast %swap3A_37 : i32 to index
    %swap3A_39 = arith.constant 96 : index
    %swap3A_40 = tpu.vector_load %arg11[%swap3A_38, %swap3A_39] {strides = array<i32>} : memref<16x128xf32, #tpu.memory_space<vmem>>, vector<16xf32>,
    tpu.vector_store %arg11[%swap3A_38, %swap3A_39], %broadcast_in_dim3A_36 {strides = array<i32>} : memref<16x128xf32, #tpu.memory_space<vmem>>, vector<16xf32>,
    %broadcast_in_dim3A_41 = arith.constant 0.000000e+00 : f32
    %broadcast_in_dim3A_42 = vector.broadcast %broadcast_in_dim3A_41 : f32 to vector<16xf32>
    %swap3A_43 = arith.constant 0 : i32
    %swap3A_44 = arith.index_cast %swap3A_43 : i32 to index
    %swap3A_45 = arith.constant 112 : index
    %swap3A_46 = tpu.vector_load %arg11[%swap3A_44, %swap3A_45] {strides = array<i32>} : memref<16x128xf32, #tpu.memory_space<vmem>>, vector<16xf32>,
    tpu.vector_store %arg11[%swap3A_44, %swap3A_45], %broadcast_in_dim3A_42 {strides = array<i32>} : memref<16x128xf32, #tpu.memory_space<vmem>>, vector<16xf32>,
    %broadcast_in_dim3A_47 = arith.constant 0.000000e+00 : f32
    %broadcast_in_dim3A_48 = vector.broadcast %broadcast_in_dim3A_47 : f32 to vector<16xf32>
    %swap3A_49 = arith.constant 1 : i32
    %swap3A_50 = arith.index_cast %swap3A_49 : i32 to index
    %swap3A_51 = arith.constant 0 : index
    %swap3A_52 = tpu.vector_load %arg11[%swap3A_50, %swap3A_51] {strides = array<i32>} : memref<16x128xf32, #tpu.memory_space<vmem>>, vector<16xf32>,
    tpu.vector_store %arg11[%swap3A_50, %swap3A_51], %broadcast_in_dim3A_48 {strides = array<i32>} : memref<16x128xf32, #tpu.memory_space<vmem>>, vector<16xf32>,
    %broadcast_in_dim3A_53 = arith.constant 0.000000e+00 : f32
    %broadcast_in_dim3A_54 = vector.broadcast %broadcast_in_dim3A_53 : f32 to vector<16xf32>
    %swap3A_55 = arith.constant 1 : i32
    %swap3A_56 = arith.index_cast %swap3A_55 : i32 to index
    %swap3A_57 = arith.constant 16 : index
    %swap3A_58 = tpu.vector_load %arg11[%swap3A_56, %swap3A_57] {strides = array<i32>} : memref<16x128xf32, #tpu.memory_space<vmem>>, vector<16xf32>,
    tpu.vector_store %arg11[%swap3A_56, %swap3A_57], %broadcast_in_dim3A_54 {strides = array<i32>} : memref<16x128xf32, #tpu.memory_space<vmem>>, vector<16xf32>,
    %broadcast_in_dim3A_59 = arith.constant 0.000000e+00 : f32
    %broadcast_in_dim3A_60 = vector.broadcast %broadcast_in_dim3A_59 : f32 to vector<16xf32>
    %swap3A_61 = arith.constant 1 : i32
    %swap3A_62 = arith.index_cast %swap3A_61 : i32 to index
    %swap3A_63 = arith.constant 32 : index
    %swap3A_64 = tpu.vector_load %arg11[%swap3A_62, %swap3A_63] {strides = array<i32>} : memref<16x128xf32, #tpu.memory_space<vmem>>, vector<16xf32>,
    tpu.vector_store %arg11[%swap3A_62, %swap3A_63], %broadcast_in_dim3A_60 {strides = array<i32>} : memref<16x128xf32, #tpu.memory_space<vmem>>, vector<16xf32>,
    %broadcast_in_dim3A_65 = arith.constant 0.000000e+00 : f32
    %broadcast_in_dim3A_66 = vector.broadcast %broadcast_in_dim3A_65 : f32 to vector<16xf32>
    %swap3A_67 = arith.constant 1 : i32
    %swap3A_68 = arith.index_cast %swap3A_67 : i32 to index
    %swap3A_69 = arith.constant 48 : index
    %swap3A_70 = tpu.vector_load %arg11[%swap3A_68, %swap3A_69] {strides = array<i32>} : memref<16x128xf32, #tpu.memory_space<vmem>>, vector<16xf32>,
    tpu.vector_store %arg11[%swap3A_68, %swap3A_69], %broadcast_in_dim3A_66 {strides = array<i32>} : memref<16x128xf32, #tpu.memory_space<vmem>>, vector<16xf32>,
    %broadcast_in_dim3A_71 = arith.constant 0.000000e+00 : f32
    %broadcast_in_dim3A_72 = vector.broadcast %broadcast_in_dim3A_71 : f32 to vector<16xf32>
    %swap3A_73 = arith.constant 1 : i32
    %swap3A_74 = arith.index_cast %swap3A_73 : i32 to index
    %swap3A_75 = arith.constant 64 : index
    %swap3A_76 = tpu.vector_load %arg11[%swap3A_74, %swap3A_75] {strides = array<i32>} : memref<16x128xf32, #tpu.memory_space<vmem>>, vector<16xf32>,
    tpu.vector_store %arg11[%swap3A_74, %swap3A_75], %broadcast_in_dim3A_72 {strides = array<i32>} : memref<16x128xf32, #tpu.memory_space<vmem>>, vector<16xf32>,
    %broadcast_in_dim3A_77 = arith.constant 0.000000e+00 : f32
    %broadcast_in_dim3A_78 = vector.broadcast %broadcast_in_dim3A_77 : f32 to vector<16xf32>
    %swap3A_79 = arith.constant 1 : i32
    %swap3A_80 = arith.index_cast %swap3A_79 : i32 to index
    %swap3A_81 = arith.constant 80 : index
    %swap3A_82 = tpu.vector_load %arg11[%swap3A_80, %swap3A_81] {strides = array<i32>} : memref<16x128xf32, #tpu.memory_space<vmem>>, vector<16xf32>,
    tpu.vector_store %arg11[%swap3A_80, %swap3A_81], %broadcast_in_dim3A_78 {strides = array<i32>} : memref<16x128xf32, #tpu.memory_space<vmem>>, vector<16xf32>,
    %broadcast_in_dim3A_83 = arith.constant 0.000000e+00 : f32
    %broadcast_in_dim3A_84 = vector.broadcast %broadcast_in_dim3A_83 : f32 to vector<16xf32>
    %swap3A_85 = arith.constant 1 : i32
    %swap3A_86 = arith.index_cast %swap3A_85 : i32 to index
    %swap3A_87 = arith.constant 96 : index
    %swap3A_88 = tpu.vector_load %arg11[%swap3A_86, %swap3A_87] {strides = array<i32>} : memref<16x128xf32, #tpu.memory_space<vmem>>, vector<16xf32>,
    tpu.vector_store %arg11[%swap3A_86, %swap3A_87], %broadcast_in_dim3A_84 {strides = array<i32>} : memref<16x128xf32, #tpu.memory_space<vmem>>, vector<16xf32>,
    %broadcast_in_dim3A_89 = arith.constant 0.000000e+00 : f32
    %broadcast_in_dim3A_90 = vector.broadcast %broadcast_in_dim3A_89 : f32 to vector<16xf32>
    %swap3A_91 = arith.constant 1 : i32
    %swap3A_92 = arith.index_cast %swap3A_91 : i32 to index
    %swap3A_93 = arith.constant 112 : index
    %swap3A_94 = tpu.vector_load %arg11[%swap3A_92, %swap3A_93] {strides = array<i32>} : memref<16x128xf32, #tpu.memory_space<vmem>>, vector<16xf32>,
    tpu.vector_store %arg11[%swap3A_92, %swap3A_93], %broadcast_in_dim3A_90 {strides = array<i32>} : memref<16x128xf32, #tpu.memory_space<vmem>>, vector<16xf32>,
    %broadcast_in_dim3A_95 = arith.constant 0.000000e+00 : f32
    %broadcast_in_dim3A_96 = vector.broadcast %broadcast_in_dim3A_95 : f32 to vector<16xf32>
    %swap3A_97 = arith.constant 2 : i32
    %swap3A_98 = arith.index_cast %swap3A_97 : i32 to index
    %swap3A_99 = arith.constant 0 : index
    %swap3A_100 = tpu.vector_load %arg11[%swap3A_98, %swap3A_99] {strides = array<i32>} : memref<16x128xf32, #tpu.memory_space<vmem>>, vector<16xf32>,
    tpu.vector_store %arg11[%swap3A_98, %swap3A_99], %broadcast_in_dim3A_96 {strides = array<i32>} : memref<16x128xf32, #tpu.memory_space<vmem>>, vector<16xf32>,
    %broadcast_in_dim3A_101 = arith.constant 0.000000e+00 : f32
    %broadcast_in_dim3A_102 = vector.broadcast %broadcast_in_dim3A_101 : f32 to vector<16xf32>
    %swap3A_103 = arith.constant 2 : i32
    %swap3A_104 = arith.index_cast %swap3A_103 : i32 to index
    %swap3A_105 = arith.constant 16 : index
    %swap3A_106 = tpu.vector_load %arg11[%swap3A_104, %swap3A_105] {strides = array<i32>} : memref<16x128xf32, #tpu.memory_space<vmem>>, vector<16xf32>,
    tpu.vector_store %arg11[%swap3A_104, %swap3A_105], %broadcast_in_dim3A_102 {strides = array<i32>} : memref<16x128xf32, #tpu.memory_space<vmem>>, vector<16xf32>,
    %broadcast_in_dim3A_107 = arith.constant 0.000000e+00 : f32
    %broadcast_in_dim3A_108 = vector.broadcast %broadcast_in_dim3A_107 : f32 to vector<16xf32>
    %swap3A_109 = arith.constant 2 : i32
    %swap3A_110 = arith.index_cast %swap3A_109 : i32 to index
    %swap3A_111 = arith.constant 32 : index
    %swap3A_112 = tpu.vector_load %arg11[%swap3A_110, %swap3A_111] {strides = array<i32>} : memref<16x128xf32, #tpu.memory_space<vmem>>, vector<16xf32>,
    tpu.vector_store %arg11[%swap3A_110, %swap3A_111], %broadcast_in_dim3A_108 {strides = array<i32>} : memref<16x128xf32, #tpu.memory_space<vmem>>, vector<16xf32>,
    %broadcast_in_dim3A_113 = arith.constant 0.000000e+00 : f32
    %broadcast_in_dim3A_114 = vector.broadcast %broadcast_in_dim3A_113 : f32 to vector<16xf32>
    %swap3A_115 = arith.constant 2 : i32
    %swap3A_116 = arith.index_cast %swap3A_115 : i32 to index
    %swap3A_117 = arith.constant 48 : index
    %swap3A_118 = tpu.vector_load %arg11[%swap3A_116, %swap3A_117] {strides = array<i32>} : memref<16x128xf32, #tpu.memory_space<vmem>>, vector<16xf32>,
    tpu.vector_store %arg11[%swap3A_116, %swap3A_117], %broadcast_in_dim3A_114 {strides = array<i32>} : memref<16x128xf32, #tpu.memory_space<vmem>>, vector<16xf32>,
    %broadcast_in_dim3A_119 = arith.constant 0.000000e+00 : f32
    %broadcast_in_dim3A_120 = vector.broadcast %broadcast_in_dim3A_119 : f32 to vector<16xf32>
    %swap3A_121 = arith.constant 2 : i32
    %swap3A_122 = arith.index_cast %swap3A_121 : i32 to index
    %swap3A_123 = arith.constant 64 : index
    %swap3A_124 = tpu.vector_load %arg11[%swap3A_122, %swap3A_123] {strides = array<i32>} : memref<16x128xf32, #tpu.memory_space<vmem>>, vector<16xf32>,
    tpu.vector_store %arg11[%swap3A_122, %swap3A_123], %broadcast_in_dim3A_120 {strides = array<i32>} : memref<16x128xf32, #tpu.memory_space<vmem>>, vector<16xf32>,
    %broadcast_in_dim3A_125 = arith.constant 0.000000e+00 : f32
    %broadcast_in_dim3A_126 = vector.broadcast %broadcast_in_dim3A_125 : f32 to vector<16xf32>
    %swap3A_127 = arith.constant 2 : i32
    %swap3A_128 = arith.index_cast %swap3A_127 : i32 to index
    %swap3A_129 = arith.constant 80 : index
    %swap3A_130 = tpu.vector_load %arg11[%swap3A_128, %swap3A_129] {strides = array<i32>} : memref<16x128xf32, #tpu.memory_space<vmem>>, vector<16xf32>,
    tpu.vector_store %arg11[%swap3A_128, %swap3A_129], %broadcast_in_dim3A_126 {strides = array<i32>} : memref<16x128xf32, #tpu.memory_space<vmem>>, vector<16xf32>,
    %broadcast_in_dim3A_131 = arith.constant 0.000000e+00 : f32
    %broadcast_in_dim3A_132 = vector.broadcast %broadcast_in_dim3A_131 : f32 to vector<16xf32>
    %swap3A_133 = arith.constant 2 : i32
    %swap3A_134 = arith.index_cast %swap3A_133 : i32 to index
    %swap3A_135 = arith.constant 96 : index
    %swap3A_136 = tpu.vector_load %arg11[%swap3A_134, %swap3A_135] {strides = array<i32>} : memref<16x128xf32, #tpu.memory_space<vmem>>, vector<16xf32>,
    tpu.vector_store %arg11[%swap3A_134, %swap3A_135], %broadcast_in_dim3A_132 {strides = array<i32>} : memref<16x128xf32, #tpu.memory_space<vmem>>, vector<16xf32>,
    %broadcast_in_dim3A_137 = arith.constant 0.000000e+00 : f32
    %broadcast_in_dim3A_138 = vector.broadcast %broadcast_in_dim3A_137 : f32 to vector<16xf32>
    %swap3A_139 = arith.constant 2 : i32
    %swap3A_140 = arith.index_cast %swap3A_139 : i32 to index
    %swap3A_141 = arith.constant 112 : index
    %swap3A_142 = tpu.vector_load %arg11[%swap3A_140, %swap3A_141] {strides = array<i32>} : memref<16x128xf32, #tpu.memory_space<vmem>>, vector<16xf32>,
    tpu.vector_store %arg11[%swap3A_140, %swap3A_141], %broadcast_in_dim3A_138 {strides = array<i32>} : memref<16x128xf32, #tpu.memory_space<vmem>>, vector<16xf32>,
    %broadcast_in_dim3A_143 = arith.constant 0.000000e+00 : f32
    %broadcast_in_dim3A_144 = vector.broadcast %broadcast_in_dim3A_143 : f32 to vector<16xf32>
    %swap3A_145 = arith.constant 3 : i32
    %swap3A_146 = arith.index_cast %swap3A_145 : i32 to index
    %swap3A_147 = arith.constant 0 : index
    %swap3A_148 = tpu.vector_load %arg11[%swap3A_146, %swap3A_147] {strides = array<i32>} : memref<16x128xf32, #tpu.memory_space<vmem>>, vector<16xf32>,
    tpu.vector_store %arg11[%swap3A_146, %swap3A_147], %broadcast_in_dim3A_144 {strides = array<i32>} : memref<16x128xf32, #tpu.memory_space<vmem>>, vector<16xf32>,
    %broadcast_in_dim3A_149 = arith.constant 0.000000e+00 : f32
    %broadcast_in_dim3A_150 = vector.broadcast %broadcast_in_dim3A_149 : f32 to vector<16xf32>
    %swap3A_151 = arith.constant 3 : i32
    %swap3A_152 = arith.index_cast %swap3A_151 : i32 to index
    %swap3A_153 = arith.constant 16 : index
    %swap3A_154 = tpu.vector_load %arg11[%swap3A_152, %swap3A_153] {strides = array<i32>} : memref<16x128xf32, #tpu.memory_space<vmem>>, vector<16xf32>,
    tpu.vector_store %arg11[%swap3A_152, %swap3A_153], %broadcast_in_dim3A_150 {strides = array<i32>} : memref<16x128xf32, #tpu.memory_space<vmem>>, vector<16xf32>,
    %broadcast_in_dim3A_155 = arith.constant 0.000000e+00 : f32
    %broadcast_in_dim3A_156 = vector.broadcast %broadcast_in_dim3A_155 : f32 to vector<16xf32>
    %swap3A_157 = arith.constant 3 : i32
    %swap3A_158 = arith.index_cast %swap3A_157 : i32 to index
    %swap3A_159 = arith.constant 32 : index
    %swap3A_160 = tpu.vector_load %arg11[%swap3A_158, %swap3A_159] {strides = array<i32>} : memref<16x128xf32, #tpu.memory_space<vmem>>, vector<16xf32>,
    tpu.vector_store %arg11[%swap3A_158, %swap3A_159], %broadcast_in_dim3A_156 {strides = array<i32>} : memref<16x128xf32, #tpu.memory_space<vmem>>, vector<16xf32>,
    %broadcast_in_dim3A_161 = arith.constant 0.000000e+00 : f32
    %broadcast_in_dim3A_162 = vector.broadcast %broadcast_in_dim3A_161 : f32 to vector<16xf32>
    %swap3A_163 = arith.constant 3 : i32
    %swap3A_164 = arith.index_cast %swap3A_163 : i32 to index
    %swap3A_165 = arith.constant 48 : index
    %swap3A_166 = tpu.vector_load %arg11[%swap3A_164, %swap3A_165] {strides = array<i32>} : memref<16x128xf32, #tpu.memory_space<vmem>>, vector<16xf32>,
    tpu.vector_store %arg11[%swap3A_164, %swap3A_165], %broadcast_in_dim3A_162 {strides = array<i32>} : memref<16x128xf32, #tpu.memory_space<vmem>>, vector<16xf32>,
    %broadcast_in_dim3A_167 = arith.constant 0.000000e+00 : f32
    %broadcast_in_dim3A_168 = vector.broadcast %broadcast_in_dim3A_167 : f32 to vector<16xf32>
    %swap3A_169 = arith.constant 3 : i32
    %swap3A_170 = arith.index_cast %swap3A_169 : i32 to index
    %swap3A_171 = arith.constant 64 : index
    %swap3A_172 = tpu.vector_load %arg11[%swap3A_170, %swap3A_171] {strides = array<i32>} : memref<16x128xf32, #tpu.memory_space<vmem>>, vector<16xf32>,
    tpu.vector_store %arg11[%swap3A_170, %swap3A_171], %broadcast_in_dim3A_168 {strides = array<i32>} : memref<16x128xf32, #tpu.memory_space<vmem>>, vector<16xf32>,
    %broadcast_in_dim3A_173 = arith.constant 0.000000e+00 : f32
    %broadcast_in_dim3A_174 = vector.broadcast %broadcast_in_dim3A_173 : f32 to vector<16xf32>
    %swap3A_175 = arith.constant 3 : i32
    %swap3A_176 = arith.index_cast %swap3A_175 : i32 to index
    %swap3A_177 = arith.constant 80 : index
    %swap3A_178 = tpu.vector_load %arg11[%swap3A_176, %swap3A_177] {strides = array<i32>} : memref<16x128xf32, #tpu.memory_space<vmem>>, vector<16xf32>,
    tpu.vector_store %arg11[%swap3A_176, %swap3A_177], %broadcast_in_dim3A_174 {strides = array<i32>} : memref<16x128xf32, #tpu.memory_space<vmem>>, vector<16xf32>,
    %broadcast_in_dim3A_179 = arith.constant 0.000000e+00 : f32
    %broadcast_in_dim3A_180 = vector.broadcast %broadcast_in_dim3A_179 : f32 to vector<16xf32>
    %swap3A_181 = arith.constant 3 : i32
    %swap3A_182 = arith.index_cast %swap3A_181 : i32 to index
    %swap3A_183 = arith.constant 96 : index
    %swap3A_184 = tpu.vector_load %arg11[%swap3A_182, %swap3A_183] {strides = array<i32>} : memref<16x128xf32, #tpu.memory_space<vmem>>, vector<16xf32>,
    tpu.vector_store %arg11[%swap3A_182, %swap3A_183], %broadcast_in_dim3A_180 {strides = array<i32>} : memref<16x128xf32, #tpu.memory_space<vmem>>, vector<16xf32>,
    %broadcast_in_dim3A_185 = arith.constant 0.000000e+00 : f32
    %broadcast_in_dim3A_186 = vector.broadcast %broadcast_in_dim3A_185 : f32 to vector<16xf32>
    %swap3A_187 = arith.constant 3 : i32
    %swap3A_188 = arith.index_cast %swap3A_187 : i32 to index
    %swap3A_189 = arith.constant 112 : index
    %swap3A_190 = tpu.vector_load %arg11[%swap3A_188, %swap3A_189] {strides = array<i32>} : memref<16x128xf32, #tpu.memory_space<vmem>>, vector<16xf32>,
    tpu.vector_store %arg11[%swap3A_188, %swap3A_189], %broadcast_in_dim3A_186 {strides = array<i32>} : memref<16x128xf32, #tpu.memory_space<vmem>>, vector<16xf32>,
    %broadcast_in_dim3A_191 = arith.constant 0.000000e+00 : f32
    %broadcast_in_dim3A_192 = vector.broadcast %broadcast_in_dim3A_191 : f32 to vector<16xf32>
    %swap3A_193 = arith.constant 4 : i32
    %swap3A_194 = arith.index_cast %swap3A_193 : i32 to index
    %swap3A_195 = arith.constant 0 : index
    %swap3A_196 = tpu.vector_load %arg11[%swap3A_194, %swap3A_195] {strides = array<i32>} : memref<16x128xf32, #tpu.memory_space<vmem>>, vector<16xf32>,
    tpu.vector_store %arg11[%swap3A_194, %swap3A_195], %broadcast_in_dim3A_192 {strides = array<i32>} : memref<16x128xf32, #tpu.memory_space<vmem>>, vector<16xf32>,
    %broadcast_in_dim3A_197 = arith.constant 0.000000e+00 : f32
    %broadcast_in_dim3A_198 = vector.broadcast %broadcast_in_dim3A_197 : f32 to vector<16xf32>
    %swap3A_199 = arith.constant 4 : i32
    %swap3A_200 = arith.index_cast %swap3A_199 : i32 to index
    %swap3A_201 = arith.constant 16 : index
    %swap3A_202 = tpu.vector_load %arg11[%swap3A_200, %swap3A_201] {strides = array<i32>} : memref<16x128xf32, #tpu.memory_space<vmem>>, vector<16xf32>,
    tpu.vector_store %arg11[%swap3A_200, %swap3A_201], %broadcast_in_dim3A_198 {strides = array<i32>} : memref<16x128xf32, #tpu.memory_space<vmem>>, vector<16xf32>,
    %broadcast_in_dim3A_203 = arith.constant 0.000000e+00 : f32
    %broadcast_in_dim3A_204 = vector.broadcast %broadcast_in_dim3A_203 : f32 to vector<16xf32>
    %swap3A_205 = arith.constant 4 : i32
    %swap3A_206 = arith.index_cast %swap3A_205 : i32 to index
    %swap3A_207 = arith.constant 32 : index
    %swap3A_208 = tpu.vector_load %arg11[%swap3A_206, %swap3A_207] {strides = array<i32>} : memref<16x128xf32, #tpu.memory_space<vmem>>, vector<16xf32>,
    tpu.vector_store %arg11[%swap3A_206, %swap3A_207], %broadcast_in_dim3A_204 {strides = array<i32>} : memref<16x128xf32, #tpu.memory_space<vmem>>, vector<16xf32>,
    %broadcast_in_dim3A_209 = arith.constant 0.000000e+00 : f32
    %broadcast_in_dim3A_210 = vector.broadcast %broadcast_in_dim3A_209 : f32 to vector<16xf32>
    %swap3A_211 = arith.constant 4 : i32
    %swap3A_212 = arith.index_cast %swap3A_211 : i32 to index
    %swap3A_213 = arith.constant 48 : index
    %swap3A_214 = tpu.vector_load %arg11[%swap3A_212, %swap3A_213] {strides = array<i32>} : memref<16x128xf32, #tpu.memory_space<vmem>>, vector<16xf32>,
    tpu.vector_store %arg11[%swap3A_212, %swap3A_213], %broadcast_in_dim3A_210 {strides = array<i32>} : memref<16x128xf32, #tpu.memory_space<vmem>>, vector<16xf32>,
    %broadcast_in_dim3A_215 = arith.constant 0.000000e+00 : f32
    %broadcast_in_dim3A_216 = vector.broadcast %broadcast_in_dim3A_215 : f32 to vector<16xf32>
    %swap3A_217 = arith.constant 4 : i32
    %swap3A_218 = arith.index_cast %swap3A_217 : i32 to index
    %swap3A_219 = arith.constant 64 : index
    %swap3A_220 = tpu.vector_load %arg11[%swap3A_218, %swap3A_219] {strides = array<i32>} : memref<16x128xf32, #tpu.memory_space<vmem>>, vector<16xf32>,
    tpu.vector_store %arg11[%swap3A_218, %swap3A_219], %broadcast_in_dim3A_216 {strides = array<i32>} : memref<16x128xf32, #tpu.memory_space<vmem>>, vector<16xf32>,
    %broadcast_in_dim3A_221 = arith.constant 0.000000e+00 : f32
    %broadcast_in_dim3A_222 = vector.broadcast %broadcast_in_dim3A_221 : f32 to vector<16xf32>
    %swap3A_223 = arith.constant 4 : i32
    %swap3A_224 = arith.index_cast %swap3A_223 : i32 to index
    %swap3A_225 = arith.constant 80 : index
    %swap3A_226 = tpu.vector_load %arg11[%swap3A_224, %swap3A_225] {strides = array<i32>} : memref<16x128xf32, #tpu.memory_space<vmem>>, vector<16xf32>,
    tpu.vector_store %arg11[%swap3A_224, %swap3A_225], %broadcast_in_dim3A_222 {strides = array<i32>} : memref<16x128xf32, #tpu.memory_space<vmem>>, vector<16xf32>,
    %broadcast_in_dim3A_227 = arith.constant 0.000000e+00 : f32
    %broadcast_in_dim3A_228 = vector.broadcast %broadcast_in_dim3A_227 : f32 to vector<16xf32>
    %swap3A_229 = arith.constant 4 : i32
    %swap3A_230 = arith.index_cast %swap3A_229 : i32 to index
    %swap3A_231 = arith.constant 96 : index
    %swap3A_232 = tpu.vector_load %arg11[%swap3A_230, %swap3A_231] {strides = array<i32>} : memref<16x128xf32, #tpu.memory_space<vmem>>, vector<16xf32>,
    tpu.vector_store %arg11[%swap3A_230, %swap3A_231], %broadcast_in_dim3A_228 {strides = array<i32>} : memref<16x128xf32, #tpu.memory_space<vmem>>, vector<16xf32>,
    %broadcast_in_dim3A_233 = arith.constant 0.000000e+00 : f32
    %broadcast_in_dim3A_234 = vector.broadcast %broadcast_in_dim3A_233 : f32 to vector<16xf32>
    %swap3A_235 = arith.constant 4 : i32
    %swap3A_236 = arith.index_cast %swap3A_235 : i32 to index
    %swap3A_237 = arith.constant 112 : index
    %swap3A_238 = tpu.vector_load %arg11[%swap3A_236, %swap3A_237] {strides = array<i32>} : memref<16x128xf32, #tpu.memory_space<vmem>>, vector<16xf32>,
    tpu.vector_store %arg11[%swap3A_236, %swap3A_237], %broadcast_in_dim3A_234 {strides = array<i32>} : memref<16x128xf32, #tpu.memory_space<vmem>>, vector<16xf32>,
    %broadcast_in_dim3A_239 = arith.constant 0.000000e+00 : f32
    %broadcast_in_dim3A_240 = vector.broadcast %broadcast_in_dim3A_239 : f32 to vector<16xf32>
    %swap3A_241 = arith.constant 5 : i32
    %swap3A_242 = arith.index_cast %swap3A_241 : i32 to index
    %swap3A_243 = arith.constant 0 : index
    %swap3A_244 = tpu.vector_load %arg11[%swap3A_242, %swap3A_243] {strides = array<i32>} : memref<16x128xf32, #tpu.memory_space<vmem>>, vector<16xf32>,
    tpu.vector_store %arg11[%swap3A_242, %swap3A_243], %broadcast_in_dim3A_240 {strides = array<i32>} : memref<16x128xf32, #tpu.memory_space<vmem>>, vector<16xf32>,
    %broadcast_in_dim3A_245 = arith.constant 0.000000e+00 : f32
    %broadcast_in_dim3A_246 = vector.broadcast %broadcast_in_dim3A_245 : f32 to vector<16xf32>
    %swap3A_247 = arith.constant 5 : i32
    %swap3A_248 = arith.index_cast %swap3A_247 : i32 to index
    %swap3A_249 = arith.constant 16 : index
    %swap3A_250 = tpu.vector_load %arg11[%swap3A_248, %swap3A_249] {strides = array<i32>} : memref<16x128xf32, #tpu.memory_space<vmem>>, vector<16xf32>,
    tpu.vector_store %arg11[%swap3A_248, %swap3A_249], %broadcast_in_dim3A_246 {strides = array<i32>} : memref<16x128xf32, #tpu.memory_space<vmem>>, vector<16xf32>,
    %broadcast_in_dim3A_251 = arith.constant 0.000000e+00 : f32
    %broadcast_in_dim3A_252 = vector.broadcast %broadcast_in_dim3A_251 : f32 to vector<16xf32>
    %swap3A_253 = arith.constant 5 : i32
    %swap3A_254 = arith.index_cast %swap3A_253 : i32 to index
    %swap3A_255 = arith.constant 32 : index
    %swap3A_256 = tpu.vector_load %arg11[%swap3A_254, %swap3A_255] {strides = array<i32>} : memref<16x128xf32, #tpu.memory_space<vmem>>, vector<16xf32>,
    tpu.vector_store %arg11[%swap3A_254, %swap3A_255], %broadcast_in_dim3A_252 {strides = array<i32>} : memref<16x128xf32, #tpu.memory_space<vmem>>, vector<16xf32>,
    %broadcast_in_dim3A_257 = arith.constant 0.000000e+00 : f32
    %broadcast_in_dim3A_258 = vector.broadcast %broadcast_in_dim3A_257 : f32 to vector<16xf32>
    %swap3A_259 = arith.constant 5 : i32
    %swap3A_260 = arith.index_cast %swap3A_259 : i32 to index
    %swap3A_261 = arith.constant 48 : index
    %swap3A_262 = tpu.vector_load %arg11[%swap3A_260, %swap3A_261] {strides = array<i32>} : memref<16x128xf32, #tpu.memory_space<vmem>>, vector<16xf32>,
    tpu.vector_store %arg11[%swap3A_260, %swap3A_261], %broadcast_in_dim3A_258 {strides = array<i32>} : memref<16x128xf32, #tpu.memory_space<vmem>>, vector<16xf32>,
    %broadcast_in_dim3A_263 = arith.constant 0.000000e+00 : f32
    %broadcast_in_dim3A_264 = vector.broadcast %broadcast_in_dim3A_263 : f32 to vector<16xf32>
    %swap3A_265 = arith.constant 5 : i32
    %swap3A_266 = arith.index_cast %swap3A_265 : i32 to index
    %swap3A_267 = arith.constant 64 : index
    %swap3A_268 = tpu.vector_load %arg11[%swap3A_266, %swap3A_267] {strides = array<i32>} : memref<16x128xf32, #tpu.memory_space<vmem>>, vector<16xf32>,
    tpu.vector_store %arg11[%swap3A_266, %swap3A_267], %broadcast_in_dim3A_264 {strides = array<i32>} : memref<16x128xf32, #tpu.memory_space<vmem>>, vector<16xf32>,
    %broadcast_in_dim3A_269 = arith.constant 0.000000e+00 : f32
    %broadcast_in_dim3A_270 = vector.broadcast %broadcast_in_dim3A_269 : f32 to vector<16xf32>
    %swap3A_271 = arith.constant 5 : i32
    %swap3A_272 = arith.index_cast %swap3A_271 : i32 to index
    %swap3A_273 = arith.constant 80 : index
    %swap3A_274 = tpu.vector_load %arg11[%swap3A_272, %swap3A_273] {strides = array<i32>} : memref<16x128xf32, #tpu.memory_space<vmem>>, vector<16xf32>,
    tpu.vector_store %arg11[%swap3A_272, %swap3A_273], %broadcast_in_dim3A_270 {strides = array<i32>} : memref<16x128xf32, #tpu.memory_space<vmem>>, vector<16xf32>,
    %broadcast_in_dim3A_275 = arith.constant 0.000000e+00 : f32
    %broadcast_in_dim3A_276 = vector.broadcast %broadcast_in_dim3A_275 : f32 to vector<16xf32>
    %swap3A_277 = arith.constant 5 : i32
    %swap3A_278 = arith.index_cast %swap3A_277 : i32 to index
    %swap3A_279 = arith.constant 96 : index
    %swap3A_280 = tpu.vector_load %arg11[%swap3A_278, %swap3A_279] {strides = array<i32>} : memref<16x128xf32, #tpu.memory_space<vmem>>, vector<16xf32>,
    tpu.vector_store %arg11[%swap3A_278, %swap3A_279], %broadcast_in_dim3A_276 {strides = array<i32>} : memref<16x128xf32, #tpu.memory_space<vmem>>, vector<16xf32>,
    %broadcast_in_dim3A_281 = arith.constant 0.000000e+00 : f32
    %broadcast_in_dim3A_282 = vector.broadcast %broadcast_in_dim3A_281 : f32 to vector<16xf32>
    %swap3A_283 = arith.constant 5 : i32
    %swap3A_284 = arith.index_cast %swap3A_283 : i32 to index
    %swap3A_285 = arith.constant 112 : index
    %swap3A_286 = tpu.vector_load %arg11[%swap3A_284, %swap3A_285] {strides = array<i32>} : memref<16x128xf32, #tpu.memory_space<vmem>>, vector<16xf32>,
    tpu.vector_store %arg11[%swap3A_284, %swap3A_285], %broadcast_in_dim3A_282 {strides = array<i32>} : memref<16x128xf32, #tpu.memory_space<vmem>>, vector<16xf32>,
    %broadcast_in_dim3A_287 = arith.constant 0.000000e+00 : f32
    %broadcast_in_dim3A_288 = vector.broadcast %broadcast_in_dim3A_287 : f32 to vector<16xf32>
    %swap3A_289 = arith.constant 6 : i32
    %swap3A_290 = arith.index_cast %swap3A_289 : i32 to index
    %swap3A_291 = arith.constant 0 : index
    %swap3A_292 = tpu.vector_load %arg11[%swap3A_290, %swap3A_291] {strides = array<i32>} : memref<16x128xf32, #tpu.memory_space<vmem>>, vector<16xf32>,
    tpu.vector_store %arg11[%swap3A_290, %swap3A_291], %broadcast_in_dim3A_288 {strides = array<i32>} : memref<16x128xf32, #tpu.memory_space<vmem>>, vector<16xf32>,
    %broadcast_in_dim3A_293 = arith.constant 0.000000e+00 : f32
    %broadcast_in_dim3A_294 = vector.broadcast %broadcast_in_dim3A_293 : f32 to vector<16xf32>
    %swap3A_295 = arith.constant 6 : i32
    %swap3A_296 = arith.index_cast %swap3A_295 : i32 to index
    %swap3A_297 = arith.constant 16 : index
    %swap3A_298 = tpu.vector_load %arg11[%swap3A_296, %swap3A_297] {strides = array<i32>} : memref<16x128xf32, #tpu.memory_space<vmem>>, vector<16xf32>,
    tpu.vector_store %arg11[%swap3A_296, %swap3A_297], %broadcast_in_dim3A_294 {strides = array<i32>} : memref<16x128xf32, #tpu.memory_space<vmem>>, vector<16xf32>,
    %broadcast_in_dim3A_299 = arith.constant 0.000000e+00 : f32
    %broadcast_in_dim3A_300 = vector.broadcast %broadcast_in_dim3A_299 : f32 to vector<16xf32>
    %swap3A_301 = arith.constant 6 : i32
    %swap3A_302 = arith.index_cast %swap3A_301 : i32 to index
    %swap3A_303 = arith.constant 32 : index
    %swap3A_304 = tpu.vector_load %arg11[%swap3A_302, %swap3A_303] {strides = array<i32>} : memref<16x128xf32, #tpu.memory_space<vmem>>, vector<16xf32>,
    tpu.vector_store %arg11[%swap3A_302, %swap3A_303], %broadcast_in_dim3A_300 {strides = array<i32>} : memref<16x128xf32, #tpu.memory_space<vmem>>, vector<16xf32>,
    %broadcast_in_dim3A_305 = arith.constant 0.000000e+00 : f32
    %broadcast_in_dim3A_306 = vector.broadcast %broadcast_in_dim3A_305 : f32 to vector<16xf32>
    %swap3A_307 = arith.constant 6 : i32
    %swap3A_308 = arith.index_cast %swap3A_307 : i32 to index
    %swap3A_309 = arith.constant 48 : index
    %swap3A_310 = tpu.vector_load %arg11[%swap3A_308, %swap3A_309] {strides = array<i32>} : memref<16x128xf32, #tpu.memory_space<vmem>>, vector<16xf32>,
    tpu.vector_store %arg11[%swap3A_308, %swap3A_309], %broadcast_in_dim3A_306 {strides = array<i32>} : memref<16x128xf32, #tpu.memory_space<vmem>>, vector<16xf32>,
    %broadcast_in_dim3A_311 = arith.constant 0.000000e+00 : f32
    %broadcast_in_dim3A_312 = vector.broadcast %broadcast_in_dim3A_311 : f32 to vector<16xf32>
    %swap3A_313 = arith.constant 6 : i32
    %swap3A_314 = arith.index_cast %swap3A_313 : i32 to index
    %swap3A_315 = arith.constant 64 : index
    %swap3A_316 = tpu.vector_load %arg11[%swap3A_314, %swap3A_315] {strides = array<i32>} : memref<16x128xf32, #tpu.memory_space<vmem>>, vector<16xf32>,
    tpu.vector_store %arg11[%swap3A_314, %swap3A_315], %broadcast_in_dim3A_312 {strides = array<i32>} : memref<16x128xf32, #tpu.memory_space<vmem>>, vector<16xf32>,
    %broadcast_in_dim3A_317 = arith.constant 0.000000e+00 : f32
    %broadcast_in_dim3A_318 = vector.broadcast %broadcast_in_dim3A_317 : f32 to vector<16xf32>
    %swap3A_319 = arith.constant 6 : i32
    %swap3A_320 = arith.index_cast %swap3A_319 : i32 to index
    %swap3A_321 = arith.constant 80 : index
    %swap3A_322 = tpu.vector_load %arg11[%swap3A_320, %swap3A_321] {strides = array<i32>} : memref<16x128xf32, #tpu.memory_space<vmem>>, vector<16xf32>,
    tpu.vector_store %arg11[%swap3A_320, %swap3A_321], %broadcast_in_dim3A_318 {strides = array<i32>} : memref<16x128xf32, #tpu.memory_space<vmem>>, vector<16xf32>,
    %broadcast_in_dim3A_323 = arith.constant 0.000000e+00 : f32
    %broadcast_in_dim3A_324 = vector.broadcast %broadcast_in_dim3A_323 : f32 to vector<16xf32>
    %swap3A_325 = arith.constant 6 : i32
    %swap3A_326 = arith.index_cast %swap3A_325 : i32 to index
    %swap3A_327 = arith.constant 96 : index
    %swap3A_328 = tpu.vector_load %arg11[%swap3A_326, %swap3A_327] {strides = array<i32>} : memref<16x128xf32, #tpu.memory_space<vmem>>, vector<16xf32>,
    tpu.vector_store %arg11[%swap3A_326, %swap3A_327], %broadcast_in_dim3A_324 {strides = array<i32>} : memref<16x128xf32, #tpu.memory_space<vmem>>, vector<16xf32>,
    %broadcast_in_dim3A_329 = arith.constant 0.000000e+00 : f32
    %broadcast_in_dim3A_330 = vector.broadcast %broadcast_in_dim3A_329 : f32 to vector<16xf32>
    %swap3A_331 = arith.constant 6 : i32
    %swap3A_332 = arith.index_cast %swap3A_331 : i32 to index
    %swap3A_333 = arith.constant 112 : index
    %swap3A_334 = tpu.vector_load %arg11[%swap3A_332, %swap3A_333] {strides = array<i32>} : memref<16x128xf32, #tpu.memory_space<vmem>>, vector<16xf32>,
    tpu.vector_store %arg11[%swap3A_332, %swap3A_333], %broadcast_in_dim3A_330 {strides = array<i32>} : memref<16x128xf32, #tpu.memory_space<vmem>>, vector<16xf32>,
    %broadcast_in_dim3A_335 = arith.constant 0.000000e+00 : f32
    %broadcast_in_dim3A_336 = vector.broadcast %broadcast_in_dim3A_335 : f32 to vector<16xf32>
    %swap3A_337 = arith.constant 7 : i32
    %swap3A_338 = arith.index_cast %swap3A_337 : i32 to index
    %swap3A_339 = arith.constant 0 : index
    %swap3A_340 = tpu.vector_load %arg11[%swap3A_338, %swap3A_339] {strides = array<i32>} : memref<16x128xf32, #tpu.memory_space<vmem>>, vector<16xf32>,
    tpu.vector_store %arg11[%swap3A_338, %swap3A_339], %broadcast_in_dim3A_336 {strides = array<i32>} : memref<16x128xf32, #tpu.memory_space<vmem>>, vector<16xf32>,
    %broadcast_in_dim3A_341 = arith.constant 0.000000e+00 : f32
    %broadcast_in_dim3A_342 = vector.broadcast %broadcast_in_dim3A_341 : f32 to vector<16xf32>
    %swap3A_343 = arith.constant 7 : i32
    %swap3A_344 = arith.index_cast %swap3A_343 : i32 to index
    %swap3A_345 = arith.constant 16 : index
    %swap3A_346 = tpu.vector_load %arg11[%swap3A_344, %swap3A_345] {strides = array<i32>} : memref<16x128xf32, #tpu.memory_space<vmem>>, vector<16xf32>,
    tpu.vector_store %arg11[%swap3A_344, %swap3A_345], %broadcast_in_dim3A_342 {strides = array<i32>} : memref<16x128xf32, #tpu.memory_space<vmem>>, vector<16xf32>,
    %broadcast_in_dim3A_347 = arith.constant 0.000000e+00 : f32
    %broadcast_in_dim3A_348 = vector.broadcast %broadcast_in_dim3A_347 : f32 to vector<16xf32>
    %swap3A_349 = arith.constant 7 : i32
    %swap3A_350 = arith.index_cast %swap3A_349 : i32 to index
    %swap3A_351 = arith.constant 32 : index
    %swap3A_352 = tpu.vector_load %arg11[%swap3A_350, %swap3A_351] {strides = array<i32>} : memref<16x128xf32, #tpu.memory_space<vmem>>, vector<16xf32>,
    tpu.vector_store %arg11[%swap3A_350, %swap3A_351], %broadcast_in_dim3A_348 {strides = array<i32>} : memref<16x128xf32, #tpu.memory_space<vmem>>, vector<16xf32>,
    %broadcast_in_dim3A_353 = arith.constant 0.000000e+00 : f32
    %broadcast_in_dim3A_354 = vector.broadcast %broadcast_in_dim3A_353 : f32 to vector<16xf32>
    %swap3A_355 = arith.constant 7 : i32
    %swap3A_356 = arith.index_cast %swap3A_355 : i32 to index
    %swap3A_357 = arith.constant 48 : index
    %swap3A_358 = tpu.vector_load %arg11[%swap3A_356, %swap3A_357] {strides = array<i32>} : memref<16x128xf32, #tpu.memory_space<vmem>>, vector<16xf32>,
    tpu.vector_store %arg11[%swap3A_356, %swap3A_357], %broadcast_in_dim3A_354 {strides = array<i32>} : memref<16x128xf32, #tpu.memory_space<vmem>>, vector<16xf32>,
    %broadcast_in_dim3A_359 = arith.constant 0.000000e+00 : f32
    %broadcast_in_dim3A_360 = vector.broadcast %broadcast_in_dim3A_359 : f32 to vector<16xf32>
    %swap3A_361 = arith.constant 7 : i32
    %swap3A_362 = arith.index_cast %swap3A_361 : i32 to index
    %swap3A_363 = arith.constant 64 : index
    %swap3A_364 = tpu.vector_load %arg11[%swap3A_362, %swap3A_363] {strides = array<i32>} : memref<16x128xf32, #tpu.memory_space<vmem>>, vector<16xf32>,
    tpu.vector_store %arg11[%swap3A_362, %swap3A_363], %broadcast_in_dim3A_360 {strides = array<i32>} : memref<16x128xf32, #tpu.memory_space<vmem>>, vector<16xf32>,
    %broadcast_in_dim3A_365 = arith.constant 0.000000e+00 : f32
    %broadcast_in_dim3A_366 = vector.broadcast %broadcast_in_dim3A_365 : f32 to vector<16xf32>
    %swap3A_367 = arith.constant 7 : i32
    %swap3A_368 = arith.index_cast %swap3A_367 : i32 to index
    %swap3A_369 = arith.constant 80 : index
    %swap3A_370 = tpu.vector_load %arg11[%swap3A_368, %swap3A_369] {strides = array<i32>} : memref<16x128xf32, #tpu.memory_space<vmem>>, vector<16xf32>,
    tpu.vector_store %arg11[%swap3A_368, %swap3A_369], %broadcast_in_dim3A_366 {strides = array<i32>} : memref<16x128xf32, #tpu.memory_space<vmem>>, vector<16xf32>,
    %broadcast_in_dim3A_371 = arith.constant 0.000000e+00 : f32
    %broadcast_in_dim3A_372 = vector.broadcast %broadcast_in_dim3A_371 : f32 to vector<16xf32>
    %swap3A_373 = arith.constant 7 : i32
    %swap3A_374 = arith.index_cast %swap3A_373 : i32 to index
    %swap3A_375 = arith.constant 96 : index
    %swap3A_376 = tpu.vector_load %arg11[%swap3A_374, %swap3A_375] {strides = array<i32>} : memref<16x128xf32, #tpu.memory_space<vmem>>, vector<16xf32>,
    tpu.vector_store %arg11[%swap3A_374, %swap3A_375], %broadcast_in_dim3A_372 {strides = array<i32>} : memref<16x128xf32, #tpu.memory_space<vmem>>, vector<16xf32>,
    %broadcast_in_dim3A_377 = arith.constant 0.000000e+00 : f32
    %broadcast_in_dim3A_378 = vector.broadcast %broadcast_in_dim3A_377 : f32 to vector<16xf32>
    %swap3A_379 = arith.constant 7 : i32
    %swap3A_380 = arith.index_cast %swap3A_379 : i32 to index
    %swap3A_381 = arith.constant 112 : index
    %swap3A_382 = tpu.vector_load %arg11[%swap3A_380, %swap3A_381] {strides = array<i32>} : memref<16x128xf32, #tpu.memory_space<vmem>>, vector<16xf32>,
    tpu.vector_store %arg11[%swap3A_380, %swap3A_381], %broadcast_in_dim3A_378 {strides = array<i32>} : memref<16x128xf32, #tpu.memory_space<vmem>>, vector<16xf32>,
    %broadcast_in_dim3A_383 = arith.constant 0.000000e+00 : f32
    %broadcast_in_dim3A_384 = vector.broadcast %broadcast_in_dim3A_383 : f32 to vector<16xf32>
    %swap3A_385 = arith.constant 8 : i32
    %swap3A_386 = arith.index_cast %swap3A_385 : i32 to index
    %swap3A_387 = arith.constant 0 : index
    %swap3A_388 = tpu.vector_load %arg11[%swap3A_386, %swap3A_387] {strides = array<i32>} : memref<16x128xf32, #tpu.memory_space<vmem>>, vector<16xf32>,
    tpu.vector_store %arg11[%swap3A_386, %swap3A_387], %broadcast_in_dim3A_384 {strides = array<i32>} : memref<16x128xf32, #tpu.memory_space<vmem>>, vector<16xf32>,
    %broadcast_in_dim3A_389 = arith.constant 0.000000e+00 : f32
    %broadcast_in_dim3A_390 = vector.broadcast %broadcast_in_dim3A_389 : f32 to vector<16xf32>
    %swap3A_391 = arith.constant 8 : i32
    %swap3A_392 = arith.index_cast %swap3A_391 : i32 to index
    %swap3A_393 = arith.constant 16 : index
    %swap3A_394 = tpu.vector_load %arg11[%swap3A_392, %swap3A_393] {strides = array<i32>} : memref<16x128xf32, #tpu.memory_space<vmem>>, vector<16xf32>,
    tpu.vector_store %arg11[%swap3A_392, %swap3A_393], %broadcast_in_dim3A_390 {strides = array<i32>} : memref<16x128xf32, #tpu.memory_space<vmem>>, vector<16xf32>,
    %broadcast_in_dim3A_395 = arith.constant 0.000000e+00 : f32
    %broadcast_in_dim3A_396 = vector.broadcast %broadcast_in_dim3A_395 : f32 to vector<16xf32>
    %swap3A_397 = arith.constant 8 : i32
    %swap3A_398 = arith.index_cast %swap3A_397 : i32 to index
    %swap3A_399 = arith.constant 32 : index
    %swap3A_400 = tpu.vector_load %arg11[%swap3A_398, %swap3A_399] {strides = array<i32>} : memref<16x128xf32, #tpu.memory_space<vmem>>, vector<16xf32>,
    tpu.vector_store %arg11[%swap3A_398, %swap3A_399], %broadcast_in_dim3A_396 {strides = array<i32>} : memref<16x128xf32, #tpu.memory_space<vmem>>, vector<16xf32>,
    %broadcast_in_dim3A_401 = arith.constant 0.000000e+00 : f32
    %broadcast_in_dim3A_402 = vector.broadcast %broadcast_in_dim3A_401 : f32 to vector<16xf32>
    %swap3A_403 = arith.constant 8 : i32
    %swap3A_404 = arith.index_cast %swap3A_403 : i32 to index
    %swap3A_405 = arith.constant 48 : index
    %swap3A_406 = tpu.vector_load %arg11[%swap3A_404, %swap3A_405] {strides = array<i32>} : memref<16x128xf32, #tpu.memory_space<vmem>>, vector<16xf32>,
    tpu.vector_store %arg11[%swap3A_404, %swap3A_405], %broadcast_in_dim3A_402 {strides = array<i32>} : memref<16x128xf32, #tpu.memory_space<vmem>>, vector<16xf32>,
    %broadcast_in_dim3A_407 = arith.constant 0.000000e+00 : f32
    %broadcast_in_dim3A_408 = vector.broadcast %broadcast_in_dim3A_407 : f32 to vector<16xf32>
    %swap3A_409 = arith.constant 8 : i32
    %swap3A_410 = arith.index_cast %swap3A_409 : i32 to index
    %swap3A_411 = arith.constant 64 : index
    %swap3A_412 = tpu.vector_load %arg11[%swap3A_410, %swap3A_411] {strides = array<i32>} : memref<16x128xf32, #tpu.memory_space<vmem>>, vector<16xf32>,
    tpu.vector_store %arg11[%swap3A_410, %swap3A_411], %broadcast_in_dim3A_408 {strides = array<i32>} : memref<16x128xf32, #tpu.memory_space<vmem>>, vector<16xf32>,
    %broadcast_in_dim3A_413 = arith.constant 0.000000e+00 : f32
    %broadcast_in_dim3A_414 = vector.broadcast %broadcast_in_dim3A_413 : f32 to vector<16xf32>
    %swap3A_415 = arith.constant 8 : i32
    %swap3A_416 = arith.index_cast %swap3A_415 : i32 to index
    %swap3A_417 = arith.constant 80 : index
    %swap3A_418 = tpu.vector_load %arg11[%swap3A_416, %swap3A_417] {strides = array<i32>} : memref<16x128xf32, #tpu.memory_space<vmem>>, vector<16xf32>,
    tpu.vector_store %arg11[%swap3A_416, %swap3A_417], %broadcast_in_dim3A_414 {strides = array<i32>} : memref<16x128xf32, #tpu.memory_space<vmem>>, vector<16xf32>,
    %broadcast_in_dim3A_419 = arith.constant 0.000000e+00 : f32
    %broadcast_in_dim3A_420 = vector.broadcast %broadcast_in_dim3A_419 : f32 to vector<16xf32>
    %swap3A_421 = arith.constant 8 : i32
    %swap3A_422 = arith.index_cast %swap3A_421 : i32 to index
    %swap3A_423 = arith.constant 96 : index
    %swap3A_424 = tpu.vector_load %arg11[%swap3A_422, %swap3A_423] {strides = array<i32>} : memref<16x128xf32, #tpu.memory_space<vmem>>, vector<16xf32>,
    tpu.vector_store %arg11[%swap3A_422, %swap3A_423], %broadcast_in_dim3A_420 {strides = array<i32>} : memref<16x128xf32, #tpu.memory_space<vmem>>, vector<16xf32>,
    %broadcast_in_dim3A_425 = arith.constant 0.000000e+00 : f32
    %broadcast_in_dim3A_426 = vector.broadcast %broadcast_in_dim3A_425 : f32 to vector<16xf32>
    %swap3A_427 = arith.constant 8 : i32
    %swap3A_428 = arith.index_cast %swap3A_427 : i32 to index
    %swap3A_429 = arith.constant 112 : index
    %swap3A_430 = tpu.vector_load %arg11[%swap3A_428, %swap3A_429] {strides = array<i32>} : memref<16x128xf32, #tpu.memory_space<vmem>>, vector<16xf32>,
    tpu.vector_store %arg11[%swap3A_428, %swap3A_429], %broadcast_in_dim3A_426 {strides = array<i32>} : memref<16x128xf32, #tpu.memory_space<vmem>>, vector<16xf32>,
    %broadcast_in_dim3A_431 = arith.constant 0.000000e+00 : f32
    %broadcast_in_dim3A_432 = vector.broadcast %broadcast_in_dim3A_431 : f32 to vector<16xf32>
    %swap3A_433 = arith.constant 9 : i32
    %swap3A_434 = arith.index_cast %swap3A_433 : i32 to index
    %swap3A_435 = arith.constant 0 : index
    %swap3A_436 = tpu.vector_load %arg11[%swap3A_434, %swap3A_435] {strides = array<i32>} : memref<16x128xf32, #tpu.memory_space<vmem>>, vector<16xf32>,
    tpu.vector_store %arg11[%swap3A_434, %swap3A_435], %broadcast_in_dim3A_432 {strides = array<i32>} : memref<16x128xf32, #tpu.memory_space<vmem>>, vector<16xf32>,
    %broadcast_in_dim3A_437 = arith.constant 0.000000e+00 : f32
    %broadcast_in_dim3A_438 = vector.broadcast %broadcast_in_dim3A_437 : f32 to vector<16xf32>
    %swap3A_439 = arith.constant 9 : i32
    %swap3A_440 = arith.index_cast %swap3A_439 : i32 to index
    %swap3A_441 = arith.constant 16 : index
    %swap3A_442 = tpu.vector_load %arg11[%swap3A_440, %swap3A_441] {strides = array<i32>} : memref<16x128xf32, #tpu.memory_space<vmem>>, vector<16xf32>,
    tpu.vector_store %arg11[%swap3A_440, %swap3A_441], %broadcast_in_dim3A_438 {strides = array<i32>} : memref<16x128xf32, #tpu.memory_space<vmem>>, vector<16xf32>,
    %broadcast_in_dim3A_443 = arith.constant 0.000000e+00 : f32
    %broadcast_in_dim3A_444 = vector.broadcast %broadcast_in_dim3A_443 : f32 to vector<16xf32>
    %swap3A_445 = arith.constant 9 : i32
    %swap3A_446 = arith.index_cast %swap3A_445 : i32 to index
    %swap3A_447 = arith.constant 32 : index
    %swap3A_448 = tpu.vector_load %arg11[%swap3A_446, %swap3A_447] {strides = array<i32>} : memref<16x128xf32, #tpu.memory_space<vmem>>, vector<16xf32>,
    tpu.vector_store %arg11[%swap3A_446, %swap3A_447], %broadcast_in_dim3A_444 {strides = array<i32>} : memref<16x128xf32, #tpu.memory_space<vmem>>, vector<16xf32>,
    %broadcast_in_dim3A_449 = arith.constant 0.000000e+00 : f32
    %broadcast_in_dim3A_450 = vector.broadcast %broadcast_in_dim3A_449 : f32 to vector<16xf32>
    %swap3A_451 = arith.constant 9 : i32
    %swap3A_452 = arith.index_cast %swap3A_451 : i32 to index
    %swap3A_453 = arith.constant 48 : index
    %swap3A_454 = tpu.vector_load %arg11[%swap3A_452, %swap3A_453] {strides = array<i32>} : memref<16x128xf32, #tpu.memory_space<vmem>>, vector<16xf32>,
    tpu.vector_store %arg11[%swap3A_452, %swap3A_453], %broadcast_in_dim3A_450 {strides = array<i32>} : memref<16x128xf32, #tpu.memory_space<vmem>>, vector<16xf32>,
    %broadcast_in_dim3A_455 = arith.constant 0.000000e+00 : f32
    %broadcast_in_dim3A_456 = vector.broadcast %broadcast_in_dim3A_455 : f32 to vector<16xf32>
    %swap3A_457 = arith.constant 9 : i32
    %swap3A_458 = arith.index_cast %swap3A_457 : i32 to index
    %swap3A_459 = arith.constant 64 : index
    %swap3A_460 = tpu.vector_load %arg11[%swap3A_458, %swap3A_459] {strides = array<i32>} : memref<16x128xf32, #tpu.memory_space<vmem>>, vector<16xf32>,
    tpu.vector_store %arg11[%swap3A_458, %swap3A_459], %broadcast_in_dim3A_456 {strides = array<i32>} : memref<16x128xf32, #tpu.memory_space<vmem>>, vector<16xf32>,
    %broadcast_in_dim3A_461 = arith.constant 0.000000e+00 : f32
    %broadcast_in_dim3A_462 = vector.broadcast %broadcast_in_dim3A_461 : f32 to vector<16xf32>
    %swap3A_463 = arith.constant 9 : i32
    %swap3A_464 = arith.index_cast %swap3A_463 : i32 to index
    %swap3A_465 = arith.constant 80 : index
    %swap3A_466 = tpu.vector_load %arg11[%swap3A_464, %swap3A_465] {strides = array<i32>} : memref<16x128xf32, #tpu.memory_space<vmem>>, vector<16xf32>,
    tpu.vector_store %arg11[%swap3A_464, %swap3A_465], %broadcast_in_dim3A_462 {strides = array<i32>} : memref<16x128xf32, #tpu.memory_space<vmem>>, vector<16xf32>,
    %broadcast_in_dim3A_467 = arith.constant 0.000000e+00 : f32
    %broadcast_in_dim3A_468 = vector.broadcast %broadcast_in_dim3A_467 : f32 to vector<16xf32>
    %swap3A_469 = arith.constant 9 : i32
    %swap3A_470 = arith.index_cast %swap3A_469 : i32 to index
    %swap3A_471 = arith.constant 96 : index
    %swap3A_472 = tpu.vector_load %arg11[%swap3A_470, %swap3A_471] {strides = array<i32>} : memref<16x128xf32, #tpu.memory_space<vmem>>, vector<16xf32>,
    tpu.vector_store %arg11[%swap3A_470, %swap3A_471], %broadcast_in_dim3A_468 {strides = array<i32>} : memref<16x128xf32, #tpu.memory_space<vmem>>, vector<16xf32>,
    %broadcast_in_dim3A_473 = arith.constant 0.000000e+00 : f32
    %broadcast_in_dim3A_474 = vector.broadcast %broadcast_in_dim3A_473 : f32 to vector<16xf32>
    %swap3A_475 = arith.constant 9 : i32
    %swap3A_476 = arith.index_cast %swap3A_475 : i32 to index
    %swap3A_477 = arith.constant 112 : index
    %swap3A_478 = tpu.vector_load %arg11[%swap3A_476, %swap3A_477] {strides = array<i32>} : memref<16x128xf32, #tpu.memory_space<vmem>>, vector<16xf32>,
    tpu.vector_store %arg11[%swap3A_476, %swap3A_477], %broadcast_in_dim3A_474 {strides = array<i32>} : memref<16x128xf32, #tpu.memory_space<vmem>>, vector<16xf32>,
    %broadcast_in_dim3A_479 = arith.constant 0.000000e+00 : f32
    %broadcast_in_dim3A_480 = vector.broadcast %broadcast_in_dim3A_479 : f32 to vector<16xf32>
    %swap3A_481 = arith.constant 10 : i32
    %swap3A_482 = arith.index_cast %swap3A_481 : i32 to index
    %swap3A_483 = arith.constant 0 : index
    %swap3A_484 = tpu.vector_load %arg11[%swap3A_482, %swap3A_483] {strides = array<i32>} : memref<16x128xf32, #tpu.memory_space<vmem>>, vector<16xf32>,
    tpu.vector_store %arg11[%swap3A_482, %swap3A_483], %broadcast_in_dim3A_480 {strides = array<i32>} : memref<16x128xf32, #tpu.memory_space<vmem>>, vector<16xf32>,
    %broadcast_in_dim3A_485 = arith.constant 0.000000e+00 : f32
    %broadcast_in_dim3A_486 = vector.broadcast %broadcast_in_dim3A_485 : f32 to vector<16xf32>
    %swap3A_487 = arith.constant 10 : i32
    %swap3A_488 = arith.index_cast %swap3A_487 : i32 to index
    %swap3A_489 = arith.constant 16 : index
    %swap3A_490 = tpu.vector_load %arg11[%swap3A_488, %swap3A_489] {strides = array<i32>} : memref<16x128xf32, #tpu.memory_space<vmem>>, vector<16xf32>,
    tpu.vector_store %arg11[%swap3A_488, %swap3A_489], %broadcast_in_dim3A_486 {strides = array<i32>} : memref<16x128xf32, #tpu.memory_space<vmem>>, vector<16xf32>,
    %broadcast_in_dim3A_491 = arith.constant 0.000000e+00 : f32
    %broadcast_in_dim3A_492 = vector.broadcast %broadcast_in_dim3A_491 : f32 to vector<16xf32>
    %swap3A_493 = arith.constant 10 : i32
    %swap3A_494 = arith.index_cast %swap3A_493 : i32 to index
    %swap3A_495 = arith.constant 32 : index
    %swap3A_496 = tpu.vector_load %arg11[%swap3A_494, %swap3A_495] {strides = array<i32>} : memref<16x128xf32, #tpu.memory_space<vmem>>, vector<16xf32>,
    tpu.vector_store %arg11[%swap3A_494, %swap3A_495], %broadcast_in_dim3A_492 {strides = array<i32>} : memref<16x128xf32, #tpu.memory_space<vmem>>, vector<16xf32>,
    %broadcast_in_dim3A_497 = arith.constant 0.000000e+00 : f32
    %broadcast_in_dim3A_498 = vector.broadcast %broadcast_in_dim3A_497 : f32 to vector<16xf32>
    %swap3A_499 = arith.constant 10 : i32
    %swap3A_500 = arith.index_cast %swap3A_499 : i32 to index
    %swap3A_501 = arith.constant 48 : index
    %swap3A_502 = tpu.vector_load %arg11[%swap3A_500, %swap3A_501] {strides = array<i32>} : memref<16x128xf32, #tpu.memory_space<vmem>>, vector<16xf32>,
    tpu.vector_store %arg11[%swap3A_500, %swap3A_501], %broadcast_in_dim3A_498 {strides = array<i32>} : memref<16x128xf32, #tpu.memory_space<vmem>>, vector<16xf32>,
    %broadcast_in_dim3A_503 = arith.constant 0.000000e+00 : f32
    %broadcast_in_dim3A_504 = vector.broadcast %broadcast_in_dim3A_503 : f32 to vector<16xf32>
    %swap3A_505 = arith.constant 10 : i32
    %swap3A_506 = arith.index_cast %swap3A_505 : i32 to index
    %swap3A_507 = arith.constant 64 : index
    %swap3A_508 = tpu.vector_load %arg11[%swap3A_506, %swap3A_507] {strides = array<i32>} : memref<16x128xf32, #tpu.memory_space<vmem>>, vector<16xf32>,
    tpu.vector_store %arg11[%swap3A_506, %swap3A_507], %broadcast_in_dim3A_504 {strides = array<i32>} : memref<16x128xf32, #tpu.memory_space<vmem>>, vector<16xf32>,
    %broadcast_in_dim3A_509 = arith.constant 0.000000e+00 : f32
    %broadcast_in_dim3A_510 = vector.broadcast %broadcast_in_dim3A_509 : f32 to vector<16xf32>
    %swap3A_511 = arith.constant 10 : i32
    %swap3A_512 = arith.index_cast %swap3A_511 : i32 to index
    %swap3A_513 = arith.constant 80 : index
    %swap3A_514 = tpu.vector_load %arg11[%swap3A_512, %swap3A_513] {strides = array<i32>} : memref<16x128xf32, #tpu.memory_space<vmem>>, vector<16xf32>,
    tpu.vector_store %arg11[%swap3A_512, %swap3A_513], %broadcast_in_dim3A_510 {strides = array<i32>} : memref<16x128xf32, #tpu.memory_space<vmem>>, vector<16xf32>,
    %broadcast_in_dim3A_515 = arith.constant 0.000000e+00 : f32
    %broadcast_in_dim3A_516 = vector.broadcast %broadcast_in_dim3A_515 : f32 to vector<16xf32>
    %swap3A_517 = arith.constant 10 : i32
    %swap3A_518 = arith.index_cast %swap3A_517 : i32 to index
    %swap3A_519 = arith.constant 96 : index
    %swap3A_520 = tpu.vector_load %arg11[%swap3A_518, %swap3A_519] {strides = array<i32>} : memref<16x128xf32, #tpu.memory_space<vmem>>, vector<16xf32>,
    tpu.vector_store %arg11[%swap3A_518, %swap3A_519], %broadcast_in_dim3A_516 {strides = array<i32>} : memref<16x128xf32, #tpu.memory_space<vmem>>, vector<16xf32>,
    %broadcast_in_dim3A_521 = arith.constant 0.000000e+00 : f32
    %broadcast_in_dim3A_522 = vector.broadcast %broadcast_in_dim3A_521 : f32 to vector<16xf32>
    %swap3A_523 = arith.constant 10 : i32
    %swap3A_524 = arith.index_cast %swap3A_523 : i32 to index
    %swap3A_525 = arith.constant 112 : index
    %swap3A_526 = tpu.vector_load %arg11[%swap3A_524, %swap3A_525] {strides = array<i32>} : memref<16x128xf32, #tpu.memory_space<vmem>>, vector<16xf32>,
    tpu.vector_store %arg11[%swap3A_524, %swap3A_525], %broadcast_in_dim3A_522 {strides = array<i32>} : memref<16x128xf32, #tpu.memory_space<vmem>>, vector<16xf32>,
    %broadcast_in_dim3A_527 = arith.constant 0.000000e+00 : f32
    %broadcast_in_dim3A_528 = vector.broadcast %broadcast_in_dim3A_527 : f32 to vector<16xf32>
    %swap3A_529 = arith.constant 11 : i32
    %swap3A_530 = arith.index_cast %swap3A_529 : i32 to index
    %swap3A_531 = arith.constant 0 : index
    %swap3A_532 = tpu.vector_load %arg11[%swap3A_530, %swap3A_531] {strides = array<i32>} : memref<16x128xf32, #tpu.memory_space<vmem>>, vector<16xf32>,
    tpu.vector_store %arg11[%swap3A_530, %swap3A_531], %broadcast_in_dim3A_528 {strides = array<i32>} : memref<16x128xf32, #tpu.memory_space<vmem>>, vector<16xf32>,
    %broadcast_in_dim3A_533 = arith.constant 0.000000e+00 : f32
    %broadcast_in_dim3A_534 = vector.broadcast %broadcast_in_dim3A_533 : f32 to vector<16xf32>
    %swap3A_535 = arith.constant 11 : i32
    %swap3A_536 = arith.index_cast %swap3A_535 : i32 to index
    %swap3A_537 = arith.constant 16 : index
    %swap3A_538 = tpu.vector_load %arg11[%swap3A_536, %swap3A_537] {strides = array<i32>} : memref<16x128xf32, #tpu.memory_space<vmem>>, vector<16xf32>,
    tpu.vector_store %arg11[%swap3A_536, %swap3A_537], %broadcast_in_dim3A_534 {strides = array<i32>} : memref<16x128xf32, #tpu.memory_space<vmem>>, vector<16xf32>,
    %broadcast_in_dim3A_539 = arith.constant 0.000000e+00 : f32
    %broadcast_in_dim3A_540 = vector.broadcast %broadcast_in_dim3A_539 : f32 to vector<16xf32>
    %swap3A_541 = arith.constant 11 : i32
    %swap3A_542 = arith.index_cast %swap3A_541 : i32 to index
    %swap3A_543 = arith.constant 32 : index
    %swap3A_544 = tpu.vector_load %arg11[%swap3A_542, %swap3A_543] {strides = array<i32>} : memref<16x128xf32, #tpu.memory_space<vmem>>, vector<16xf32>,
    tpu.vector_store %arg11[%swap3A_542, %swap3A_543], %broadcast_in_dim3A_540 {strides = array<i32>} : memref<16x128xf32, #tpu.memory_space<vmem>>, vector<16xf32>,
    %broadcast_in_dim3A_545 = arith.constant 0.000000e+00 : f32
    %broadcast_in_dim3A_546 = vector.broadcast %broadcast_in_dim3A_545 : f32 to vector<16xf32>
    %swap3A_547 = arith.constant 11 : i32
    %swap3A_548 = arith.index_cast %swap3A_547 : i32 to index
    %swap3A_549 = arith.constant 48 : index
    %swap3A_550 = tpu.vector_load %arg11[%swap3A_548, %swap3A_549] {strides = array<i32>} : memref<16x128xf32, #tpu.memory_space<vmem>>, vector<16xf32>,
    tpu.vector_store %arg11[%swap3A_548, %swap3A_549], %broadcast_in_dim3A_546 {strides = array<i32>} : memref<16x128xf32, #tpu.memory_space<vmem>>, vector<16xf32>,
    %broadcast_in_dim3A_551 = arith.constant 0.000000e+00 : f32
    %broadcast_in_dim3A_552 = vector.broadcast %broadcast_in_dim3A_551 : f32 to vector<16xf32>
    %swap3A_553 = arith.constant 11 : i32
    %swap3A_554 = arith.index_cast %swap3A_553 : i32 to index
    %swap3A_555 = arith.constant 64 : index
    %swap3A_556 = tpu.vector_load %arg11[%swap3A_554, %swap3A_555] {strides = array<i32>} : memref<16x128xf32, #tpu.memory_space<vmem>>, vector<16xf32>,
    tpu.vector_store %arg11[%swap3A_554, %swap3A_555], %broadcast_in_dim3A_552 {strides = array<i32>} : memref<16x128xf32, #tpu.memory_space<vmem>>, vector<16xf32>,
    %broadcast_in_dim3A_557 = arith.constant 0.000000e+00 : f32
    %broadcast_in_dim3A_558 = vector.broadcast %broadcast_in_dim3A_557 : f32 to vector<16xf32>
    %swap3A_559 = arith.constant 11 : i32
    %swap3A_560 = arith.index_cast %swap3A_559 : i32 to index
    %swap3A_561 = arith.constant 80 : index
    %swap3A_562 = tpu.vector_load %arg11[%swap3A_560, %swap3A_561] {strides = array<i32>} : memref<16x128xf32, #tpu.memory_space<vmem>>, vector<16xf32>,
    tpu.vector_store %arg11[%swap3A_560, %swap3A_561], %broadcast_in_dim3A_558 {strides = array<i32>} : memref<16x128xf32, #tpu.memory_space<vmem>>, vector<16xf32>,
    %broadcast_in_dim3A_563 = arith.constant 0.000000e+00 : f32
    %broadcast_in_dim3A_564 = vector.broadcast %broadcast_in_dim3A_563 : f32 to vector<16xf32>
    %swap3A_565 = arith.constant 11 : i32
    %swap3A_566 = arith.index_cast %swap3A_565 : i32 to index
    %swap3A_567 = arith.constant 96 : index
    %swap3A_568 = tpu.vector_load %arg11[%swap3A_566, %swap3A_567] {strides = array<i32>} : memref<16x128xf32, #tpu.memory_space<vmem>>, vector<16xf32>,
    tpu.vector_store %arg11[%swap3A_566, %swap3A_567], %broadcast_in_dim3A_564 {strides = array<i32>} : memref<16x128xf32, #tpu.memory_space<vmem>>, vector<16xf32>,
    %broadcast_in_dim3A_569 = arith.constant 0.000000e+00 : f32
    %broadcast_in_dim3A_570 = vector.broadcast %broadcast_in_dim3A_569 : f32 to vector<16xf32>
    %swap3A_571 = arith.constant 11 : i32
    %swap3A_572 = arith.index_cast %swap3A_571 : i32 to index
    %swap3A_573 = arith.constant 112 : index
    %swap3A_574 = tpu.vector_load %arg11[%swap3A_572, %swap3A_573] {strides = array<i32>} : memref<16x128xf32, #tpu.memory_space<vmem>>, vector<16xf32>,
    tpu.vector_store %arg11[%swap3A_572, %swap3A_573], %broadcast_in_dim3A_570 {strides = array<i32>} : memref<16x128xf32, #tpu.memory_space<vmem>>, vector<16xf32>,
    %broadcast_in_dim3A_575 = arith.constant 0.000000e+00 : f32
    %broadcast_in_dim3A_576 = vector.broadcast %broadcast_in_dim3A_575 : f32 to vector<16xf32>
    %swap3A_577 = arith.constant 12 : i32
    %swap3A_578 = arith.index_cast %swap3A_577 : i32 to index
    %swap3A_579 = arith.constant 0 : index
    %swap3A_580 = tpu.vector_load %arg11[%swap3A_578, %swap3A_579] {strides = array<i32>} : memref<16x128xf32, #tpu.memory_space<vmem>>, vector<16xf32>,
    tpu.vector_store %arg11[%swap3A_578, %swap3A_579], %broadcast_in_dim3A_576 {strides = array<i32>} : memref<16x128xf32, #tpu.memory_space<vmem>>, vector<16xf32>,
    %broadcast_in_dim3A_581 = arith.constant 0.000000e+00 : f32
    %broadcast_in_dim3A_582 = vector.broadcast %broadcast_in_dim3A_581 : f32 to vector<16xf32>
    %swap3A_583 = arith.constant 12 : i32
    %swap3A_584 = arith.index_cast %swap3A_583 : i32 to index
    %swap3A_585 = arith.constant 16 : index
    %swap3A_586 = tpu.vector_load %arg11[%swap3A_584, %swap3A_585] {strides = array<i32>} : memref<16x128xf32, #tpu.memory_space<vmem>>, vector<16xf32>,
    tpu.vector_store %arg11[%swap3A_584, %swap3A_585], %broadcast_in_dim3A_582 {strides = array<i32>} : memref<16x128xf32, #tpu.memory_space<vmem>>, vector<16xf32>,
    %broadcast_in_dim3A_587 = arith.constant 0.000000e+00 : f32
    %broadcast_in_dim3A_588 = vector.broadcast %broadcast_in_dim3A_587 : f32 to vector<16xf32>
    %swap3A_589 = arith.constant 12 : i32
    %swap3A_590 = arith.index_cast %swap3A_589 : i32 to index
    %swap3A_591 = arith.constant 32 : index
    %swap3A_592 = tpu.vector_load %arg11[%swap3A_590, %swap3A_591] {strides = array<i32>} : memref<16x128xf32, #tpu.memory_space<vmem>>, vector<16xf32>,
    tpu.vector_store %arg11[%swap3A_590, %swap3A_591], %broadcast_in_dim3A_588 {strides = array<i32>} : memref<16x128xf32, #tpu.memory_space<vmem>>, vector<16xf32>,
    %broadcast_in_dim3A_593 = arith.constant 0.000000e+00 : f32
    %broadcast_in_dim3A_594 = vector.broadcast %broadcast_in_dim3A_593 : f32 to vector<16xf32>
    %swap3A_595 = arith.constant 12 : i32
    %swap3A_596 = arith.index_cast %swap3A_595 : i32 to index
    %swap3A_597 = arith.constant 48 : index
    %swap3A_598 = tpu.vector_load %arg11[%swap3A_596, %swap3A_597] {strides = array<i32>} : memref<16x128xf32, #tpu.memory_space<vmem>>, vector<16xf32>,
    tpu.vector_store %arg11[%swap3A_596, %swap3A_597], %broadcast_in_dim3A_594 {strides = array<i32>} : memref<16x128xf32, #tpu.memory_space<vmem>>, vector<16xf32>,
    %broadcast_in_dim3A_599 = arith.constant 0.000000e+00 : f32
    %broadcast_in_dim3A_600 = vector.broadcast %broadcast_in_dim3A_599 : f32 to vector<16xf32>
    %swap3A_601 = arith.constant 12 : i32
    %swap3A_602 = arith.index_cast %swap3A_601 : i32 to index
    %swap3A_603 = arith.constant 64 : index
    %swap3A_604 = tpu.vector_load %arg11[%swap3A_602, %swap3A_603] {strides = array<i32>} : memref<16x128xf32, #tpu.memory_space<vmem>>, vector<16xf32>,
    tpu.vector_store %arg11[%swap3A_602, %swap3A_603], %broadcast_in_dim3A_600 {strides = array<i32>} : memref<16x128xf32, #tpu.memory_space<vmem>>, vector<16xf32>,
    %broadcast_in_dim3A_605 = arith.constant 0.000000e+00 : f32
    %broadcast_in_dim3A_606 = vector.broadcast %broadcast_in_dim3A_605 : f32 to vector<16xf32>
    %swap3A_607 = arith.constant 12 : i32
    %swap3A_608 = arith.index_cast %swap3A_607 : i32 to index
    %swap3A_609 = arith.constant 80 : index
    %swap3A_610 = tpu.vector_load %arg11[%swap3A_608, %swap3A_609] {strides = array<i32>} : memref<16x128xf32, #tpu.memory_space<vmem>>, vector<16xf32>,
    tpu.vector_store %arg11[%swap3A_608, %swap3A_609], %broadcast_in_dim3A_606 {strides = array<i32>} : memref<16x128xf32, #tpu.memory_space<vmem>>, vector<16xf32>,
    %broadcast_in_dim3A_611 = arith.constant 0.000000e+00 : f32
    %broadcast_in_dim3A_612 = vector.broadcast %broadcast_in_dim3A_611 : f32 to vector<16xf32>
    %swap3A_613 = arith.constant 12 : i32
    %swap3A_614 = arith.index_cast %swap3A_613 : i32 to index
    %swap3A_615 = arith.constant 96 : index
    %swap3A_616 = tpu.vector_load %arg11[%swap3A_614, %swap3A_615] {strides = array<i32>} : memref<16x128xf32, #tpu.memory_space<vmem>>, vector<16xf32>,
    tpu.vector_store %arg11[%swap3A_614, %swap3A_615], %broadcast_in_dim3A_612 {strides = array<i32>} : memref<16x128xf32, #tpu.memory_space<vmem>>, vector<16xf32>,
    %broadcast_in_dim3A_617 = arith.constant 0.000000e+00 : f32
    %broadcast_in_dim3A_618 = vector.broadcast %broadcast_in_dim3A_617 : f32 to vector<16xf32>
    %swap3A_619 = arith.constant 12 : i32
    %swap3A_620 = arith.index_cast %swap3A_619 : i32 to index
    %swap3A_621 = arith.constant 112 : index
    %swap3A_622 = tpu.vector_load %arg11[%swap3A_620, %swap3A_621] {strides = array<i32>} : memref<16x128xf32, #tpu.memory_space<vmem>>, vector<16xf32>,
    tpu.vector_store %arg11[%swap3A_620, %swap3A_621], %broadcast_in_dim3A_618 {strides = array<i32>} : memref<16x128xf32, #tpu.memory_space<vmem>>, vector<16xf32>,
    %broadcast_in_dim3A_623 = arith.constant 0.000000e+00 : f32
    %broadcast_in_dim3A_624 = vector.broadcast %broadcast_in_dim3A_623 : f32 to vector<16xf32>
    %swap3A_625 = arith.constant 13 : i32
    %swap3A_626 = arith.index_cast %swap3A_625 : i32 to index
    %swap3A_627 = arith.constant 0 : index
    %swap3A_628 = tpu.vector_load %arg11[%swap3A_626, %swap3A_627] {strides = array<i32>} : memref<16x128xf32, #tpu.memory_space<vmem>>, vector<16xf32>,
    tpu.vector_store %arg11[%swap3A_626, %swap3A_627], %broadcast_in_dim3A_624 {strides = array<i32>} : memref<16x128xf32, #tpu.memory_space<vmem>>, vector<16xf32>,
    %broadcast_in_dim3A_629 = arith.constant 0.000000e+00 : f32
    %broadcast_in_dim3A_630 = vector.broadcast %broadcast_in_dim3A_629 : f32 to vector<16xf32>
    %swap3A_631 = arith.constant 13 : i32
    %swap3A_632 = arith.index_cast %swap3A_631 : i32 to index
    %swap3A_633 = arith.constant 16 : index
    %swap3A_634 = tpu.vector_load %arg11[%swap3A_632, %swap3A_633] {strides = array<i32>} : memref<16x128xf32, #tpu.memory_space<vmem>>, vector<16xf32>,
    tpu.vector_store %arg11[%swap3A_632, %swap3A_633], %broadcast_in_dim3A_630 {strides = array<i32>} : memref<16x128xf32, #tpu.memory_space<vmem>>, vector<16xf32>,
    %broadcast_in_dim3A_635 = arith.constant 0.000000e+00 : f32
    %broadcast_in_dim3A_636 = vector.broadcast %broadcast_in_dim3A_635 : f32 to vector<16xf32>
    %swap3A_637 = arith.constant 13 : i32
    %swap3A_638 = arith.index_cast %swap3A_637 : i32 to index
    %swap3A_639 = arith.constant 32 : index
    %swap3A_640 = tpu.vector_load %arg11[%swap3A_638, %swap3A_639] {strides = array<i32>} : memref<16x128xf32, #tpu.memory_space<vmem>>, vector<16xf32>,
    tpu.vector_store %arg11[%swap3A_638, %swap3A_639], %broadcast_in_dim3A_636 {strides = array<i32>} : memref<16x128xf32, #tpu.memory_space<vmem>>, vector<16xf32>,
    %broadcast_in_dim3A_641 = arith.constant 0.000000e+00 : f32
    %broadcast_in_dim3A_642 = vector.broadcast %broadcast_in_dim3A_641 : f32 to vector<16xf32>
    %swap3A_643 = arith.constant 13 : i32
    %swap3A_644 = arith.index_cast %swap3A_643 : i32 to index
    %swap3A_645 = arith.constant 48 : index
    %swap3A_646 = tpu.vector_load %arg11[%swap3A_644, %swap3A_645] {strides = array<i32>} : memref<16x128xf32, #tpu.memory_space<vmem>>, vector<16xf32>,
    tpu.vector_store %arg11[%swap3A_644, %swap3A_645], %broadcast_in_dim3A_642 {strides = array<i32>} : memref<16x128xf32, #tpu.memory_space<vmem>>, vector<16xf32>,
    %broadcast_in_dim3A_647 = arith.constant 0.000000e+00 : f32
    %broadcast_in_dim3A_648 = vector.broadcast %broadcast_in_dim3A_647 : f32 to vector<16xf32>
    %swap3A_649 = arith.constant 13 : i32
    %swap3A_650 = arith.index_cast %swap3A_649 : i32 to index
    %swap3A_651 = arith.constant 64 : index
    %swap3A_652 = tpu.vector_load %arg11[%swap3A_650, %swap3A_651] {strides = array<i32>} : memref<16x128xf32, #tpu.memory_space<vmem>>, vector<16xf32>,
    tpu.vector_store %arg11[%swap3A_650, %swap3A_651], %broadcast_in_dim3A_648 {strides = array<i32>} : memref<16x128xf32, #tpu.memory_space<vmem>>, vector<16xf32>,
    %broadcast_in_dim3A_653 = arith.constant 0.000000e+00 : f32
    %broadcast_in_dim3A_654 = vector.broadcast %broadcast_in_dim3A_653 : f32 to vector<16xf32>
    %swap3A_655 = arith.constant 13 : i32
    %swap3A_656 = arith.index_cast %swap3A_655 : i32 to index
    %swap3A_657 = arith.constant 80 : index
    %swap3A_658 = tpu.vector_load %arg11[%swap3A_656, %swap3A_657] {strides = array<i32>} : memref<16x128xf32, #tpu.memory_space<vmem>>, vector<16xf32>,
    tpu.vector_store %arg11[%swap3A_656, %swap3A_657], %broadcast_in_dim3A_654 {strides = array<i32>} : memref<16x128xf32, #tpu.memory_space<vmem>>, vector<16xf32>,
    %broadcast_in_dim3A_659 = arith.constant 0.000000e+00 : f32
    %broadcast_in_dim3A_660 = vector.broadcast %broadcast_in_dim3A_659 : f32 to vector<16xf32>
    %swap3A_661 = arith.constant 13 : i32
    %swap3A_662 = arith.index_cast %swap3A_661 : i32 to index
    %swap3A_663 = arith.constant 96 : index
    %swap3A_664 = tpu.vector_load %arg11[%swap3A_662, %swap3A_663] {strides = array<i32>} : memref<16x128xf32, #tpu.memory_space<vmem>>, vector<16xf32>,
    tpu.vector_store %arg11[%swap3A_662, %swap3A_663], %broadcast_in_dim3A_660 {strides = array<i32>} : memref<16x128xf32, #tpu.memory_space<vmem>>, vector<16xf32>,
    %broadcast_in_dim3A_665 = arith.constant 0.000000e+00 : f32
    %broadcast_in_dim3A_666 = vector.broadcast %broadcast_in_dim3A_665 : f32 to vector<16xf32>
    %swap3A_667 = arith.constant 13 : i32
    %swap3A_668 = arith.index_cast %swap3A_667 : i32 to index
    %swap3A_669 = arith.constant 112 : index
    %swap3A_670 = tpu.vector_load %arg11[%swap3A_668, %swap3A_669] {strides = array<i32>} : memref<16x128xf32, #tpu.memory_space<vmem>>, vector<16xf32>,
    tpu.vector_store %arg11[%swap3A_668, %swap3A_669], %broadcast_in_dim3A_666 {strides = array<i32>} : memref<16x128xf32, #tpu.memory_space<vmem>>, vector<16xf32>,
    %broadcast_in_dim3A_671 = arith.constant 0.000000e+00 : f32
    %broadcast_in_dim3A_672 = vector.broadcast %broadcast_in_dim3A_671 : f32 to vector<16xf32>
    %swap3A_673 = arith.constant 14 : i32
    %swap3A_674 = arith.index_cast %swap3A_673 : i32 to index
    %swap3A_675 = arith.constant 0 : index
    %swap3A_676 = tpu.vector_load %arg11[%swap3A_674, %swap3A_675] {strides = array<i32>} : memref<16x128xf32, #tpu.memory_space<vmem>>, vector<16xf32>,
    tpu.vector_store %arg11[%swap3A_674, %swap3A_675], %broadcast_in_dim3A_672 {strides = array<i32>} : memref<16x128xf32, #tpu.memory_space<vmem>>, vector<16xf32>,
    %broadcast_in_dim3A_677 = arith.constant 0.000000e+00 : f32
    %broadcast_in_dim3A_678 = vector.broadcast %broadcast_in_dim3A_677 : f32 to vector<16xf32>
    %swap3A_679 = arith.constant 14 : i32
    %swap3A_680 = arith.index_cast %swap3A_679 : i32 to index
    %swap3A_681 = arith.constant 16 : index
    %swap3A_682 = tpu.vector_load %arg11[%swap3A_680, %swap3A_681] {strides = array<i32>} : memref<16x128xf32, #tpu.memory_space<vmem>>, vector<16xf32>,
    tpu.vector_store %arg11[%swap3A_680, %swap3A_681], %broadcast_in_dim3A_678 {strides = array<i32>} : memref<16x128xf32, #tpu.memory_space<vmem>>, vector<16xf32>,
    %broadcast_in_dim3A_683 = arith.constant 0.000000e+00 : f32
    %broadcast_in_dim3A_684 = vector.broadcast %broadcast_in_dim3A_683 : f32 to vector<16xf32>
    %swap3A_685 = arith.constant 14 : i32
    %swap3A_686 = arith.index_cast %swap3A_685 : i32 to index
    %swap3A_687 = arith.constant 32 : index
    %swap3A_688 = tpu.vector_load %arg11[%swap3A_686, %swap3A_687] {strides = array<i32>} : memref<16x128xf32, #tpu.memory_space<vmem>>, vector<16xf32>,
    tpu.vector_store %arg11[%swap3A_686, %swap3A_687], %broadcast_in_dim3A_684 {strides = array<i32>} : memref<16x128xf32, #tpu.memory_space<vmem>>, vector<16xf32>,
    %broadcast_in_dim3A_689 = arith.constant 0.000000e+00 : f32
    %broadcast_in_dim3A_690 = vector.broadcast %broadcast_in_dim3A_689 : f32 to vector<16xf32>
    %swap3A_691 = arith.constant 14 : i32
    %swap3A_692 = arith.index_cast %swap3A_691 : i32 to index
    %swap3A_693 = arith.constant 48 : index
    %swap3A_694 = tpu.vector_load %arg11[%swap3A_692, %swap3A_693] {strides = array<i32>} : memref<16x128xf32, #tpu.memory_space<vmem>>, vector<16xf32>,
    tpu.vector_store %arg11[%swap3A_692, %swap3A_693], %broadcast_in_dim3A_690 {strides = array<i32>} : memref<16x128xf32, #tpu.memory_space<vmem>>, vector<16xf32>,
    %broadcast_in_dim3A_695 = arith.constant 0.000000e+00 : f32
    %broadcast_in_dim3A_696 = vector.broadcast %broadcast_in_dim3A_695 : f32 to vector<16xf32>
    %swap3A_697 = arith.constant 14 : i32
    %swap3A_698 = arith.index_cast %swap3A_697 : i32 to index
    %swap3A_699 = arith.constant 64 : index
    %swap3A_700 = tpu.vector_load %arg11[%swap3A_698, %swap3A_699] {strides = array<i32>} : memref<16x128xf32, #tpu.memory_space<vmem>>, vector<16xf32>,
    tpu.vector_store %arg11[%swap3A_698, %swap3A_699], %broadcast_in_dim3A_696 {strides = array<i32>} : memref<16x128xf32, #tpu.memory_space<vmem>>, vector<16xf32>,
    %broadcast_in_dim3A_701 = arith.constant 0.000000e+00 : f32
    %broadcast_in_dim3A_702 = vector.broadcast %broadcast_in_dim3A_701 : f32 to vector<16xf32>
    %swap3A_703 = arith.constant 14 : i32
    %swap3A_704 = arith.index_cast %swap3A_703 : i32 to index
    %swap3A_705 = arith.constant 80 : index
    %swap3A_706 = tpu.vector_load %arg11[%swap3A_704, %swap3A_705] {strides = array<i32>} : memref<16x128xf32, #tpu.memory_space<vmem>>, vector<16xf32>,
    tpu.vector_store %arg11[%swap3A_704, %swap3A_705], %broadcast_in_dim3A_702 {strides = array<i32>} : memref<16x128xf32, #tpu.memory_space<vmem>>, vector<16xf32>,
    %broadcast_in_dim3A_707 = arith.constant 0.000000e+00 : f32
    %broadcast_in_dim3A_708 = vector.broadcast %broadcast_in_dim3A_707 : f32 to vector<16xf32>
    %swap3A_709 = arith.constant 14 : i32
    %swap3A_710 = arith.index_cast %swap3A_709 : i32 to index
    %swap3A_711 = arith.constant 96 : index
    %swap3A_712 = tpu.vector_load %arg11[%swap3A_710, %swap3A_711] {strides = array<i32>} : memref<16x128xf32, #tpu.memory_space<vmem>>, vector<16xf32>,
    tpu.vector_store %arg11[%swap3A_710, %swap3A_711], %broadcast_in_dim3A_708 {strides = array<i32>} : memref<16x128xf32, #tpu.memory_space<vmem>>, vector<16xf32>,
    %broadcast_in_dim3A_713 = arith.constant 0.000000e+00 : f32
    %broadcast_in_dim3A_714 = vector.broadcast %broadcast_in_dim3A_713 : f32 to vector<16xf32>
    %swap3A_715 = arith.constant 14 : i32
    %swap3A_716 = arith.index_cast %swap3A_715 : i32 to index
    %swap3A_717 = arith.constant 112 : index
    %swap3A_718 = tpu.vector_load %arg11[%swap3A_716, %swap3A_717] {strides = array<i32>} : memref<16x128xf32, #tpu.memory_space<vmem>>, vector<16xf32>,
    tpu.vector_store %arg11[%swap3A_716, %swap3A_717], %broadcast_in_dim3A_714 {strides = array<i32>} : memref<16x128xf32, #tpu.memory_space<vmem>>, vector<16xf32>,
    %broadcast_in_dim3A_719 = arith.constant 0.000000e+00 : f32
    %broadcast_in_dim3A_720 = vector.broadcast %broadcast_in_dim3A_719 : f32 to vector<16xf32>
    %swap3A_721 = arith.constant 15 : i32
    %swap3A_722 = arith.index_cast %swap3A_721 : i32 to index
    %swap3A_723 = arith.constant 0 : index
    %swap3A_724 = tpu.vector_load %arg11[%swap3A_722, %swap3A_723] {strides = array<i32>} : memref<16x128xf32, #tpu.memory_space<vmem>>, vector<16xf32>,
    tpu.vector_store %arg11[%swap3A_722, %swap3A_723], %broadcast_in_dim3A_720 {strides = array<i32>} : memref<16x128xf32, #tpu.memory_space<vmem>>, vector<16xf32>,
    %broadcast_in_dim3A_725 = arith.constant 0.000000e+00 : f32
    %broadcast_in_dim3A_726 = vector.broadcast %broadcast_in_dim3A_725 : f32 to vector<16xf32>
    %swap3A_727 = arith.constant 15 : i32
    %swap3A_728 = arith.index_cast %swap3A_727 : i32 to index
    %swap3A_729 = arith.constant 16 : index
    %swap3A_730 = tpu.vector_load %arg11[%swap3A_728, %swap3A_729] {strides = array<i32>} : memref<16x128xf32, #tpu.memory_space<vmem>>, vector<16xf32>,
    tpu.vector_store %arg11[%swap3A_728, %swap3A_729], %broadcast_in_dim3A_726 {strides = array<i32>} : memref<16x128xf32, #tpu.memory_space<vmem>>, vector<16xf32>,
    %broadcast_in_dim3A_731 = arith.constant 0.000000e+00 : f32
    %broadcast_in_dim3A_732 = vector.broadcast %broadcast_in_dim3A_731 : f32 to vector<16xf32>
    %swap3A_733 = arith.constant 15 : i32
    %swap3A_734 = arith.index_cast %swap3A_733 : i32 to index
    %swap3A_735 = arith.constant 32 : index
    %swap3A_736 = tpu.vector_load %arg11[%swap3A_734, %swap3A_735] {strides = array<i32>} : memref<16x128xf32, #tpu.memory_space<vmem>>, vector<16xf32>,
    tpu.vector_store %arg11[%swap3A_734, %swap3A_735], %broadcast_in_dim3A_732 {strides = array<i32>} : memref<16x128xf32, #tpu.memory_space<vmem>>, vector<16xf32>,
    %broadcast_in_dim3A_737 = arith.constant 0.000000e+00 : f32
    %broadcast_in_dim3A_738 = vector.broadcast %broadcast_in_dim3A_737 : f32 to vector<16xf32>
    %swap3A_739 = arith.constant 15 : i32
    %swap3A_740 = arith.index_cast %swap3A_739 : i32 to index
    %swap3A_741 = arith.constant 48 : index
    %swap3A_742 = tpu.vector_load %arg11[%swap3A_740, %swap3A_741] {strides = array<i32>} : memref<16x128xf32, #tpu.memory_space<vmem>>, vector<16xf32>,
    tpu.vector_store %arg11[%swap3A_740, %swap3A_741], %broadcast_in_dim3A_738 {strides = array<i32>} : memref<16x128xf32, #tpu.memory_space<vmem>>, vector<16xf32>,
    %broadcast_in_dim3A_743 = arith.constant 0.000000e+00 : f32
    %broadcast_in_dim3A_744 = vector.broadcast %broadcast_in_dim3A_743 : f32 to vector<16xf32>
    %swap3A_745 = arith.constant 15 : i32
    %swap3A_746 = arith.index_cast %swap3A_745 : i32 to index
    %swap3A_747 = arith.constant 64 : index
    %swap3A_748 = tpu.vector_load %arg11[%swap3A_746, %swap3A_747] {strides = array<i32>} : memref<16x128xf32, #tpu.memory_space<vmem>>, vector<16xf32>,
    tpu.vector_store %arg11[%swap3A_746, %swap3A_747], %broadcast_in_dim3A_744 {strides = array<i32>} : memref<16x128xf32, #tpu.memory_space<vmem>>, vector<16xf32>,
    %broadcast_in_dim3A_749 = arith.constant 0.000000e+00 : f32
    %broadcast_in_dim3A_750 = vector.broadcast %broadcast_in_dim3A_749 : f32 to vector<16xf32>
    %swap3A_751 = arith.constant 15 : i32
    %swap3A_752 = arith.index_cast %swap3A_751 : i32 to index
    %swap3A_753 = arith.constant 80 : index
    %swap3A_754 = tpu.vector_load %arg11[%swap3A_752, %swap3A_753] {strides = array<i32>} : memref<16x128xf32, #tpu.memory_space<vmem>>, vector<16xf32>,
    tpu.vector_store %arg11[%swap3A_752, %swap3A_753], %broadcast_in_dim3A_750 {strides = array<i32>} : memref<16x128xf32, #tpu.memory_space<vmem>>, vector<16xf32>,
    %broadcast_in_dim3A_755 = arith.constant 0.000000e+00 : f32
    %broadcast_in_dim3A_756 = vector.broadcast %broadcast_in_dim3A_755 : f32 to vector<16xf32>
    %swap3A_757 = arith.constant 15 : i32
    %swap3A_758 = arith.index_cast %swap3A_757 : i32 to index
    %swap3A_759 = arith.constant 96 : index
    %swap3A_760 = tpu.vector_load %arg11[%swap3A_758, %swap3A_759] {strides = array<i32>} : memref<16x128xf32, #tpu.memory_space<vmem>>, vector<16xf32>,
    tpu.vector_store %arg11[%swap3A_758, %swap3A_759], %broadcast_in_dim3A_756 {strides = array<i32>} : memref<16x128xf32, #tpu.memory_space<vmem>>, vector<16xf32>,
    %broadcast_in_dim3A_761 = arith.constant 0.000000e+00 : f32
    %broadcast_in_dim3A_762 = vector.broadcast %broadcast_in_dim3A_761 : f32 to vector<16xf32>
    %swap3A_763 = arith.constant 15 : i32
    %swap3A_764 = arith.index_cast %swap3A_763 : i32 to index
    %swap3A_765 = arith.constant 112 : index
    %swap3A_766 = tpu.vector_load %arg11[%swap3A_764, %swap3A_765] {strides = array<i32>} : memref<16x128xf32, #tpu.memory_space<vmem>>, vector<16xf32>,
    tpu.vector_store %arg11[%swap3A_764, %swap3A_765], %broadcast_in_dim3A_762 {strides = array<i32>} : memref<16x128xf32, #tpu.memory_space<vmem>>, vector<16xf32>,
    %mul3A_767 = arith.constant 640 : i32
    %mul3A_768 = arith.muli %arg1, %mul3A_767 : i32
    %scan3A = arith.constant 0 : i32
    %scan3A_769 = arith.constant 40 : i32
    %scan3A_770 = arith.addi %scan3A, %scan3A_769 : i32
    %scan3A_771 = arith.constant 1 : i32
    scf.for %scan3A_793 = %scan3A to %scan3A_770 step %scan3A_771  : i32 {
      %mul3A_794 = arith.constant 1 : i32
      %mul3A_795 = arith.muli %scan3A_793, %mul3A_794 : i32
      %add3A_796 = arith.constant 0 : i32
      %add3A_797 = arith.addi %add3A_796, %mul3A_795 : i32
      %mul3A_798 = arith.constant 16 : i32
      %mul3A_799 = arith.muli %add3A_797, %mul3A_798 : i32
      %add3A_800 = arith.addi %mul3A_768, %mul3A_799 : i32
      "tpu.region"() ({
        %run_scoped3A = tpu.sem_alloc : memref<!tpu.dma_semaphore, #tpu.memory_space<semaphore_mem>>
        %dma_start3A_801 = arith.constant 0 : i32
        %dma_start3A_802 = tpu.memref_slice %arg12[%add3A_800, %dma_start3A_801] : memref<10240x128xf32, #tpu.memory_space<vmem_shared>> -> memref<16x128xf32, #tpu.memory_space<vmem_shared>>
        %dma_start3A_803 = arith.constant 0 : i32
        %dma_start3A_804 = tpu.memref_slice %arg12[%add3A_800, %dma_start3A_803] : memref<10240x128xf32, #tpu.memory_space<vmem_shared>> -> memref<16x128xf32, #tpu.memory_space<vmem_shared>>
        tpu.enqueue_dma source(%arg11 : memref<16x128xf32, #tpu.memory_space<vmem>>) target(%dma_start3A_804 : memref<16x128xf32, #tpu.memory_space<vmem_shared>>) target_semaphore(%run_scoped3A : memref<!tpu.dma_semaphore, #tpu.memory_space<semaphore_mem>>)
        %dma_wait3A = arith.constant 0 : i32
        %dma_wait3A_805 = tpu.memref_slice %arg12[%add3A_800, %dma_wait3A] : memref<10240x128xf32, #tpu.memory_space<vmem_shared>> -> memref<16x128xf32, #tpu.memory_space<vmem_shared>>
        %dma_wait3A_806 = arith.constant 0 : i32
        %dma_wait3A_807 = tpu.memref_slice %arg12[%add3A_800, %dma_wait3A_806] : memref<10240x128xf32, #tpu.memory_space<vmem_shared>> -> memref<16x128xf32, #tpu.memory_space<vmem_shared>>
        tpu.wait_dma2 semaphore(%run_scoped3A : memref<!tpu.dma_semaphore, #tpu.memory_space<semaphore_mem>>) src(%arg11 : memref<16x128xf32, #tpu.memory_space<vmem>>) dst(%dma_wait3A_807 : memref<16x128xf32, #tpu.memory_space<vmem_shared>>)
        tpu.yield
      }) : () -> ()
    }
    %scan3A_772 = arith.constant 40 : i32
    %barrier3A = arith.constant 0 : index
    tpu.barrier barrier_id(%barrier3A)
    %dma_start3A = arith.constant 0 : i32
    %dma_start3A_773 = arith.constant 0 : i32
    %dma_start3A_774 = arith.constant 0 : i32
    %dma_start3A_775 = arith.constant 0 : i32
    %dma_start3A_776 = arith.constant 0 : i32
    %dma_start3A_777 = tpu.memref_slice %arg10[%dma_start3A_773, %dma_start3A_775, %dma_start3A_776] : memref<2x16x128xf32, #tpu.memory_space<vmem>> -> memref<1x16x128xf32, #tpu.memory_space<vmem>>
    %dma_start3A_778 = tpu.memref_squeeze %dma_start3A_777 : memref<1x16x128xf32, #tpu.memory_space<vmem>> -> memref<16x128xf32, #tpu.memory_space<vmem>>
    %dma_start3A_779 = arith.constant 0 : i32
    %dma_start3A_780 = tpu.memref_slice %arg7[%dma_start3A, %dma_start3A_779] : memref<625x16xi32, #tpu.memory_space<vmem>> -> memref<1x16xi32, #tpu.memory_space<vmem>>
    %dma_start3A_781 = tpu.memref_squeeze %dma_start3A_780 : memref<1x16xi32, #tpu.memory_space<vmem>> -> memref<16xi32, #tpu.memory_space<vmem>>
    %dma_start3A_782 = arith.constant 0 : i32
    %dma_start3A_783 = arith.constant 0 : i32
    %dma_start3A_784 = tpu.memref_slice %arg2[%dma_start3A_782, %dma_start3A_783] : memref<10000x128xf32, #tpu.memory_space<hbm>> -> memref<10000x128xf32, #tpu.memory_space<hbm>>
    %dma_start3A_785 = tpu.memref_slice %arg13[%dma_start3A_774] : memref<2x!tpu.dma_semaphore, #tpu.memory_space<semaphore_mem>> -> memref<1x!tpu.dma_semaphore, #tpu.memory_space<semaphore_mem>>
    %dma_start3A_786 = tpu.memref_squeeze %dma_start3A_785 : memref<1x!tpu.dma_semaphore, #tpu.memory_space<semaphore_mem>> -> memref<!tpu.dma_semaphore, #tpu.memory_space<semaphore_mem>>
    tpu.enqueue_indirect_dma source(%dma_start3A_784 : memref<10000x128xf32, #tpu.memory_space<hbm>>) target(%dma_start3A_778 : memref<16x128xf32, #tpu.memory_space<vmem>>) offsets(%dma_start3A_781 : memref<16xi32, #tpu.memory_space<vmem>>) semaphore(%dma_start3A_786 : memref<!tpu.dma_semaphore, #tpu.memory_space<semaphore_mem>>)
    %scan3A_787 = arith.constant 0 : i32
    %scan3A_788 = arith.constant 625 : i32
    %scan3A_789 = arith.addi %scan3A_787, %scan3A_788 : i32
    %scan3A_790 = arith.constant 1 : i32
    scf.for %scan3A_793 = %scan3A_787 to %scan3A_789 step %scan3A_790  : i32 {
      %mul3A_794 = arith.constant 1 : i32
      %mul3A_795 = arith.muli %scan3A_793, %mul3A_794 : i32
      %add3A_796 = arith.constant 0 : i32
      %add3A_797 = arith.addi %add3A_796, %mul3A_795 : i32
      %rem3A = arith.constant 2 : i32
      %rem3A_798 = arith.remsi %add3A_797, %rem3A : i32
      %add3A_799 = arith.constant 1 : i32
      %add3A_800 = arith.addi %add3A_797, %add3A_799 : i32
      %rem3A_801 = arith.constant 2 : i32
      %rem3A_802 = arith.remsi %add3A_800, %rem3A_801 : i32
      %add3A_803 = arith.constant 1 : i32
      %add3A_804 = arith.addi %add3A_797, %add3A_803 : i32
      %lt3A = arith.constant 625 : i32
      %lt3A_805 = arith.cmpi slt, %add3A_804, %lt3A : i32
      %convert_element_type3A = arith.extui %lt3A_805 : i1 to i32
      %cond3A = arith.constant 0 : i32
      %cond3A_806 = arith.cmpi ne, %convert_element_type3A, %cond3A : i32
      scf.if %cond3A_806 {
        %add3A_2417 = arith.constant 1 : i32
        %add3A_2418 = arith.addi %add3A_797, %add3A_2417 : i32
        %dma_start3A_2419 = arith.constant 0 : i32
        %dma_start3A_2420 = arith.constant 0 : i32
        %dma_start3A_2421 = tpu.memref_slice %arg10[%rem3A_802, %dma_start3A_2419, %dma_start3A_2420] : memref<2x16x128xf32, #tpu.memory_space<vmem>> -> memref<1x16x128xf32, #tpu.memory_space<vmem>>
        %dma_start3A_2422 = tpu.memref_squeeze %dma_start3A_2421 : memref<1x16x128xf32, #tpu.memory_space<vmem>> -> memref<16x128xf32, #tpu.memory_space<vmem>>
        %dma_start3A_2423 = arith.constant 0 : i32
        %dma_start3A_2424 = tpu.memref_slice %arg7[%add3A_2418, %dma_start3A_2423] : memref<625x16xi32, #tpu.memory_space<vmem>> -> memref<1x16xi32, #tpu.memory_space<vmem>>
        %dma_start3A_2425 = tpu.memref_squeeze %dma_start3A_2424 : memref<1x16xi32, #tpu.memory_space<vmem>> -> memref<16xi32, #tpu.memory_space<vmem>>
        %dma_start3A_2426 = arith.constant 0 : i32
        %dma_start3A_2427 = arith.constant 0 : i32
        %dma_start3A_2428 = tpu.memref_slice %arg2[%dma_start3A_2426, %dma_start3A_2427] : memref<10000x128xf32, #tpu.memory_space<hbm>> -> memref<10000x128xf32, #tpu.memory_space<hbm>>
        %dma_start3A_2429 = tpu.memref_slice %arg13[%rem3A_802] : memref<2x!tpu.dma_semaphore, #tpu.memory_space<semaphore_mem>> -> memref<1x!tpu.dma_semaphore, #tpu.memory_space<semaphore_mem>>
        %dma_start3A_2430 = tpu.memref_squeeze %dma_start3A_2429 : memref<1x!tpu.dma_semaphore, #tpu.memory_space<semaphore_mem>> -> memref<!tpu.dma_semaphore, #tpu.memory_space<semaphore_mem>>
        tpu.enqueue_indirect_dma source(%dma_start3A_2428 : memref<10000x128xf32, #tpu.memory_space<hbm>>) target(%dma_start3A_2422 : memref<16x128xf32, #tpu.memory_space<vmem>>) offsets(%dma_start3A_2425 : memref<16xi32, #tpu.memory_space<vmem>>) semaphore(%dma_start3A_2430 : memref<!tpu.dma_semaphore, #tpu.memory_space<semaphore_mem>>)
      } else {
      }
      %dma_wait3A = arith.constant 0 : i32
      %dma_wait3A_807 = arith.constant 0 : i32
      %dma_wait3A_808 = tpu.memref_slice %arg10[%rem3A_798, %dma_wait3A, %dma_wait3A_807] : memref<2x16x128xf32, #tpu.memory_space<vmem>> -> memref<1x16x128xf32, #tpu.memory_space<vmem>>
      %dma_wait3A_809 = tpu.memref_squeeze %dma_wait3A_808 : memref<1x16x128xf32, #tpu.memory_space<vmem>> -> memref<16x128xf32, #tpu.memory_space<vmem>>
      %dma_wait3A_810 = arith.constant 0 : i32
      %dma_wait3A_811 = tpu.memref_slice %arg7[%add3A_797, %dma_wait3A_810] : memref<625x16xi32, #tpu.memory_space<vmem>> -> memref<1x16xi32, #tpu.memory_space<vmem>>
      %dma_wait3A_812 = tpu.memref_squeeze %dma_wait3A_811 : memref<1x16xi32, #tpu.memory_space<vmem>> -> memref<16xi32, #tpu.memory_space<vmem>>
      %dma_wait3A_813 = arith.constant 0 : i32
      %dma_wait3A_814 = arith.constant 0 : i32
      %dma_wait3A_815 = tpu.memref_slice %arg2[%dma_wait3A_813, %dma_wait3A_814] : memref<10000x128xf32, #tpu.memory_space<hbm>> -> memref<10000x128xf32, #tpu.memory_space<hbm>>
      %dma_wait3A_816 = tpu.memref_slice %arg13[%rem3A_798] : memref<2x!tpu.dma_semaphore, #tpu.memory_space<semaphore_mem>> -> memref<1x!tpu.dma_semaphore, #tpu.memory_space<semaphore_mem>>
      %dma_wait3A_817 = tpu.memref_squeeze %dma_wait3A_816 : memref<1x!tpu.dma_semaphore, #tpu.memory_space<semaphore_mem>> -> memref<!tpu.dma_semaphore, #tpu.memory_space<semaphore_mem>>
      tpu.wait_indirect_dma semaphore(%dma_wait3A_817 : memref<!tpu.dma_semaphore, #tpu.memory_space<semaphore_mem>>) src(%dma_wait3A_815 : memref<10000x128xf32, #tpu.memory_space<hbm>>) dst(%dma_wait3A_809 : memref<16x128xf32, #tpu.memory_space<vmem>>)
      %get3A = arith.index_cast %add3A_797 : i32 to index
      %get3A_818 = arith.constant 0 : index
      %get3A_819 = tpu.vector_load %arg9[%get3A, %get3A_818] {strides = array<i32>} : memref<625x16xf32, #tpu.memory_space<vmem>>, vector<16xf32>,
      %broadcast_in_dim3A_820 = arith.constant 0 : i32
      %broadcast_in_dim3A_821 = vector.broadcast %broadcast_in_dim3A_820 : i32 to vector<16xi32>
      %lt3A_822 = arith.constant 0 : i32
      %lt3A_823 = vector.broadcast %lt3A_822 : i32 to vector<16xi32>
      %lt3A_824 = arith.cmpi slt, %broadcast_in_dim3A_821, %lt3A_823 : vector<16xi32>
      %add3A_825 = arith.constant 16 : i32
      %add3A_826 = vector.broadcast %add3A_825 : i32 to vector<16xi32>
      %add3A_827 = arith.addi %broadcast_in_dim3A_821, %add3A_826 : vector<16xi32>
      %select_n3A = arith.select %lt3A_824, %add3A_827, %broadcast_in_dim3A_821 : vector<16xi1>, vector<16xi32>
      %reshape3A = vector.shape_cast %select_n3A : vector<16xi32> to vector<16x1xi32>
      %gather3A = vector.shape_cast %reshape3A : vector<16x1xi32> to vector<16xi32>
      %gather3A_828 = tpu.dynamic_gather %get3A_819[%gather3A] in [0] : vector<16xf32>, vector<16xi32> -> vector<16xf32>
      %get3A_829 = arith.constant 0 : i32
      %get3A_830 = arith.index_cast %rem3A_798 : i32 to index
      %get3A_831 = arith.index_cast %get3A_829 : i32 to index
      %get3A_832 = arith.constant 0 : index
      %get3A_833 = tpu.vector_load %arg10[%get3A_830, %get3A_831, %get3A_832] {strides = array<i32>} : memref<2x16x128xf32, #tpu.memory_space<vmem>>, vector<16xf32>,
      %mul3A_834 = arith.mulf %get3A_833, %gather3A_828 : vector<16xf32>
      %swap3A_835 = arith.constant 0 : i32
      %swap3A_836 = arith.index_cast %rem3A_798 : i32 to index
      %swap3A_837 = arith.index_cast %swap3A_835 : i32 to index
      %swap3A_838 = arith.constant 0 : index
      %swap3A_839 = tpu.vector_load %arg10[%swap3A_836, %swap3A_837, %swap3A_838] {strides = array<i32>} : memref<2x16x128xf32, #tpu.memory_space<vmem>>, vector<16xf32>,
      tpu.vector_store %arg10[%swap3A_836, %swap3A_837, %swap3A_838], %mul3A_834 {strides = array<i32>} : memref<2x16x128xf32, #tpu.memory_space<vmem>>, vector<16xf32>,
      %get3A_840 = arith.constant 0 : i32
      %get3A_841 = arith.index_cast %rem3A_798 : i32 to index
      %get3A_842 = arith.index_cast %get3A_840 : i32 to index
      %get3A_843 = arith.constant 16 : index
      %get3A_844 = tpu.vector_load %arg10[%get3A_841, %get3A_842, %get3A_843] {strides = array<i32>} : memref<2x16x128xf32, #tpu.memory_space<vmem>>, vector<16xf32>,
      %mul3A_845 = arith.mulf %get3A_844, %gather3A_828 : vector<16xf32>
      %swap3A_846 = arith.constant 0 : i32
      %swap3A_847 = arith.index_cast %rem3A_798 : i32 to index
      %swap3A_848 = arith.index_cast %swap3A_846 : i32 to index
      %swap3A_849 = arith.constant 16 : index
      %swap3A_850 = tpu.vector_load %arg10[%swap3A_847, %swap3A_848, %swap3A_849] {strides = array<i32>} : memref<2x16x128xf32, #tpu.memory_space<vmem>>, vector<16xf32>,
      tpu.vector_store %arg10[%swap3A_847, %swap3A_848, %swap3A_849], %mul3A_845 {strides = array<i32>} : memref<2x16x128xf32, #tpu.memory_space<vmem>>, vector<16xf32>,
      %get3A_851 = arith.constant 0 : i32
      %get3A_852 = arith.index_cast %rem3A_798 : i32 to index
      %get3A_853 = arith.index_cast %get3A_851 : i32 to index
      %get3A_854 = arith.constant 32 : index
      %get3A_855 = tpu.vector_load %arg10[%get3A_852, %get3A_853, %get3A_854] {strides = array<i32>} : memref<2x16x128xf32, #tpu.memory_space<vmem>>, vector<16xf32>,
      %mul3A_856 = arith.mulf %get3A_855, %gather3A_828 : vector<16xf32>
      %swap3A_857 = arith.constant 0 : i32
      %swap3A_858 = arith.index_cast %rem3A_798 : i32 to index
      %swap3A_859 = arith.index_cast %swap3A_857 : i32 to index
      %swap3A_860 = arith.constant 32 : index
      %swap3A_861 = tpu.vector_load %arg10[%swap3A_858, %swap3A_859, %swap3A_860] {strides = array<i32>} : memref<2x16x128xf32, #tpu.memory_space<vmem>>, vector<16xf32>,
      tpu.vector_store %arg10[%swap3A_858, %swap3A_859, %swap3A_860], %mul3A_856 {strides = array<i32>} : memref<2x16x128xf32, #tpu.memory_space<vmem>>, vector<16xf32>,
      %get3A_862 = arith.constant 0 : i32
      %get3A_863 = arith.index_cast %rem3A_798 : i32 to index
      %get3A_864 = arith.index_cast %get3A_862 : i32 to index
      %get3A_865 = arith.constant 48 : index
      %get3A_866 = tpu.vector_load %arg10[%get3A_863, %get3A_864, %get3A_865] {strides = array<i32>} : memref<2x16x128xf32, #tpu.memory_space<vmem>>, vector<16xf32>,
      %mul3A_867 = arith.mulf %get3A_866, %gather3A_828 : vector<16xf32>
      %swap3A_868 = arith.constant 0 : i32
      %swap3A_869 = arith.index_cast %rem3A_798 : i32 to index
      %swap3A_870 = arith.index_cast %swap3A_868 : i32 to index
      %swap3A_871 = arith.constant 48 : index
      %swap3A_872 = tpu.vector_load %arg10[%swap3A_869, %swap3A_870, %swap3A_871] {strides = array<i32>} : memref<2x16x128xf32, #tpu.memory_space<vmem>>, vector<16xf32>,
      tpu.vector_store %arg10[%swap3A_869, %swap3A_870, %swap3A_871], %mul3A_867 {strides = array<i32>} : memref<2x16x128xf32, #tpu.memory_space<vmem>>, vector<16xf32>,
      %get3A_873 = arith.constant 0 : i32
      %get3A_874 = arith.index_cast %rem3A_798 : i32 to index
      %get3A_875 = arith.index_cast %get3A_873 : i32 to index
      %get3A_876 = arith.constant 64 : index
      %get3A_877 = tpu.vector_load %arg10[%get3A_874, %get3A_875, %get3A_876] {strides = array<i32>} : memref<2x16x128xf32, #tpu.memory_space<vmem>>, vector<16xf32>,
      %mul3A_878 = arith.mulf %get3A_877, %gather3A_828 : vector<16xf32>
      %swap3A_879 = arith.constant 0 : i32
      %swap3A_880 = arith.index_cast %rem3A_798 : i32 to index
      %swap3A_881 = arith.index_cast %swap3A_879 : i32 to index
      %swap3A_882 = arith.constant 64 : index
      %swap3A_883 = tpu.vector_load %arg10[%swap3A_880, %swap3A_881, %swap3A_882] {strides = array<i32>} : memref<2x16x128xf32, #tpu.memory_space<vmem>>, vector<16xf32>,
      tpu.vector_store %arg10[%swap3A_880, %swap3A_881, %swap3A_882], %mul3A_878 {strides = array<i32>} : memref<2x16x128xf32, #tpu.memory_space<vmem>>, vector<16xf32>,
      %get3A_884 = arith.constant 0 : i32
      %get3A_885 = arith.index_cast %rem3A_798 : i32 to index
      %get3A_886 = arith.index_cast %get3A_884 : i32 to index
      %get3A_887 = arith.constant 80 : index
      %get3A_888 = tpu.vector_load %arg10[%get3A_885, %get3A_886, %get3A_887] {strides = array<i32>} : memref<2x16x128xf32, #tpu.memory_space<vmem>>, vector<16xf32>,
      %mul3A_889 = arith.mulf %get3A_888, %gather3A_828 : vector<16xf32>
      %swap3A_890 = arith.constant 0 : i32
      %swap3A_891 = arith.index_cast %rem3A_798 : i32 to index
      %swap3A_892 = arith.index_cast %swap3A_890 : i32 to index
      %swap3A_893 = arith.constant 80 : index
      %swap3A_894 = tpu.vector_load %arg10[%swap3A_891, %swap3A_892, %swap3A_893] {strides = array<i32>} : memref<2x16x128xf32, #tpu.memory_space<vmem>>, vector<16xf32>,
      tpu.vector_store %arg10[%swap3A_891, %swap3A_892, %swap3A_893], %mul3A_889 {strides = array<i32>} : memref<2x16x128xf32, #tpu.memory_space<vmem>>, vector<16xf32>,
      %get3A_895 = arith.constant 0 : i32
      %get3A_896 = arith.index_cast %rem3A_798 : i32 to index
      %get3A_897 = arith.index_cast %get3A_895 : i32 to index
      %get3A_898 = arith.constant 96 : index
      %get3A_899 = tpu.vector_load %arg10[%get3A_896, %get3A_897, %get3A_898] {strides = array<i32>} : memref<2x16x128xf32, #tpu.memory_space<vmem>>, vector<16xf32>,
      %mul3A_900 = arith.mulf %get3A_899, %gather3A_828 : vector<16xf32>
      %swap3A_901 = arith.constant 0 : i32
      %swap3A_902 = arith.index_cast %rem3A_798 : i32 to index
      %swap3A_903 = arith.index_cast %swap3A_901 : i32 to index
      %swap3A_904 = arith.constant 96 : index
      %swap3A_905 = tpu.vector_load %arg10[%swap3A_902, %swap3A_903, %swap3A_904] {strides = array<i32>} : memref<2x16x128xf32, #tpu.memory_space<vmem>>, vector<16xf32>,
      tpu.vector_store %arg10[%swap3A_902, %swap3A_903, %swap3A_904], %mul3A_900 {strides = array<i32>} : memref<2x16x128xf32, #tpu.memory_space<vmem>>, vector<16xf32>,
      %get3A_906 = arith.constant 0 : i32
      %get3A_907 = arith.index_cast %rem3A_798 : i32 to index
      %get3A_908 = arith.index_cast %get3A_906 : i32 to index
      %get3A_909 = arith.constant 112 : index
      %get3A_910 = tpu.vector_load %arg10[%get3A_907, %get3A_908, %get3A_909] {strides = array<i32>} : memref<2x16x128xf32, #tpu.memory_space<vmem>>, vector<16xf32>,
      %mul3A_911 = arith.mulf %get3A_910, %gather3A_828 : vector<16xf32>
      %swap3A_912 = arith.constant 0 : i32
      %swap3A_913 = arith.index_cast %rem3A_798 : i32 to index
      %swap3A_914 = arith.index_cast %swap3A_912 : i32 to index
      %swap3A_915 = arith.constant 112 : index
      %swap3A_916 = tpu.vector_load %arg10[%swap3A_913, %swap3A_914, %swap3A_915] {strides = array<i32>} : memref<2x16x128xf32, #tpu.memory_space<vmem>>, vector<16xf32>,
      tpu.vector_store %arg10[%swap3A_913, %swap3A_914, %swap3A_915], %mul3A_911 {strides = array<i32>} : memref<2x16x128xf32, #tpu.memory_space<vmem>>, vector<16xf32>,
      %broadcast_in_dim3A_917 = arith.constant 1 : i32
      %broadcast_in_dim3A_918 = vector.broadcast %broadcast_in_dim3A_917 : i32 to vector<16xi32>
      %lt3A_919 = arith.constant 0 : i32
      %lt3A_920 = vector.broadcast %lt3A_919 : i32 to vector<16xi32>
      %lt3A_921 = arith.cmpi slt, %broadcast_in_dim3A_918, %lt3A_920 : vector<16xi32>
      %add3A_922 = arith.constant 16 : i32
      %add3A_923 = vector.broadcast %add3A_922 : i32 to vector<16xi32>
      %add3A_924 = arith.addi %broadcast_in_dim3A_918, %add3A_923 : vector<16xi32>
      %select_n3A_925 = arith.select %lt3A_921, %add3A_924, %broadcast_in_dim3A_918 : vector<16xi1>, vector<16xi32>
      %reshape3A_926 = vector.shape_cast %select_n3A_925 : vector<16xi32> to vector<16x1xi32>
      %gather3A_927 = vector.shape_cast %reshape3A_926 : vector<16x1xi32> to vector<16xi32>
      %gather3A_928 = tpu.dynamic_gather %get3A_819[%gather3A_927] in [0] : vector<16xf32>, vector<16xi32> -> vector<16xf32>
      %get3A_929 = arith.constant 1 : i32
      %get3A_930 = arith.index_cast %rem3A_798 : i32 to index
      %get3A_931 = arith.index_cast %get3A_929 : i32 to index
      %get3A_932 = arith.constant 0 : index
      %get3A_933 = tpu.vector_load %arg10[%get3A_930, %get3A_931, %get3A_932] {strides = array<i32>} : memref<2x16x128xf32, #tpu.memory_space<vmem>>, vector<16xf32>,
      %mul3A_934 = arith.mulf %get3A_933, %gather3A_928 : vector<16xf32>
      %swap3A_935 = arith.constant 1 : i32
      %swap3A_936 = arith.index_cast %rem3A_798 : i32 to index
      %swap3A_937 = arith.index_cast %swap3A_935 : i32 to index
      %swap3A_938 = arith.constant 0 : index
      %swap3A_939 = tpu.vector_load %arg10[%swap3A_936, %swap3A_937, %swap3A_938] {strides = array<i32>} : memref<2x16x128xf32, #tpu.memory_space<vmem>>, vector<16xf32>,
      tpu.vector_store %arg10[%swap3A_936, %swap3A_937, %swap3A_938], %mul3A_934 {strides = array<i32>} : memref<2x16x128xf32, #tpu.memory_space<vmem>>, vector<16xf32>,
      %get3A_940 = arith.constant 1 : i32
      %get3A_941 = arith.index_cast %rem3A_798 : i32 to index
      %get3A_942 = arith.index_cast %get3A_940 : i32 to index
      %get3A_943 = arith.constant 16 : index
      %get3A_944 = tpu.vector_load %arg10[%get3A_941, %get3A_942, %get3A_943] {strides = array<i32>} : memref<2x16x128xf32, #tpu.memory_space<vmem>>, vector<16xf32>,
      %mul3A_945 = arith.mulf %get3A_944, %gather3A_928 : vector<16xf32>
      %swap3A_946 = arith.constant 1 : i32
      %swap3A_947 = arith.index_cast %rem3A_798 : i32 to index
      %swap3A_948 = arith.index_cast %swap3A_946 : i32 to index
      %swap3A_949 = arith.constant 16 : index
      %swap3A_950 = tpu.vector_load %arg10[%swap3A_947, %swap3A_948, %swap3A_949] {strides = array<i32>} : memref<2x16x128xf32, #tpu.memory_space<vmem>>, vector<16xf32>,
      tpu.vector_store %arg10[%swap3A_947, %swap3A_948, %swap3A_949], %mul3A_945 {strides = array<i32>} : memref<2x16x128xf32, #tpu.memory_space<vmem>>, vector<16xf32>,
      %get3A_951 = arith.constant 1 : i32
      %get3A_952 = arith.index_cast %rem3A_798 : i32 to index
      %get3A_953 = arith.index_cast %get3A_951 : i32 to index
      %get3A_954 = arith.constant 32 : index
      %get3A_955 = tpu.vector_load %arg10[%get3A_952, %get3A_953, %get3A_954] {strides = array<i32>} : memref<2x16x128xf32, #tpu.memory_space<vmem>>, vector<16xf32>,
      %mul3A_956 = arith.mulf %get3A_955, %gather3A_928 : vector<16xf32>
      %swap3A_957 = arith.constant 1 : i32
      %swap3A_958 = arith.index_cast %rem3A_798 : i32 to index
      %swap3A_959 = arith.index_cast %swap3A_957 : i32 to index
      %swap3A_960 = arith.constant 32 : index
      %swap3A_961 = tpu.vector_load %arg10[%swap3A_958, %swap3A_959, %swap3A_960] {strides = array<i32>} : memref<2x16x128xf32, #tpu.memory_space<vmem>>, vector<16xf32>,
      tpu.vector_store %arg10[%swap3A_958, %swap3A_959, %swap3A_960], %mul3A_956 {strides = array<i32>} : memref<2x16x128xf32, #tpu.memory_space<vmem>>, vector<16xf32>,
      %get3A_962 = arith.constant 1 : i32
      %get3A_963 = arith.index_cast %rem3A_798 : i32 to index
      %get3A_964 = arith.index_cast %get3A_962 : i32 to index
      %get3A_965 = arith.constant 48 : index
      %get3A_966 = tpu.vector_load %arg10[%get3A_963, %get3A_964, %get3A_965] {strides = array<i32>} : memref<2x16x128xf32, #tpu.memory_space<vmem>>, vector<16xf32>,
      %mul3A_967 = arith.mulf %get3A_966, %gather3A_928 : vector<16xf32>
      %swap3A_968 = arith.constant 1 : i32
      %swap3A_969 = arith.index_cast %rem3A_798 : i32 to index
      %swap3A_970 = arith.index_cast %swap3A_968 : i32 to index
      %swap3A_971 = arith.constant 48 : index
      %swap3A_972 = tpu.vector_load %arg10[%swap3A_969, %swap3A_970, %swap3A_971] {strides = array<i32>} : memref<2x16x128xf32, #tpu.memory_space<vmem>>, vector<16xf32>,
      tpu.vector_store %arg10[%swap3A_969, %swap3A_970, %swap3A_971], %mul3A_967 {strides = array<i32>} : memref<2x16x128xf32, #tpu.memory_space<vmem>>, vector<16xf32>,
      %get3A_973 = arith.constant 1 : i32
      %get3A_974 = arith.index_cast %rem3A_798 : i32 to index
      %get3A_975 = arith.index_cast %get3A_973 : i32 to index
      %get3A_976 = arith.constant 64 : index
      %get3A_977 = tpu.vector_load %arg10[%get3A_974, %get3A_975, %get3A_976] {strides = array<i32>} : memref<2x16x128xf32, #tpu.memory_space<vmem>>, vector<16xf32>,
      %mul3A_978 = arith.mulf %get3A_977, %gather3A_928 : vector<16xf32>
      %swap3A_979 = arith.constant 1 : i32
      %swap3A_980 = arith.index_cast %rem3A_798 : i32 to index
      %swap3A_981 = arith.index_cast %swap3A_979 : i32 to index
      %swap3A_982 = arith.constant 64 : index
      %swap3A_983 = tpu.vector_load %arg10[%swap3A_980, %swap3A_981, %swap3A_982] {strides = array<i32>} : memref<2x16x128xf32, #tpu.memory_space<vmem>>, vector<16xf32>,
      tpu.vector_store %arg10[%swap3A_980, %swap3A_981, %swap3A_982], %mul3A_978 {strides = array<i32>} : memref<2x16x128xf32, #tpu.memory_space<vmem>>, vector<16xf32>,
      %get3A_984 = arith.constant 1 : i32
      %get3A_985 = arith.index_cast %rem3A_798 : i32 to index
      %get3A_986 = arith.index_cast %get3A_984 : i32 to index
      %get3A_987 = arith.constant 80 : index
      %get3A_988 = tpu.vector_load %arg10[%get3A_985, %get3A_986, %get3A_987] {strides = array<i32>} : memref<2x16x128xf32, #tpu.memory_space<vmem>>, vector<16xf32>,
      %mul3A_989 = arith.mulf %get3A_988, %gather3A_928 : vector<16xf32>
      %swap3A_990 = arith.constant 1 : i32
      %swap3A_991 = arith.index_cast %rem3A_798 : i32 to index
      %swap3A_992 = arith.index_cast %swap3A_990 : i32 to index
      %swap3A_993 = arith.constant 80 : index
      %swap3A_994 = tpu.vector_load %arg10[%swap3A_991, %swap3A_992, %swap3A_993] {strides = array<i32>} : memref<2x16x128xf32, #tpu.memory_space<vmem>>, vector<16xf32>,
      tpu.vector_store %arg10[%swap3A_991, %swap3A_992, %swap3A_993], %mul3A_989 {strides = array<i32>} : memref<2x16x128xf32, #tpu.memory_space<vmem>>, vector<16xf32>,
      %get3A_995 = arith.constant 1 : i32
      %get3A_996 = arith.index_cast %rem3A_798 : i32 to index
      %get3A_997 = arith.index_cast %get3A_995 : i32 to index
      %get3A_998 = arith.constant 96 : index
      %get3A_999 = tpu.vector_load %arg10[%get3A_996, %get3A_997, %get3A_998] {strides = array<i32>} : memref<2x16x128xf32, #tpu.memory_space<vmem>>, vector<16xf32>,
      %mul3A_1000 = arith.mulf %get3A_999, %gather3A_928 : vector<16xf32>
      %swap3A_1001 = arith.constant 1 : i32
      %swap3A_1002 = arith.index_cast %rem3A_798 : i32 to index
      %swap3A_1003 = arith.index_cast %swap3A_1001 : i32 to index
      %swap3A_1004 = arith.constant 96 : index
      %swap3A_1005 = tpu.vector_load %arg10[%swap3A_1002, %swap3A_1003, %swap3A_1004] {strides = array<i32>} : memref<2x16x128xf32, #tpu.memory_space<vmem>>, vector<16xf32>,
      tpu.vector_store %arg10[%swap3A_1002, %swap3A_1003, %swap3A_1004], %mul3A_1000 {strides = array<i32>} : memref<2x16x128xf32, #tpu.memory_space<vmem>>, vector<16xf32>,
      %get3A_1006 = arith.constant 1 : i32
      %get3A_1007 = arith.index_cast %rem3A_798 : i32 to index
      %get3A_1008 = arith.index_cast %get3A_1006 : i32 to index
      %get3A_1009 = arith.constant 112 : index
      %get3A_1010 = tpu.vector_load %arg10[%get3A_1007, %get3A_1008, %get3A_1009] {strides = array<i32>} : memref<2x16x128xf32, #tpu.memory_space<vmem>>, vector<16xf32>,
      %mul3A_1011 = arith.mulf %get3A_1010, %gather3A_928 : vector<16xf32>
      %swap3A_1012 = arith.constant 1 : i32
      %swap3A_1013 = arith.index_cast %rem3A_798 : i32 to index
      %swap3A_1014 = arith.index_cast %swap3A_1012 : i32 to index
      %swap3A_1015 = arith.constant 112 : index
      %swap3A_1016 = tpu.vector_load %arg10[%swap3A_1013, %swap3A_1014, %swap3A_1015] {strides = array<i32>} : memref<2x16x128xf32, #tpu.memory_space<vmem>>, vector<16xf32>,
      tpu.vector_store %arg10[%swap3A_1013, %swap3A_1014, %swap3A_1015], %mul3A_1011 {strides = array<i32>} : memref<2x16x128xf32, #tpu.memory_space<vmem>>, vector<16xf32>,
      %broadcast_in_dim3A_1017 = arith.constant 2 : i32
      %broadcast_in_dim3A_1018 = vector.broadcast %broadcast_in_dim3A_1017 : i32 to vector<16xi32>
      %lt3A_1019 = arith.constant 0 : i32
      %lt3A_1020 = vector.broadcast %lt3A_1019 : i32 to vector<16xi32>
      %lt3A_1021 = arith.cmpi slt, %broadcast_in_dim3A_1018, %lt3A_1020 : vector<16xi32>
      %add3A_1022 = arith.constant 16 : i32
      %add3A_1023 = vector.broadcast %add3A_1022 : i32 to vector<16xi32>
      %add3A_1024 = arith.addi %broadcast_in_dim3A_1018, %add3A_1023 : vector<16xi32>
      %select_n3A_1025 = arith.select %lt3A_1021, %add3A_1024, %broadcast_in_dim3A_1018 : vector<16xi1>, vector<16xi32>
      %reshape3A_1026 = vector.shape_cast %select_n3A_1025 : vector<16xi32> to vector<16x1xi32>
      %gather3A_1027 = vector.shape_cast %reshape3A_1026 : vector<16x1xi32> to vector<16xi32>
      %gather3A_1028 = tpu.dynamic_gather %get3A_819[%gather3A_1027] in [0] : vector<16xf32>, vector<16xi32> -> vector<16xf32>
      %get3A_1029 = arith.constant 2 : i32
      %get3A_1030 = arith.index_cast %rem3A_798 : i32 to index
      %get3A_1031 = arith.index_cast %get3A_1029 : i32 to index
      %get3A_1032 = arith.constant 0 : index
      %get3A_1033 = tpu.vector_load %arg10[%get3A_1030, %get3A_1031, %get3A_1032] {strides = array<i32>} : memref<2x16x128xf32, #tpu.memory_space<vmem>>, vector<16xf32>,
      %mul3A_1034 = arith.mulf %get3A_1033, %gather3A_1028 : vector<16xf32>
      %swap3A_1035 = arith.constant 2 : i32
      %swap3A_1036 = arith.index_cast %rem3A_798 : i32 to index
      %swap3A_1037 = arith.index_cast %swap3A_1035 : i32 to index
      %swap3A_1038 = arith.constant 0 : index
      %swap3A_1039 = tpu.vector_load %arg10[%swap3A_1036, %swap3A_1037, %swap3A_1038] {strides = array<i32>} : memref<2x16x128xf32, #tpu.memory_space<vmem>>, vector<16xf32>,
      tpu.vector_store %arg10[%swap3A_1036, %swap3A_1037, %swap3A_1038], %mul3A_1034 {strides = array<i32>} : memref<2x16x128xf32, #tpu.memory_space<vmem>>, vector<16xf32>,
      %get3A_1040 = arith.constant 2 : i32
      %get3A_1041 = arith.index_cast %rem3A_798 : i32 to index
      %get3A_1042 = arith.index_cast %get3A_1040 : i32 to index
      %get3A_1043 = arith.constant 16 : index
      %get3A_1044 = tpu.vector_load %arg10[%get3A_1041, %get3A_1042, %get3A_1043] {strides = array<i32>} : memref<2x16x128xf32, #tpu.memory_space<vmem>>, vector<16xf32>,
      %mul3A_1045 = arith.mulf %get3A_1044, %gather3A_1028 : vector<16xf32>
      %swap3A_1046 = arith.constant 2 : i32
      %swap3A_1047 = arith.index_cast %rem3A_798 : i32 to index
      %swap3A_1048 = arith.index_cast %swap3A_1046 : i32 to index
      %swap3A_1049 = arith.constant 16 : index
      %swap3A_1050 = tpu.vector_load %arg10[%swap3A_1047, %swap3A_1048, %swap3A_1049] {strides = array<i32>} : memref<2x16x128xf32, #tpu.memory_space<vmem>>, vector<16xf32>,
      tpu.vector_store %arg10[%swap3A_1047, %swap3A_1048, %swap3A_1049], %mul3A_1045 {strides = array<i32>} : memref<2x16x128xf32, #tpu.memory_space<vmem>>, vector<16xf32>,
      %get3A_1051 = arith.constant 2 : i32
      %get3A_1052 = arith.index_cast %rem3A_798 : i32 to index
      %get3A_1053 = arith.index_cast %get3A_1051 : i32 to index
      %get3A_1054 = arith.constant 32 : index
      %get3A_1055 = tpu.vector_load %arg10[%get3A_1052, %get3A_1053, %get3A_1054] {strides = array<i32>} : memref<2x16x128xf32, #tpu.memory_space<vmem>>, vector<16xf32>,
      %mul3A_1056 = arith.mulf %get3A_1055, %gather3A_1028 : vector<16xf32>
      %swap3A_1057 = arith.constant 2 : i32
      %swap3A_1058 = arith.index_cast %rem3A_798 : i32 to index
      %swap3A_1059 = arith.index_cast %swap3A_1057 : i32 to index
      %swap3A_1060 = arith.constant 32 : index
      %swap3A_1061 = tpu.vector_load %arg10[%swap3A_1058, %swap3A_1059, %swap3A_1060] {strides = array<i32>} : memref<2x16x128xf32, #tpu.memory_space<vmem>>, vector<16xf32>,
      tpu.vector_store %arg10[%swap3A_1058, %swap3A_1059, %swap3A_1060], %mul3A_1056 {strides = array<i32>} : memref<2x16x128xf32, #tpu.memory_space<vmem>>, vector<16xf32>,
      %get3A_1062 = arith.constant 2 : i32
      %get3A_1063 = arith.index_cast %rem3A_798 : i32 to index
      %get3A_1064 = arith.index_cast %get3A_1062 : i32 to index
      %get3A_1065 = arith.constant 48 : index
      %get3A_1066 = tpu.vector_load %arg10[%get3A_1063, %get3A_1064, %get3A_1065] {strides = array<i32>} : memref<2x16x128xf32, #tpu.memory_space<vmem>>, vector<16xf32>,
      %mul3A_1067 = arith.mulf %get3A_1066, %gather3A_1028 : vector<16xf32>
      %swap3A_1068 = arith.constant 2 : i32
      %swap3A_1069 = arith.index_cast %rem3A_798 : i32 to index
      %swap3A_1070 = arith.index_cast %swap3A_1068 : i32 to index
      %swap3A_1071 = arith.constant 48 : index
      %swap3A_1072 = tpu.vector_load %arg10[%swap3A_1069, %swap3A_1070, %swap3A_1071] {strides = array<i32>} : memref<2x16x128xf32, #tpu.memory_space<vmem>>, vector<16xf32>,
      tpu.vector_store %arg10[%swap3A_1069, %swap3A_1070, %swap3A_1071], %mul3A_1067 {strides = array<i32>} : memref<2x16x128xf32, #tpu.memory_space<vmem>>, vector<16xf32>,
      %get3A_1073 = arith.constant 2 : i32
      %get3A_1074 = arith.index_cast %rem3A_798 : i32 to index
      %get3A_1075 = arith.index_cast %get3A_1073 : i32 to index
      %get3A_1076 = arith.constant 64 : index
      %get3A_1077 = tpu.vector_load %arg10[%get3A_1074, %get3A_1075, %get3A_1076] {strides = array<i32>} : memref<2x16x128xf32, #tpu.memory_space<vmem>>, vector<16xf32>,
      %mul3A_1078 = arith.mulf %get3A_1077, %gather3A_1028 : vector<16xf32>
      %swap3A_1079 = arith.constant 2 : i32
      %swap3A_1080 = arith.index_cast %rem3A_798 : i32 to index
      %swap3A_1081 = arith.index_cast %swap3A_1079 : i32 to index
      %swap3A_1082 = arith.constant 64 : index
      %swap3A_1083 = tpu.vector_load %arg10[%swap3A_1080, %swap3A_1081, %swap3A_1082] {strides = array<i32>} : memref<2x16x128xf32, #tpu.memory_space<vmem>>, vector<16xf32>,
      tpu.vector_store %arg10[%swap3A_1080, %swap3A_1081, %swap3A_1082], %mul3A_1078 {strides = array<i32>} : memref<2x16x128xf32, #tpu.memory_space<vmem>>, vector<16xf32>,
      %get3A_1084 = arith.constant 2 : i32
      %get3A_1085 = arith.index_cast %rem3A_798 : i32 to index
      %get3A_1086 = arith.index_cast %get3A_1084 : i32 to index
      %get3A_1087 = arith.constant 80 : index
      %get3A_1088 = tpu.vector_load %arg10[%get3A_1085, %get3A_1086, %get3A_1087] {strides = array<i32>} : memref<2x16x128xf32, #tpu.memory_space<vmem>>, vector<16xf32>,
      %mul3A_1089 = arith.mulf %get3A_1088, %gather3A_1028 : vector<16xf32>
      %swap3A_1090 = arith.constant 2 : i32
      %swap3A_1091 = arith.index_cast %rem3A_798 : i32 to index
      %swap3A_1092 = arith.index_cast %swap3A_1090 : i32 to index
      %swap3A_1093 = arith.constant 80 : index
      %swap3A_1094 = tpu.vector_load %arg10[%swap3A_1091, %swap3A_1092, %swap3A_1093] {strides = array<i32>} : memref<2x16x128xf32, #tpu.memory_space<vmem>>, vector<16xf32>,
      tpu.vector_store %arg10[%swap3A_1091, %swap3A_1092, %swap3A_1093], %mul3A_1089 {strides = array<i32>} : memref<2x16x128xf32, #tpu.memory_space<vmem>>, vector<16xf32>,
      %get3A_1095 = arith.constant 2 : i32
      %get3A_1096 = arith.index_cast %rem3A_798 : i32 to index
      %get3A_1097 = arith.index_cast %get3A_1095 : i32 to index
      %get3A_1098 = arith.constant 96 : index
      %get3A_1099 = tpu.vector_load %arg10[%get3A_1096, %get3A_1097, %get3A_1098] {strides = array<i32>} : memref<2x16x128xf32, #tpu.memory_space<vmem>>, vector<16xf32>,
      %mul3A_1100 = arith.mulf %get3A_1099, %gather3A_1028 : vector<16xf32>
      %swap3A_1101 = arith.constant 2 : i32
      %swap3A_1102 = arith.index_cast %rem3A_798 : i32 to index
      %swap3A_1103 = arith.index_cast %swap3A_1101 : i32 to index
      %swap3A_1104 = arith.constant 96 : index
      %swap3A_1105 = tpu.vector_load %arg10[%swap3A_1102, %swap3A_1103, %swap3A_1104] {strides = array<i32>} : memref<2x16x128xf32, #tpu.memory_space<vmem>>, vector<16xf32>,
      tpu.vector_store %arg10[%swap3A_1102, %swap3A_1103, %swap3A_1104], %mul3A_1100 {strides = array<i32>} : memref<2x16x128xf32, #tpu.memory_space<vmem>>, vector<16xf32>,
      %get3A_1106 = arith.constant 2 : i32
      %get3A_1107 = arith.index_cast %rem3A_798 : i32 to index
      %get3A_1108 = arith.index_cast %get3A_1106 : i32 to index
      %get3A_1109 = arith.constant 112 : index
      %get3A_1110 = tpu.vector_load %arg10[%get3A_1107, %get3A_1108, %get3A_1109] {strides = array<i32>} : memref<2x16x128xf32, #tpu.memory_space<vmem>>, vector<16xf32>,
      %mul3A_1111 = arith.mulf %get3A_1110, %gather3A_1028 : vector<16xf32>
      %swap3A_1112 = arith.constant 2 : i32
      %swap3A_1113 = arith.index_cast %rem3A_798 : i32 to index
      %swap3A_1114 = arith.index_cast %swap3A_1112 : i32 to index
      %swap3A_1115 = arith.constant 112 : index
      %swap3A_1116 = tpu.vector_load %arg10[%swap3A_1113, %swap3A_1114, %swap3A_1115] {strides = array<i32>} : memref<2x16x128xf32, #tpu.memory_space<vmem>>, vector<16xf32>,
      tpu.vector_store %arg10[%swap3A_1113, %swap3A_1114, %swap3A_1115], %mul3A_1111 {strides = array<i32>} : memref<2x16x128xf32, #tpu.memory_space<vmem>>, vector<16xf32>,
      %broadcast_in_dim3A_1117 = arith.constant 3 : i32
      %broadcast_in_dim3A_1118 = vector.broadcast %broadcast_in_dim3A_1117 : i32 to vector<16xi32>
      %lt3A_1119 = arith.constant 0 : i32
      %lt3A_1120 = vector.broadcast %lt3A_1119 : i32 to vector<16xi32>
      %lt3A_1121 = arith.cmpi slt, %broadcast_in_dim3A_1118, %lt3A_1120 : vector<16xi32>
      %add3A_1122 = arith.constant 16 : i32
      %add3A_1123 = vector.broadcast %add3A_1122 : i32 to vector<16xi32>
      %add3A_1124 = arith.addi %broadcast_in_dim3A_1118, %add3A_1123 : vector<16xi32>
      %select_n3A_1125 = arith.select %lt3A_1121, %add3A_1124, %broadcast_in_dim3A_1118 : vector<16xi1>, vector<16xi32>
      %reshape3A_1126 = vector.shape_cast %select_n3A_1125 : vector<16xi32> to vector<16x1xi32>
      %gather3A_1127 = vector.shape_cast %reshape3A_1126 : vector<16x1xi32> to vector<16xi32>
      %gather3A_1128 = tpu.dynamic_gather %get3A_819[%gather3A_1127] in [0] : vector<16xf32>, vector<16xi32> -> vector<16xf32>
      %get3A_1129 = arith.constant 3 : i32
      %get3A_1130 = arith.index_cast %rem3A_798 : i32 to index
      %get3A_1131 = arith.index_cast %get3A_1129 : i32 to index
      %get3A_1132 = arith.constant 0 : index
      %get3A_1133 = tpu.vector_load %arg10[%get3A_1130, %get3A_1131, %get3A_1132] {strides = array<i32>} : memref<2x16x128xf32, #tpu.memory_space<vmem>>, vector<16xf32>,
      %mul3A_1134 = arith.mulf %get3A_1133, %gather3A_1128 : vector<16xf32>
      %swap3A_1135 = arith.constant 3 : i32
      %swap3A_1136 = arith.index_cast %rem3A_798 : i32 to index
      %swap3A_1137 = arith.index_cast %swap3A_1135 : i32 to index
      %swap3A_1138 = arith.constant 0 : index
      %swap3A_1139 = tpu.vector_load %arg10[%swap3A_1136, %swap3A_1137, %swap3A_1138] {strides = array<i32>} : memref<2x16x128xf32, #tpu.memory_space<vmem>>, vector<16xf32>,
      tpu.vector_store %arg10[%swap3A_1136, %swap3A_1137, %swap3A_1138], %mul3A_1134 {strides = array<i32>} : memref<2x16x128xf32, #tpu.memory_space<vmem>>, vector<16xf32>,
      %get3A_1140 = arith.constant 3 : i32
      %get3A_1141 = arith.index_cast %rem3A_798 : i32 to index
      %get3A_1142 = arith.index_cast %get3A_1140 : i32 to index
      %get3A_1143 = arith.constant 16 : index
      %get3A_1144 = tpu.vector_load %arg10[%get3A_1141, %get3A_1142, %get3A_1143] {strides = array<i32>} : memref<2x16x128xf32, #tpu.memory_space<vmem>>, vector<16xf32>,
      %mul3A_1145 = arith.mulf %get3A_1144, %gather3A_1128 : vector<16xf32>
      %swap3A_1146 = arith.constant 3 : i32
      %swap3A_1147 = arith.index_cast %rem3A_798 : i32 to index
      %swap3A_1148 = arith.index_cast %swap3A_1146 : i32 to index
      %swap3A_1149 = arith.constant 16 : index
      %swap3A_1150 = tpu.vector_load %arg10[%swap3A_1147, %swap3A_1148, %swap3A_1149] {strides = array<i32>} : memref<2x16x128xf32, #tpu.memory_space<vmem>>, vector<16xf32>,
      tpu.vector_store %arg10[%swap3A_1147, %swap3A_1148, %swap3A_1149], %mul3A_1145 {strides = array<i32>} : memref<2x16x128xf32, #tpu.memory_space<vmem>>, vector<16xf32>,
      %get3A_1151 = arith.constant 3 : i32
      %get3A_1152 = arith.index_cast %rem3A_798 : i32 to index
      %get3A_1153 = arith.index_cast %get3A_1151 : i32 to index
      %get3A_1154 = arith.constant 32 : index
      %get3A_1155 = tpu.vector_load %arg10[%get3A_1152, %get3A_1153, %get3A_1154] {strides = array<i32>} : memref<2x16x128xf32, #tpu.memory_space<vmem>>, vector<16xf32>,
      %mul3A_1156 = arith.mulf %get3A_1155, %gather3A_1128 : vector<16xf32>
      %swap3A_1157 = arith.constant 3 : i32
      %swap3A_1158 = arith.index_cast %rem3A_798 : i32 to index
      %swap3A_1159 = arith.index_cast %swap3A_1157 : i32 to index
      %swap3A_1160 = arith.constant 32 : index
      %swap3A_1161 = tpu.vector_load %arg10[%swap3A_1158, %swap3A_1159, %swap3A_1160] {strides = array<i32>} : memref<2x16x128xf32, #tpu.memory_space<vmem>>, vector<16xf32>,
      tpu.vector_store %arg10[%swap3A_1158, %swap3A_1159, %swap3A_1160], %mul3A_1156 {strides = array<i32>} : memref<2x16x128xf32, #tpu.memory_space<vmem>>, vector<16xf32>,
      %get3A_1162 = arith.constant 3 : i32
      %get3A_1163 = arith.index_cast %rem3A_798 : i32 to index
      %get3A_1164 = arith.index_cast %get3A_1162 : i32 to index
      %get3A_1165 = arith.constant 48 : index
      %get3A_1166 = tpu.vector_load %arg10[%get3A_1163, %get3A_1164, %get3A_1165] {strides = array<i32>} : memref<2x16x128xf32, #tpu.memory_space<vmem>>, vector<16xf32>,
      %mul3A_1167 = arith.mulf %get3A_1166, %gather3A_1128 : vector<16xf32>
      %swap3A_1168 = arith.constant 3 : i32
      %swap3A_1169 = arith.index_cast %rem3A_798 : i32 to index
      %swap3A_1170 = arith.index_cast %swap3A_1168 : i32 to index
      %swap3A_1171 = arith.constant 48 : index
      %swap3A_1172 = tpu.vector_load %arg10[%swap3A_1169, %swap3A_1170, %swap3A_1171] {strides = array<i32>} : memref<2x16x128xf32, #tpu.memory_space<vmem>>, vector<16xf32>,
      tpu.vector_store %arg10[%swap3A_1169, %swap3A_1170, %swap3A_1171], %mul3A_1167 {strides = array<i32>} : memref<2x16x128xf32, #tpu.memory_space<vmem>>, vector<16xf32>,
      %get3A_1173 = arith.constant 3 : i32
      %get3A_1174 = arith.index_cast %rem3A_798 : i32 to index
      %get3A_1175 = arith.index_cast %get3A_1173 : i32 to index
      %get3A_1176 = arith.constant 64 : index
      %get3A_1177 = tpu.vector_load %arg10[%get3A_1174, %get3A_1175, %get3A_1176] {strides = array<i32>} : memref<2x16x128xf32, #tpu.memory_space<vmem>>, vector<16xf32>,
      %mul3A_1178 = arith.mulf %get3A_1177, %gather3A_1128 : vector<16xf32>
      %swap3A_1179 = arith.constant 3 : i32
      %swap3A_1180 = arith.index_cast %rem3A_798 : i32 to index
      %swap3A_1181 = arith.index_cast %swap3A_1179 : i32 to index
      %swap3A_1182 = arith.constant 64 : index
      %swap3A_1183 = tpu.vector_load %arg10[%swap3A_1180, %swap3A_1181, %swap3A_1182] {strides = array<i32>} : memref<2x16x128xf32, #tpu.memory_space<vmem>>, vector<16xf32>,
      tpu.vector_store %arg10[%swap3A_1180, %swap3A_1181, %swap3A_1182], %mul3A_1178 {strides = array<i32>} : memref<2x16x128xf32, #tpu.memory_space<vmem>>, vector<16xf32>,
      %get3A_1184 = arith.constant 3 : i32
      %get3A_1185 = arith.index_cast %rem3A_798 : i32 to index
      %get3A_1186 = arith.index_cast %get3A_1184 : i32 to index
      %get3A_1187 = arith.constant 80 : index
      %get3A_1188 = tpu.vector_load %arg10[%get3A_1185, %get3A_1186, %get3A_1187] {strides = array<i32>} : memref<2x16x128xf32, #tpu.memory_space<vmem>>, vector<16xf32>,
      %mul3A_1189 = arith.mulf %get3A_1188, %gather3A_1128 : vector<16xf32>
      %swap3A_1190 = arith.constant 3 : i32
      %swap3A_1191 = arith.index_cast %rem3A_798 : i32 to index
      %swap3A_1192 = arith.index_cast %swap3A_1190 : i32 to index
      %swap3A_1193 = arith.constant 80 : index
      %swap3A_1194 = tpu.vector_load %arg10[%swap3A_1191, %swap3A_1192, %swap3A_1193] {strides = array<i32>} : memref<2x16x128xf32, #tpu.memory_space<vmem>>, vector<16xf32>,
      tpu.vector_store %arg10[%swap3A_1191, %swap3A_1192, %swap3A_1193], %mul3A_1189 {strides = array<i32>} : memref<2x16x128xf32, #tpu.memory_space<vmem>>, vector<16xf32>,
      %get3A_1195 = arith.constant 3 : i32
      %get3A_1196 = arith.index_cast %rem3A_798 : i32 to index
      %get3A_1197 = arith.index_cast %get3A_1195 : i32 to index
      %get3A_1198 = arith.constant 96 : index
      %get3A_1199 = tpu.vector_load %arg10[%get3A_1196, %get3A_1197, %get3A_1198] {strides = array<i32>} : memref<2x16x128xf32, #tpu.memory_space<vmem>>, vector<16xf32>,
      %mul3A_1200 = arith.mulf %get3A_1199, %gather3A_1128 : vector<16xf32>
      %swap3A_1201 = arith.constant 3 : i32
      %swap3A_1202 = arith.index_cast %rem3A_798 : i32 to index
      %swap3A_1203 = arith.index_cast %swap3A_1201 : i32 to index
      %swap3A_1204 = arith.constant 96 : index
      %swap3A_1205 = tpu.vector_load %arg10[%swap3A_1202, %swap3A_1203, %swap3A_1204] {strides = array<i32>} : memref<2x16x128xf32, #tpu.memory_space<vmem>>, vector<16xf32>,
      tpu.vector_store %arg10[%swap3A_1202, %swap3A_1203, %swap3A_1204], %mul3A_1200 {strides = array<i32>} : memref<2x16x128xf32, #tpu.memory_space<vmem>>, vector<16xf32>,
      %get3A_1206 = arith.constant 3 : i32
      %get3A_1207 = arith.index_cast %rem3A_798 : i32 to index
      %get3A_1208 = arith.index_cast %get3A_1206 : i32 to index
      %get3A_1209 = arith.constant 112 : index
      %get3A_1210 = tpu.vector_load %arg10[%get3A_1207, %get3A_1208, %get3A_1209] {strides = array<i32>} : memref<2x16x128xf32, #tpu.memory_space<vmem>>, vector<16xf32>,
      %mul3A_1211 = arith.mulf %get3A_1210, %gather3A_1128 : vector<16xf32>
      %swap3A_1212 = arith.constant 3 : i32
      %swap3A_1213 = arith.index_cast %rem3A_798 : i32 to index
      %swap3A_1214 = arith.index_cast %swap3A_1212 : i32 to index
      %swap3A_1215 = arith.constant 112 : index
      %swap3A_1216 = tpu.vector_load %arg10[%swap3A_1213, %swap3A_1214, %swap3A_1215] {strides = array<i32>} : memref<2x16x128xf32, #tpu.memory_space<vmem>>, vector<16xf32>,
      tpu.vector_store %arg10[%swap3A_1213, %swap3A_1214, %swap3A_1215], %mul3A_1211 {strides = array<i32>} : memref<2x16x128xf32, #tpu.memory_space<vmem>>, vector<16xf32>,
      %broadcast_in_dim3A_1217 = arith.constant 4 : i32
      %broadcast_in_dim3A_1218 = vector.broadcast %broadcast_in_dim3A_1217 : i32 to vector<16xi32>
      %lt3A_1219 = arith.constant 0 : i32
      %lt3A_1220 = vector.broadcast %lt3A_1219 : i32 to vector<16xi32>
      %lt3A_1221 = arith.cmpi slt, %broadcast_in_dim3A_1218, %lt3A_1220 : vector<16xi32>
      %add3A_1222 = arith.constant 16 : i32
      %add3A_1223 = vector.broadcast %add3A_1222 : i32 to vector<16xi32>
      %add3A_1224 = arith.addi %broadcast_in_dim3A_1218, %add3A_1223 : vector<16xi32>
      %select_n3A_1225 = arith.select %lt3A_1221, %add3A_1224, %broadcast_in_dim3A_1218 : vector<16xi1>, vector<16xi32>
      %reshape3A_1226 = vector.shape_cast %select_n3A_1225 : vector<16xi32> to vector<16x1xi32>
      %gather3A_1227 = vector.shape_cast %reshape3A_1226 : vector<16x1xi32> to vector<16xi32>
      %gather3A_1228 = tpu.dynamic_gather %get3A_819[%gather3A_1227] in [0] : vector<16xf32>, vector<16xi32> -> vector<16xf32>
      %get3A_1229 = arith.constant 4 : i32
      %get3A_1230 = arith.index_cast %rem3A_798 : i32 to index
      %get3A_1231 = arith.index_cast %get3A_1229 : i32 to index
      %get3A_1232 = arith.constant 0 : index
      %get3A_1233 = tpu.vector_load %arg10[%get3A_1230, %get3A_1231, %get3A_1232] {strides = array<i32>} : memref<2x16x128xf32, #tpu.memory_space<vmem>>, vector<16xf32>,
      %mul3A_1234 = arith.mulf %get3A_1233, %gather3A_1228 : vector<16xf32>
      %swap3A_1235 = arith.constant 4 : i32
      %swap3A_1236 = arith.index_cast %rem3A_798 : i32 to index
      %swap3A_1237 = arith.index_cast %swap3A_1235 : i32 to index
      %swap3A_1238 = arith.constant 0 : index
      %swap3A_1239 = tpu.vector_load %arg10[%swap3A_1236, %swap3A_1237, %swap3A_1238] {strides = array<i32>} : memref<2x16x128xf32, #tpu.memory_space<vmem>>, vector<16xf32>,
      tpu.vector_store %arg10[%swap3A_1236, %swap3A_1237, %swap3A_1238], %mul3A_1234 {strides = array<i32>} : memref<2x16x128xf32, #tpu.memory_space<vmem>>, vector<16xf32>,
      %get3A_1240 = arith.constant 4 : i32
      %get3A_1241 = arith.index_cast %rem3A_798 : i32 to index
      %get3A_1242 = arith.index_cast %get3A_1240 : i32 to index
      %get3A_1243 = arith.constant 16 : index
      %get3A_1244 = tpu.vector_load %arg10[%get3A_1241, %get3A_1242, %get3A_1243] {strides = array<i32>} : memref<2x16x128xf32, #tpu.memory_space<vmem>>, vector<16xf32>,
      %mul3A_1245 = arith.mulf %get3A_1244, %gather3A_1228 : vector<16xf32>
      %swap3A_1246 = arith.constant 4 : i32
      %swap3A_1247 = arith.index_cast %rem3A_798 : i32 to index
      %swap3A_1248 = arith.index_cast %swap3A_1246 : i32 to index
      %swap3A_1249 = arith.constant 16 : index
      %swap3A_1250 = tpu.vector_load %arg10[%swap3A_1247, %swap3A_1248, %swap3A_1249] {strides = array<i32>} : memref<2x16x128xf32, #tpu.memory_space<vmem>>, vector<16xf32>,
      tpu.vector_store %arg10[%swap3A_1247, %swap3A_1248, %swap3A_1249], %mul3A_1245 {strides = array<i32>} : memref<2x16x128xf32, #tpu.memory_space<vmem>>, vector<16xf32>,
      %get3A_1251 = arith.constant 4 : i32
      %get3A_1252 = arith.index_cast %rem3A_798 : i32 to index
      %get3A_1253 = arith.index_cast %get3A_1251 : i32 to index
      %get3A_1254 = arith.constant 32 : index
      %get3A_1255 = tpu.vector_load %arg10[%get3A_1252, %get3A_1253, %get3A_1254] {strides = array<i32>} : memref<2x16x128xf32, #tpu.memory_space<vmem>>, vector<16xf32>,
      %mul3A_1256 = arith.mulf %get3A_1255, %gather3A_1228 : vector<16xf32>
      %swap3A_1257 = arith.constant 4 : i32
      %swap3A_1258 = arith.index_cast %rem3A_798 : i32 to index
      %swap3A_1259 = arith.index_cast %swap3A_1257 : i32 to index
      %swap3A_1260 = arith.constant 32 : index
      %swap3A_1261 = tpu.vector_load %arg10[%swap3A_1258, %swap3A_1259, %swap3A_1260] {strides = array<i32>} : memref<2x16x128xf32, #tpu.memory_space<vmem>>, vector<16xf32>,
      tpu.vector_store %arg10[%swap3A_1258, %swap3A_1259, %swap3A_1260], %mul3A_1256 {strides = array<i32>} : memref<2x16x128xf32, #tpu.memory_space<vmem>>, vector<16xf32>,
      %get3A_1262 = arith.constant 4 : i32
      %get3A_1263 = arith.index_cast %rem3A_798 : i32 to index
      %get3A_1264 = arith.index_cast %get3A_1262 : i32 to index
      %get3A_1265 = arith.constant 48 : index
      %get3A_1266 = tpu.vector_load %arg10[%get3A_1263, %get3A_1264, %get3A_1265] {strides = array<i32>} : memref<2x16x128xf32, #tpu.memory_space<vmem>>, vector<16xf32>,
      %mul3A_1267 = arith.mulf %get3A_1266, %gather3A_1228 : vector<16xf32>
      %swap3A_1268 = arith.constant 4 : i32
      %swap3A_1269 = arith.index_cast %rem3A_798 : i32 to index
      %swap3A_1270 = arith.index_cast %swap3A_1268 : i32 to index
      %swap3A_1271 = arith.constant 48 : index
      %swap3A_1272 = tpu.vector_load %arg10[%swap3A_1269, %swap3A_1270, %swap3A_1271] {strides = array<i32>} : memref<2x16x128xf32, #tpu.memory_space<vmem>>, vector<16xf32>,
      tpu.vector_store %arg10[%swap3A_1269, %swap3A_1270, %swap3A_1271], %mul3A_1267 {strides = array<i32>} : memref<2x16x128xf32, #tpu.memory_space<vmem>>, vector<16xf32>,
      %get3A_1273 = arith.constant 4 : i32
      %get3A_1274 = arith.index_cast %rem3A_798 : i32 to index
      %get3A_1275 = arith.index_cast %get3A_1273 : i32 to index
      %get3A_1276 = arith.constant 64 : index
      %get3A_1277 = tpu.vector_load %arg10[%get3A_1274, %get3A_1275, %get3A_1276] {strides = array<i32>} : memref<2x16x128xf32, #tpu.memory_space<vmem>>, vector<16xf32>,
      %mul3A_1278 = arith.mulf %get3A_1277, %gather3A_1228 : vector<16xf32>
      %swap3A_1279 = arith.constant 4 : i32
      %swap3A_1280 = arith.index_cast %rem3A_798 : i32 to index
      %swap3A_1281 = arith.index_cast %swap3A_1279 : i32 to index
      %swap3A_1282 = arith.constant 64 : index
      %swap3A_1283 = tpu.vector_load %arg10[%swap3A_1280, %swap3A_1281, %swap3A_1282] {strides = array<i32>} : memref<2x16x128xf32, #tpu.memory_space<vmem>>, vector<16xf32>,
      tpu.vector_store %arg10[%swap3A_1280, %swap3A_1281, %swap3A_1282], %mul3A_1278 {strides = array<i32>} : memref<2x16x128xf32, #tpu.memory_space<vmem>>, vector<16xf32>,
      %get3A_1284 = arith.constant 4 : i32
      %get3A_1285 = arith.index_cast %rem3A_798 : i32 to index
      %get3A_1286 = arith.index_cast %get3A_1284 : i32 to index
      %get3A_1287 = arith.constant 80 : index
      %get3A_1288 = tpu.vector_load %arg10[%get3A_1285, %get3A_1286, %get3A_1287] {strides = array<i32>} : memref<2x16x128xf32, #tpu.memory_space<vmem>>, vector<16xf32>,
      %mul3A_1289 = arith.mulf %get3A_1288, %gather3A_1228 : vector<16xf32>
      %swap3A_1290 = arith.constant 4 : i32
      %swap3A_1291 = arith.index_cast %rem3A_798 : i32 to index
      %swap3A_1292 = arith.index_cast %swap3A_1290 : i32 to index
      %swap3A_1293 = arith.constant 80 : index
      %swap3A_1294 = tpu.vector_load %arg10[%swap3A_1291, %swap3A_1292, %swap3A_1293] {strides = array<i32>} : memref<2x16x128xf32, #tpu.memory_space<vmem>>, vector<16xf32>,
      tpu.vector_store %arg10[%swap3A_1291, %swap3A_1292, %swap3A_1293], %mul3A_1289 {strides = array<i32>} : memref<2x16x128xf32, #tpu.memory_space<vmem>>, vector<16xf32>,
      %get3A_1295 = arith.constant 4 : i32
      %get3A_1296 = arith.index_cast %rem3A_798 : i32 to index
      %get3A_1297 = arith.index_cast %get3A_1295 : i32 to index
      %get3A_1298 = arith.constant 96 : index
      %get3A_1299 = tpu.vector_load %arg10[%get3A_1296, %get3A_1297, %get3A_1298] {strides = array<i32>} : memref<2x16x128xf32, #tpu.memory_space<vmem>>, vector<16xf32>,
      %mul3A_1300 = arith.mulf %get3A_1299, %gather3A_1228 : vector<16xf32>
      %swap3A_1301 = arith.constant 4 : i32
      %swap3A_1302 = arith.index_cast %rem3A_798 : i32 to index
      %swap3A_1303 = arith.index_cast %swap3A_1301 : i32 to index
      %swap3A_1304 = arith.constant 96 : index
      %swap3A_1305 = tpu.vector_load %arg10[%swap3A_1302, %swap3A_1303, %swap3A_1304] {strides = array<i32>} : memref<2x16x128xf32, #tpu.memory_space<vmem>>, vector<16xf32>,
      tpu.vector_store %arg10[%swap3A_1302, %swap3A_1303, %swap3A_1304], %mul3A_1300 {strides = array<i32>} : memref<2x16x128xf32, #tpu.memory_space<vmem>>, vector<16xf32>,
      %get3A_1306 = arith.constant 4 : i32
      %get3A_1307 = arith.index_cast %rem3A_798 : i32 to index
      %get3A_1308 = arith.index_cast %get3A_1306 : i32 to index
      %get3A_1309 = arith.constant 112 : index
      %get3A_1310 = tpu.vector_load %arg10[%get3A_1307, %get3A_1308, %get3A_1309] {strides = array<i32>} : memref<2x16x128xf32, #tpu.memory_space<vmem>>, vector<16xf32>,
      %mul3A_1311 = arith.mulf %get3A_1310, %gather3A_1228 : vector<16xf32>
      %swap3A_1312 = arith.constant 4 : i32
      %swap3A_1313 = arith.index_cast %rem3A_798 : i32 to index
      %swap3A_1314 = arith.index_cast %swap3A_1312 : i32 to index
      %swap3A_1315 = arith.constant 112 : index
      %swap3A_1316 = tpu.vector_load %arg10[%swap3A_1313, %swap3A_1314, %swap3A_1315] {strides = array<i32>} : memref<2x16x128xf32, #tpu.memory_space<vmem>>, vector<16xf32>,
      tpu.vector_store %arg10[%swap3A_1313, %swap3A_1314, %swap3A_1315], %mul3A_1311 {strides = array<i32>} : memref<2x16x128xf32, #tpu.memory_space<vmem>>, vector<16xf32>,
      %broadcast_in_dim3A_1317 = arith.constant 5 : i32
      %broadcast_in_dim3A_1318 = vector.broadcast %broadcast_in_dim3A_1317 : i32 to vector<16xi32>
      %lt3A_1319 = arith.constant 0 : i32
      %lt3A_1320 = vector.broadcast %lt3A_1319 : i32 to vector<16xi32>
      %lt3A_1321 = arith.cmpi slt, %broadcast_in_dim3A_1318, %lt3A_1320 : vector<16xi32>
      %add3A_1322 = arith.constant 16 : i32
      %add3A_1323 = vector.broadcast %add3A_1322 : i32 to vector<16xi32>
      %add3A_1324 = arith.addi %broadcast_in_dim3A_1318, %add3A_1323 : vector<16xi32>
      %select_n3A_1325 = arith.select %lt3A_1321, %add3A_1324, %broadcast_in_dim3A_1318 : vector<16xi1>, vector<16xi32>
      %reshape3A_1326 = vector.shape_cast %select_n3A_1325 : vector<16xi32> to vector<16x1xi32>
      %gather3A_1327 = vector.shape_cast %reshape3A_1326 : vector<16x1xi32> to vector<16xi32>
      %gather3A_1328 = tpu.dynamic_gather %get3A_819[%gather3A_1327] in [0] : vector<16xf32>, vector<16xi32> -> vector<16xf32>
      %get3A_1329 = arith.constant 5 : i32
      %get3A_1330 = arith.index_cast %rem3A_798 : i32 to index
      %get3A_1331 = arith.index_cast %get3A_1329 : i32 to index
      %get3A_1332 = arith.constant 0 : index
      %get3A_1333 = tpu.vector_load %arg10[%get3A_1330, %get3A_1331, %get3A_1332] {strides = array<i32>} : memref<2x16x128xf32, #tpu.memory_space<vmem>>, vector<16xf32>,
      %mul3A_1334 = arith.mulf %get3A_1333, %gather3A_1328 : vector<16xf32>
      %swap3A_1335 = arith.constant 5 : i32
      %swap3A_1336 = arith.index_cast %rem3A_798 : i32 to index
      %swap3A_1337 = arith.index_cast %swap3A_1335 : i32 to index
      %swap3A_1338 = arith.constant 0 : index
      %swap3A_1339 = tpu.vector_load %arg10[%swap3A_1336, %swap3A_1337, %swap3A_1338] {strides = array<i32>} : memref<2x16x128xf32, #tpu.memory_space<vmem>>, vector<16xf32>,
      tpu.vector_store %arg10[%swap3A_1336, %swap3A_1337, %swap3A_1338], %mul3A_1334 {strides = array<i32>} : memref<2x16x128xf32, #tpu.memory_space<vmem>>, vector<16xf32>,
      %get3A_1340 = arith.constant 5 : i32
      %get3A_1341 = arith.index_cast %rem3A_798 : i32 to index
      %get3A_1342 = arith.index_cast %get3A_1340 : i32 to index
      %get3A_1343 = arith.constant 16 : index
      %get3A_1344 = tpu.vector_load %arg10[%get3A_1341, %get3A_1342, %get3A_1343] {strides = array<i32>} : memref<2x16x128xf32, #tpu.memory_space<vmem>>, vector<16xf32>,
      %mul3A_1345 = arith.mulf %get3A_1344, %gather3A_1328 : vector<16xf32>
      %swap3A_1346 = arith.constant 5 : i32
      %swap3A_1347 = arith.index_cast %rem3A_798 : i32 to index
      %swap3A_1348 = arith.index_cast %swap3A_1346 : i32 to index
      %swap3A_1349 = arith.constant 16 : index
      %swap3A_1350 = tpu.vector_load %arg10[%swap3A_1347, %swap3A_1348, %swap3A_1349] {strides = array<i32>} : memref<2x16x128xf32, #tpu.memory_space<vmem>>, vector<16xf32>,
      tpu.vector_store %arg10[%swap3A_1347, %swap3A_1348, %swap3A_1349], %mul3A_1345 {strides = array<i32>} : memref<2x16x128xf32, #tpu.memory_space<vmem>>, vector<16xf32>,
      %get3A_1351 = arith.constant 5 : i32
      %get3A_1352 = arith.index_cast %rem3A_798 : i32 to index
      %get3A_1353 = arith.index_cast %get3A_1351 : i32 to index
      %get3A_1354 = arith.constant 32 : index
      %get3A_1355 = tpu.vector_load %arg10[%get3A_1352, %get3A_1353, %get3A_1354] {strides = array<i32>} : memref<2x16x128xf32, #tpu.memory_space<vmem>>, vector<16xf32>,
      %mul3A_1356 = arith.mulf %get3A_1355, %gather3A_1328 : vector<16xf32>
      %swap3A_1357 = arith.constant 5 : i32
      %swap3A_1358 = arith.index_cast %rem3A_798 : i32 to index
      %swap3A_1359 = arith.index_cast %swap3A_1357 : i32 to index
      %swap3A_1360 = arith.constant 32 : index
      %swap3A_1361 = tpu.vector_load %arg10[%swap3A_1358, %swap3A_1359, %swap3A_1360] {strides = array<i32>} : memref<2x16x128xf32, #tpu.memory_space<vmem>>, vector<16xf32>,
      tpu.vector_store %arg10[%swap3A_1358, %swap3A_1359, %swap3A_1360], %mul3A_1356 {strides = array<i32>} : memref<2x16x128xf32, #tpu.memory_space<vmem>>, vector<16xf32>,
      %get3A_1362 = arith.constant 5 : i32
      %get3A_1363 = arith.index_cast %rem3A_798 : i32 to index
      %get3A_1364 = arith.index_cast %get3A_1362 : i32 to index
      %get3A_1365 = arith.constant 48 : index
      %get3A_1366 = tpu.vector_load %arg10[%get3A_1363, %get3A_1364, %get3A_1365] {strides = array<i32>} : memref<2x16x128xf32, #tpu.memory_space<vmem>>, vector<16xf32>,
      %mul3A_1367 = arith.mulf %get3A_1366, %gather3A_1328 : vector<16xf32>
      %swap3A_1368 = arith.constant 5 : i32
      %swap3A_1369 = arith.index_cast %rem3A_798 : i32 to index
      %swap3A_1370 = arith.index_cast %swap3A_1368 : i32 to index
      %swap3A_1371 = arith.constant 48 : index
      %swap3A_1372 = tpu.vector_load %arg10[%swap3A_1369, %swap3A_1370, %swap3A_1371] {strides = array<i32>} : memref<2x16x128xf32, #tpu.memory_space<vmem>>, vector<16xf32>,
      tpu.vector_store %arg10[%swap3A_1369, %swap3A_1370, %swap3A_1371], %mul3A_1367 {strides = array<i32>} : memref<2x16x128xf32, #tpu.memory_space<vmem>>, vector<16xf32>,
      %get3A_1373 = arith.constant 5 : i32
      %get3A_1374 = arith.index_cast %rem3A_798 : i32 to index
      %get3A_1375 = arith.index_cast %get3A_1373 : i32 to index
      %get3A_1376 = arith.constant 64 : index
      %get3A_1377 = tpu.vector_load %arg10[%get3A_1374, %get3A_1375, %get3A_1376] {strides = array<i32>} : memref<2x16x128xf32, #tpu.memory_space<vmem>>, vector<16xf32>,
      %mul3A_1378 = arith.mulf %get3A_1377, %gather3A_1328 : vector<16xf32>
      %swap3A_1379 = arith.constant 5 : i32
      %swap3A_1380 = arith.index_cast %rem3A_798 : i32 to index
      %swap3A_1381 = arith.index_cast %swap3A_1379 : i32 to index
      %swap3A_1382 = arith.constant 64 : index
      %swap3A_1383 = tpu.vector_load %arg10[%swap3A_1380, %swap3A_1381, %swap3A_1382] {strides = array<i32>} : memref<2x16x128xf32, #tpu.memory_space<vmem>>, vector<16xf32>,
      tpu.vector_store %arg10[%swap3A_1380, %swap3A_1381, %swap3A_1382], %mul3A_1378 {strides = array<i32>} : memref<2x16x128xf32, #tpu.memory_space<vmem>>, vector<16xf32>,
      %get3A_1384 = arith.constant 5 : i32
      %get3A_1385 = arith.index_cast %rem3A_798 : i32 to index
      %get3A_1386 = arith.index_cast %get3A_1384 : i32 to index
      %get3A_1387 = arith.constant 80 : index
      %get3A_1388 = tpu.vector_load %arg10[%get3A_1385, %get3A_1386, %get3A_1387] {strides = array<i32>} : memref<2x16x128xf32, #tpu.memory_space<vmem>>, vector<16xf32>,
      %mul3A_1389 = arith.mulf %get3A_1388, %gather3A_1328 : vector<16xf32>
      %swap3A_1390 = arith.constant 5 : i32
      %swap3A_1391 = arith.index_cast %rem3A_798 : i32 to index
      %swap3A_1392 = arith.index_cast %swap3A_1390 : i32 to index
      %swap3A_1393 = arith.constant 80 : index
      %swap3A_1394 = tpu.vector_load %arg10[%swap3A_1391, %swap3A_1392, %swap3A_1393] {strides = array<i32>} : memref<2x16x128xf32, #tpu.memory_space<vmem>>, vector<16xf32>,
      tpu.vector_store %arg10[%swap3A_1391, %swap3A_1392, %swap3A_1393], %mul3A_1389 {strides = array<i32>} : memref<2x16x128xf32, #tpu.memory_space<vmem>>, vector<16xf32>,
      %get3A_1395 = arith.constant 5 : i32
      %get3A_1396 = arith.index_cast %rem3A_798 : i32 to index
      %get3A_1397 = arith.index_cast %get3A_1395 : i32 to index
      %get3A_1398 = arith.constant 96 : index
      %get3A_1399 = tpu.vector_load %arg10[%get3A_1396, %get3A_1397, %get3A_1398] {strides = array<i32>} : memref<2x16x128xf32, #tpu.memory_space<vmem>>, vector<16xf32>,
      %mul3A_1400 = arith.mulf %get3A_1399, %gather3A_1328 : vector<16xf32>
      %swap3A_1401 = arith.constant 5 : i32
      %swap3A_1402 = arith.index_cast %rem3A_798 : i32 to index
      %swap3A_1403 = arith.index_cast %swap3A_1401 : i32 to index
      %swap3A_1404 = arith.constant 96 : index
      %swap3A_1405 = tpu.vector_load %arg10[%swap3A_1402, %swap3A_1403, %swap3A_1404] {strides = array<i32>} : memref<2x16x128xf32, #tpu.memory_space<vmem>>, vector<16xf32>,
      tpu.vector_store %arg10[%swap3A_1402, %swap3A_1403, %swap3A_1404], %mul3A_1400 {strides = array<i32>} : memref<2x16x128xf32, #tpu.memory_space<vmem>>, vector<16xf32>,
      %get3A_1406 = arith.constant 5 : i32
      %get3A_1407 = arith.index_cast %rem3A_798 : i32 to index
      %get3A_1408 = arith.index_cast %get3A_1406 : i32 to index
      %get3A_1409 = arith.constant 112 : index
      %get3A_1410 = tpu.vector_load %arg10[%get3A_1407, %get3A_1408, %get3A_1409] {strides = array<i32>} : memref<2x16x128xf32, #tpu.memory_space<vmem>>, vector<16xf32>,
      %mul3A_1411 = arith.mulf %get3A_1410, %gather3A_1328 : vector<16xf32>
      %swap3A_1412 = arith.constant 5 : i32
      %swap3A_1413 = arith.index_cast %rem3A_798 : i32 to index
      %swap3A_1414 = arith.index_cast %swap3A_1412 : i32 to index
      %swap3A_1415 = arith.constant 112 : index
      %swap3A_1416 = tpu.vector_load %arg10[%swap3A_1413, %swap3A_1414, %swap3A_1415] {strides = array<i32>} : memref<2x16x128xf32, #tpu.memory_space<vmem>>, vector<16xf32>,
      tpu.vector_store %arg10[%swap3A_1413, %swap3A_1414, %swap3A_1415], %mul3A_1411 {strides = array<i32>} : memref<2x16x128xf32, #tpu.memory_space<vmem>>, vector<16xf32>,
      %broadcast_in_dim3A_1417 = arith.constant 6 : i32
      %broadcast_in_dim3A_1418 = vector.broadcast %broadcast_in_dim3A_1417 : i32 to vector<16xi32>
      %lt3A_1419 = arith.constant 0 : i32
      %lt3A_1420 = vector.broadcast %lt3A_1419 : i32 to vector<16xi32>
      %lt3A_1421 = arith.cmpi slt, %broadcast_in_dim3A_1418, %lt3A_1420 : vector<16xi32>
      %add3A_1422 = arith.constant 16 : i32
      %add3A_1423 = vector.broadcast %add3A_1422 : i32 to vector<16xi32>
      %add3A_1424 = arith.addi %broadcast_in_dim3A_1418, %add3A_1423 : vector<16xi32>
      %select_n3A_1425 = arith.select %lt3A_1421, %add3A_1424, %broadcast_in_dim3A_1418 : vector<16xi1>, vector<16xi32>
      %reshape3A_1426 = vector.shape_cast %select_n3A_1425 : vector<16xi32> to vector<16x1xi32>
      %gather3A_1427 = vector.shape_cast %reshape3A_1426 : vector<16x1xi32> to vector<16xi32>
      %gather3A_1428 = tpu.dynamic_gather %get3A_819[%gather3A_1427] in [0] : vector<16xf32>, vector<16xi32> -> vector<16xf32>
      %get3A_1429 = arith.constant 6 : i32
      %get3A_1430 = arith.index_cast %rem3A_798 : i32 to index
      %get3A_1431 = arith.index_cast %get3A_1429 : i32 to index
      %get3A_1432 = arith.constant 0 : index
      %get3A_1433 = tpu.vector_load %arg10[%get3A_1430, %get3A_1431, %get3A_1432] {strides = array<i32>} : memref<2x16x128xf32, #tpu.memory_space<vmem>>, vector<16xf32>,
      %mul3A_1434 = arith.mulf %get3A_1433, %gather3A_1428 : vector<16xf32>
      %swap3A_1435 = arith.constant 6 : i32
      %swap3A_1436 = arith.index_cast %rem3A_798 : i32 to index
      %swap3A_1437 = arith.index_cast %swap3A_1435 : i32 to index
      %swap3A_1438 = arith.constant 0 : index
      %swap3A_1439 = tpu.vector_load %arg10[%swap3A_1436, %swap3A_1437, %swap3A_1438] {strides = array<i32>} : memref<2x16x128xf32, #tpu.memory_space<vmem>>, vector<16xf32>,
      tpu.vector_store %arg10[%swap3A_1436, %swap3A_1437, %swap3A_1438], %mul3A_1434 {strides = array<i32>} : memref<2x16x128xf32, #tpu.memory_space<vmem>>, vector<16xf32>,
      %get3A_1440 = arith.constant 6 : i32
      %get3A_1441 = arith.index_cast %rem3A_798 : i32 to index
      %get3A_1442 = arith.index_cast %get3A_1440 : i32 to index
      %get3A_1443 = arith.constant 16 : index
      %get3A_1444 = tpu.vector_load %arg10[%get3A_1441, %get3A_1442, %get3A_1443] {strides = array<i32>} : memref<2x16x128xf32, #tpu.memory_space<vmem>>, vector<16xf32>,
      %mul3A_1445 = arith.mulf %get3A_1444, %gather3A_1428 : vector<16xf32>
      %swap3A_1446 = arith.constant 6 : i32
      %swap3A_1447 = arith.index_cast %rem3A_798 : i32 to index
      %swap3A_1448 = arith.index_cast %swap3A_1446 : i32 to index
      %swap3A_1449 = arith.constant 16 : index
      %swap3A_1450 = tpu.vector_load %arg10[%swap3A_1447, %swap3A_1448, %swap3A_1449] {strides = array<i32>} : memref<2x16x128xf32, #tpu.memory_space<vmem>>, vector<16xf32>,
      tpu.vector_store %arg10[%swap3A_1447, %swap3A_1448, %swap3A_1449], %mul3A_1445 {strides = array<i32>} : memref<2x16x128xf32, #tpu.memory_space<vmem>>, vector<16xf32>,
      %get3A_1451 = arith.constant 6 : i32
      %get3A_1452 = arith.index_cast %rem3A_798 : i32 to index
      %get3A_1453 = arith.index_cast %get3A_1451 : i32 to index
      %get3A_1454 = arith.constant 32 : index
      %get3A_1455 = tpu.vector_load %arg10[%get3A_1452, %get3A_1453, %get3A_1454] {strides = array<i32>} : memref<2x16x128xf32, #tpu.memory_space<vmem>>, vector<16xf32>,
      %mul3A_1456 = arith.mulf %get3A_1455, %gather3A_1428 : vector<16xf32>
      %swap3A_1457 = arith.constant 6 : i32
      %swap3A_1458 = arith.index_cast %rem3A_798 : i32 to index
      %swap3A_1459 = arith.index_cast %swap3A_1457 : i32 to index
      %swap3A_1460 = arith.constant 32 : index
      %swap3A_1461 = tpu.vector_load %arg10[%swap3A_1458, %swap3A_1459, %swap3A_1460] {strides = array<i32>} : memref<2x16x128xf32, #tpu.memory_space<vmem>>, vector<16xf32>,
      tpu.vector_store %arg10[%swap3A_1458, %swap3A_1459, %swap3A_1460], %mul3A_1456 {strides = array<i32>} : memref<2x16x128xf32, #tpu.memory_space<vmem>>, vector<16xf32>,
      %get3A_1462 = arith.constant 6 : i32
      %get3A_1463 = arith.index_cast %rem3A_798 : i32 to index
      %get3A_1464 = arith.index_cast %get3A_1462 : i32 to index
      %get3A_1465 = arith.constant 48 : index
      %get3A_1466 = tpu.vector_load %arg10[%get3A_1463, %get3A_1464, %get3A_1465] {strides = array<i32>} : memref<2x16x128xf32, #tpu.memory_space<vmem>>, vector<16xf32>,
      %mul3A_1467 = arith.mulf %get3A_1466, %gather3A_1428 : vector<16xf32>
      %swap3A_1468 = arith.constant 6 : i32
      %swap3A_1469 = arith.index_cast %rem3A_798 : i32 to index
      %swap3A_1470 = arith.index_cast %swap3A_1468 : i32 to index
      %swap3A_1471 = arith.constant 48 : index
      %swap3A_1472 = tpu.vector_load %arg10[%swap3A_1469, %swap3A_1470, %swap3A_1471] {strides = array<i32>} : memref<2x16x128xf32, #tpu.memory_space<vmem>>, vector<16xf32>,
      tpu.vector_store %arg10[%swap3A_1469, %swap3A_1470, %swap3A_1471], %mul3A_1467 {strides = array<i32>} : memref<2x16x128xf32, #tpu.memory_space<vmem>>, vector<16xf32>,
      %get3A_1473 = arith.constant 6 : i32
      %get3A_1474 = arith.index_cast %rem3A_798 : i32 to index
      %get3A_1475 = arith.index_cast %get3A_1473 : i32 to index
      %get3A_1476 = arith.constant 64 : index
      %get3A_1477 = tpu.vector_load %arg10[%get3A_1474, %get3A_1475, %get3A_1476] {strides = array<i32>} : memref<2x16x128xf32, #tpu.memory_space<vmem>>, vector<16xf32>,
      %mul3A_1478 = arith.mulf %get3A_1477, %gather3A_1428 : vector<16xf32>
      %swap3A_1479 = arith.constant 6 : i32
      %swap3A_1480 = arith.index_cast %rem3A_798 : i32 to index
      %swap3A_1481 = arith.index_cast %swap3A_1479 : i32 to index
      %swap3A_1482 = arith.constant 64 : index
      %swap3A_1483 = tpu.vector_load %arg10[%swap3A_1480, %swap3A_1481, %swap3A_1482] {strides = array<i32>} : memref<2x16x128xf32, #tpu.memory_space<vmem>>, vector<16xf32>,
      tpu.vector_store %arg10[%swap3A_1480, %swap3A_1481, %swap3A_1482], %mul3A_1478 {strides = array<i32>} : memref<2x16x128xf32, #tpu.memory_space<vmem>>, vector<16xf32>,
      %get3A_1484 = arith.constant 6 : i32
      %get3A_1485 = arith.index_cast %rem3A_798 : i32 to index
      %get3A_1486 = arith.index_cast %get3A_1484 : i32 to index
      %get3A_1487 = arith.constant 80 : index
      %get3A_1488 = tpu.vector_load %arg10[%get3A_1485, %get3A_1486, %get3A_1487] {strides = array<i32>} : memref<2x16x128xf32, #tpu.memory_space<vmem>>, vector<16xf32>,
      %mul3A_1489 = arith.mulf %get3A_1488, %gather3A_1428 : vector<16xf32>
      %swap3A_1490 = arith.constant 6 : i32
      %swap3A_1491 = arith.index_cast %rem3A_798 : i32 to index
      %swap3A_1492 = arith.index_cast %swap3A_1490 : i32 to index
      %swap3A_1493 = arith.constant 80 : index
      %swap3A_1494 = tpu.vector_load %arg10[%swap3A_1491, %swap3A_1492, %swap3A_1493] {strides = array<i32>} : memref<2x16x128xf32, #tpu.memory_space<vmem>>, vector<16xf32>,
      tpu.vector_store %arg10[%swap3A_1491, %swap3A_1492, %swap3A_1493], %mul3A_1489 {strides = array<i32>} : memref<2x16x128xf32, #tpu.memory_space<vmem>>, vector<16xf32>,
      %get3A_1495 = arith.constant 6 : i32
      %get3A_1496 = arith.index_cast %rem3A_798 : i32 to index
      %get3A_1497 = arith.index_cast %get3A_1495 : i32 to index
      %get3A_1498 = arith.constant 96 : index
      %get3A_1499 = tpu.vector_load %arg10[%get3A_1496, %get3A_1497, %get3A_1498] {strides = array<i32>} : memref<2x16x128xf32, #tpu.memory_space<vmem>>, vector<16xf32>,
      %mul3A_1500 = arith.mulf %get3A_1499, %gather3A_1428 : vector<16xf32>
      %swap3A_1501 = arith.constant 6 : i32
      %swap3A_1502 = arith.index_cast %rem3A_798 : i32 to index
      %swap3A_1503 = arith.index_cast %swap3A_1501 : i32 to index
      %swap3A_1504 = arith.constant 96 : index
      %swap3A_1505 = tpu.vector_load %arg10[%swap3A_1502, %swap3A_1503, %swap3A_1504] {strides = array<i32>} : memref<2x16x128xf32, #tpu.memory_space<vmem>>, vector<16xf32>,
      tpu.vector_store %arg10[%swap3A_1502, %swap3A_1503, %swap3A_1504], %mul3A_1500 {strides = array<i32>} : memref<2x16x128xf32, #tpu.memory_space<vmem>>, vector<16xf32>,
      %get3A_1506 = arith.constant 6 : i32
      %get3A_1507 = arith.index_cast %rem3A_798 : i32 to index
      %get3A_1508 = arith.index_cast %get3A_1506 : i32 to index
      %get3A_1509 = arith.constant 112 : index
      %get3A_1510 = tpu.vector_load %arg10[%get3A_1507, %get3A_1508, %get3A_1509] {strides = array<i32>} : memref<2x16x128xf32, #tpu.memory_space<vmem>>, vector<16xf32>,
      %mul3A_1511 = arith.mulf %get3A_1510, %gather3A_1428 : vector<16xf32>
      %swap3A_1512 = arith.constant 6 : i32
      %swap3A_1513 = arith.index_cast %rem3A_798 : i32 to index
      %swap3A_1514 = arith.index_cast %swap3A_1512 : i32 to index
      %swap3A_1515 = arith.constant 112 : index
      %swap3A_1516 = tpu.vector_load %arg10[%swap3A_1513, %swap3A_1514, %swap3A_1515] {strides = array<i32>} : memref<2x16x128xf32, #tpu.memory_space<vmem>>, vector<16xf32>,
      tpu.vector_store %arg10[%swap3A_1513, %swap3A_1514, %swap3A_1515], %mul3A_1511 {strides = array<i32>} : memref<2x16x128xf32, #tpu.memory_space<vmem>>, vector<16xf32>,
      %broadcast_in_dim3A_1517 = arith.constant 7 : i32
      %broadcast_in_dim3A_1518 = vector.broadcast %broadcast_in_dim3A_1517 : i32 to vector<16xi32>
      %lt3A_1519 = arith.constant 0 : i32
      %lt3A_1520 = vector.broadcast %lt3A_1519 : i32 to vector<16xi32>
      %lt3A_1521 = arith.cmpi slt, %broadcast_in_dim3A_1518, %lt3A_1520 : vector<16xi32>
      %add3A_1522 = arith.constant 16 : i32
      %add3A_1523 = vector.broadcast %add3A_1522 : i32 to vector<16xi32>
      %add3A_1524 = arith.addi %broadcast_in_dim3A_1518, %add3A_1523 : vector<16xi32>
      %select_n3A_1525 = arith.select %lt3A_1521, %add3A_1524, %broadcast_in_dim3A_1518 : vector<16xi1>, vector<16xi32>
      %reshape3A_1526 = vector.shape_cast %select_n3A_1525 : vector<16xi32> to vector<16x1xi32>
      %gather3A_1527 = vector.shape_cast %reshape3A_1526 : vector<16x1xi32> to vector<16xi32>
      %gather3A_1528 = tpu.dynamic_gather %get3A_819[%gather3A_1527] in [0] : vector<16xf32>, vector<16xi32> -> vector<16xf32>
      %get3A_1529 = arith.constant 7 : i32
      %get3A_1530 = arith.index_cast %rem3A_798 : i32 to index
      %get3A_1531 = arith.index_cast %get3A_1529 : i32 to index
      %get3A_1532 = arith.constant 0 : index
      %get3A_1533 = tpu.vector_load %arg10[%get3A_1530, %get3A_1531, %get3A_1532] {strides = array<i32>} : memref<2x16x128xf32, #tpu.memory_space<vmem>>, vector<16xf32>,
      %mul3A_1534 = arith.mulf %get3A_1533, %gather3A_1528 : vector<16xf32>
      %swap3A_1535 = arith.constant 7 : i32
      %swap3A_1536 = arith.index_cast %rem3A_798 : i32 to index
      %swap3A_1537 = arith.index_cast %swap3A_1535 : i32 to index
      %swap3A_1538 = arith.constant 0 : index
      %swap3A_1539 = tpu.vector_load %arg10[%swap3A_1536, %swap3A_1537, %swap3A_1538] {strides = array<i32>} : memref<2x16x128xf32, #tpu.memory_space<vmem>>, vector<16xf32>,
      tpu.vector_store %arg10[%swap3A_1536, %swap3A_1537, %swap3A_1538], %mul3A_1534 {strides = array<i32>} : memref<2x16x128xf32, #tpu.memory_space<vmem>>, vector<16xf32>,
      %get3A_1540 = arith.constant 7 : i32
      %get3A_1541 = arith.index_cast %rem3A_798 : i32 to index
      %get3A_1542 = arith.index_cast %get3A_1540 : i32 to index
      %get3A_1543 = arith.constant 16 : index
      %get3A_1544 = tpu.vector_load %arg10[%get3A_1541, %get3A_1542, %get3A_1543] {strides = array<i32>} : memref<2x16x128xf32, #tpu.memory_space<vmem>>, vector<16xf32>,
      %mul3A_1545 = arith.mulf %get3A_1544, %gather3A_1528 : vector<16xf32>
      %swap3A_1546 = arith.constant 7 : i32
      %swap3A_1547 = arith.index_cast %rem3A_798 : i32 to index
      %swap3A_1548 = arith.index_cast %swap3A_1546 : i32 to index
      %swap3A_1549 = arith.constant 16 : index
      %swap3A_1550 = tpu.vector_load %arg10[%swap3A_1547, %swap3A_1548, %swap3A_1549] {strides = array<i32>} : memref<2x16x128xf32, #tpu.memory_space<vmem>>, vector<16xf32>,
      tpu.vector_store %arg10[%swap3A_1547, %swap3A_1548, %swap3A_1549], %mul3A_1545 {strides = array<i32>} : memref<2x16x128xf32, #tpu.memory_space<vmem>>, vector<16xf32>,
      %get3A_1551 = arith.constant 7 : i32
      %get3A_1552 = arith.index_cast %rem3A_798 : i32 to index
      %get3A_1553 = arith.index_cast %get3A_1551 : i32 to index
      %get3A_1554 = arith.constant 32 : index
      %get3A_1555 = tpu.vector_load %arg10[%get3A_1552, %get3A_1553, %get3A_1554] {strides = array<i32>} : memref<2x16x128xf32, #tpu.memory_space<vmem>>, vector<16xf32>,
      %mul3A_1556 = arith.mulf %get3A_1555, %gather3A_1528 : vector<16xf32>
      %swap3A_1557 = arith.constant 7 : i32
      %swap3A_1558 = arith.index_cast %rem3A_798 : i32 to index
      %swap3A_1559 = arith.index_cast %swap3A_1557 : i32 to index
      %swap3A_1560 = arith.constant 32 : index
      %swap3A_1561 = tpu.vector_load %arg10[%swap3A_1558, %swap3A_1559, %swap3A_1560] {strides = array<i32>} : memref<2x16x128xf32, #tpu.memory_space<vmem>>, vector<16xf32>,
      tpu.vector_store %arg10[%swap3A_1558, %swap3A_1559, %swap3A_1560], %mul3A_1556 {strides = array<i32>} : memref<2x16x128xf32, #tpu.memory_space<vmem>>, vector<16xf32>,
      %get3A_1562 = arith.constant 7 : i32
      %get3A_1563 = arith.index_cast %rem3A_798 : i32 to index
      %get3A_1564 = arith.index_cast %get3A_1562 : i32 to index
      %get3A_1565 = arith.constant 48 : index
      %get3A_1566 = tpu.vector_load %arg10[%get3A_1563, %get3A_1564, %get3A_1565] {strides = array<i32>} : memref<2x16x128xf32, #tpu.memory_space<vmem>>, vector<16xf32>,
      %mul3A_1567 = arith.mulf %get3A_1566, %gather3A_1528 : vector<16xf32>
      %swap3A_1568 = arith.constant 7 : i32
      %swap3A_1569 = arith.index_cast %rem3A_798 : i32 to index
      %swap3A_1570 = arith.index_cast %swap3A_1568 : i32 to index
      %swap3A_1571 = arith.constant 48 : index
      %swap3A_1572 = tpu.vector_load %arg10[%swap3A_1569, %swap3A_1570, %swap3A_1571] {strides = array<i32>} : memref<2x16x128xf32, #tpu.memory_space<vmem>>, vector<16xf32>,
      tpu.vector_store %arg10[%swap3A_1569, %swap3A_1570, %swap3A_1571], %mul3A_1567 {strides = array<i32>} : memref<2x16x128xf32, #tpu.memory_space<vmem>>, vector<16xf32>,
      %get3A_1573 = arith.constant 7 : i32
      %get3A_1574 = arith.index_cast %rem3A_798 : i32 to index
      %get3A_1575 = arith.index_cast %get3A_1573 : i32 to index
      %get3A_1576 = arith.constant 64 : index
      %get3A_1577 = tpu.vector_load %arg10[%get3A_1574, %get3A_1575, %get3A_1576] {strides = array<i32>} : memref<2x16x128xf32, #tpu.memory_space<vmem>>, vector<16xf32>,
      %mul3A_1578 = arith.mulf %get3A_1577, %gather3A_1528 : vector<16xf32>
      %swap3A_1579 = arith.constant 7 : i32
      %swap3A_1580 = arith.index_cast %rem3A_798 : i32 to index
      %swap3A_1581 = arith.index_cast %swap3A_1579 : i32 to index
      %swap3A_1582 = arith.constant 64 : index
      %swap3A_1583 = tpu.vector_load %arg10[%swap3A_1580, %swap3A_1581, %swap3A_1582] {strides = array<i32>} : memref<2x16x128xf32, #tpu.memory_space<vmem>>, vector<16xf32>,
      tpu.vector_store %arg10[%swap3A_1580, %swap3A_1581, %swap3A_1582], %mul3A_1578 {strides = array<i32>} : memref<2x16x128xf32, #tpu.memory_space<vmem>>, vector<16xf32>,
      %get3A_1584 = arith.constant 7 : i32
      %get3A_1585 = arith.index_cast %rem3A_798 : i32 to index
      %get3A_1586 = arith.index_cast %get3A_1584 : i32 to index
      %get3A_1587 = arith.constant 80 : index
      %get3A_1588 = tpu.vector_load %arg10[%get3A_1585, %get3A_1586, %get3A_1587] {strides = array<i32>} : memref<2x16x128xf32, #tpu.memory_space<vmem>>, vector<16xf32>,
      %mul3A_1589 = arith.mulf %get3A_1588, %gather3A_1528 : vector<16xf32>
      %swap3A_1590 = arith.constant 7 : i32
      %swap3A_1591 = arith.index_cast %rem3A_798 : i32 to index
      %swap3A_1592 = arith.index_cast %swap3A_1590 : i32 to index
      %swap3A_1593 = arith.constant 80 : index
      %swap3A_1594 = tpu.vector_load %arg10[%swap3A_1591, %swap3A_1592, %swap3A_1593] {strides = array<i32>} : memref<2x16x128xf32, #tpu.memory_space<vmem>>, vector<16xf32>,
      tpu.vector_store %arg10[%swap3A_1591, %swap3A_1592, %swap3A_1593], %mul3A_1589 {strides = array<i32>} : memref<2x16x128xf32, #tpu.memory_space<vmem>>, vector<16xf32>,
      %get3A_1595 = arith.constant 7 : i32
      %get3A_1596 = arith.index_cast %rem3A_798 : i32 to index
      %get3A_1597 = arith.index_cast %get3A_1595 : i32 to index
      %get3A_1598 = arith.constant 96 : index
      %get3A_1599 = tpu.vector_load %arg10[%get3A_1596, %get3A_1597, %get3A_1598] {strides = array<i32>} : memref<2x16x128xf32, #tpu.memory_space<vmem>>, vector<16xf32>,
      %mul3A_1600 = arith.mulf %get3A_1599, %gather3A_1528 : vector<16xf32>
      %swap3A_1601 = arith.constant 7 : i32
      %swap3A_1602 = arith.index_cast %rem3A_798 : i32 to index
      %swap3A_1603 = arith.index_cast %swap3A_1601 : i32 to index
      %swap3A_1604 = arith.constant 96 : index
      %swap3A_1605 = tpu.vector_load %arg10[%swap3A_1602, %swap3A_1603, %swap3A_1604] {strides = array<i32>} : memref<2x16x128xf32, #tpu.memory_space<vmem>>, vector<16xf32>,
      tpu.vector_store %arg10[%swap3A_1602, %swap3A_1603, %swap3A_1604], %mul3A_1600 {strides = array<i32>} : memref<2x16x128xf32, #tpu.memory_space<vmem>>, vector<16xf32>,
      %get3A_1606 = arith.constant 7 : i32
      %get3A_1607 = arith.index_cast %rem3A_798 : i32 to index
      %get3A_1608 = arith.index_cast %get3A_1606 : i32 to index
      %get3A_1609 = arith.constant 112 : index
      %get3A_1610 = tpu.vector_load %arg10[%get3A_1607, %get3A_1608, %get3A_1609] {strides = array<i32>} : memref<2x16x128xf32, #tpu.memory_space<vmem>>, vector<16xf32>,
      %mul3A_1611 = arith.mulf %get3A_1610, %gather3A_1528 : vector<16xf32>
      %swap3A_1612 = arith.constant 7 : i32
      %swap3A_1613 = arith.index_cast %rem3A_798 : i32 to index
      %swap3A_1614 = arith.index_cast %swap3A_1612 : i32 to index
      %swap3A_1615 = arith.constant 112 : index
      %swap3A_1616 = tpu.vector_load %arg10[%swap3A_1613, %swap3A_1614, %swap3A_1615] {strides = array<i32>} : memref<2x16x128xf32, #tpu.memory_space<vmem>>, vector<16xf32>,
      tpu.vector_store %arg10[%swap3A_1613, %swap3A_1614, %swap3A_1615], %mul3A_1611 {strides = array<i32>} : memref<2x16x128xf32, #tpu.memory_space<vmem>>, vector<16xf32>,
      %broadcast_in_dim3A_1617 = arith.constant 8 : i32
      %broadcast_in_dim3A_1618 = vector.broadcast %broadcast_in_dim3A_1617 : i32 to vector<16xi32>
      %lt3A_1619 = arith.constant 0 : i32
      %lt3A_1620 = vector.broadcast %lt3A_1619 : i32 to vector<16xi32>
      %lt3A_1621 = arith.cmpi slt, %broadcast_in_dim3A_1618, %lt3A_1620 : vector<16xi32>
      %add3A_1622 = arith.constant 16 : i32
      %add3A_1623 = vector.broadcast %add3A_1622 : i32 to vector<16xi32>
      %add3A_1624 = arith.addi %broadcast_in_dim3A_1618, %add3A_1623 : vector<16xi32>
      %select_n3A_1625 = arith.select %lt3A_1621, %add3A_1624, %broadcast_in_dim3A_1618 : vector<16xi1>, vector<16xi32>
      %reshape3A_1626 = vector.shape_cast %select_n3A_1625 : vector<16xi32> to vector<16x1xi32>
      %gather3A_1627 = vector.shape_cast %reshape3A_1626 : vector<16x1xi32> to vector<16xi32>
      %gather3A_1628 = tpu.dynamic_gather %get3A_819[%gather3A_1627] in [0] : vector<16xf32>, vector<16xi32> -> vector<16xf32>
      %get3A_1629 = arith.constant 8 : i32
      %get3A_1630 = arith.index_cast %rem3A_798 : i32 to index
      %get3A_1631 = arith.index_cast %get3A_1629 : i32 to index
      %get3A_1632 = arith.constant 0 : index
      %get3A_1633 = tpu.vector_load %arg10[%get3A_1630, %get3A_1631, %get3A_1632] {strides = array<i32>} : memref<2x16x128xf32, #tpu.memory_space<vmem>>, vector<16xf32>,
      %mul3A_1634 = arith.mulf %get3A_1633, %gather3A_1628 : vector<16xf32>
      %swap3A_1635 = arith.constant 8 : i32
      %swap3A_1636 = arith.index_cast %rem3A_798 : i32 to index
      %swap3A_1637 = arith.index_cast %swap3A_1635 : i32 to index
      %swap3A_1638 = arith.constant 0 : index
      %swap3A_1639 = tpu.vector_load %arg10[%swap3A_1636, %swap3A_1637, %swap3A_1638] {strides = array<i32>} : memref<2x16x128xf32, #tpu.memory_space<vmem>>, vector<16xf32>,
      tpu.vector_store %arg10[%swap3A_1636, %swap3A_1637, %swap3A_1638], %mul3A_1634 {strides = array<i32>} : memref<2x16x128xf32, #tpu.memory_space<vmem>>, vector<16xf32>,
      %get3A_1640 = arith.constant 8 : i32
      %get3A_1641 = arith.index_cast %rem3A_798 : i32 to index
      %get3A_1642 = arith.index_cast %get3A_1640 : i32 to index
      %get3A_1643 = arith.constant 16 : index
      %get3A_1644 = tpu.vector_load %arg10[%get3A_1641, %get3A_1642, %get3A_1643] {strides = array<i32>} : memref<2x16x128xf32, #tpu.memory_space<vmem>>, vector<16xf32>,
      %mul3A_1645 = arith.mulf %get3A_1644, %gather3A_1628 : vector<16xf32>
      %swap3A_1646 = arith.constant 8 : i32
      %swap3A_1647 = arith.index_cast %rem3A_798 : i32 to index
      %swap3A_1648 = arith.index_cast %swap3A_1646 : i32 to index
      %swap3A_1649 = arith.constant 16 : index
      %swap3A_1650 = tpu.vector_load %arg10[%swap3A_1647, %swap3A_1648, %swap3A_1649] {strides = array<i32>} : memref<2x16x128xf32, #tpu.memory_space<vmem>>, vector<16xf32>,
      tpu.vector_store %arg10[%swap3A_1647, %swap3A_1648, %swap3A_1649], %mul3A_1645 {strides = array<i32>} : memref<2x16x128xf32, #tpu.memory_space<vmem>>, vector<16xf32>,
      %get3A_1651 = arith.constant 8 : i32
      %get3A_1652 = arith.index_cast %rem3A_798 : i32 to index
      %get3A_1653 = arith.index_cast %get3A_1651 : i32 to index
      %get3A_1654 = arith.constant 32 : index
      %get3A_1655 = tpu.vector_load %arg10[%get3A_1652, %get3A_1653, %get3A_1654] {strides = array<i32>} : memref<2x16x128xf32, #tpu.memory_space<vmem>>, vector<16xf32>,
      %mul3A_1656 = arith.mulf %get3A_1655, %gather3A_1628 : vector<16xf32>
      %swap3A_1657 = arith.constant 8 : i32
      %swap3A_1658 = arith.index_cast %rem3A_798 : i32 to index
      %swap3A_1659 = arith.index_cast %swap3A_1657 : i32 to index
      %swap3A_1660 = arith.constant 32 : index
      %swap3A_1661 = tpu.vector_load %arg10[%swap3A_1658, %swap3A_1659, %swap3A_1660] {strides = array<i32>} : memref<2x16x128xf32, #tpu.memory_space<vmem>>, vector<16xf32>,
      tpu.vector_store %arg10[%swap3A_1658, %swap3A_1659, %swap3A_1660], %mul3A_1656 {strides = array<i32>} : memref<2x16x128xf32, #tpu.memory_space<vmem>>, vector<16xf32>,
      %get3A_1662 = arith.constant 8 : i32
      %get3A_1663 = arith.index_cast %rem3A_798 : i32 to index
      %get3A_1664 = arith.index_cast %get3A_1662 : i32 to index
      %get3A_1665 = arith.constant 48 : index
      %get3A_1666 = tpu.vector_load %arg10[%get3A_1663, %get3A_1664, %get3A_1665] {strides = array<i32>} : memref<2x16x128xf32, #tpu.memory_space<vmem>>, vector<16xf32>,
      %mul3A_1667 = arith.mulf %get3A_1666, %gather3A_1628 : vector<16xf32>
      %swap3A_1668 = arith.constant 8 : i32
      %swap3A_1669 = arith.index_cast %rem3A_798 : i32 to index
      %swap3A_1670 = arith.index_cast %swap3A_1668 : i32 to index
      %swap3A_1671 = arith.constant 48 : index
      %swap3A_1672 = tpu.vector_load %arg10[%swap3A_1669, %swap3A_1670, %swap3A_1671] {strides = array<i32>} : memref<2x16x128xf32, #tpu.memory_space<vmem>>, vector<16xf32>,
      tpu.vector_store %arg10[%swap3A_1669, %swap3A_1670, %swap3A_1671], %mul3A_1667 {strides = array<i32>} : memref<2x16x128xf32, #tpu.memory_space<vmem>>, vector<16xf32>,
      %get3A_1673 = arith.constant 8 : i32
      %get3A_1674 = arith.index_cast %rem3A_798 : i32 to index
      %get3A_1675 = arith.index_cast %get3A_1673 : i32 to index
      %get3A_1676 = arith.constant 64 : index
      %get3A_1677 = tpu.vector_load %arg10[%get3A_1674, %get3A_1675, %get3A_1676] {strides = array<i32>} : memref<2x16x128xf32, #tpu.memory_space<vmem>>, vector<16xf32>,
      %mul3A_1678 = arith.mulf %get3A_1677, %gather3A_1628 : vector<16xf32>
      %swap3A_1679 = arith.constant 8 : i32
      %swap3A_1680 = arith.index_cast %rem3A_798 : i32 to index
      %swap3A_1681 = arith.index_cast %swap3A_1679 : i32 to index
      %swap3A_1682 = arith.constant 64 : index
      %swap3A_1683 = tpu.vector_load %arg10[%swap3A_1680, %swap3A_1681, %swap3A_1682] {strides = array<i32>} : memref<2x16x128xf32, #tpu.memory_space<vmem>>, vector<16xf32>,
      tpu.vector_store %arg10[%swap3A_1680, %swap3A_1681, %swap3A_1682], %mul3A_1678 {strides = array<i32>} : memref<2x16x128xf32, #tpu.memory_space<vmem>>, vector<16xf32>,
      %get3A_1684 = arith.constant 8 : i32
      %get3A_1685 = arith.index_cast %rem3A_798 : i32 to index
      %get3A_1686 = arith.index_cast %get3A_1684 : i32 to index
      %get3A_1687 = arith.constant 80 : index
      %get3A_1688 = tpu.vector_load %arg10[%get3A_1685, %get3A_1686, %get3A_1687] {strides = array<i32>} : memref<2x16x128xf32, #tpu.memory_space<vmem>>, vector<16xf32>,
      %mul3A_1689 = arith.mulf %get3A_1688, %gather3A_1628 : vector<16xf32>
      %swap3A_1690 = arith.constant 8 : i32
      %swap3A_1691 = arith.index_cast %rem3A_798 : i32 to index
      %swap3A_1692 = arith.index_cast %swap3A_1690 : i32 to index
      %swap3A_1693 = arith.constant 80 : index
      %swap3A_1694 = tpu.vector_load %arg10[%swap3A_1691, %swap3A_1692, %swap3A_1693] {strides = array<i32>} : memref<2x16x128xf32, #tpu.memory_space<vmem>>, vector<16xf32>,
      tpu.vector_store %arg10[%swap3A_1691, %swap3A_1692, %swap3A_1693], %mul3A_1689 {strides = array<i32>} : memref<2x16x128xf32, #tpu.memory_space<vmem>>, vector<16xf32>,
      %get3A_1695 = arith.constant 8 : i32
      %get3A_1696 = arith.index_cast %rem3A_798 : i32 to index
      %get3A_1697 = arith.index_cast %get3A_1695 : i32 to index
      %get3A_1698 = arith.constant 96 : index
      %get3A_1699 = tpu.vector_load %arg10[%get3A_1696, %get3A_1697, %get3A_1698] {strides = array<i32>} : memref<2x16x128xf32, #tpu.memory_space<vmem>>, vector<16xf32>,
      %mul3A_1700 = arith.mulf %get3A_1699, %gather3A_1628 : vector<16xf32>
      %swap3A_1701 = arith.constant 8 : i32
      %swap3A_1702 = arith.index_cast %rem3A_798 : i32 to index
      %swap3A_1703 = arith.index_cast %swap3A_1701 : i32 to index
      %swap3A_1704 = arith.constant 96 : index
      %swap3A_1705 = tpu.vector_load %arg10[%swap3A_1702, %swap3A_1703, %swap3A_1704] {strides = array<i32>} : memref<2x16x128xf32, #tpu.memory_space<vmem>>, vector<16xf32>,
      tpu.vector_store %arg10[%swap3A_1702, %swap3A_1703, %swap3A_1704], %mul3A_1700 {strides = array<i32>} : memref<2x16x128xf32, #tpu.memory_space<vmem>>, vector<16xf32>,
      %get3A_1706 = arith.constant 8 : i32
      %get3A_1707 = arith.index_cast %rem3A_798 : i32 to index
      %get3A_1708 = arith.index_cast %get3A_1706 : i32 to index
      %get3A_1709 = arith.constant 112 : index
      %get3A_1710 = tpu.vector_load %arg10[%get3A_1707, %get3A_1708, %get3A_1709] {strides = array<i32>} : memref<2x16x128xf32, #tpu.memory_space<vmem>>, vector<16xf32>,
      %mul3A_1711 = arith.mulf %get3A_1710, %gather3A_1628 : vector<16xf32>
      %swap3A_1712 = arith.constant 8 : i32
      %swap3A_1713 = arith.index_cast %rem3A_798 : i32 to index
      %swap3A_1714 = arith.index_cast %swap3A_1712 : i32 to index
      %swap3A_1715 = arith.constant 112 : index
      %swap3A_1716 = tpu.vector_load %arg10[%swap3A_1713, %swap3A_1714, %swap3A_1715] {strides = array<i32>} : memref<2x16x128xf32, #tpu.memory_space<vmem>>, vector<16xf32>,
      tpu.vector_store %arg10[%swap3A_1713, %swap3A_1714, %swap3A_1715], %mul3A_1711 {strides = array<i32>} : memref<2x16x128xf32, #tpu.memory_space<vmem>>, vector<16xf32>,
      %broadcast_in_dim3A_1717 = arith.constant 9 : i32
      %broadcast_in_dim3A_1718 = vector.broadcast %broadcast_in_dim3A_1717 : i32 to vector<16xi32>
      %lt3A_1719 = arith.constant 0 : i32
      %lt3A_1720 = vector.broadcast %lt3A_1719 : i32 to vector<16xi32>
      %lt3A_1721 = arith.cmpi slt, %broadcast_in_dim3A_1718, %lt3A_1720 : vector<16xi32>
      %add3A_1722 = arith.constant 16 : i32
      %add3A_1723 = vector.broadcast %add3A_1722 : i32 to vector<16xi32>
      %add3A_1724 = arith.addi %broadcast_in_dim3A_1718, %add3A_1723 : vector<16xi32>
      %select_n3A_1725 = arith.select %lt3A_1721, %add3A_1724, %broadcast_in_dim3A_1718 : vector<16xi1>, vector<16xi32>
      %reshape3A_1726 = vector.shape_cast %select_n3A_1725 : vector<16xi32> to vector<16x1xi32>
      %gather3A_1727 = vector.shape_cast %reshape3A_1726 : vector<16x1xi32> to vector<16xi32>
      %gather3A_1728 = tpu.dynamic_gather %get3A_819[%gather3A_1727] in [0] : vector<16xf32>, vector<16xi32> -> vector<16xf32>
      %get3A_1729 = arith.constant 9 : i32
      %get3A_1730 = arith.index_cast %rem3A_798 : i32 to index
      %get3A_1731 = arith.index_cast %get3A_1729 : i32 to index
      %get3A_1732 = arith.constant 0 : index
      %get3A_1733 = tpu.vector_load %arg10[%get3A_1730, %get3A_1731, %get3A_1732] {strides = array<i32>} : memref<2x16x128xf32, #tpu.memory_space<vmem>>, vector<16xf32>,
      %mul3A_1734 = arith.mulf %get3A_1733, %gather3A_1728 : vector<16xf32>
      %swap3A_1735 = arith.constant 9 : i32
      %swap3A_1736 = arith.index_cast %rem3A_798 : i32 to index
      %swap3A_1737 = arith.index_cast %swap3A_1735 : i32 to index
      %swap3A_1738 = arith.constant 0 : index
      %swap3A_1739 = tpu.vector_load %arg10[%swap3A_1736, %swap3A_1737, %swap3A_1738] {strides = array<i32>} : memref<2x16x128xf32, #tpu.memory_space<vmem>>, vector<16xf32>,
      tpu.vector_store %arg10[%swap3A_1736, %swap3A_1737, %swap3A_1738], %mul3A_1734 {strides = array<i32>} : memref<2x16x128xf32, #tpu.memory_space<vmem>>, vector<16xf32>,
      %get3A_1740 = arith.constant 9 : i32
      %get3A_1741 = arith.index_cast %rem3A_798 : i32 to index
      %get3A_1742 = arith.index_cast %get3A_1740 : i32 to index
      %get3A_1743 = arith.constant 16 : index
      %get3A_1744 = tpu.vector_load %arg10[%get3A_1741, %get3A_1742, %get3A_1743] {strides = array<i32>} : memref<2x16x128xf32, #tpu.memory_space<vmem>>, vector<16xf32>,
      %mul3A_1745 = arith.mulf %get3A_1744, %gather3A_1728 : vector<16xf32>
      %swap3A_1746 = arith.constant 9 : i32
      %swap3A_1747 = arith.index_cast %rem3A_798 : i32 to index
      %swap3A_1748 = arith.index_cast %swap3A_1746 : i32 to index
      %swap3A_1749 = arith.constant 16 : index
      %swap3A_1750 = tpu.vector_load %arg10[%swap3A_1747, %swap3A_1748, %swap3A_1749] {strides = array<i32>} : memref<2x16x128xf32, #tpu.memory_space<vmem>>, vector<16xf32>,
      tpu.vector_store %arg10[%swap3A_1747, %swap3A_1748, %swap3A_1749], %mul3A_1745 {strides = array<i32>} : memref<2x16x128xf32, #tpu.memory_space<vmem>>, vector<16xf32>,
      %get3A_1751 = arith.constant 9 : i32
      %get3A_1752 = arith.index_cast %rem3A_798 : i32 to index
      %get3A_1753 = arith.index_cast %get3A_1751 : i32 to index
      %get3A_1754 = arith.constant 32 : index
      %get3A_1755 = tpu.vector_load %arg10[%get3A_1752, %get3A_1753, %get3A_1754] {strides = array<i32>} : memref<2x16x128xf32, #tpu.memory_space<vmem>>, vector<16xf32>,
      %mul3A_1756 = arith.mulf %get3A_1755, %gather3A_1728 : vector<16xf32>
      %swap3A_1757 = arith.constant 9 : i32
      %swap3A_1758 = arith.index_cast %rem3A_798 : i32 to index
      %swap3A_1759 = arith.index_cast %swap3A_1757 : i32 to index
      %swap3A_1760 = arith.constant 32 : index
      %swap3A_1761 = tpu.vector_load %arg10[%swap3A_1758, %swap3A_1759, %swap3A_1760] {strides = array<i32>} : memref<2x16x128xf32, #tpu.memory_space<vmem>>, vector<16xf32>,
      tpu.vector_store %arg10[%swap3A_1758, %swap3A_1759, %swap3A_1760], %mul3A_1756 {strides = array<i32>} : memref<2x16x128xf32, #tpu.memory_space<vmem>>, vector<16xf32>,
      %get3A_1762 = arith.constant 9 : i32
      %get3A_1763 = arith.index_cast %rem3A_798 : i32 to index
      %get3A_1764 = arith.index_cast %get3A_1762 : i32 to index
      %get3A_1765 = arith.constant 48 : index
      %get3A_1766 = tpu.vector_load %arg10[%get3A_1763, %get3A_1764, %get3A_1765] {strides = array<i32>} : memref<2x16x128xf32, #tpu.memory_space<vmem>>, vector<16xf32>,
      %mul3A_1767 = arith.mulf %get3A_1766, %gather3A_1728 : vector<16xf32>
      %swap3A_1768 = arith.constant 9 : i32
      %swap3A_1769 = arith.index_cast %rem3A_798 : i32 to index
      %swap3A_1770 = arith.index_cast %swap3A_1768 : i32 to index
      %swap3A_1771 = arith.constant 48 : index
      %swap3A_1772 = tpu.vector_load %arg10[%swap3A_1769, %swap3A_1770, %swap3A_1771] {strides = array<i32>} : memref<2x16x128xf32, #tpu.memory_space<vmem>>, vector<16xf32>,
      tpu.vector_store %arg10[%swap3A_1769, %swap3A_1770, %swap3A_1771], %mul3A_1767 {strides = array<i32>} : memref<2x16x128xf32, #tpu.memory_space<vmem>>, vector<16xf32>,
      %get3A_1773 = arith.constant 9 : i32
      %get3A_1774 = arith.index_cast %rem3A_798 : i32 to index
      %get3A_1775 = arith.index_cast %get3A_1773 : i32 to index
      %get3A_1776 = arith.constant 64 : index
      %get3A_1777 = tpu.vector_load %arg10[%get3A_1774, %get3A_1775, %get3A_1776] {strides = array<i32>} : memref<2x16x128xf32, #tpu.memory_space<vmem>>, vector<16xf32>,
      %mul3A_1778 = arith.mulf %get3A_1777, %gather3A_1728 : vector<16xf32>
      %swap3A_1779 = arith.constant 9 : i32
      %swap3A_1780 = arith.index_cast %rem3A_798 : i32 to index
      %swap3A_1781 = arith.index_cast %swap3A_1779 : i32 to index
      %swap3A_1782 = arith.constant 64 : index
      %swap3A_1783 = tpu.vector_load %arg10[%swap3A_1780, %swap3A_1781, %swap3A_1782] {strides = array<i32>} : memref<2x16x128xf32, #tpu.memory_space<vmem>>, vector<16xf32>,
      tpu.vector_store %arg10[%swap3A_1780, %swap3A_1781, %swap3A_1782], %mul3A_1778 {strides = array<i32>} : memref<2x16x128xf32, #tpu.memory_space<vmem>>, vector<16xf32>,
      %get3A_1784 = arith.constant 9 : i32
      %get3A_1785 = arith.index_cast %rem3A_798 : i32 to index
      %get3A_1786 = arith.index_cast %get3A_1784 : i32 to index
      %get3A_1787 = arith.constant 80 : index
      %get3A_1788 = tpu.vector_load %arg10[%get3A_1785, %get3A_1786, %get3A_1787] {strides = array<i32>} : memref<2x16x128xf32, #tpu.memory_space<vmem>>, vector<16xf32>,
      %mul3A_1789 = arith.mulf %get3A_1788, %gather3A_1728 : vector<16xf32>
      %swap3A_1790 = arith.constant 9 : i32
      %swap3A_1791 = arith.index_cast %rem3A_798 : i32 to index
      %swap3A_1792 = arith.index_cast %swap3A_1790 : i32 to index
      %swap3A_1793 = arith.constant 80 : index
      %swap3A_1794 = tpu.vector_load %arg10[%swap3A_1791, %swap3A_1792, %swap3A_1793] {strides = array<i32>} : memref<2x16x128xf32, #tpu.memory_space<vmem>>, vector<16xf32>,
      tpu.vector_store %arg10[%swap3A_1791, %swap3A_1792, %swap3A_1793], %mul3A_1789 {strides = array<i32>} : memref<2x16x128xf32, #tpu.memory_space<vmem>>, vector<16xf32>,
      %get3A_1795 = arith.constant 9 : i32
      %get3A_1796 = arith.index_cast %rem3A_798 : i32 to index
      %get3A_1797 = arith.index_cast %get3A_1795 : i32 to index
      %get3A_1798 = arith.constant 96 : index
      %get3A_1799 = tpu.vector_load %arg10[%get3A_1796, %get3A_1797, %get3A_1798] {strides = array<i32>} : memref<2x16x128xf32, #tpu.memory_space<vmem>>, vector<16xf32>,
      %mul3A_1800 = arith.mulf %get3A_1799, %gather3A_1728 : vector<16xf32>
      %swap3A_1801 = arith.constant 9 : i32
      %swap3A_1802 = arith.index_cast %rem3A_798 : i32 to index
      %swap3A_1803 = arith.index_cast %swap3A_1801 : i32 to index
      %swap3A_1804 = arith.constant 96 : index
      %swap3A_1805 = tpu.vector_load %arg10[%swap3A_1802, %swap3A_1803, %swap3A_1804] {strides = array<i32>} : memref<2x16x128xf32, #tpu.memory_space<vmem>>, vector<16xf32>,
      tpu.vector_store %arg10[%swap3A_1802, %swap3A_1803, %swap3A_1804], %mul3A_1800 {strides = array<i32>} : memref<2x16x128xf32, #tpu.memory_space<vmem>>, vector<16xf32>,
      %get3A_1806 = arith.constant 9 : i32
      %get3A_1807 = arith.index_cast %rem3A_798 : i32 to index
      %get3A_1808 = arith.index_cast %get3A_1806 : i32 to index
      %get3A_1809 = arith.constant 112 : index
      %get3A_1810 = tpu.vector_load %arg10[%get3A_1807, %get3A_1808, %get3A_1809] {strides = array<i32>} : memref<2x16x128xf32, #tpu.memory_space<vmem>>, vector<16xf32>,
      %mul3A_1811 = arith.mulf %get3A_1810, %gather3A_1728 : vector<16xf32>
      %swap3A_1812 = arith.constant 9 : i32
      %swap3A_1813 = arith.index_cast %rem3A_798 : i32 to index
      %swap3A_1814 = arith.index_cast %swap3A_1812 : i32 to index
      %swap3A_1815 = arith.constant 112 : index
      %swap3A_1816 = tpu.vector_load %arg10[%swap3A_1813, %swap3A_1814, %swap3A_1815] {strides = array<i32>} : memref<2x16x128xf32, #tpu.memory_space<vmem>>, vector<16xf32>,
      tpu.vector_store %arg10[%swap3A_1813, %swap3A_1814, %swap3A_1815], %mul3A_1811 {strides = array<i32>} : memref<2x16x128xf32, #tpu.memory_space<vmem>>, vector<16xf32>,
      %broadcast_in_dim3A_1817 = arith.constant 10 : i32
      %broadcast_in_dim3A_1818 = vector.broadcast %broadcast_in_dim3A_1817 : i32 to vector<16xi32>
      %lt3A_1819 = arith.constant 0 : i32
      %lt3A_1820 = vector.broadcast %lt3A_1819 : i32 to vector<16xi32>
      %lt3A_1821 = arith.cmpi slt, %broadcast_in_dim3A_1818, %lt3A_1820 : vector<16xi32>
      %add3A_1822 = arith.constant 16 : i32
      %add3A_1823 = vector.broadcast %add3A_1822 : i32 to vector<16xi32>
      %add3A_1824 = arith.addi %broadcast_in_dim3A_1818, %add3A_1823 : vector<16xi32>
      %select_n3A_1825 = arith.select %lt3A_1821, %add3A_1824, %broadcast_in_dim3A_1818 : vector<16xi1>, vector<16xi32>
      %reshape3A_1826 = vector.shape_cast %select_n3A_1825 : vector<16xi32> to vector<16x1xi32>
      %gather3A_1827 = vector.shape_cast %reshape3A_1826 : vector<16x1xi32> to vector<16xi32>
      %gather3A_1828 = tpu.dynamic_gather %get3A_819[%gather3A_1827] in [0] : vector<16xf32>, vector<16xi32> -> vector<16xf32>
      %get3A_1829 = arith.constant 10 : i32
      %get3A_1830 = arith.index_cast %rem3A_798 : i32 to index
      %get3A_1831 = arith.index_cast %get3A_1829 : i32 to index
      %get3A_1832 = arith.constant 0 : index
      %get3A_1833 = tpu.vector_load %arg10[%get3A_1830, %get3A_1831, %get3A_1832] {strides = array<i32>} : memref<2x16x128xf32, #tpu.memory_space<vmem>>, vector<16xf32>,
      %mul3A_1834 = arith.mulf %get3A_1833, %gather3A_1828 : vector<16xf32>
      %swap3A_1835 = arith.constant 10 : i32
      %swap3A_1836 = arith.index_cast %rem3A_798 : i32 to index
      %swap3A_1837 = arith.index_cast %swap3A_1835 : i32 to index
      %swap3A_1838 = arith.constant 0 : index
      %swap3A_1839 = tpu.vector_load %arg10[%swap3A_1836, %swap3A_1837, %swap3A_1838] {strides = array<i32>} : memref<2x16x128xf32, #tpu.memory_space<vmem>>, vector<16xf32>,
      tpu.vector_store %arg10[%swap3A_1836, %swap3A_1837, %swap3A_1838], %mul3A_1834 {strides = array<i32>} : memref<2x16x128xf32, #tpu.memory_space<vmem>>, vector<16xf32>,
      %get3A_1840 = arith.constant 10 : i32
      %get3A_1841 = arith.index_cast %rem3A_798 : i32 to index
      %get3A_1842 = arith.index_cast %get3A_1840 : i32 to index
      %get3A_1843 = arith.constant 16 : index
      %get3A_1844 = tpu.vector_load %arg10[%get3A_1841, %get3A_1842, %get3A_1843] {strides = array<i32>} : memref<2x16x128xf32, #tpu.memory_space<vmem>>, vector<16xf32>,
      %mul3A_1845 = arith.mulf %get3A_1844, %gather3A_1828 : vector<16xf32>
      %swap3A_1846 = arith.constant 10 : i32
      %swap3A_1847 = arith.index_cast %rem3A_798 : i32 to index
      %swap3A_1848 = arith.index_cast %swap3A_1846 : i32 to index
      %swap3A_1849 = arith.constant 16 : index
      %swap3A_1850 = tpu.vector_load %arg10[%swap3A_1847, %swap3A_1848, %swap3A_1849] {strides = array<i32>} : memref<2x16x128xf32, #tpu.memory_space<vmem>>, vector<16xf32>,
      tpu.vector_store %arg10[%swap3A_1847, %swap3A_1848, %swap3A_1849], %mul3A_1845 {strides = array<i32>} : memref<2x16x128xf32, #tpu.memory_space<vmem>>, vector<16xf32>,
      %get3A_1851 = arith.constant 10 : i32
      %get3A_1852 = arith.index_cast %rem3A_798 : i32 to index
      %get3A_1853 = arith.index_cast %get3A_1851 : i32 to index
      %get3A_1854 = arith.constant 32 : index
      %get3A_1855 = tpu.vector_load %arg10[%get3A_1852, %get3A_1853, %get3A_1854] {strides = array<i32>} : memref<2x16x128xf32, #tpu.memory_space<vmem>>, vector<16xf32>,
      %mul3A_1856 = arith.mulf %get3A_1855, %gather3A_1828 : vector<16xf32>
      %swap3A_1857 = arith.constant 10 : i32
      %swap3A_1858 = arith.index_cast %rem3A_798 : i32 to index
      %swap3A_1859 = arith.index_cast %swap3A_1857 : i32 to index
      %swap3A_1860 = arith.constant 32 : index
      %swap3A_1861 = tpu.vector_load %arg10[%swap3A_1858, %swap3A_1859, %swap3A_1860] {strides = array<i32>} : memref<2x16x128xf32, #tpu.memory_space<vmem>>, vector<16xf32>,
      tpu.vector_store %arg10[%swap3A_1858, %swap3A_1859, %swap3A_1860], %mul3A_1856 {strides = array<i32>} : memref<2x16x128xf32, #tpu.memory_space<vmem>>, vector<16xf32>,
      %get3A_1862 = arith.constant 10 : i32
      %get3A_1863 = arith.index_cast %rem3A_798 : i32 to index
      %get3A_1864 = arith.index_cast %get3A_1862 : i32 to index
      %get3A_1865 = arith.constant 48 : index
      %get3A_1866 = tpu.vector_load %arg10[%get3A_1863, %get3A_1864, %get3A_1865] {strides = array<i32>} : memref<2x16x128xf32, #tpu.memory_space<vmem>>, vector<16xf32>,
      %mul3A_1867 = arith.mulf %get3A_1866, %gather3A_1828 : vector<16xf32>
      %swap3A_1868 = arith.constant 10 : i32
      %swap3A_1869 = arith.index_cast %rem3A_798 : i32 to index
      %swap3A_1870 = arith.index_cast %swap3A_1868 : i32 to index
      %swap3A_1871 = arith.constant 48 : index
      %swap3A_1872 = tpu.vector_load %arg10[%swap3A_1869, %swap3A_1870, %swap3A_1871] {strides = array<i32>} : memref<2x16x128xf32, #tpu.memory_space<vmem>>, vector<16xf32>,
      tpu.vector_store %arg10[%swap3A_1869, %swap3A_1870, %swap3A_1871], %mul3A_1867 {strides = array<i32>} : memref<2x16x128xf32, #tpu.memory_space<vmem>>, vector<16xf32>,
      %get3A_1873 = arith.constant 10 : i32
      %get3A_1874 = arith.index_cast %rem3A_798 : i32 to index
      %get3A_1875 = arith.index_cast %get3A_1873 : i32 to index
      %get3A_1876 = arith.constant 64 : index
      %get3A_1877 = tpu.vector_load %arg10[%get3A_1874, %get3A_1875, %get3A_1876] {strides = array<i32>} : memref<2x16x128xf32, #tpu.memory_space<vmem>>, vector<16xf32>,
      %mul3A_1878 = arith.mulf %get3A_1877, %gather3A_1828 : vector<16xf32>
      %swap3A_1879 = arith.constant 10 : i32
      %swap3A_1880 = arith.index_cast %rem3A_798 : i32 to index
      %swap3A_1881 = arith.index_cast %swap3A_1879 : i32 to index
      %swap3A_1882 = arith.constant 64 : index
      %swap3A_1883 = tpu.vector_load %arg10[%swap3A_1880, %swap3A_1881, %swap3A_1882] {strides = array<i32>} : memref<2x16x128xf32, #tpu.memory_space<vmem>>, vector<16xf32>,
      tpu.vector_store %arg10[%swap3A_1880, %swap3A_1881, %swap3A_1882], %mul3A_1878 {strides = array<i32>} : memref<2x16x128xf32, #tpu.memory_space<vmem>>, vector<16xf32>,
      %get3A_1884 = arith.constant 10 : i32
      %get3A_1885 = arith.index_cast %rem3A_798 : i32 to index
      %get3A_1886 = arith.index_cast %get3A_1884 : i32 to index
      %get3A_1887 = arith.constant 80 : index
      %get3A_1888 = tpu.vector_load %arg10[%get3A_1885, %get3A_1886, %get3A_1887] {strides = array<i32>} : memref<2x16x128xf32, #tpu.memory_space<vmem>>, vector<16xf32>,
      %mul3A_1889 = arith.mulf %get3A_1888, %gather3A_1828 : vector<16xf32>
      %swap3A_1890 = arith.constant 10 : i32
      %swap3A_1891 = arith.index_cast %rem3A_798 : i32 to index
      %swap3A_1892 = arith.index_cast %swap3A_1890 : i32 to index
      %swap3A_1893 = arith.constant 80 : index
      %swap3A_1894 = tpu.vector_load %arg10[%swap3A_1891, %swap3A_1892, %swap3A_1893] {strides = array<i32>} : memref<2x16x128xf32, #tpu.memory_space<vmem>>, vector<16xf32>,
      tpu.vector_store %arg10[%swap3A_1891, %swap3A_1892, %swap3A_1893], %mul3A_1889 {strides = array<i32>} : memref<2x16x128xf32, #tpu.memory_space<vmem>>, vector<16xf32>,
      %get3A_1895 = arith.constant 10 : i32
      %get3A_1896 = arith.index_cast %rem3A_798 : i32 to index
      %get3A_1897 = arith.index_cast %get3A_1895 : i32 to index
      %get3A_1898 = arith.constant 96 : index
      %get3A_1899 = tpu.vector_load %arg10[%get3A_1896, %get3A_1897, %get3A_1898] {strides = array<i32>} : memref<2x16x128xf32, #tpu.memory_space<vmem>>, vector<16xf32>,
      %mul3A_1900 = arith.mulf %get3A_1899, %gather3A_1828 : vector<16xf32>
      %swap3A_1901 = arith.constant 10 : i32
      %swap3A_1902 = arith.index_cast %rem3A_798 : i32 to index
      %swap3A_1903 = arith.index_cast %swap3A_1901 : i32 to index
      %swap3A_1904 = arith.constant 96 : index
      %swap3A_1905 = tpu.vector_load %arg10[%swap3A_1902, %swap3A_1903, %swap3A_1904] {strides = array<i32>} : memref<2x16x128xf32, #tpu.memory_space<vmem>>, vector<16xf32>,
      tpu.vector_store %arg10[%swap3A_1902, %swap3A_1903, %swap3A_1904], %mul3A_1900 {strides = array<i32>} : memref<2x16x128xf32, #tpu.memory_space<vmem>>, vector<16xf32>,
      %get3A_1906 = arith.constant 10 : i32
      %get3A_1907 = arith.index_cast %rem3A_798 : i32 to index
      %get3A_1908 = arith.index_cast %get3A_1906 : i32 to index
      %get3A_1909 = arith.constant 112 : index
      %get3A_1910 = tpu.vector_load %arg10[%get3A_1907, %get3A_1908, %get3A_1909] {strides = array<i32>} : memref<2x16x128xf32, #tpu.memory_space<vmem>>, vector<16xf32>,
      %mul3A_1911 = arith.mulf %get3A_1910, %gather3A_1828 : vector<16xf32>
      %swap3A_1912 = arith.constant 10 : i32
      %swap3A_1913 = arith.index_cast %rem3A_798 : i32 to index
      %swap3A_1914 = arith.index_cast %swap3A_1912 : i32 to index
      %swap3A_1915 = arith.constant 112 : index
      %swap3A_1916 = tpu.vector_load %arg10[%swap3A_1913, %swap3A_1914, %swap3A_1915] {strides = array<i32>} : memref<2x16x128xf32, #tpu.memory_space<vmem>>, vector<16xf32>,
      tpu.vector_store %arg10[%swap3A_1913, %swap3A_1914, %swap3A_1915], %mul3A_1911 {strides = array<i32>} : memref<2x16x128xf32, #tpu.memory_space<vmem>>, vector<16xf32>,
      %broadcast_in_dim3A_1917 = arith.constant 11 : i32
      %broadcast_in_dim3A_1918 = vector.broadcast %broadcast_in_dim3A_1917 : i32 to vector<16xi32>
      %lt3A_1919 = arith.constant 0 : i32
      %lt3A_1920 = vector.broadcast %lt3A_1919 : i32 to vector<16xi32>
      %lt3A_1921 = arith.cmpi slt, %broadcast_in_dim3A_1918, %lt3A_1920 : vector<16xi32>
      %add3A_1922 = arith.constant 16 : i32
      %add3A_1923 = vector.broadcast %add3A_1922 : i32 to vector<16xi32>
      %add3A_1924 = arith.addi %broadcast_in_dim3A_1918, %add3A_1923 : vector<16xi32>
      %select_n3A_1925 = arith.select %lt3A_1921, %add3A_1924, %broadcast_in_dim3A_1918 : vector<16xi1>, vector<16xi32>
      %reshape3A_1926 = vector.shape_cast %select_n3A_1925 : vector<16xi32> to vector<16x1xi32>
      %gather3A_1927 = vector.shape_cast %reshape3A_1926 : vector<16x1xi32> to vector<16xi32>
      %gather3A_1928 = tpu.dynamic_gather %get3A_819[%gather3A_1927] in [0] : vector<16xf32>, vector<16xi32> -> vector<16xf32>
      %get3A_1929 = arith.constant 11 : i32
      %get3A_1930 = arith.index_cast %rem3A_798 : i32 to index
      %get3A_1931 = arith.index_cast %get3A_1929 : i32 to index
      %get3A_1932 = arith.constant 0 : index
      %get3A_1933 = tpu.vector_load %arg10[%get3A_1930, %get3A_1931, %get3A_1932] {strides = array<i32>} : memref<2x16x128xf32, #tpu.memory_space<vmem>>, vector<16xf32>,
      %mul3A_1934 = arith.mulf %get3A_1933, %gather3A_1928 : vector<16xf32>
      %swap3A_1935 = arith.constant 11 : i32
      %swap3A_1936 = arith.index_cast %rem3A_798 : i32 to index
      %swap3A_1937 = arith.index_cast %swap3A_1935 : i32 to index
      %swap3A_1938 = arith.constant 0 : index
      %swap3A_1939 = tpu.vector_load %arg10[%swap3A_1936, %swap3A_1937, %swap3A_1938] {strides = array<i32>} : memref<2x16x128xf32, #tpu.memory_space<vmem>>, vector<16xf32>,
      tpu.vector_store %arg10[%swap3A_1936, %swap3A_1937, %swap3A_1938], %mul3A_1934 {strides = array<i32>} : memref<2x16x128xf32, #tpu.memory_space<vmem>>, vector<16xf32>,
      %get3A_1940 = arith.constant 11 : i32
      %get3A_1941 = arith.index_cast %rem3A_798 : i32 to index
      %get3A_1942 = arith.index_cast %get3A_1940 : i32 to index
      %get3A_1943 = arith.constant 16 : index
      %get3A_1944 = tpu.vector_load %arg10[%get3A_1941, %get3A_1942, %get3A_1943] {strides = array<i32>} : memref<2x16x128xf32, #tpu.memory_space<vmem>>, vector<16xf32>,
      %mul3A_1945 = arith.mulf %get3A_1944, %gather3A_1928 : vector<16xf32>
      %swap3A_1946 = arith.constant 11 : i32
      %swap3A_1947 = arith.index_cast %rem3A_798 : i32 to index
      %swap3A_1948 = arith.index_cast %swap3A_1946 : i32 to index
      %swap3A_1949 = arith.constant 16 : index
      %swap3A_1950 = tpu.vector_load %arg10[%swap3A_1947, %swap3A_1948, %swap3A_1949] {strides = array<i32>} : memref<2x16x128xf32, #tpu.memory_space<vmem>>, vector<16xf32>,
      tpu.vector_store %arg10[%swap3A_1947, %swap3A_1948, %swap3A_1949], %mul3A_1945 {strides = array<i32>} : memref<2x16x128xf32, #tpu.memory_space<vmem>>, vector<16xf32>,
      %get3A_1951 = arith.constant 11 : i32
      %get3A_1952 = arith.index_cast %rem3A_798 : i32 to index
      %get3A_1953 = arith.index_cast %get3A_1951 : i32 to index
      %get3A_1954 = arith.constant 32 : index
      %get3A_1955 = tpu.vector_load %arg10[%get3A_1952, %get3A_1953, %get3A_1954] {strides = array<i32>} : memref<2x16x128xf32, #tpu.memory_space<vmem>>, vector<16xf32>,
      %mul3A_1956 = arith.mulf %get3A_1955, %gather3A_1928 : vector<16xf32>
      %swap3A_1957 = arith.constant 11 : i32
      %swap3A_1958 = arith.index_cast %rem3A_798 : i32 to index
      %swap3A_1959 = arith.index_cast %swap3A_1957 : i32 to index
      %swap3A_1960 = arith.constant 32 : index
      %swap3A_1961 = tpu.vector_load %arg10[%swap3A_1958, %swap3A_1959, %swap3A_1960] {strides = array<i32>} : memref<2x16x128xf32, #tpu.memory_space<vmem>>, vector<16xf32>,
      tpu.vector_store %arg10[%swap3A_1958, %swap3A_1959, %swap3A_1960], %mul3A_1956 {strides = array<i32>} : memref<2x16x128xf32, #tpu.memory_space<vmem>>, vector<16xf32>,
      %get3A_1962 = arith.constant 11 : i32
      %get3A_1963 = arith.index_cast %rem3A_798 : i32 to index
      %get3A_1964 = arith.index_cast %get3A_1962 : i32 to index
      %get3A_1965 = arith.constant 48 : index
      %get3A_1966 = tpu.vector_load %arg10[%get3A_1963, %get3A_1964, %get3A_1965] {strides = array<i32>} : memref<2x16x128xf32, #tpu.memory_space<vmem>>, vector<16xf32>,
      %mul3A_1967 = arith.mulf %get3A_1966, %gather3A_1928 : vector<16xf32>
      %swap3A_1968 = arith.constant 11 : i32
      %swap3A_1969 = arith.index_cast %rem3A_798 : i32 to index
      %swap3A_1970 = arith.index_cast %swap3A_1968 : i32 to index
      %swap3A_1971 = arith.constant 48 : index
      %swap3A_1972 = tpu.vector_load %arg10[%swap3A_1969, %swap3A_1970, %swap3A_1971] {strides = array<i32>} : memref<2x16x128xf32, #tpu.memory_space<vmem>>, vector<16xf32>,
      tpu.vector_store %arg10[%swap3A_1969, %swap3A_1970, %swap3A_1971], %mul3A_1967 {strides = array<i32>} : memref<2x16x128xf32, #tpu.memory_space<vmem>>, vector<16xf32>,
      %get3A_1973 = arith.constant 11 : i32
      %get3A_1974 = arith.index_cast %rem3A_798 : i32 to index
      %get3A_1975 = arith.index_cast %get3A_1973 : i32 to index
      %get3A_1976 = arith.constant 64 : index
      %get3A_1977 = tpu.vector_load %arg10[%get3A_1974, %get3A_1975, %get3A_1976] {strides = array<i32>} : memref<2x16x128xf32, #tpu.memory_space<vmem>>, vector<16xf32>,
      %mul3A_1978 = arith.mulf %get3A_1977, %gather3A_1928 : vector<16xf32>
      %swap3A_1979 = arith.constant 11 : i32
      %swap3A_1980 = arith.index_cast %rem3A_798 : i32 to index
      %swap3A_1981 = arith.index_cast %swap3A_1979 : i32 to index
      %swap3A_1982 = arith.constant 64 : index
      %swap3A_1983 = tpu.vector_load %arg10[%swap3A_1980, %swap3A_1981, %swap3A_1982] {strides = array<i32>} : memref<2x16x128xf32, #tpu.memory_space<vmem>>, vector<16xf32>,
      tpu.vector_store %arg10[%swap3A_1980, %swap3A_1981, %swap3A_1982], %mul3A_1978 {strides = array<i32>} : memref<2x16x128xf32, #tpu.memory_space<vmem>>, vector<16xf32>,
      %get3A_1984 = arith.constant 11 : i32
      %get3A_1985 = arith.index_cast %rem3A_798 : i32 to index
      %get3A_1986 = arith.index_cast %get3A_1984 : i32 to index
      %get3A_1987 = arith.constant 80 : index
      %get3A_1988 = tpu.vector_load %arg10[%get3A_1985, %get3A_1986, %get3A_1987] {strides = array<i32>} : memref<2x16x128xf32, #tpu.memory_space<vmem>>, vector<16xf32>,
      %mul3A_1989 = arith.mulf %get3A_1988, %gather3A_1928 : vector<16xf32>
      %swap3A_1990 = arith.constant 11 : i32
      %swap3A_1991 = arith.index_cast %rem3A_798 : i32 to index
      %swap3A_1992 = arith.index_cast %swap3A_1990 : i32 to index
      %swap3A_1993 = arith.constant 80 : index
      %swap3A_1994 = tpu.vector_load %arg10[%swap3A_1991, %swap3A_1992, %swap3A_1993] {strides = array<i32>} : memref<2x16x128xf32, #tpu.memory_space<vmem>>, vector<16xf32>,
      tpu.vector_store %arg10[%swap3A_1991, %swap3A_1992, %swap3A_1993], %mul3A_1989 {strides = array<i32>} : memref<2x16x128xf32, #tpu.memory_space<vmem>>, vector<16xf32>,
      %get3A_1995 = arith.constant 11 : i32
      %get3A_1996 = arith.index_cast %rem3A_798 : i32 to index
      %get3A_1997 = arith.index_cast %get3A_1995 : i32 to index
      %get3A_1998 = arith.constant 96 : index
      %get3A_1999 = tpu.vector_load %arg10[%get3A_1996, %get3A_1997, %get3A_1998] {strides = array<i32>} : memref<2x16x128xf32, #tpu.memory_space<vmem>>, vector<16xf32>,
      %mul3A_2000 = arith.mulf %get3A_1999, %gather3A_1928 : vector<16xf32>
      %swap3A_2001 = arith.constant 11 : i32
      %swap3A_2002 = arith.index_cast %rem3A_798 : i32 to index
      %swap3A_2003 = arith.index_cast %swap3A_2001 : i32 to index
      %swap3A_2004 = arith.constant 96 : index
      %swap3A_2005 = tpu.vector_load %arg10[%swap3A_2002, %swap3A_2003, %swap3A_2004] {strides = array<i32>} : memref<2x16x128xf32, #tpu.memory_space<vmem>>, vector<16xf32>,
      tpu.vector_store %arg10[%swap3A_2002, %swap3A_2003, %swap3A_2004], %mul3A_2000 {strides = array<i32>} : memref<2x16x128xf32, #tpu.memory_space<vmem>>, vector<16xf32>,
      %get3A_2006 = arith.constant 11 : i32
      %get3A_2007 = arith.index_cast %rem3A_798 : i32 to index
      %get3A_2008 = arith.index_cast %get3A_2006 : i32 to index
      %get3A_2009 = arith.constant 112 : index
      %get3A_2010 = tpu.vector_load %arg10[%get3A_2007, %get3A_2008, %get3A_2009] {strides = array<i32>} : memref<2x16x128xf32, #tpu.memory_space<vmem>>, vector<16xf32>,
      %mul3A_2011 = arith.mulf %get3A_2010, %gather3A_1928 : vector<16xf32>
      %swap3A_2012 = arith.constant 11 : i32
      %swap3A_2013 = arith.index_cast %rem3A_798 : i32 to index
      %swap3A_2014 = arith.index_cast %swap3A_2012 : i32 to index
      %swap3A_2015 = arith.constant 112 : index
      %swap3A_2016 = tpu.vector_load %arg10[%swap3A_2013, %swap3A_2014, %swap3A_2015] {strides = array<i32>} : memref<2x16x128xf32, #tpu.memory_space<vmem>>, vector<16xf32>,
      tpu.vector_store %arg10[%swap3A_2013, %swap3A_2014, %swap3A_2015], %mul3A_2011 {strides = array<i32>} : memref<2x16x128xf32, #tpu.memory_space<vmem>>, vector<16xf32>,
      %broadcast_in_dim3A_2017 = arith.constant 12 : i32
      %broadcast_in_dim3A_2018 = vector.broadcast %broadcast_in_dim3A_2017 : i32 to vector<16xi32>
      %lt3A_2019 = arith.constant 0 : i32
      %lt3A_2020 = vector.broadcast %lt3A_2019 : i32 to vector<16xi32>
      %lt3A_2021 = arith.cmpi slt, %broadcast_in_dim3A_2018, %lt3A_2020 : vector<16xi32>
      %add3A_2022 = arith.constant 16 : i32
      %add3A_2023 = vector.broadcast %add3A_2022 : i32 to vector<16xi32>
      %add3A_2024 = arith.addi %broadcast_in_dim3A_2018, %add3A_2023 : vector<16xi32>
      %select_n3A_2025 = arith.select %lt3A_2021, %add3A_2024, %broadcast_in_dim3A_2018 : vector<16xi1>, vector<16xi32>
      %reshape3A_2026 = vector.shape_cast %select_n3A_2025 : vector<16xi32> to vector<16x1xi32>
      %gather3A_2027 = vector.shape_cast %reshape3A_2026 : vector<16x1xi32> to vector<16xi32>
      %gather3A_2028 = tpu.dynamic_gather %get3A_819[%gather3A_2027] in [0] : vector<16xf32>, vector<16xi32> -> vector<16xf32>
      %get3A_2029 = arith.constant 12 : i32
      %get3A_2030 = arith.index_cast %rem3A_798 : i32 to index
      %get3A_2031 = arith.index_cast %get3A_2029 : i32 to index
      %get3A_2032 = arith.constant 0 : index
      %get3A_2033 = tpu.vector_load %arg10[%get3A_2030, %get3A_2031, %get3A_2032] {strides = array<i32>} : memref<2x16x128xf32, #tpu.memory_space<vmem>>, vector<16xf32>,
      %mul3A_2034 = arith.mulf %get3A_2033, %gather3A_2028 : vector<16xf32>
      %swap3A_2035 = arith.constant 12 : i32
      %swap3A_2036 = arith.index_cast %rem3A_798 : i32 to index
      %swap3A_2037 = arith.index_cast %swap3A_2035 : i32 to index
      %swap3A_2038 = arith.constant 0 : index
      %swap3A_2039 = tpu.vector_load %arg10[%swap3A_2036, %swap3A_2037, %swap3A_2038] {strides = array<i32>} : memref<2x16x128xf32, #tpu.memory_space<vmem>>, vector<16xf32>,
      tpu.vector_store %arg10[%swap3A_2036, %swap3A_2037, %swap3A_2038], %mul3A_2034 {strides = array<i32>} : memref<2x16x128xf32, #tpu.memory_space<vmem>>, vector<16xf32>,
      %get3A_2040 = arith.constant 12 : i32
      %get3A_2041 = arith.index_cast %rem3A_798 : i32 to index
      %get3A_2042 = arith.index_cast %get3A_2040 : i32 to index
      %get3A_2043 = arith.constant 16 : index
      %get3A_2044 = tpu.vector_load %arg10[%get3A_2041, %get3A_2042, %get3A_2043] {strides = array<i32>} : memref<2x16x128xf32, #tpu.memory_space<vmem>>, vector<16xf32>,
      %mul3A_2045 = arith.mulf %get3A_2044, %gather3A_2028 : vector<16xf32>
      %swap3A_2046 = arith.constant 12 : i32
      %swap3A_2047 = arith.index_cast %rem3A_798 : i32 to index
      %swap3A_2048 = arith.index_cast %swap3A_2046 : i32 to index
      %swap3A_2049 = arith.constant 16 : index
      %swap3A_2050 = tpu.vector_load %arg10[%swap3A_2047, %swap3A_2048, %swap3A_2049] {strides = array<i32>} : memref<2x16x128xf32, #tpu.memory_space<vmem>>, vector<16xf32>,
      tpu.vector_store %arg10[%swap3A_2047, %swap3A_2048, %swap3A_2049], %mul3A_2045 {strides = array<i32>} : memref<2x16x128xf32, #tpu.memory_space<vmem>>, vector<16xf32>,
      %get3A_2051 = arith.constant 12 : i32
      %get3A_2052 = arith.index_cast %rem3A_798 : i32 to index
      %get3A_2053 = arith.index_cast %get3A_2051 : i32 to index
      %get3A_2054 = arith.constant 32 : index
      %get3A_2055 = tpu.vector_load %arg10[%get3A_2052, %get3A_2053, %get3A_2054] {strides = array<i32>} : memref<2x16x128xf32, #tpu.memory_space<vmem>>, vector<16xf32>,
      %mul3A_2056 = arith.mulf %get3A_2055, %gather3A_2028 : vector<16xf32>
      %swap3A_2057 = arith.constant 12 : i32
      %swap3A_2058 = arith.index_cast %rem3A_798 : i32 to index
      %swap3A_2059 = arith.index_cast %swap3A_2057 : i32 to index
      %swap3A_2060 = arith.constant 32 : index
      %swap3A_2061 = tpu.vector_load %arg10[%swap3A_2058, %swap3A_2059, %swap3A_2060] {strides = array<i32>} : memref<2x16x128xf32, #tpu.memory_space<vmem>>, vector<16xf32>,
      tpu.vector_store %arg10[%swap3A_2058, %swap3A_2059, %swap3A_2060], %mul3A_2056 {strides = array<i32>} : memref<2x16x128xf32, #tpu.memory_space<vmem>>, vector<16xf32>,
      %get3A_2062 = arith.constant 12 : i32
      %get3A_2063 = arith.index_cast %rem3A_798 : i32 to index
      %get3A_2064 = arith.index_cast %get3A_2062 : i32 to index
      %get3A_2065 = arith.constant 48 : index
      %get3A_2066 = tpu.vector_load %arg10[%get3A_2063, %get3A_2064, %get3A_2065] {strides = array<i32>} : memref<2x16x128xf32, #tpu.memory_space<vmem>>, vector<16xf32>,
      %mul3A_2067 = arith.mulf %get3A_2066, %gather3A_2028 : vector<16xf32>
      %swap3A_2068 = arith.constant 12 : i32
      %swap3A_2069 = arith.index_cast %rem3A_798 : i32 to index
      %swap3A_2070 = arith.index_cast %swap3A_2068 : i32 to index
      %swap3A_2071 = arith.constant 48 : index
      %swap3A_2072 = tpu.vector_load %arg10[%swap3A_2069, %swap3A_2070, %swap3A_2071] {strides = array<i32>} : memref<2x16x128xf32, #tpu.memory_space<vmem>>, vector<16xf32>,
      tpu.vector_store %arg10[%swap3A_2069, %swap3A_2070, %swap3A_2071], %mul3A_2067 {strides = array<i32>} : memref<2x16x128xf32, #tpu.memory_space<vmem>>, vector<16xf32>,
      %get3A_2073 = arith.constant 12 : i32
      %get3A_2074 = arith.index_cast %rem3A_798 : i32 to index
      %get3A_2075 = arith.index_cast %get3A_2073 : i32 to index
      %get3A_2076 = arith.constant 64 : index
      %get3A_2077 = tpu.vector_load %arg10[%get3A_2074, %get3A_2075, %get3A_2076] {strides = array<i32>} : memref<2x16x128xf32, #tpu.memory_space<vmem>>, vector<16xf32>,
      %mul3A_2078 = arith.mulf %get3A_2077, %gather3A_2028 : vector<16xf32>
      %swap3A_2079 = arith.constant 12 : i32
      %swap3A_2080 = arith.index_cast %rem3A_798 : i32 to index
      %swap3A_2081 = arith.index_cast %swap3A_2079 : i32 to index
      %swap3A_2082 = arith.constant 64 : index
      %swap3A_2083 = tpu.vector_load %arg10[%swap3A_2080, %swap3A_2081, %swap3A_2082] {strides = array<i32>} : memref<2x16x128xf32, #tpu.memory_space<vmem>>, vector<16xf32>,
      tpu.vector_store %arg10[%swap3A_2080, %swap3A_2081, %swap3A_2082], %mul3A_2078 {strides = array<i32>} : memref<2x16x128xf32, #tpu.memory_space<vmem>>, vector<16xf32>,
      %get3A_2084 = arith.constant 12 : i32
      %get3A_2085 = arith.index_cast %rem3A_798 : i32 to index
      %get3A_2086 = arith.index_cast %get3A_2084 : i32 to index
      %get3A_2087 = arith.constant 80 : index
      %get3A_2088 = tpu.vector_load %arg10[%get3A_2085, %get3A_2086, %get3A_2087] {strides = array<i32>} : memref<2x16x128xf32, #tpu.memory_space<vmem>>, vector<16xf32>,
      %mul3A_2089 = arith.mulf %get3A_2088, %gather3A_2028 : vector<16xf32>
      %swap3A_2090 = arith.constant 12 : i32
      %swap3A_2091 = arith.index_cast %rem3A_798 : i32 to index
      %swap3A_2092 = arith.index_cast %swap3A_2090 : i32 to index
      %swap3A_2093 = arith.constant 80 : index
      %swap3A_2094 = tpu.vector_load %arg10[%swap3A_2091, %swap3A_2092, %swap3A_2093] {strides = array<i32>} : memref<2x16x128xf32, #tpu.memory_space<vmem>>, vector<16xf32>,
      tpu.vector_store %arg10[%swap3A_2091, %swap3A_2092, %swap3A_2093], %mul3A_2089 {strides = array<i32>} : memref<2x16x128xf32, #tpu.memory_space<vmem>>, vector<16xf32>,
      %get3A_2095 = arith.constant 12 : i32
      %get3A_2096 = arith.index_cast %rem3A_798 : i32 to index
      %get3A_2097 = arith.index_cast %get3A_2095 : i32 to index
      %get3A_2098 = arith.constant 96 : index
      %get3A_2099 = tpu.vector_load %arg10[%get3A_2096, %get3A_2097, %get3A_2098] {strides = array<i32>} : memref<2x16x128xf32, #tpu.memory_space<vmem>>, vector<16xf32>,
      %mul3A_2100 = arith.mulf %get3A_2099, %gather3A_2028 : vector<16xf32>
      %swap3A_2101 = arith.constant 12 : i32
      %swap3A_2102 = arith.index_cast %rem3A_798 : i32 to index
      %swap3A_2103 = arith.index_cast %swap3A_2101 : i32 to index
      %swap3A_2104 = arith.constant 96 : index
      %swap3A_2105 = tpu.vector_load %arg10[%swap3A_2102, %swap3A_2103, %swap3A_2104] {strides = array<i32>} : memref<2x16x128xf32, #tpu.memory_space<vmem>>, vector<16xf32>,
      tpu.vector_store %arg10[%swap3A_2102, %swap3A_2103, %swap3A_2104], %mul3A_2100 {strides = array<i32>} : memref<2x16x128xf32, #tpu.memory_space<vmem>>, vector<16xf32>,
      %get3A_2106 = arith.constant 12 : i32
      %get3A_2107 = arith.index_cast %rem3A_798 : i32 to index
      %get3A_2108 = arith.index_cast %get3A_2106 : i32 to index
      %get3A_2109 = arith.constant 112 : index
      %get3A_2110 = tpu.vector_load %arg10[%get3A_2107, %get3A_2108, %get3A_2109] {strides = array<i32>} : memref<2x16x128xf32, #tpu.memory_space<vmem>>, vector<16xf32>,
      %mul3A_2111 = arith.mulf %get3A_2110, %gather3A_2028 : vector<16xf32>
      %swap3A_2112 = arith.constant 12 : i32
      %swap3A_2113 = arith.index_cast %rem3A_798 : i32 to index
      %swap3A_2114 = arith.index_cast %swap3A_2112 : i32 to index
      %swap3A_2115 = arith.constant 112 : index
      %swap3A_2116 = tpu.vector_load %arg10[%swap3A_2113, %swap3A_2114, %swap3A_2115] {strides = array<i32>} : memref<2x16x128xf32, #tpu.memory_space<vmem>>, vector<16xf32>,
      tpu.vector_store %arg10[%swap3A_2113, %swap3A_2114, %swap3A_2115], %mul3A_2111 {strides = array<i32>} : memref<2x16x128xf32, #tpu.memory_space<vmem>>, vector<16xf32>,
      %broadcast_in_dim3A_2117 = arith.constant 13 : i32
      %broadcast_in_dim3A_2118 = vector.broadcast %broadcast_in_dim3A_2117 : i32 to vector<16xi32>
      %lt3A_2119 = arith.constant 0 : i32
      %lt3A_2120 = vector.broadcast %lt3A_2119 : i32 to vector<16xi32>
      %lt3A_2121 = arith.cmpi slt, %broadcast_in_dim3A_2118, %lt3A_2120 : vector<16xi32>
      %add3A_2122 = arith.constant 16 : i32
      %add3A_2123 = vector.broadcast %add3A_2122 : i32 to vector<16xi32>
      %add3A_2124 = arith.addi %broadcast_in_dim3A_2118, %add3A_2123 : vector<16xi32>
      %select_n3A_2125 = arith.select %lt3A_2121, %add3A_2124, %broadcast_in_dim3A_2118 : vector<16xi1>, vector<16xi32>
      %reshape3A_2126 = vector.shape_cast %select_n3A_2125 : vector<16xi32> to vector<16x1xi32>
      %gather3A_2127 = vector.shape_cast %reshape3A_2126 : vector<16x1xi32> to vector<16xi32>
      %gather3A_2128 = tpu.dynamic_gather %get3A_819[%gather3A_2127] in [0] : vector<16xf32>, vector<16xi32> -> vector<16xf32>
      %get3A_2129 = arith.constant 13 : i32
      %get3A_2130 = arith.index_cast %rem3A_798 : i32 to index
      %get3A_2131 = arith.index_cast %get3A_2129 : i32 to index
      %get3A_2132 = arith.constant 0 : index
      %get3A_2133 = tpu.vector_load %arg10[%get3A_2130, %get3A_2131, %get3A_2132] {strides = array<i32>} : memref<2x16x128xf32, #tpu.memory_space<vmem>>, vector<16xf32>,
      %mul3A_2134 = arith.mulf %get3A_2133, %gather3A_2128 : vector<16xf32>
      %swap3A_2135 = arith.constant 13 : i32
      %swap3A_2136 = arith.index_cast %rem3A_798 : i32 to index
      %swap3A_2137 = arith.index_cast %swap3A_2135 : i32 to index
      %swap3A_2138 = arith.constant 0 : index
      %swap3A_2139 = tpu.vector_load %arg10[%swap3A_2136, %swap3A_2137, %swap3A_2138] {strides = array<i32>} : memref<2x16x128xf32, #tpu.memory_space<vmem>>, vector<16xf32>,
      tpu.vector_store %arg10[%swap3A_2136, %swap3A_2137, %swap3A_2138], %mul3A_2134 {strides = array<i32>} : memref<2x16x128xf32, #tpu.memory_space<vmem>>, vector<16xf32>,
      %get3A_2140 = arith.constant 13 : i32
      %get3A_2141 = arith.index_cast %rem3A_798 : i32 to index
      %get3A_2142 = arith.index_cast %get3A_2140 : i32 to index
      %get3A_2143 = arith.constant 16 : index
      %get3A_2144 = tpu.vector_load %arg10[%get3A_2141, %get3A_2142, %get3A_2143] {strides = array<i32>} : memref<2x16x128xf32, #tpu.memory_space<vmem>>, vector<16xf32>,
      %mul3A_2145 = arith.mulf %get3A_2144, %gather3A_2128 : vector<16xf32>
      %swap3A_2146 = arith.constant 13 : i32
      %swap3A_2147 = arith.index_cast %rem3A_798 : i32 to index
      %swap3A_2148 = arith.index_cast %swap3A_2146 : i32 to index
      %swap3A_2149 = arith.constant 16 : index
      %swap3A_2150 = tpu.vector_load %arg10[%swap3A_2147, %swap3A_2148, %swap3A_2149] {strides = array<i32>} : memref<2x16x128xf32, #tpu.memory_space<vmem>>, vector<16xf32>,
      tpu.vector_store %arg10[%swap3A_2147, %swap3A_2148, %swap3A_2149], %mul3A_2145 {strides = array<i32>} : memref<2x16x128xf32, #tpu.memory_space<vmem>>, vector<16xf32>,
      %get3A_2151 = arith.constant 13 : i32
      %get3A_2152 = arith.index_cast %rem3A_798 : i32 to index
      %get3A_2153 = arith.index_cast %get3A_2151 : i32 to index
      %get3A_2154 = arith.constant 32 : index
      %get3A_2155 = tpu.vector_load %arg10[%get3A_2152, %get3A_2153, %get3A_2154] {strides = array<i32>} : memref<2x16x128xf32, #tpu.memory_space<vmem>>, vector<16xf32>,
      %mul3A_2156 = arith.mulf %get3A_2155, %gather3A_2128 : vector<16xf32>
      %swap3A_2157 = arith.constant 13 : i32
      %swap3A_2158 = arith.index_cast %rem3A_798 : i32 to index
      %swap3A_2159 = arith.index_cast %swap3A_2157 : i32 to index
      %swap3A_2160 = arith.constant 32 : index
      %swap3A_2161 = tpu.vector_load %arg10[%swap3A_2158, %swap3A_2159, %swap3A_2160] {strides = array<i32>} : memref<2x16x128xf32, #tpu.memory_space<vmem>>, vector<16xf32>,
      tpu.vector_store %arg10[%swap3A_2158, %swap3A_2159, %swap3A_2160], %mul3A_2156 {strides = array<i32>} : memref<2x16x128xf32, #tpu.memory_space<vmem>>, vector<16xf32>,
      %get3A_2162 = arith.constant 13 : i32
      %get3A_2163 = arith.index_cast %rem3A_798 : i32 to index
      %get3A_2164 = arith.index_cast %get3A_2162 : i32 to index
      %get3A_2165 = arith.constant 48 : index
      %get3A_2166 = tpu.vector_load %arg10[%get3A_2163, %get3A_2164, %get3A_2165] {strides = array<i32>} : memref<2x16x128xf32, #tpu.memory_space<vmem>>, vector<16xf32>,
      %mul3A_2167 = arith.mulf %get3A_2166, %gather3A_2128 : vector<16xf32>
      %swap3A_2168 = arith.constant 13 : i32
      %swap3A_2169 = arith.index_cast %rem3A_798 : i32 to index
      %swap3A_2170 = arith.index_cast %swap3A_2168 : i32 to index
      %swap3A_2171 = arith.constant 48 : index
      %swap3A_2172 = tpu.vector_load %arg10[%swap3A_2169, %swap3A_2170, %swap3A_2171] {strides = array<i32>} : memref<2x16x128xf32, #tpu.memory_space<vmem>>, vector<16xf32>,
      tpu.vector_store %arg10[%swap3A_2169, %swap3A_2170, %swap3A_2171], %mul3A_2167 {strides = array<i32>} : memref<2x16x128xf32, #tpu.memory_space<vmem>>, vector<16xf32>,
      %get3A_2173 = arith.constant 13 : i32
      %get3A_2174 = arith.index_cast %rem3A_798 : i32 to index
      %get3A_2175 = arith.index_cast %get3A_2173 : i32 to index
      %get3A_2176 = arith.constant 64 : index
      %get3A_2177 = tpu.vector_load %arg10[%get3A_2174, %get3A_2175, %get3A_2176] {strides = array<i32>} : memref<2x16x128xf32, #tpu.memory_space<vmem>>, vector<16xf32>,
      %mul3A_2178 = arith.mulf %get3A_2177, %gather3A_2128 : vector<16xf32>
      %swap3A_2179 = arith.constant 13 : i32
      %swap3A_2180 = arith.index_cast %rem3A_798 : i32 to index
      %swap3A_2181 = arith.index_cast %swap3A_2179 : i32 to index
      %swap3A_2182 = arith.constant 64 : index
      %swap3A_2183 = tpu.vector_load %arg10[%swap3A_2180, %swap3A_2181, %swap3A_2182] {strides = array<i32>} : memref<2x16x128xf32, #tpu.memory_space<vmem>>, vector<16xf32>,
      tpu.vector_store %arg10[%swap3A_2180, %swap3A_2181, %swap3A_2182], %mul3A_2178 {strides = array<i32>} : memref<2x16x128xf32, #tpu.memory_space<vmem>>, vector<16xf32>,
      %get3A_2184 = arith.constant 13 : i32
      %get3A_2185 = arith.index_cast %rem3A_798 : i32 to index
      %get3A_2186 = arith.index_cast %get3A_2184 : i32 to index
      %get3A_2187 = arith.constant 80 : index
      %get3A_2188 = tpu.vector_load %arg10[%get3A_2185, %get3A_2186, %get3A_2187] {strides = array<i32>} : memref<2x16x128xf32, #tpu.memory_space<vmem>>, vector<16xf32>,
      %mul3A_2189 = arith.mulf %get3A_2188, %gather3A_2128 : vector<16xf32>
      %swap3A_2190 = arith.constant 13 : i32
      %swap3A_2191 = arith.index_cast %rem3A_798 : i32 to index
      %swap3A_2192 = arith.index_cast %swap3A_2190 : i32 to index
      %swap3A_2193 = arith.constant 80 : index
      %swap3A_2194 = tpu.vector_load %arg10[%swap3A_2191, %swap3A_2192, %swap3A_2193] {strides = array<i32>} : memref<2x16x128xf32, #tpu.memory_space<vmem>>, vector<16xf32>,
      tpu.vector_store %arg10[%swap3A_2191, %swap3A_2192, %swap3A_2193], %mul3A_2189 {strides = array<i32>} : memref<2x16x128xf32, #tpu.memory_space<vmem>>, vector<16xf32>,
      %get3A_2195 = arith.constant 13 : i32
      %get3A_2196 = arith.index_cast %rem3A_798 : i32 to index
      %get3A_2197 = arith.index_cast %get3A_2195 : i32 to index
      %get3A_2198 = arith.constant 96 : index
      %get3A_2199 = tpu.vector_load %arg10[%get3A_2196, %get3A_2197, %get3A_2198] {strides = array<i32>} : memref<2x16x128xf32, #tpu.memory_space<vmem>>, vector<16xf32>,
      %mul3A_2200 = arith.mulf %get3A_2199, %gather3A_2128 : vector<16xf32>
      %swap3A_2201 = arith.constant 13 : i32
      %swap3A_2202 = arith.index_cast %rem3A_798 : i32 to index
      %swap3A_2203 = arith.index_cast %swap3A_2201 : i32 to index
      %swap3A_2204 = arith.constant 96 : index
      %swap3A_2205 = tpu.vector_load %arg10[%swap3A_2202, %swap3A_2203, %swap3A_2204] {strides = array<i32>} : memref<2x16x128xf32, #tpu.memory_space<vmem>>, vector<16xf32>,
      tpu.vector_store %arg10[%swap3A_2202, %swap3A_2203, %swap3A_2204], %mul3A_2200 {strides = array<i32>} : memref<2x16x128xf32, #tpu.memory_space<vmem>>, vector<16xf32>,
      %get3A_2206 = arith.constant 13 : i32
      %get3A_2207 = arith.index_cast %rem3A_798 : i32 to index
      %get3A_2208 = arith.index_cast %get3A_2206 : i32 to index
      %get3A_2209 = arith.constant 112 : index
      %get3A_2210 = tpu.vector_load %arg10[%get3A_2207, %get3A_2208, %get3A_2209] {strides = array<i32>} : memref<2x16x128xf32, #tpu.memory_space<vmem>>, vector<16xf32>,
      %mul3A_2211 = arith.mulf %get3A_2210, %gather3A_2128 : vector<16xf32>
      %swap3A_2212 = arith.constant 13 : i32
      %swap3A_2213 = arith.index_cast %rem3A_798 : i32 to index
      %swap3A_2214 = arith.index_cast %swap3A_2212 : i32 to index
      %swap3A_2215 = arith.constant 112 : index
      %swap3A_2216 = tpu.vector_load %arg10[%swap3A_2213, %swap3A_2214, %swap3A_2215] {strides = array<i32>} : memref<2x16x128xf32, #tpu.memory_space<vmem>>, vector<16xf32>,
      tpu.vector_store %arg10[%swap3A_2213, %swap3A_2214, %swap3A_2215], %mul3A_2211 {strides = array<i32>} : memref<2x16x128xf32, #tpu.memory_space<vmem>>, vector<16xf32>,
      %broadcast_in_dim3A_2217 = arith.constant 14 : i32
      %broadcast_in_dim3A_2218 = vector.broadcast %broadcast_in_dim3A_2217 : i32 to vector<16xi32>
      %lt3A_2219 = arith.constant 0 : i32
      %lt3A_2220 = vector.broadcast %lt3A_2219 : i32 to vector<16xi32>
      %lt3A_2221 = arith.cmpi slt, %broadcast_in_dim3A_2218, %lt3A_2220 : vector<16xi32>
      %add3A_2222 = arith.constant 16 : i32
      %add3A_2223 = vector.broadcast %add3A_2222 : i32 to vector<16xi32>
      %add3A_2224 = arith.addi %broadcast_in_dim3A_2218, %add3A_2223 : vector<16xi32>
      %select_n3A_2225 = arith.select %lt3A_2221, %add3A_2224, %broadcast_in_dim3A_2218 : vector<16xi1>, vector<16xi32>
      %reshape3A_2226 = vector.shape_cast %select_n3A_2225 : vector<16xi32> to vector<16x1xi32>
      %gather3A_2227 = vector.shape_cast %reshape3A_2226 : vector<16x1xi32> to vector<16xi32>
      %gather3A_2228 = tpu.dynamic_gather %get3A_819[%gather3A_2227] in [0] : vector<16xf32>, vector<16xi32> -> vector<16xf32>
      %get3A_2229 = arith.constant 14 : i32
      %get3A_2230 = arith.index_cast %rem3A_798 : i32 to index
      %get3A_2231 = arith.index_cast %get3A_2229 : i32 to index
      %get3A_2232 = arith.constant 0 : index
      %get3A_2233 = tpu.vector_load %arg10[%get3A_2230, %get3A_2231, %get3A_2232] {strides = array<i32>} : memref<2x16x128xf32, #tpu.memory_space<vmem>>, vector<16xf32>,
      %mul3A_2234 = arith.mulf %get3A_2233, %gather3A_2228 : vector<16xf32>
      %swap3A_2235 = arith.constant 14 : i32
      %swap3A_2236 = arith.index_cast %rem3A_798 : i32 to index
      %swap3A_2237 = arith.index_cast %swap3A_2235 : i32 to index
      %swap3A_2238 = arith.constant 0 : index
      %swap3A_2239 = tpu.vector_load %arg10[%swap3A_2236, %swap3A_2237, %swap3A_2238] {strides = array<i32>} : memref<2x16x128xf32, #tpu.memory_space<vmem>>, vector<16xf32>,
      tpu.vector_store %arg10[%swap3A_2236, %swap3A_2237, %swap3A_2238], %mul3A_2234 {strides = array<i32>} : memref<2x16x128xf32, #tpu.memory_space<vmem>>, vector<16xf32>,
      %get3A_2240 = arith.constant 14 : i32
      %get3A_2241 = arith.index_cast %rem3A_798 : i32 to index
      %get3A_2242 = arith.index_cast %get3A_2240 : i32 to index
      %get3A_2243 = arith.constant 16 : index
      %get3A_2244 = tpu.vector_load %arg10[%get3A_2241, %get3A_2242, %get3A_2243] {strides = array<i32>} : memref<2x16x128xf32, #tpu.memory_space<vmem>>, vector<16xf32>,
      %mul3A_2245 = arith.mulf %get3A_2244, %gather3A_2228 : vector<16xf32>
      %swap3A_2246 = arith.constant 14 : i32
      %swap3A_2247 = arith.index_cast %rem3A_798 : i32 to index
      %swap3A_2248 = arith.index_cast %swap3A_2246 : i32 to index
      %swap3A_2249 = arith.constant 16 : index
      %swap3A_2250 = tpu.vector_load %arg10[%swap3A_2247, %swap3A_2248, %swap3A_2249] {strides = array<i32>} : memref<2x16x128xf32, #tpu.memory_space<vmem>>, vector<16xf32>,
      tpu.vector_store %arg10[%swap3A_2247, %swap3A_2248, %swap3A_2249], %mul3A_2245 {strides = array<i32>} : memref<2x16x128xf32, #tpu.memory_space<vmem>>, vector<16xf32>,
      %get3A_2251 = arith.constant 14 : i32
      %get3A_2252 = arith.index_cast %rem3A_798 : i32 to index
      %get3A_2253 = arith.index_cast %get3A_2251 : i32 to index
      %get3A_2254 = arith.constant 32 : index
      %get3A_2255 = tpu.vector_load %arg10[%get3A_2252, %get3A_2253, %get3A_2254] {strides = array<i32>} : memref<2x16x128xf32, #tpu.memory_space<vmem>>, vector<16xf32>,
      %mul3A_2256 = arith.mulf %get3A_2255, %gather3A_2228 : vector<16xf32>
      %swap3A_2257 = arith.constant 14 : i32
      %swap3A_2258 = arith.index_cast %rem3A_798 : i32 to index
      %swap3A_2259 = arith.index_cast %swap3A_2257 : i32 to index
      %swap3A_2260 = arith.constant 32 : index
      %swap3A_2261 = tpu.vector_load %arg10[%swap3A_2258, %swap3A_2259, %swap3A_2260] {strides = array<i32>} : memref<2x16x128xf32, #tpu.memory_space<vmem>>, vector<16xf32>,
      tpu.vector_store %arg10[%swap3A_2258, %swap3A_2259, %swap3A_2260], %mul3A_2256 {strides = array<i32>} : memref<2x16x128xf32, #tpu.memory_space<vmem>>, vector<16xf32>,
      %get3A_2262 = arith.constant 14 : i32
      %get3A_2263 = arith.index_cast %rem3A_798 : i32 to index
      %get3A_2264 = arith.index_cast %get3A_2262 : i32 to index
      %get3A_2265 = arith.constant 48 : index
      %get3A_2266 = tpu.vector_load %arg10[%get3A_2263, %get3A_2264, %get3A_2265] {strides = array<i32>} : memref<2x16x128xf32, #tpu.memory_space<vmem>>, vector<16xf32>,
      %mul3A_2267 = arith.mulf %get3A_2266, %gather3A_2228 : vector<16xf32>
      %swap3A_2268 = arith.constant 14 : i32
      %swap3A_2269 = arith.index_cast %rem3A_798 : i32 to index
      %swap3A_2270 = arith.index_cast %swap3A_2268 : i32 to index
      %swap3A_2271 = arith.constant 48 : index
      %swap3A_2272 = tpu.vector_load %arg10[%swap3A_2269, %swap3A_2270, %swap3A_2271] {strides = array<i32>} : memref<2x16x128xf32, #tpu.memory_space<vmem>>, vector<16xf32>,
      tpu.vector_store %arg10[%swap3A_2269, %swap3A_2270, %swap3A_2271], %mul3A_2267 {strides = array<i32>} : memref<2x16x128xf32, #tpu.memory_space<vmem>>, vector<16xf32>,
      %get3A_2273 = arith.constant 14 : i32
      %get3A_2274 = arith.index_cast %rem3A_798 : i32 to index
      %get3A_2275 = arith.index_cast %get3A_2273 : i32 to index
      %get3A_2276 = arith.constant 64 : index
      %get3A_2277 = tpu.vector_load %arg10[%get3A_2274, %get3A_2275, %get3A_2276] {strides = array<i32>} : memref<2x16x128xf32, #tpu.memory_space<vmem>>, vector<16xf32>,
      %mul3A_2278 = arith.mulf %get3A_2277, %gather3A_2228 : vector<16xf32>
      %swap3A_2279 = arith.constant 14 : i32
      %swap3A_2280 = arith.index_cast %rem3A_798 : i32 to index
      %swap3A_2281 = arith.index_cast %swap3A_2279 : i32 to index
      %swap3A_2282 = arith.constant 64 : index
      %swap3A_2283 = tpu.vector_load %arg10[%swap3A_2280, %swap3A_2281, %swap3A_2282] {strides = array<i32>} : memref<2x16x128xf32, #tpu.memory_space<vmem>>, vector<16xf32>,
      tpu.vector_store %arg10[%swap3A_2280, %swap3A_2281, %swap3A_2282], %mul3A_2278 {strides = array<i32>} : memref<2x16x128xf32, #tpu.memory_space<vmem>>, vector<16xf32>,
      %get3A_2284 = arith.constant 14 : i32
      %get3A_2285 = arith.index_cast %rem3A_798 : i32 to index
      %get3A_2286 = arith.index_cast %get3A_2284 : i32 to index
      %get3A_2287 = arith.constant 80 : index
      %get3A_2288 = tpu.vector_load %arg10[%get3A_2285, %get3A_2286, %get3A_2287] {strides = array<i32>} : memref<2x16x128xf32, #tpu.memory_space<vmem>>, vector<16xf32>,
      %mul3A_2289 = arith.mulf %get3A_2288, %gather3A_2228 : vector<16xf32>
      %swap3A_2290 = arith.constant 14 : i32
      %swap3A_2291 = arith.index_cast %rem3A_798 : i32 to index
      %swap3A_2292 = arith.index_cast %swap3A_2290 : i32 to index
      %swap3A_2293 = arith.constant 80 : index
      %swap3A_2294 = tpu.vector_load %arg10[%swap3A_2291, %swap3A_2292, %swap3A_2293] {strides = array<i32>} : memref<2x16x128xf32, #tpu.memory_space<vmem>>, vector<16xf32>,
      tpu.vector_store %arg10[%swap3A_2291, %swap3A_2292, %swap3A_2293], %mul3A_2289 {strides = array<i32>} : memref<2x16x128xf32, #tpu.memory_space<vmem>>, vector<16xf32>,
      %get3A_2295 = arith.constant 14 : i32
      %get3A_2296 = arith.index_cast %rem3A_798 : i32 to index
      %get3A_2297 = arith.index_cast %get3A_2295 : i32 to index
      %get3A_2298 = arith.constant 96 : index
      %get3A_2299 = tpu.vector_load %arg10[%get3A_2296, %get3A_2297, %get3A_2298] {strides = array<i32>} : memref<2x16x128xf32, #tpu.memory_space<vmem>>, vector<16xf32>,
      %mul3A_2300 = arith.mulf %get3A_2299, %gather3A_2228 : vector<16xf32>
      %swap3A_2301 = arith.constant 14 : i32
      %swap3A_2302 = arith.index_cast %rem3A_798 : i32 to index
      %swap3A_2303 = arith.index_cast %swap3A_2301 : i32 to index
      %swap3A_2304 = arith.constant 96 : index
      %swap3A_2305 = tpu.vector_load %arg10[%swap3A_2302, %swap3A_2303, %swap3A_2304] {strides = array<i32>} : memref<2x16x128xf32, #tpu.memory_space<vmem>>, vector<16xf32>,
      tpu.vector_store %arg10[%swap3A_2302, %swap3A_2303, %swap3A_2304], %mul3A_2300 {strides = array<i32>} : memref<2x16x128xf32, #tpu.memory_space<vmem>>, vector<16xf32>,
      %get3A_2306 = arith.constant 14 : i32
      %get3A_2307 = arith.index_cast %rem3A_798 : i32 to index
      %get3A_2308 = arith.index_cast %get3A_2306 : i32 to index
      %get3A_2309 = arith.constant 112 : index
      %get3A_2310 = tpu.vector_load %arg10[%get3A_2307, %get3A_2308, %get3A_2309] {strides = array<i32>} : memref<2x16x128xf32, #tpu.memory_space<vmem>>, vector<16xf32>,
      %mul3A_2311 = arith.mulf %get3A_2310, %gather3A_2228 : vector<16xf32>
      %swap3A_2312 = arith.constant 14 : i32
      %swap3A_2313 = arith.index_cast %rem3A_798 : i32 to index
      %swap3A_2314 = arith.index_cast %swap3A_2312 : i32 to index
      %swap3A_2315 = arith.constant 112 : index
      %swap3A_2316 = tpu.vector_load %arg10[%swap3A_2313, %swap3A_2314, %swap3A_2315] {strides = array<i32>} : memref<2x16x128xf32, #tpu.memory_space<vmem>>, vector<16xf32>,
      tpu.vector_store %arg10[%swap3A_2313, %swap3A_2314, %swap3A_2315], %mul3A_2311 {strides = array<i32>} : memref<2x16x128xf32, #tpu.memory_space<vmem>>, vector<16xf32>,
      %broadcast_in_dim3A_2317 = arith.constant 15 : i32
      %broadcast_in_dim3A_2318 = vector.broadcast %broadcast_in_dim3A_2317 : i32 to vector<16xi32>
      %lt3A_2319 = arith.constant 0 : i32
      %lt3A_2320 = vector.broadcast %lt3A_2319 : i32 to vector<16xi32>
      %lt3A_2321 = arith.cmpi slt, %broadcast_in_dim3A_2318, %lt3A_2320 : vector<16xi32>
      %add3A_2322 = arith.constant 16 : i32
      %add3A_2323 = vector.broadcast %add3A_2322 : i32 to vector<16xi32>
      %add3A_2324 = arith.addi %broadcast_in_dim3A_2318, %add3A_2323 : vector<16xi32>
      %select_n3A_2325 = arith.select %lt3A_2321, %add3A_2324, %broadcast_in_dim3A_2318 : vector<16xi1>, vector<16xi32>
      %reshape3A_2326 = vector.shape_cast %select_n3A_2325 : vector<16xi32> to vector<16x1xi32>
      %gather3A_2327 = vector.shape_cast %reshape3A_2326 : vector<16x1xi32> to vector<16xi32>
      %gather3A_2328 = tpu.dynamic_gather %get3A_819[%gather3A_2327] in [0] : vector<16xf32>, vector<16xi32> -> vector<16xf32>
      %get3A_2329 = arith.constant 15 : i32
      %get3A_2330 = arith.index_cast %rem3A_798 : i32 to index
      %get3A_2331 = arith.index_cast %get3A_2329 : i32 to index
      %get3A_2332 = arith.constant 0 : index
      %get3A_2333 = tpu.vector_load %arg10[%get3A_2330, %get3A_2331, %get3A_2332] {strides = array<i32>} : memref<2x16x128xf32, #tpu.memory_space<vmem>>, vector<16xf32>,
      %mul3A_2334 = arith.mulf %get3A_2333, %gather3A_2328 : vector<16xf32>
      %swap3A_2335 = arith.constant 15 : i32
      %swap3A_2336 = arith.index_cast %rem3A_798 : i32 to index
      %swap3A_2337 = arith.index_cast %swap3A_2335 : i32 to index
      %swap3A_2338 = arith.constant 0 : index
      %swap3A_2339 = tpu.vector_load %arg10[%swap3A_2336, %swap3A_2337, %swap3A_2338] {strides = array<i32>} : memref<2x16x128xf32, #tpu.memory_space<vmem>>, vector<16xf32>,
      tpu.vector_store %arg10[%swap3A_2336, %swap3A_2337, %swap3A_2338], %mul3A_2334 {strides = array<i32>} : memref<2x16x128xf32, #tpu.memory_space<vmem>>, vector<16xf32>,
      %get3A_2340 = arith.constant 15 : i32
      %get3A_2341 = arith.index_cast %rem3A_798 : i32 to index
      %get3A_2342 = arith.index_cast %get3A_2340 : i32 to index
      %get3A_2343 = arith.constant 16 : index
      %get3A_2344 = tpu.vector_load %arg10[%get3A_2341, %get3A_2342, %get3A_2343] {strides = array<i32>} : memref<2x16x128xf32, #tpu.memory_space<vmem>>, vector<16xf32>,
      %mul3A_2345 = arith.mulf %get3A_2344, %gather3A_2328 : vector<16xf32>
      %swap3A_2346 = arith.constant 15 : i32
      %swap3A_2347 = arith.index_cast %rem3A_798 : i32 to index
      %swap3A_2348 = arith.index_cast %swap3A_2346 : i32 to index
      %swap3A_2349 = arith.constant 16 : index
      %swap3A_2350 = tpu.vector_load %arg10[%swap3A_2347, %swap3A_2348, %swap3A_2349] {strides = array<i32>} : memref<2x16x128xf32, #tpu.memory_space<vmem>>, vector<16xf32>,
      tpu.vector_store %arg10[%swap3A_2347, %swap3A_2348, %swap3A_2349], %mul3A_2345 {strides = array<i32>} : memref<2x16x128xf32, #tpu.memory_space<vmem>>, vector<16xf32>,
      %get3A_2351 = arith.constant 15 : i32
      %get3A_2352 = arith.index_cast %rem3A_798 : i32 to index
      %get3A_2353 = arith.index_cast %get3A_2351 : i32 to index
      %get3A_2354 = arith.constant 32 : index
      %get3A_2355 = tpu.vector_load %arg10[%get3A_2352, %get3A_2353, %get3A_2354] {strides = array<i32>} : memref<2x16x128xf32, #tpu.memory_space<vmem>>, vector<16xf32>,
      %mul3A_2356 = arith.mulf %get3A_2355, %gather3A_2328 : vector<16xf32>
      %swap3A_2357 = arith.constant 15 : i32
      %swap3A_2358 = arith.index_cast %rem3A_798 : i32 to index
      %swap3A_2359 = arith.index_cast %swap3A_2357 : i32 to index
      %swap3A_2360 = arith.constant 32 : index
      %swap3A_2361 = tpu.vector_load %arg10[%swap3A_2358, %swap3A_2359, %swap3A_2360] {strides = array<i32>} : memref<2x16x128xf32, #tpu.memory_space<vmem>>, vector<16xf32>,
      tpu.vector_store %arg10[%swap3A_2358, %swap3A_2359, %swap3A_2360], %mul3A_2356 {strides = array<i32>} : memref<2x16x128xf32, #tpu.memory_space<vmem>>, vector<16xf32>,
      %get3A_2362 = arith.constant 15 : i32
      %get3A_2363 = arith.index_cast %rem3A_798 : i32 to index
      %get3A_2364 = arith.index_cast %get3A_2362 : i32 to index
      %get3A_2365 = arith.constant 48 : index
      %get3A_2366 = tpu.vector_load %arg10[%get3A_2363, %get3A_2364, %get3A_2365] {strides = array<i32>} : memref<2x16x128xf32, #tpu.memory_space<vmem>>, vector<16xf32>,
      %mul3A_2367 = arith.mulf %get3A_2366, %gather3A_2328 : vector<16xf32>
      %swap3A_2368 = arith.constant 15 : i32
      %swap3A_2369 = arith.index_cast %rem3A_798 : i32 to index
      %swap3A_2370 = arith.index_cast %swap3A_2368 : i32 to index
      %swap3A_2371 = arith.constant 48 : index
      %swap3A_2372 = tpu.vector_load %arg10[%swap3A_2369, %swap3A_2370, %swap3A_2371] {strides = array<i32>} : memref<2x16x128xf32, #tpu.memory_space<vmem>>, vector<16xf32>,
      tpu.vector_store %arg10[%swap3A_2369, %swap3A_2370, %swap3A_2371], %mul3A_2367 {strides = array<i32>} : memref<2x16x128xf32, #tpu.memory_space<vmem>>, vector<16xf32>,
      %get3A_2373 = arith.constant 15 : i32
      %get3A_2374 = arith.index_cast %rem3A_798 : i32 to index
      %get3A_2375 = arith.index_cast %get3A_2373 : i32 to index
      %get3A_2376 = arith.constant 64 : index
      %get3A_2377 = tpu.vector_load %arg10[%get3A_2374, %get3A_2375, %get3A_2376] {strides = array<i32>} : memref<2x16x128xf32, #tpu.memory_space<vmem>>, vector<16xf32>,
      %mul3A_2378 = arith.mulf %get3A_2377, %gather3A_2328 : vector<16xf32>
      %swap3A_2379 = arith.constant 15 : i32
      %swap3A_2380 = arith.index_cast %rem3A_798 : i32 to index
      %swap3A_2381 = arith.index_cast %swap3A_2379 : i32 to index
      %swap3A_2382 = arith.constant 64 : index
      %swap3A_2383 = tpu.vector_load %arg10[%swap3A_2380, %swap3A_2381, %swap3A_2382] {strides = array<i32>} : memref<2x16x128xf32, #tpu.memory_space<vmem>>, vector<16xf32>,
      tpu.vector_store %arg10[%swap3A_2380, %swap3A_2381, %swap3A_2382], %mul3A_2378 {strides = array<i32>} : memref<2x16x128xf32, #tpu.memory_space<vmem>>, vector<16xf32>,
      %get3A_2384 = arith.constant 15 : i32
      %get3A_2385 = arith.index_cast %rem3A_798 : i32 to index
      %get3A_2386 = arith.index_cast %get3A_2384 : i32 to index
      %get3A_2387 = arith.constant 80 : index
      %get3A_2388 = tpu.vector_load %arg10[%get3A_2385, %get3A_2386, %get3A_2387] {strides = array<i32>} : memref<2x16x128xf32, #tpu.memory_space<vmem>>, vector<16xf32>,
      %mul3A_2389 = arith.mulf %get3A_2388, %gather3A_2328 : vector<16xf32>
      %swap3A_2390 = arith.constant 15 : i32
      %swap3A_2391 = arith.index_cast %rem3A_798 : i32 to index
      %swap3A_2392 = arith.index_cast %swap3A_2390 : i32 to index
      %swap3A_2393 = arith.constant 80 : index
      %swap3A_2394 = tpu.vector_load %arg10[%swap3A_2391, %swap3A_2392, %swap3A_2393] {strides = array<i32>} : memref<2x16x128xf32, #tpu.memory_space<vmem>>, vector<16xf32>,
      tpu.vector_store %arg10[%swap3A_2391, %swap3A_2392, %swap3A_2393], %mul3A_2389 {strides = array<i32>} : memref<2x16x128xf32, #tpu.memory_space<vmem>>, vector<16xf32>,
      %get3A_2395 = arith.constant 15 : i32
      %get3A_2396 = arith.index_cast %rem3A_798 : i32 to index
      %get3A_2397 = arith.index_cast %get3A_2395 : i32 to index
      %get3A_2398 = arith.constant 96 : index
      %get3A_2399 = tpu.vector_load %arg10[%get3A_2396, %get3A_2397, %get3A_2398] {strides = array<i32>} : memref<2x16x128xf32, #tpu.memory_space<vmem>>, vector<16xf32>,
      %mul3A_2400 = arith.mulf %get3A_2399, %gather3A_2328 : vector<16xf32>
      %swap3A_2401 = arith.constant 15 : i32
      %swap3A_2402 = arith.index_cast %rem3A_798 : i32 to index
      %swap3A_2403 = arith.index_cast %swap3A_2401 : i32 to index
      %swap3A_2404 = arith.constant 96 : index
      %swap3A_2405 = tpu.vector_load %arg10[%swap3A_2402, %swap3A_2403, %swap3A_2404] {strides = array<i32>} : memref<2x16x128xf32, #tpu.memory_space<vmem>>, vector<16xf32>,
      tpu.vector_store %arg10[%swap3A_2402, %swap3A_2403, %swap3A_2404], %mul3A_2400 {strides = array<i32>} : memref<2x16x128xf32, #tpu.memory_space<vmem>>, vector<16xf32>,
      %get3A_2406 = arith.constant 15 : i32
      %get3A_2407 = arith.index_cast %rem3A_798 : i32 to index
      %get3A_2408 = arith.index_cast %get3A_2406 : i32 to index
      %get3A_2409 = arith.constant 112 : index
      %get3A_2410 = tpu.vector_load %arg10[%get3A_2407, %get3A_2408, %get3A_2409] {strides = array<i32>} : memref<2x16x128xf32, #tpu.memory_space<vmem>>, vector<16xf32>,
      %mul3A_2411 = arith.mulf %get3A_2410, %gather3A_2328 : vector<16xf32>
      %swap3A_2412 = arith.constant 15 : i32
      %swap3A_2413 = arith.index_cast %rem3A_798 : i32 to index
      %swap3A_2414 = arith.index_cast %swap3A_2412 : i32 to index
      %swap3A_2415 = arith.constant 112 : index
      %swap3A_2416 = tpu.vector_load %arg10[%swap3A_2413, %swap3A_2414, %swap3A_2415] {strides = array<i32>} : memref<2x16x128xf32, #tpu.memory_space<vmem>>, vector<16xf32>,
      tpu.vector_store %arg10[%swap3A_2413, %swap3A_2414, %swap3A_2415], %mul3A_2411 {strides = array<i32>} : memref<2x16x128xf32, #tpu.memory_space<vmem>>, vector<16xf32>,
      "tpu.region"() ({
        %run_scoped3A = tpu.sem_alloc : memref<!tpu.dma_semaphore, #tpu.memory_space<semaphore_mem>>
        %dma_start3A_2417 = arith.constant 0 : i32
        %dma_start3A_2418 = arith.constant 0 : i32
        %dma_start3A_2419 = tpu.memref_slice %arg10[%rem3A_798, %dma_start3A_2417, %dma_start3A_2418] : memref<2x16x128xf32, #tpu.memory_space<vmem>> -> memref<1x16x128xf32, #tpu.memory_space<vmem>>
        %dma_start3A_2420 = tpu.memref_squeeze %dma_start3A_2419 : memref<1x16x128xf32, #tpu.memory_space<vmem>> -> memref<16x128xf32, #tpu.memory_space<vmem>>
        %dma_start3A_2421 = arith.constant 0 : i32
        %dma_start3A_2422 = tpu.memref_slice %arg8[%add3A_797, %dma_start3A_2421] : memref<625x16xi32, #tpu.memory_space<vmem>> -> memref<1x16xi32, #tpu.memory_space<vmem>>
        %dma_start3A_2423 = tpu.memref_squeeze %dma_start3A_2422 : memref<1x16xi32, #tpu.memory_space<vmem>> -> memref<16xi32, #tpu.memory_space<vmem>>
        %dma_start3A_2424 = arith.constant 0 : i32
        %dma_start3A_2425 = arith.constant 0 : i32
        %dma_start3A_2426 = tpu.memref_slice %arg12[%dma_start3A_2424, %dma_start3A_2425] : memref<10240x128xf32, #tpu.memory_space<vmem_shared>> -> memref<10240x128xf32, #tpu.memory_space<vmem_shared>>
        tpu.enqueue_indirect_dma source(%dma_start3A_2420 : memref<16x128xf32, #tpu.memory_space<vmem>>) target(%dma_start3A_2426 : memref<10240x128xf32, #tpu.memory_space<vmem_shared>>) offsets(%dma_start3A_2423 : memref<16xi32, #tpu.memory_space<vmem>>) semaphore(%run_scoped3A : memref<!tpu.dma_semaphore, #tpu.memory_space<semaphore_mem>>) {add = true}
        %dma_wait3A_2427 = arith.constant 0 : i32
        %dma_wait3A_2428 = arith.constant 0 : i32
        %dma_wait3A_2429 = tpu.memref_slice %arg10[%rem3A_798, %dma_wait3A_2427, %dma_wait3A_2428] : memref<2x16x128xf32, #tpu.memory_space<vmem>> -> memref<1x16x128xf32, #tpu.memory_space<vmem>>
        %dma_wait3A_2430 = tpu.memref_squeeze %dma_wait3A_2429 : memref<1x16x128xf32, #tpu.memory_space<vmem>> -> memref<16x128xf32, #tpu.memory_space<vmem>>
        %dma_wait3A_2431 = arith.constant 0 : i32
        %dma_wait3A_2432 = tpu.memref_slice %arg8[%add3A_797, %dma_wait3A_2431] : memref<625x16xi32, #tpu.memory_space<vmem>> -> memref<1x16xi32, #tpu.memory_space<vmem>>
        %dma_wait3A_2433 = tpu.memref_squeeze %dma_wait3A_2432 : memref<1x16xi32, #tpu.memory_space<vmem>> -> memref<16xi32, #tpu.memory_space<vmem>>
        %dma_wait3A_2434 = arith.constant 0 : i32
        %dma_wait3A_2435 = arith.constant 0 : i32
        %dma_wait3A_2436 = tpu.memref_slice %arg12[%dma_wait3A_2434, %dma_wait3A_2435] : memref<10240x128xf32, #tpu.memory_space<vmem_shared>> -> memref<10240x128xf32, #tpu.memory_space<vmem_shared>>
        tpu.wait_indirect_dma semaphore(%run_scoped3A : memref<!tpu.dma_semaphore, #tpu.memory_space<semaphore_mem>>) src(%dma_wait3A_2430 : memref<16x128xf32, #tpu.memory_space<vmem>>) dst(%dma_wait3A_2436 : memref<10240x128xf32, #tpu.memory_space<vmem_shared>>)
        tpu.yield
      }) : () -> ()
    }
    %scan3A_791 = arith.constant 625 : i32
    %barrier3A_792 = arith.constant 0 : index
    tpu.barrier barrier_id(%barrier3A_792)
    "tpu.region"() ({
      %run_scoped3A = tpu.sem_alloc : memref<!tpu.dma_semaphore, #tpu.memory_space<semaphore_mem>>
      %dma_start3A_793 = arith.constant 0 : i32
      %dma_start3A_794 = tpu.memref_slice %arg6[%arg0, %mul3A_768, %dma_start3A_793] : memref<2x10240x128xf32, #tpu.memory_space<hbm>> -> memref<1x640x128xf32, #tpu.memory_space<hbm>>
      %dma_start3A_795 = tpu.memref_squeeze %dma_start3A_794 : memref<1x640x128xf32, #tpu.memory_space<hbm>> -> memref<640x128xf32, #tpu.memory_space<hbm>>
      %dma_start3A_796 = arith.constant 0 : i32
      %dma_start3A_797 = tpu.memref_slice %arg12[%mul3A_768, %dma_start3A_796] : memref<10240x128xf32, #tpu.memory_space<vmem_shared>> -> memref<640x128xf32, #tpu.memory_space<vmem_shared>>
      tpu.enqueue_dma source(%dma_start3A_797 : memref<640x128xf32, #tpu.memory_space<vmem_shared>>) target(%dma_start3A_795 : memref<640x128xf32, #tpu.memory_space<hbm>>) target_semaphore(%run_scoped3A : memref<!tpu.dma_semaphore, #tpu.memory_space<semaphore_mem>>)
      %dma_wait3A = arith.constant 0 : i32
      %dma_wait3A_798 = tpu.memref_slice %arg6[%arg0, %mul3A_768, %dma_wait3A] : memref<2x10240x128xf32, #tpu.memory_space<hbm>> -> memref<1x640x128xf32, #tpu.memory_space<hbm>>
      %dma_wait3A_799 = tpu.memref_squeeze %dma_wait3A_798 : memref<1x640x128xf32, #tpu.memory_space<hbm>> -> memref<640x128xf32, #tpu.memory_space<hbm>>
      %dma_wait3A_800 = arith.constant 0 : i32
      %dma_wait3A_801 = tpu.memref_slice %arg12[%mul3A_768, %dma_wait3A_800] : memref<10240x128xf32, #tpu.memory_space<vmem_shared>> -> memref<640x128xf32, #tpu.memory_space<vmem_shared>>
      tpu.wait_dma2 semaphore(%run_scoped3A : memref<!tpu.dma_semaphore, #tpu.memory_space<semaphore_mem>>) src(%dma_wait3A_801 : memref<640x128xf32, #tpu.memory_space<vmem_shared>>) dst(%dma_wait3A_799 : memref<640x128xf32, #tpu.memory_space<hbm>>)
      tpu.yield
    }) : () -> ()
    return
  }
}

#map = affine_map<(d0, d1) -> (0, 0, 0)>
#map1 = affine_map<(d0, d1) -> (0, 0)>
module attributes {stable_mosaic.version = 14 : i64} {
  func.func @_deg_kernel(%arg0: i32, %arg1: i32, %arg2: memref<32x625x16xi32, #tpu.memory_space<hbm>>, %arg3: memref<32x625x16xf32, #tpu.memory_space<hbm>>, %arg4: memref<32x10000xf32, #tpu.memory_space<hbm>>, %arg5: memref<625x16xi32, #tpu.memory_space<vmem>>, %arg6: memref<625x16xf32, #tpu.memory_space<vmem>>, %arg7: memref<10000xf32, #tpu.memory_space<vmem>>) attributes {dimension_semantics = [#tpu.dimension_semantics<core_parallel>, #tpu.dimension_semantics<subcore_parallel>], iteration_bounds = array<i64: 2, 16>, scalar_prefetch = 0 : i64, scratch_operands = 3 : i64, tpu.core_type = #tpu.core_type<sc_vector_subcore>, window_params = [{transform_indices = #map}, {transform_indices = #map}, {transform_indices = #map1}]} {
    %mul3A = arith.constant 16 : i32
    %mul3A_0 = arith.muli %arg0, %mul3A : i32
    %add3A = arith.addi %mul3A_0, %arg1 : i32
    "tpu.region"() ({
      %run_scoped3A = tpu.sem_alloc : memref<!tpu.dma_semaphore, #tpu.memory_space<semaphore_mem>>
      %dma_start3A = arith.constant 0 : i32
      %dma_start3A_10 = arith.constant 0 : i32
      %dma_start3A_11 = tpu.memref_slice %arg2[%add3A, %dma_start3A, %dma_start3A_10] : memref<32x625x16xi32, #tpu.memory_space<hbm>> -> memref<1x625x16xi32, #tpu.memory_space<hbm>>
      %dma_start3A_12 = tpu.memref_squeeze %dma_start3A_11 : memref<1x625x16xi32, #tpu.memory_space<hbm>> -> memref<625x16xi32, #tpu.memory_space<hbm>>
      %dma_start3A_13 = arith.constant 0 : i32
      %dma_start3A_14 = arith.constant 0 : i32
      %dma_start3A_15 = tpu.memref_slice %arg2[%add3A, %dma_start3A_13, %dma_start3A_14] : memref<32x625x16xi32, #tpu.memory_space<hbm>> -> memref<1x625x16xi32, #tpu.memory_space<hbm>>
      %dma_start3A_16 = tpu.memref_squeeze %dma_start3A_15 : memref<1x625x16xi32, #tpu.memory_space<hbm>> -> memref<625x16xi32, #tpu.memory_space<hbm>>
      tpu.enqueue_dma source(%dma_start3A_16 : memref<625x16xi32, #tpu.memory_space<hbm>>) target(%arg5 : memref<625x16xi32, #tpu.memory_space<vmem>>) target_semaphore(%run_scoped3A : memref<!tpu.dma_semaphore, #tpu.memory_space<semaphore_mem>>)
      %dma_wait3A = arith.constant 0 : i32
      %dma_wait3A_17 = arith.constant 0 : i32
      %dma_wait3A_18 = tpu.memref_slice %arg2[%add3A, %dma_wait3A, %dma_wait3A_17] : memref<32x625x16xi32, #tpu.memory_space<hbm>> -> memref<1x625x16xi32, #tpu.memory_space<hbm>>
      %dma_wait3A_19 = tpu.memref_squeeze %dma_wait3A_18 : memref<1x625x16xi32, #tpu.memory_space<hbm>> -> memref<625x16xi32, #tpu.memory_space<hbm>>
      %dma_wait3A_20 = arith.constant 0 : i32
      %dma_wait3A_21 = arith.constant 0 : i32
      %dma_wait3A_22 = tpu.memref_slice %arg2[%add3A, %dma_wait3A_20, %dma_wait3A_21] : memref<32x625x16xi32, #tpu.memory_space<hbm>> -> memref<1x625x16xi32, #tpu.memory_space<hbm>>
      %dma_wait3A_23 = tpu.memref_squeeze %dma_wait3A_22 : memref<1x625x16xi32, #tpu.memory_space<hbm>> -> memref<625x16xi32, #tpu.memory_space<hbm>>
      tpu.wait_dma2 semaphore(%run_scoped3A : memref<!tpu.dma_semaphore, #tpu.memory_space<semaphore_mem>>) src(%dma_wait3A_23 : memref<625x16xi32, #tpu.memory_space<hbm>>) dst(%arg5 : memref<625x16xi32, #tpu.memory_space<vmem>>)
      tpu.yield
    }) : () -> ()
    "tpu.region"() ({
      %run_scoped3A = tpu.sem_alloc : memref<!tpu.dma_semaphore, #tpu.memory_space<semaphore_mem>>
      %dma_start3A = arith.constant 0 : i32
      %dma_start3A_10 = arith.constant 0 : i32
      %dma_start3A_11 = tpu.memref_slice %arg3[%add3A, %dma_start3A, %dma_start3A_10] : memref<32x625x16xf32, #tpu.memory_space<hbm>> -> memref<1x625x16xf32, #tpu.memory_space<hbm>>
      %dma_start3A_12 = tpu.memref_squeeze %dma_start3A_11 : memref<1x625x16xf32, #tpu.memory_space<hbm>> -> memref<625x16xf32, #tpu.memory_space<hbm>>
      %dma_start3A_13 = arith.constant 0 : i32
      %dma_start3A_14 = arith.constant 0 : i32
      %dma_start3A_15 = tpu.memref_slice %arg3[%add3A, %dma_start3A_13, %dma_start3A_14] : memref<32x625x16xf32, #tpu.memory_space<hbm>> -> memref<1x625x16xf32, #tpu.memory_space<hbm>>
      %dma_start3A_16 = tpu.memref_squeeze %dma_start3A_15 : memref<1x625x16xf32, #tpu.memory_space<hbm>> -> memref<625x16xf32, #tpu.memory_space<hbm>>
      tpu.enqueue_dma source(%dma_start3A_16 : memref<625x16xf32, #tpu.memory_space<hbm>>) target(%arg6 : memref<625x16xf32, #tpu.memory_space<vmem>>) target_semaphore(%run_scoped3A : memref<!tpu.dma_semaphore, #tpu.memory_space<semaphore_mem>>)
      %dma_wait3A = arith.constant 0 : i32
      %dma_wait3A_17 = arith.constant 0 : i32
      %dma_wait3A_18 = tpu.memref_slice %arg3[%add3A, %dma_wait3A, %dma_wait3A_17] : memref<32x625x16xf32, #tpu.memory_space<hbm>> -> memref<1x625x16xf32, #tpu.memory_space<hbm>>
      %dma_wait3A_19 = tpu.memref_squeeze %dma_wait3A_18 : memref<1x625x16xf32, #tpu.memory_space<hbm>> -> memref<625x16xf32, #tpu.memory_space<hbm>>
      %dma_wait3A_20 = arith.constant 0 : i32
      %dma_wait3A_21 = arith.constant 0 : i32
      %dma_wait3A_22 = tpu.memref_slice %arg3[%add3A, %dma_wait3A_20, %dma_wait3A_21] : memref<32x625x16xf32, #tpu.memory_space<hbm>> -> memref<1x625x16xf32, #tpu.memory_space<hbm>>
      %dma_wait3A_23 = tpu.memref_squeeze %dma_wait3A_22 : memref<1x625x16xf32, #tpu.memory_space<hbm>> -> memref<625x16xf32, #tpu.memory_space<hbm>>
      tpu.wait_dma2 semaphore(%run_scoped3A : memref<!tpu.dma_semaphore, #tpu.memory_space<semaphore_mem>>) src(%dma_wait3A_23 : memref<625x16xf32, #tpu.memory_space<hbm>>) dst(%arg6 : memref<625x16xf32, #tpu.memory_space<vmem>>)
      tpu.yield
    }) : () -> ()
    %scan3A = arith.constant 0 : i32
    %scan3A_1 = arith.constant 625 : i32
    %scan3A_2 = arith.addi %scan3A, %scan3A_1 : i32
    %scan3A_3 = arith.constant 1 : i32
    scf.for %scan3A_10 = %scan3A to %scan3A_2 step %scan3A_3  : i32 {
      %mul3A_11 = arith.constant 1 : i32
      %mul3A_12 = arith.muli %scan3A_10, %mul3A_11 : i32
      %add3A_13 = arith.constant 0 : i32
      %add3A_14 = arith.addi %add3A_13, %mul3A_12 : i32
      %broadcast_in_dim3A = arith.constant 0.000000e+00 : f32
      %broadcast_in_dim3A_15 = vector.broadcast %broadcast_in_dim3A : f32 to vector<16xf32>
      %mul3A_16 = arith.constant 16 : i32
      %mul3A_17 = arith.muli %add3A_14, %mul3A_16 : i32
      %swap3A = arith.index_cast %mul3A_17 : i32 to index
      %swap3A_18 = tpu.vector_load %arg7[%swap3A] {strides = array<i32>} : memref<10000xf32, #tpu.memory_space<vmem>>, vector<16xf32>,
      tpu.vector_store %arg7[%swap3A], %broadcast_in_dim3A_15 {strides = array<i32>} : memref<10000xf32, #tpu.memory_space<vmem>>, vector<16xf32>,
    }
    %scan3A_4 = arith.constant 625 : i32
    %scan3A_5 = arith.constant 0 : i32
    %scan3A_6 = arith.constant 625 : i32
    %scan3A_7 = arith.addi %scan3A_5, %scan3A_6 : i32
    %scan3A_8 = arith.constant 1 : i32
    scf.for %scan3A_10 = %scan3A_5 to %scan3A_7 step %scan3A_8  : i32 {
      %mul3A_11 = arith.constant 1 : i32
      %mul3A_12 = arith.muli %scan3A_10, %mul3A_11 : i32
      %add3A_13 = arith.constant 0 : i32
      %add3A_14 = arith.addi %add3A_13, %mul3A_12 : i32
      %get3A = arith.index_cast %add3A_14 : i32 to index
      %get3A_15 = arith.constant 0 : index
      %get3A_16 = tpu.vector_load %arg5[%get3A, %get3A_15] {strides = array<i32>} : memref<625x16xi32, #tpu.memory_space<vmem>>, vector<16xi32>,
      %get3A_17 = arith.index_cast %add3A_14 : i32 to index
      %get3A_18 = arith.constant 0 : index
      %get3A_19 = tpu.vector_load %arg6[%get3A_17, %get3A_18] {strides = array<i32>} : memref<625x16xf32, #tpu.memory_space<vmem>>, vector<16xf32>,
      tpu.vector_store_idx %arg7[%get3A_16], %get3A_19 {add = true} : memref<10000xf32, #tpu.memory_space<vmem>>[vector<16xi32>], vector<16xf32>,
    }
    %scan3A_9 = arith.constant 625 : i32
    "tpu.region"() ({
      %run_scoped3A = tpu.sem_alloc : memref<!tpu.dma_semaphore, #tpu.memory_space<semaphore_mem>>
      %dma_start3A = arith.constant 0 : i32
      %dma_start3A_10 = tpu.memref_slice %arg4[%add3A, %dma_start3A] : memref<32x10000xf32, #tpu.memory_space<hbm>> -> memref<1x10000xf32, #tpu.memory_space<hbm>>
      %dma_start3A_11 = tpu.memref_squeeze %dma_start3A_10 : memref<1x10000xf32, #tpu.memory_space<hbm>> -> memref<10000xf32, #tpu.memory_space<hbm>>
      %dma_start3A_12 = arith.constant 0 : i32
      %dma_start3A_13 = tpu.memref_slice %arg4[%add3A, %dma_start3A_12] : memref<32x10000xf32, #tpu.memory_space<hbm>> -> memref<1x10000xf32, #tpu.memory_space<hbm>>
      %dma_start3A_14 = tpu.memref_squeeze %dma_start3A_13 : memref<1x10000xf32, #tpu.memory_space<hbm>> -> memref<10000xf32, #tpu.memory_space<hbm>>
      tpu.enqueue_dma source(%arg7 : memref<10000xf32, #tpu.memory_space<vmem>>) target(%dma_start3A_14 : memref<10000xf32, #tpu.memory_space<hbm>>) target_semaphore(%run_scoped3A : memref<!tpu.dma_semaphore, #tpu.memory_space<semaphore_mem>>)
      %dma_wait3A = arith.constant 0 : i32
      %dma_wait3A_15 = tpu.memref_slice %arg4[%add3A, %dma_wait3A] : memref<32x10000xf32, #tpu.memory_space<hbm>> -> memref<1x10000xf32, #tpu.memory_space<hbm>>
      %dma_wait3A_16 = tpu.memref_squeeze %dma_wait3A_15 : memref<1x10000xf32, #tpu.memory_space<hbm>> -> memref<10000xf32, #tpu.memory_space<hbm>>
      %dma_wait3A_17 = arith.constant 0 : i32
      %dma_wait3A_18 = tpu.memref_slice %arg4[%add3A, %dma_wait3A_17] : memref<32x10000xf32, #tpu.memory_space<hbm>> -> memref<1x10000xf32, #tpu.memory_space<hbm>>
      %dma_wait3A_19 = tpu.memref_squeeze %dma_wait3A_18 : memref<1x10000xf32, #tpu.memory_space<hbm>> -> memref<10000xf32, #tpu.memory_space<hbm>>
      tpu.wait_dma2 semaphore(%run_scoped3A : memref<!tpu.dma_semaphore, #tpu.memory_space<semaphore_mem>>) src(%arg7 : memref<10000xf32, #tpu.memory_space<vmem>>) dst(%dma_wait3A_19 : memref<10000xf32, #tpu.memory_space<hbm>>)
      tpu.yield
    }) : () -> ()
    return
  }
}

module attributes {stable_mosaic.version = 14 : i64} {
  func.func @_z_body(%arg0: i32, %arg1: memref<1000x128xf32, #tpu.memory_space<vmem>>, %arg2: memref<128x128xf32, #tpu.memory_space<vmem>>, %arg3: memref<512x128xf32, #tpu.memory_space<vmem>>, %arg4: memref<1x512xf32, #tpu.memory_space<vmem>>, %arg5: memref<1000x32xf32, #tpu.memory_space<vmem>>, %arg6: memref<1000x128xf32, #tpu.memory_space<vmem>>, %arg7: memref<128x128xf32, #tpu.memory_space<vmem>>) attributes {dimension_semantics = [#tpu.dimension_semantics<arbitrary>], iteration_bounds = array<i64: 10>, scalar_prefetch = 0 : i64, scratch_operands = 1 : i64, tpu.core_type = #tpu.core_type<tc>, window_params = [{transform_indices = @transform_0, window_bounds = array<i64: 1000, 128>}, {pipeline_mode = #tpu.pipeline_mode<synchronous>, transform_indices = @transform_1, window_bounds = array<i64: 128, 128>}, {pipeline_mode = #tpu.pipeline_mode<synchronous>, transform_indices = @transform_2, window_bounds = array<i64: 512, 128>}, {pipeline_mode = #tpu.pipeline_mode<synchronous>, transform_indices = @transform_3, window_bounds = array<i64: 1, 512>}, {transform_indices = @transform_4, window_bounds = array<i64: 1000, 32>}, {transform_indices = @transform_5, window_bounds = array<i64: 1000, 128>}]} {
    %eq3A = arith.constant 0 : i32
    %eq3A_0 = arith.cmpi eq, %arg0, %eq3A : i32
    %convert_element_type3A = arith.extui %eq3A_0 : i1 to i32
    %cond3A = arith.constant 0 : i32
    %cond3A_1 = arith.cmpi ne, %convert_element_type3A, %cond3A : i32
    scf.if %cond3A_1 {
      %get3A_20 = arith.constant 0 : index
      %get3A_21 = arith.constant 0 : index
      %get3A_22 = vector.load %arg2[%get3A_20, %get3A_21] : memref<128x128xf32, #tpu.memory_space<vmem>>, vector<128x128xf32>
      %get3A_23 = arith.constant 0 : index
      %get3A_24 = arith.constant 0 : index
      %get3A_25 = vector.load %arg3[%get3A_23, %get3A_24] : memref<512x128xf32, #tpu.memory_space<vmem>>, vector<512x128xf32>
      %dot_general3A_26 = arith.constant dense<0.000000e+00> : vector<128x512xf32>
      %dot_general3A_27 = tpu.matmul %get3A_22, %get3A_25, %dot_general3A_26 {dimension_numbers = #tpu.dot_dimension_numbers<[1], [1], [0], [0], [0, 0, 1, 0], [], []>, transpose_lhs_hint = false} : vector<128x128xf32>, vector<512x128xf32>, vector<128x512xf32> -> vector<128x512xf32>
      %get3A_28 = arith.constant 0 : index
      %get3A_29 = arith.constant 0 : index
      %get3A_30 = vector.load %arg4[%get3A_28, %get3A_29] : memref<1x512xf32, #tpu.memory_space<vmem>>, vector<1x512xf32>
      %add3A_31 = vector.broadcast %get3A_30 : vector<1x512xf32> to vector<128x512xf32>
      %add3A_32 = arith.addf %dot_general3A_27, %add3A_31 : vector<128x512xf32>
      %slice3A = vector.extract_strided_slice %add3A_32 {offsets = [0, 0], sizes = [128, 128], strides = [1, 1]} : vector<128x512xf32> to vector<128x128xf32>
      %slice3A_33 = vector.extract_strided_slice %add3A_32 {offsets = [0, 256], sizes = [128, 128], strides = [1, 1]} : vector<128x512xf32> to vector<128x128xf32>
      %slice3A_34 = vector.extract_strided_slice %add3A_32 {offsets = [0, 384], sizes = [128, 128], strides = [1, 1]} : vector<128x512xf32> to vector<128x128xf32>
      %logistic3A = arith.negf %slice3A : vector<128x128xf32>
      %logistic3A_35 = math.exp %logistic3A : vector<128x128xf32>
      %logistic3A_36 = arith.constant 1.000000e+00 : f32
      %logistic3A_37 = vector.broadcast %logistic3A_36 : f32 to vector<128x128xf32>
      %logistic3A_38 = arith.addf %logistic3A_37, %logistic3A_35 : vector<128x128xf32>
      %logistic3A_39 = arith.divf %logistic3A_37, %logistic3A_38 : vector<128x128xf32>
      %tanh3A = math.tanh %slice3A_33 : vector<128x128xf32>
      %mul3A_40 = arith.mulf %logistic3A_39, %tanh3A : vector<128x128xf32>
      %logistic3A_41 = arith.negf %slice3A_34 : vector<128x128xf32>
      %logistic3A_42 = math.exp %logistic3A_41 : vector<128x128xf32>
      %logistic3A_43 = arith.constant 1.000000e+00 : f32
      %logistic3A_44 = vector.broadcast %logistic3A_43 : f32 to vector<128x128xf32>
      %logistic3A_45 = arith.addf %logistic3A_44, %logistic3A_42 : vector<128x128xf32>
      %logistic3A_46 = arith.divf %logistic3A_44, %logistic3A_45 : vector<128x128xf32>
      %tanh3A_47 = math.tanh %mul3A_40 : vector<128x128xf32>
      %mul3A_48 = arith.mulf %logistic3A_46, %tanh3A_47 : vector<128x128xf32>
      %swap3A_49 = arith.constant 0 : index
      %swap3A_50 = arith.constant 0 : index
      %swap3A_51 = vector.load %arg7[%swap3A_49, %swap3A_50] : memref<128x128xf32, #tpu.memory_space<vmem>>, vector<128x128xf32>
      tpu.vector_store %arg7[%swap3A_49, %swap3A_50], %mul3A_48 {strides = array<i32>} : memref<128x128xf32, #tpu.memory_space<vmem>>, vector<128x128xf32>,
    } else {
    }
    %get3A = arith.constant 0 : index
    %get3A_2 = arith.constant 0 : index
    %get3A_3 = vector.load %arg5[%get3A, %get3A_2] : memref<1000x32xf32, #tpu.memory_space<vmem>>, vector<1000x32xf32>
    %reduce_sum3A = arith.constant dense<0.000000e+00> : vector<1000xf32>
    %reduce_sum3A_4 = vector.multi_reduction <add>, %get3A_3, %reduce_sum3A [1] : vector<1000x32xf32> to vector<1000xf32>
    %broadcast_in_dim3A = vector.shape_cast %reduce_sum3A_4 : vector<1000xf32> to vector<1000x1xf32>
    %add3A = arith.constant 1.000000e+00 : f32
    %add3A_5 = vector.broadcast %add3A : f32 to vector<1000x1xf32>
    %add3A_6 = arith.addf %add3A_5, %broadcast_in_dim3A : vector<1000x1xf32>
    %gt3A = arith.constant 0.000000e+00 : f32
    %gt3A_7 = vector.broadcast %gt3A : f32 to vector<1000x1xf32>
    %gt3A_8 = arith.cmpf ogt, %add3A_6, %gt3A_7 : vector<1000x1xf32>
    %rsqrt3A = math.rsqrt %add3A_6 : vector<1000x1xf32>
    %jit3A = arith.constant 0.000000e+00 : f32
    %broadcast_in_dim3A_9 = vector.broadcast %jit3A : f32 to vector<1000x1xf32>
    %select_n3A = arith.select %gt3A_8, %rsqrt3A, %broadcast_in_dim3A_9 : vector<1000x1xi1>, vector<1000x1xf32>
    %get3A_10 = arith.constant 0 : index
    %get3A_11 = arith.constant 0 : index
    %get3A_12 = vector.load %arg1[%get3A_10, %get3A_11] : memref<1000x128xf32, #tpu.memory_space<vmem>>, vector<1000x128xf32>
    %get3A_13 = arith.constant 0 : index
    %get3A_14 = arith.constant 0 : index
    %get3A_15 = vector.load %arg7[%get3A_13, %get3A_14] : memref<128x128xf32, #tpu.memory_space<vmem>>, vector<128x128xf32>
    %dot_general3A = arith.constant dense<0.000000e+00> : vector<1000x128xf32>
    %dot_general3A_16 = tpu.matmul %get3A_12, %get3A_15, %dot_general3A {dimension_numbers = #tpu.dot_dimension_numbers<[1], [0], [0], [1], [0, 0, 1, 1], [], []>, transpose_lhs_hint = false} : vector<1000x128xf32>, vector<128x128xf32>, vector<1000x128xf32> -> vector<1000x128xf32>
    %mul3A = vector.broadcast %select_n3A : vector<1000x1xf32> to vector<1000x128xf32>
    %mul3A_17 = arith.mulf %dot_general3A_16, %mul3A : vector<1000x128xf32>
    %swap3A = arith.constant 0 : index
    %swap3A_18 = arith.constant 0 : index
    %swap3A_19 = vector.load %arg6[%swap3A, %swap3A_18] : memref<1000x128xf32, #tpu.memory_space<vmem>>, vector<1000x128xf32>
    tpu.vector_store %arg6[%swap3A, %swap3A_18], %mul3A_17 {strides = array<i32>} : memref<1000x128xf32, #tpu.memory_space<vmem>>, vector<1000x128xf32>,
    return
  }
  func.func @transform_0(%arg0: i32) -> (i32, i32) {
    %c0_i32 = arith.constant 0 : i32
    %c0_i32_0 = arith.constant 0 : i32
    return %arg0, %c0_i32 : i32, i32
  }
  func.func @transform_1(%arg0: i32) -> (i32, i32) {
    %c0_i32 = arith.constant 0 : i32
    %c0_i32_0 = arith.constant 0 : i32
    %c0_i32_1 = arith.constant 0 : i32
    return %c0_i32, %c0_i32_0 : i32, i32
  }
  func.func @transform_2(%arg0: i32) -> (i32, i32) {
    %c0_i32 = arith.constant 0 : i32
    %c0_i32_0 = arith.constant 0 : i32
    %c0_i32_1 = arith.constant 0 : i32
    return %c0_i32, %c0_i32_0 : i32, i32
  }
  func.func @transform_3(%arg0: i32) -> (i32, i32) {
    %c0_i32 = arith.constant 0 : i32
    %c0_i32_0 = arith.constant 0 : i32
    %c0_i32_1 = arith.constant 0 : i32
    return %c0_i32, %c0_i32_0 : i32, i32
  }
  func.func @transform_4(%arg0: i32) -> (i32, i32) {
    %c0_i32 = arith.constant 0 : i32
    %c0_i32_0 = arith.constant 0 : i32
    return %arg0, %c0_i32 : i32, i32
  }
  func.func @transform_5(%arg0: i32) -> (i32, i32) {
    %c0_i32 = arith.constant 0 : i32
    %c0_i32_0 = arith.constant 0 : i32
    return %arg0, %c0_i32 : i32, i32
  }
}

module attributes {stable_mosaic.version = 14 : i64} {
  func.func @_head_body(%arg0: i32, %arg1: memref<2x1000x128xf32, #tpu.memory_space<vmem>>, %arg2: memref<1000x128xf32, #tpu.memory_space<vmem>>, %arg3: memref<1000x32xf32, #tpu.memory_space<vmem>>, %arg4: memref<1x128xf32, #tpu.memory_space<vmem>>, %arg5: memref<128x1xf32, #tpu.memory_space<vmem>>, %arg6: memref<1x1xf32, #tpu.memory_space<vmem>>, %arg7: memref<1000x1xf32, #tpu.memory_space<vmem>>) attributes {dimension_semantics = [#tpu.dimension_semantics<arbitrary>], iteration_bounds = array<i64: 10>, scalar_prefetch = 0 : i64, scratch_operands = 0 : i64, tpu.core_type = #tpu.core_type<tc>, window_params = [{transform_indices = @transform_0, window_bounds = array<i64: 2, 1000, 128>}, {transform_indices = @transform_1, window_bounds = array<i64: 1000, 128>}, {transform_indices = @transform_2, window_bounds = array<i64: 1000, 32>}, {pipeline_mode = #tpu.pipeline_mode<synchronous>, transform_indices = @transform_3, window_bounds = array<i64: 1, 128>}, {pipeline_mode = #tpu.pipeline_mode<synchronous>, transform_indices = @transform_4, window_bounds = array<i64: 128, 1>}, {pipeline_mode = #tpu.pipeline_mode<synchronous>, transform_indices = @transform_5, window_bounds = array<i64: 1, 1>}, {transform_indices = @transform_6, window_bounds = array<i64: 1000, 1>}]} {
    %get3A = arith.constant 0 : index
    %get3A_0 = arith.constant 0 : index
    %get3A_1 = vector.load %arg3[%get3A, %get3A_0] : memref<1000x32xf32, #tpu.memory_space<vmem>>, vector<1000x32xf32>
    %reduce_sum3A = arith.constant dense<0.000000e+00> : vector<1000xf32>
    %reduce_sum3A_2 = vector.multi_reduction <add>, %get3A_1, %reduce_sum3A [1] : vector<1000x32xf32> to vector<1000xf32>
    %broadcast_in_dim3A = vector.shape_cast %reduce_sum3A_2 : vector<1000xf32> to vector<1000x1xf32>
    %add3A = arith.constant 1.000000e+00 : f32
    %add3A_3 = vector.broadcast %add3A : f32 to vector<1000x1xf32>
    %add3A_4 = arith.addf %add3A_3, %broadcast_in_dim3A : vector<1000x1xf32>
    %gt3A = arith.constant 0.000000e+00 : f32
    %gt3A_5 = vector.broadcast %gt3A : f32 to vector<1000x1xf32>
    %gt3A_6 = arith.cmpf ogt, %add3A_4, %gt3A_5 : vector<1000x1xf32>
    %rsqrt3A = math.rsqrt %add3A_4 : vector<1000x1xf32>
    %jit3A = arith.constant 0.000000e+00 : f32
    %broadcast_in_dim3A_7 = vector.broadcast %jit3A : f32 to vector<1000x1xf32>
    %select_n3A = arith.select %gt3A_6, %rsqrt3A, %broadcast_in_dim3A_7 : vector<1000x1xi1>, vector<1000x1xf32>
    %get3A_8 = arith.constant 0 : index
    %get3A_9 = arith.constant 0 : index
    %get3A_10 = arith.constant 0 : index
    %get3A_11 = vector.load %arg1[%get3A_8, %get3A_9, %get3A_10] : memref<2x1000x128xf32, #tpu.memory_space<vmem>>, vector<1x1000x128xf32>
    %get3A_12 = vector.shape_cast %get3A_11 : vector<1x1000x128xf32> to vector<1000x128xf32>
    %get3A_13 = arith.constant 1 : index
    %get3A_14 = arith.constant 0 : index
    %get3A_15 = arith.constant 0 : index
    %get3A_16 = vector.load %arg1[%get3A_13, %get3A_14, %get3A_15] : memref<2x1000x128xf32, #tpu.memory_space<vmem>>, vector<1x1000x128xf32>
    %get3A_17 = vector.shape_cast %get3A_16 : vector<1x1000x128xf32> to vector<1000x128xf32>
    %add3A_18 = arith.addf %get3A_12, %get3A_17 : vector<1000x128xf32>
    %get3A_19 = arith.constant 0 : index
    %get3A_20 = arith.constant 0 : index
    %get3A_21 = vector.load %arg2[%get3A_19, %get3A_20] : memref<1000x128xf32, #tpu.memory_space<vmem>>, vector<1000x128xf32>
    %add3A_22 = arith.addf %add3A_18, %get3A_21 : vector<1000x128xf32>
    %mul3A = vector.broadcast %select_n3A : vector<1000x1xf32> to vector<1000x128xf32>
    %mul3A_23 = arith.mulf %mul3A, %add3A_22 : vector<1000x128xf32>
    %get3A_24 = arith.constant 0 : index
    %get3A_25 = arith.constant 0 : index
    %get3A_26 = vector.load %arg4[%get3A_24, %get3A_25] : memref<1x128xf32, #tpu.memory_space<vmem>>, vector<1x128xf32>
    %add3A_27 = vector.broadcast %get3A_26 : vector<1x128xf32> to vector<1000x128xf32>
    %add3A_28 = arith.addf %mul3A_23, %add3A_27 : vector<1000x128xf32>
    %max3A = arith.constant 0.000000e+00 : f32
    %max3A_29 = vector.broadcast %max3A : f32 to vector<1000x128xf32>
    %max3A_30 = arith.maximumf %add3A_28, %max3A_29 : vector<1000x128xf32>
    %get3A_31 = arith.constant 0 : index
    %get3A_32 = arith.constant 0 : index
    %get3A_33 = vector.load %arg5[%get3A_31, %get3A_32] : memref<128x1xf32, #tpu.memory_space<vmem>>, vector<128x1xf32>
    %dot_general3A = arith.constant dense<0.000000e+00> : vector<1000x1xf32>
    %dot_general3A_34 = tpu.matmul %max3A_30, %get3A_33, %dot_general3A {dimension_numbers = #tpu.dot_dimension_numbers<[1], [0], [0], [1], [0, 0, 1, 1], [], []>, transpose_lhs_hint = false} : vector<1000x128xf32>, vector<128x1xf32>, vector<1000x1xf32> -> vector<1000x1xf32>
    %get3A_35 = arith.constant 0 : index
    %get3A_36 = arith.constant 0 : index
    %get3A_37 = vector.load %arg6[%get3A_35, %get3A_36] : memref<1x1xf32, #tpu.memory_space<vmem>>, vector<1x1xf32>
    %add3A_38 = vector.broadcast %get3A_37 : vector<1x1xf32> to vector<1000x1xf32>
    %add3A_39 = arith.addf %dot_general3A_34, %add3A_38 : vector<1000x1xf32>
    %swap3A = arith.constant 0 : index
    %swap3A_40 = arith.constant 0 : index
    %swap3A_41 = vector.load %arg7[%swap3A, %swap3A_40] : memref<1000x1xf32, #tpu.memory_space<vmem>>, vector<1000x1xf32>
    tpu.vector_store %arg7[%swap3A, %swap3A_40], %add3A_39 {strides = array<i32>} : memref<1000x1xf32, #tpu.memory_space<vmem>>, vector<1000x1xf32>,
    return
  }
  func.func @transform_0(%arg0: i32) -> (i32, i32, i32) {
    %c0_i32 = arith.constant 0 : i32
    %c0_i32_0 = arith.constant 0 : i32
    %c0_i32_1 = arith.constant 0 : i32
    return %c0_i32, %arg0, %c0_i32_0 : i32, i32, i32
  }
  func.func @transform_1(%arg0: i32) -> (i32, i32) {
    %c0_i32 = arith.constant 0 : i32
    %c0_i32_0 = arith.constant 0 : i32
    return %arg0, %c0_i32 : i32, i32
  }
  func.func @transform_2(%arg0: i32) -> (i32, i32) {
    %c0_i32 = arith.constant 0 : i32
    %c0_i32_0 = arith.constant 0 : i32
    return %arg0, %c0_i32 : i32, i32
  }
  func.func @transform_3(%arg0: i32) -> (i32, i32) {
    %c0_i32 = arith.constant 0 : i32
    %c0_i32_0 = arith.constant 0 : i32
    %c0_i32_1 = arith.constant 0 : i32
    return %c0_i32, %c0_i32_0 : i32, i32
  }
  func.func @transform_4(%arg0: i32) -> (i32, i32) {
    %c0_i32 = arith.constant 0 : i32
    %c0_i32_0 = arith.constant 0 : i32
    %c0_i32_1 = arith.constant 0 : i32
    return %c0_i32, %c0_i32_0 : i32, i32
  }
  func.func @transform_5(%arg0: i32) -> (i32, i32) {
    %c0_i32 = arith.constant 0 : i32
    %c0_i32_0 = arith.constant 0 : i32
    %c0_i32_1 = arith.constant 0 : i32
    return %c0_i32, %c0_i32_0 : i32, i32
  }
  func.func @transform_6(%arg0: i32) -> (i32, i32) {
    %c0_i32 = arith.constant 0 : i32
    %c0_i32_0 = arith.constant 0 : i32
    return %arg0, %c0_i32 : i32, i32
  }
}

</mosaic_0001>

<sc_bundles>
// kernel: kernel.6.cloned.1.call-start
scs
__scs_entry_jumppad:
0x0: {  	(pc) =	sbr.rel $0x88, $3  }
0x1: {  	(tag) =	ssettag $0x0;
	lr =	simm.s32 $0x1  }
0x2: {  	[smem:$0x3F97] =	sst lr;
	_ =	strace $0xD0000000  }
0x3: {  	_ = 	snop  }
0x4: {  	_ = 	snop  }
0x5: {  	_ = 	snop  }
0x6: {  	_ = 	snop  }
0x7: {  	_ = 	snop  }
__scs_overlays_trampoline_lowered:
0x8: {  	[smem:$0x3FA6] =	sst s0  }
0x9: {  	[smem:$0x3FA7] =	sst s1  }
0xa: {  	[smem:$0x3FA8] =	sst s2  }
0xb: {  	[smem:$0x3FA9] =	sst s3  }
0xc: {  	[smem:$0x3FAA] =	sst s4  }
0xd: {  	[smem:$0x3FAB] =	sst s5  }
0xe: {  	[smem:$0x3FAC] =	sst s6  }
0xf: {  	[smem:$0x3FAD] =	sst s7  }
0x10: {  	[smem:$0x3FAE] =	sst s8  }
0x11: {  	[smem:$0x3FAF] =	sst s9;
	s0 =	simm.s32 @!p0 $0x0  }
0x12: {  	s1 =	sld [smem:$0x3F95];
	s0 =	simm.s32 @p0 $0x1  }
0x13: {  	[smem:$0x3FB0] =	sst s0;
	s0 =	simm.s32 @!p1 $0x0  }
0x14: {  	s2 =	sld [smem:$0x3F94];
	s0 =	simm.s32 @p1 $0x1  }
0x15: {  	[smem:$0x3FB1] =	sst s0;
	s0 =	simm.s32 @!p2 $0x0  }
0x16: {  	s3 =	sld [smem:$0x3FDB];
	s0 =	simm.s32 @p2 $0x1  }
0x17: {  	s4 =	simm.s32 $0x1BF5;
	[smem:$0x3FB3] =	sst s0  }
0x18: {  	s0 =	sld [smem:$0x3F96];
	_ =	swait.ge [sflag:s4], $0x0  }
0x19: {  	s7 =	sld [smem:$0x3F97]  }
0x1a: {  	s8 =	sadd.s32 $0xFFFFE003, lr  }
0x1b: {  	s9 =	sadd.s32 $0xFFFFFEF7, lr;
	s5 =	simm.s32 $0xFFFFFFFF;
	p2 =	slt.u32 s8, $0xFFFFF086  }
0x1c: {  	p1 =	slt.u32 s9, $0xF7A;
	s5 =	simm.s32 @!p2 $0x0  }
0x1d: {  	s5 =	simm.s32 @p1 $0x1;
	p0 =	seq.s32 s7, s2  }
0x1e: {  	s7 =	smul.u32 @!p0 $0xF7A, s2;
	p2 =	seq.s32 @!p0 s5, $0x0  }
0x1f: {  	s9 =	smul.u32 $0xF7A, s1;
	s8 =	simm.s32 @!p0 $0x1BF5;
	p2 =	por !p2, p0  }
0x20: {  	[sflag:s8] =	ssyncset.s32 @!p0 $0xFFFFF086;
	s6 =	sadd.s32 @!p0 s3, s7;
	s7 =	simm.s32 @!p0 $0x108  }
0x21: {  	s3 =	sadd.s32 s3, s9;
	s6 =	sadd.s32 @!p0 $0x88, s6;
	s7 =	simm.s32 @p2 $0x1082  }
0x22: {  	[simem:s7], [sflag:s8] =	dma.local @!p0 [hbm:s6], $0xF7A  }
0x23: {  	s9 =	sor.u32 $0xD0000000, s2;
	s6 =	simm.s32 $0x108;
	_ =	swait.ge @!p0 [sflag:s8], $0x0  }
0x24: {  	s3 =	sadd.s32 $0x88, s3;
	s6 =	simm.s32 @!p1 $0x1082;
	[sflag:s4] =	ssyncset.s32 $0xFFFFF086  }
0x25: {  	[simem:s6], [sflag:s4] =	dma.local [hbm:s3], $0xF7A  }
0x26: {  	[smem:$0x3F97] =	sst s1;
	(tag) =	ssettag s2;
	_ =	strace s9  }
0x27: {  	s1 =	sld [smem:$0x3FA7]  }
0x28: {  	s2 =	sld [smem:$0x3FA8]  }
0x29: {  	s4 =	sld [smem:$0x3FAA]  }
0x2a: {  	p0 =	seq.s32 s5, $0x0;
	s5 =	sld [smem:$0x3FAB]  }
0x2b: {  	s6 =	sld [smem:$0x3FAC]  }
0x2c: {  	s7 =	sld [smem:$0x3FAD]  }
0x2d: {  	s3 =	simm.s32 $0x108;
	s8 =	sld [smem:$0x3FAE]  }
0x2e: {  	s3 =	simm.s32 @!p0 $0x1082;
	s9 =	sld [smem:$0x3FAF]  }
0x2f: {  	lr =	sadd.s32 s0, s3;
	s0 =	sld [smem:$0x3FA6]  }
0x30: {  	s3 =	sld [smem:$0x3FA9]  }
0x31: {  	[smem:$0x3FB2] =	sst s10  }
0x32: {  	s10 =	sld [smem:$0x3FB0];
	_ =	sdelay $0x3  }
0x33: {  	p0 =	seq.s32 s10, $0x1;
	s10 =	sld [smem:$0x3FB2];
	_ =	sdelay $0x3  }
0x34: {  	[smem:$0x3FB2] =	sst s10  }
0x35: {  	s10 =	sld [smem:$0x3FB1];
	_ =	sdelay $0x3  }
0x36: {  	p1 =	seq.s32 s10, $0x1;
	s10 =	sld [smem:$0x3FB2];
	_ =	sdelay $0x3  }
0x37: {  	[smem:$0x3FB2] =	sst s10  }
0x38: {  	s10 =	sld [smem:$0x3FB3]  }
0x39: {  	_ = 	snop;
	(pc) =	sbr.ind lr, $3  }
0x3a: {  	_ = 	snop  }
0x3b: {  	_ = 	snop  }
0x3c: {  	p2 =	seq.s32 s10, $0x1;
	s10 =	sld [smem:$0x3FB2]  }
0x3d: {  	_ =	shalt  }
0x3e: {  	_ =	shalt  }
0x3f: {  	_ =	shalt  }
0x40: {  	_ =	shalt  }
0x41: {  	_ =	shalt  }
0x42: {  	_ =	shalt  }
0x43: {  	_ =	shalt  }
0x44: {  	_ =	shalt  }
0x45: {  	_ =	shalt  }
0x46: {  	_ =	shalt  }
0x47: {  	_ =	shalt  }
0x48: {  	_ =	shalt  }
0x49: {  	_ =	shalt  }
0x4a: {  	_ =	shalt  }
0x4b: {  	_ =	shalt  }
0x4c: {  	_ =	shalt  }
0x4d: {  	_ =	shalt  }
0x4e: {  	_ =	shalt  }
0x4f: {  	_ =	shalt  }
0x50: {  	_ =	shalt  }
0x51: {  	_ =	shalt  }
0x52: {  	_ =	shalt  }
0x53: {  	_ =	shalt  }
0x54: {  	_ =	shalt  }
0x55: {  	_ =	shalt  }
0x56: {  	_ =	shalt  }
0x57: {  	_ =	shalt  }
0x58: {  	_ =	shalt  }
0x59: {  	_ =	shalt  }
0x5a: {  	_ =	shalt  }
0x5b: {  	_ =	shalt  }
0x5c: {  	_ =	shalt  }
0x5d: {  	_ =	shalt  }
0x5e: {  	_ =	shalt  }
0x5f: {  	_ =	shalt  }
0x60: {  	_ =	shalt  }
0x61: {  	_ =	shalt  }
0x62: {  	_ =	shalt  }
0x63: {  	_ =	shalt  }
0x64: {  	_ =	shalt  }
0x65: {  	_ =	shalt  }
0x66: {  	_ =	shalt  }
0x67: {  	_ =	shalt  }
0x68: {  	_ =	shalt  }
0x69: {  	_ =	shalt  }
0x6a: {  	_ =	shalt  }
0x6b: {  	_ =	shalt  }
0x6c: {  	_ =	shalt  }
0x6d: {  	_ =	shalt  }
0x6e: {  	_ =	shalt  }
0x6f: {  	_ =	shalt  }
0x70: {  	_ =	shalt  }
0x71: {  	_ =	shalt  }
0x72: {  	_ =	shalt  }
0x73: {  	_ =	shalt  }
0x74: {  	_ =	shalt  }
0x75: {  	_ =	shalt  }
0x76: {  	_ =	shalt  }
0x77: {  	_ =	shalt  }
0x78: {  	_ =	shalt  }
0x79: {  	_ =	shalt  }
0x7a: {  	_ =	shalt  }
0x7b: {  	_ =	shalt  }
0x7c: {  	_ =	shalt  }
0x7d: {  	_ =	shalt  }
0x7e: {  	_ =	shalt  }
0x7f: {  	_ =	shalt  }
0x80: {  	_ =	shalt  }
0x81: {  	_ =	shalt  }
0x82: {  	_ =	shalt  }
0x83: {  	_ =	shalt  }
0x84: {  	_ =	shalt  }
0x85: {  	_ =	shalt  }
0x86: {  	_ =	shalt  }
0x87: {  	_ =	shalt  }
.Lfunc_end0:
.L_simem_size_0:
called_computation_lowered:
.L_overlay_start_0:
0x88: {  	s2 =	sld [smem:$0x3FD9]  }
0x89: {  	s3 =	sld [smem:$0x3FFE];
	_ =	sdelay $0x1  }
0x8a: {  	s1 =	srdreg.scid  }
0x8b: {  	s0 =	sand.u32 $0x1, s1  }
0x8c: {  	s17 =	sshll.u32 s0, $0xA;
	s2 =	sadd.s32 s3, s2  }
0x8d: {  	s2 =	sadd.s32 s2, s17  }
0x8e: {  	[smem:$0x3FBE] =	sst s2  }
0x8f: {  	_ = 	snop  }
0x90: {  	s2 =	sld [smem:$0x3FC7];
	(tm) =	ssettm $0x1  }
0x91: {  	s18 =	sld [smem:$0x3FFB];
	_ =	sdelay $0x3  }
0x92: {  	_ =	strace s18  }
0x93: {  	s3 =	sld [smem:$0x3FFC];
	_ =	sdelay $0x3  }
0x94: {  	_ =	strace s3  }
0x95: {  	s3 =	sld [smem:$0x3FFD];
	_ =	sdelay $0x3  }
0x96: {  	_ =	strace s3  }
0x97: {  	_ =	strace $0x8FFFFFFF  }
0x98: {  	s19 =	sld [smem:$0x3FDB];
	_ =	sdelay $0x1  }
0x99: {  	s4 =	simm.s32 $_scs_section_size  }
0x9a: {  	s5 =	simm.s32 $_size__tile_overlayer_lowered;
	s6 =	simm.s32 $_tile_overlayer_lowered  }
0x9b: {  	s22 =	simm.s32 $0x1BFF;
	s21 =	sshll.u32 s6, $0x1;
	s3 =	sadd.s32 s4, s19  }
0x9c: {  	s7 =	simm.s32 $0x0;
	s20 =	sshll.u32 s5, $0x1;
	s5 =	sadd.s32 s21, s3  }
0x9d: {  	[timem:s7], [sflag:s22] =	dma.local [hbm:s5], s20  }
0x9e: {  	_ =	swait.ge [sflag:s22], s20  }
0x9f: {  	s4 =	ssub.s32 $0x0, s20;
	[sflag:s22] =	ssyncset.done $0x0  }
0xa0: {  	[sflag:s22] =	ssyncadd.s32 s4;
	_ =	sdelay $0x1  }
0xa1: {  	s23 =	simm.s32 $0x1B8B  }
0xa2: {  	_ =	swait.ge [sflag:s23], $0x1  }
0xa3: {  	[sflag:s23] =	ssyncset.done $0x0  }
0xa4: {  	s25 =	simm.s32 $0x1B8E;
	s24 =	sld [smem:$0x3FFE];
	[sflag:s23] =	ssyncadd.s32 $0xFFFFFFFF  }
0xa5: {  	s26 =	simm.s32 $execute0_lowered;
	[smem:$0x3FD2] =	sst s25  }
0xa6: {  	s5 =	sshll.u32 s26, $0x1;
	_ =	strace $0x80000046;
	[dreg:$0x1] =	wrdreg $0xFFFFFFFF  }
0xa7: {  	s28 =	simm.s32 $_size_execute0_lowered;
	s3 =	sadd.s32 s3, s5;
	[dreg:$0x0] =	wrdreg $0x0  }
0xa8: {  	s5 =	sshll.u32 s28, $0x1;
	[dreg:$0x2] =	wrdreg s3  }
0xa9: {  	[dreg:$0x3] =	wrdreg s5  }
0xaa: {  	[dreg:$0x4] =	wrdreg $0xC0  }
0xab: {  	_ =	task [dreg:s7], $0x5FFFF  }
0xac: {  	[dreg:$0x1] =	wrdreg $0xFFFFFFFF  }
0xad: {  	[dreg:$0x0] =	wrdreg $0x60  }
0xae: {  	[dreg:$0x2] =	wrdreg s24  }
0xaf: {  	[dreg:$0x3] =	wrdreg s2  }
0xb0: {  	[dreg:$0x4] =	wrdreg $0x9  }
0xb1: {  	_ =	task.clear_ibuf [dreg:s7], $0x5FFFF;
	_ =	strace $0x90000046  }
0xb2: {  	s29 =	simm.s32 $0x9;
	_ =	strace $0x80000048  }
0xb3: {  	_ =	swait.ge [sflag:s29], $0x1  }
0xb4: {  	[sflag:s29] =	ssyncadd.s32 $0xFFFFFFFF  }
0xb5: {  	_ =	strace $0x90000048  }
0xb6: {  	_ =	sfence  }
0xb7: {  	s30 =	sld [smem:$0x0];
	_ =	sdelay $0x2  }
0xb8: {  	s31 =	sshll.u32 s1, $0xD;
	s1 =	sshrl.u32 s1, $0x2  }
0xb9: {  	s3 =	sand.u32 $0x4000, s31;
	s1 =	sadd.s32 s1, s30  }
0xba: {  	s0 =	sor.u32 s3, s0;
	s1 =	sshll.u32 s1, $0x11  }
0xbb: {  	s0 =	sor.u32 s1, s0  }
0xbc: {  	s0 =	sadd.s32 $0x8F2B, s0  }
0xbd: {  	[sflag:s0] =	ssyncadd.remote.s32 $0x1  }
0xbe: {  	_ =	sfence.sel $0xFFFF  }
0xbf: {  	[dreg:$0x0] =	wrdreg $0xFFFFFFFF;
	(pc) =	sbr.abs _section_cstart, $3  }
0xc0: {  	[dreg:$0x1] =	wrdreg $0xFFFFFFFF  }
0xc1: {  	_ =	task.clear_ibuf [dreg:s7], $0x2FFFF;
	_ =	strace $0x9FFFFFFF  }
0xc2: {  	(tm) =	ssettm $0x7FFFFFFF  }
0xc3: {  	_ =	shalt  }
tec
execute0_lowered:
.L_overlay_start_1:
0x0: {  	(tag) =	ssettag $0x1  }
0x1: {  	s0 =	srdreg.scid  }
0x2: {  	s4 =	rddreg [dreg:$0x0];
	s3 =	sand.u32 $0x1, s0  }
0x3: {  	s5 =	rddreg [dreg:$0x1];
	s0 =	stileid.u32;
	s1 =	sshll.u32 s3, $0x4  }
0x4: {  	s2 =	simm.s32 $0x0;
	s9 =	simm.s32 $0x4E20;
	s6 =	sor.u32 s0, s1  }
0x5: {  	[smem:$0x7FF] =	sst s2;
	s3 =	ssub.s32 $0x2, s3;
	s6 =	smul.u32 $0x4E2, s6  }
0x6: {  	s10 =	simm.s32 $0x0;
	s1 =	rddreg [dreg:$0x2];
	s31 =	sshrl.u32 s3, $0x1  }
0x7: {  	_ =	strace $0x80000047;
	s8 =	ssub.s32 s3, s31;
	s7 =	sadd.s32 s6, s4  }
0x8: {  	s4 =	sadd.s32 s5, s6;
	s6 =	smax.u32 s8, $0x1;
	s8 =	simm.s32 $0x2710  }
0x9: {  	v0 =	vimm.f32 $0.0e+00;
	s3 =	sadd.s32 $0xBC00, s7;
	s5 =	sadd.s32 $0x15A00, s7;
	s7 =	simm.s32 $0x1  }
.LBB2_1:
0xa: {  	[tilespmem:s2], [sflag:$0x1] =	stream.linear.gather [hbm4b:s3+s2], $0x2710, $0x38;
	[tilespmem:$0x7530] =	vst v63  }
0xb: {  	_ =	swait.ge [sflag:s7], $0x2710  }
0xc: {  	[sflag:s7] =	ssyncset.done $0x0  }
0xd: {  	[sflag:s7] =	ssyncadd.s32 $0xFFFFD8F0  }
0xe: {  	[tilespmem:s8], [sflag:$0x1] =	stream.linear.gather [hbm4b:s4+s2], $0x2710, $0x38;
	[tilespmem:$0x7530] =	vst v63  }
0xf: {  	_ =	swait.ge [sflag:s7], $0x2710  }
0x10: {  	[sflag:s7] =	ssyncset.done $0x0  }
0x11: {  	s11 =	simm.s32 $0x0;
	[sflag:s7] =	ssyncadd.s32 $0xFFFFD8F0  }
.LBB2_2:
0x12: {  	p0 =	sne.s32 s11, $0x9C00  }
.Ltmp0:
0x13: {  	_ = 	snop;
	(pc) =	sbr.rel @p0 .LBB2_2-.Ltmp0, $3  }
0x14: {  	_ =	sdelay $0x1  }
0x15: {  	s12 =	sshra.s32 s11, $0x2  }
0x16: {  	s11 =	sadd.s32 $0x40, s11;
	[tilespmem:s12+$0x4E20] =	vst v0  }
0x17: {  	s12 =	simm.s32 $0x0;
	s11 =	simm.s32 $0x40  }
.LBB2_4:
0x18: {  	p0 =	sne.s32 s11, $0x9C00;
	v1 =	vld [tilespmem:s12+$0x0];
	_ =	sdelay $0x2  }
0x19: {  	v2 =	vld [tilespmem:s12+$0x2710]  }
.Ltmp1:
0x1a: {  	(pc) =	sbr.rel @p0 .LBB2_4-.Ltmp1, $2  }
0x1b: {  	_ =	sdelay $0x2  }
0x1c: {  	s12 =	sshra.s32 s11, $0x2;
	s11 =	sadd.s32 $0x40, s11;
	[tilespmem:v1+s9+$0x0] =	vst.idx.add.f32.msk $0xffff, v2  }
0x1d: {  	v1 =	vld [tilespmem:s12+$0x0];
	_ =	sdelay $0x2  }
0x1e: {  	v2 =	vld [tilespmem:s12+$0x2710];
	_ =	sdelay $0x2  }
0x1f: {  	s10 =	sadd.s32 $0x1, s10  }
0x20: {  	p0 =	sne.s32 s10, s6  }
.Ltmp2:
0x21: {  	[tilespmem:v1+s9+$0x0] =	vst.idx.add.f32.msk $0xffff, v2;
	(pc) =	sbr.rel @p0 .LBB2_1-.Ltmp2, $4  }
0x22: {  	[hbm4b:s5+s2] =	stream.linear.scatter [tilespmem:s9], [sflag:$0x1], $0x2710, $0x38;
	[tilespmem:$0x7530] =	vst v63  }
0x23: {  	_ =	swait.ge [sflag:s7], $0x2710  }
0x24: {  	[sflag:s7] =	ssyncset.done $0x0  }
0x25: {  	[sflag:s7] =	ssyncadd.s32 $0xFFFFD8F0  }
0x26: {  	_ =	sfence.sel $0x180000  }
0x27: {  	[bflag:$0x0] =	sbarrier.arrive $0xFFFF  }
0x28: {  	p0 =	sne.s32 s0, $0x0;
	_ =	strace $0x90000047  }
0x29: {  	s0 =	sadd.s32 @!p0 $0x100000, s1;
	[bflag:$0x2] =	sbarrier.arrive $0xFFFF  }
0x2a: {  	[sflag:s0] =	ssyncadd.tile.s32 @!p0 $0x1;
	_ =	shalt  }
.Lfunc_end2:
_tile_overlayer_lowered:
.L_overlay_start_2:
0x2b: {  	(tag) =	ssettag $0x2  }
0x2c: {  	s0 =	rddreg [dreg:$0x0];
	s2 =	stileid.u32  }
0x2d: {  	s1 =	rddreg [dreg:$0x1];
	p0 =	sne.s32 s2, $0x0  }
0x2e: {  	s3 =	rddreg [dreg:$0x2];
	[bflag:$0x3] =	sbarrier.arrive $0xFFFF;
	s2 =	simm.s32 @!p0 $0x1C01  }
0x2f: {  	[timem:s3], [sflag:s2] =	dma.local @!p0 [hbm:s0], s1  }
0x30: {  	s0 =	simm.s32 @!p0 $0x1  }
0x31: {  	_ =	swait.ge @!p0 [sflag:s0], s1  }
0x32: {  	s1 =	ssub.s32 @!p0 $0x0, s1;
	[sflag:s0] =	ssyncset.done @!p0 $0x0  }
0x33: {  	[sflag:s0] =	ssyncadd.s32 @!p0 s1  }
0x34: {  	[bflag:$0x3] =	sbarrier.arrive $0xFFFF  }
0x35: {  	_ =	shalt  }

// kernel: kernel.9.cloned.1.call-start
scs
__scs_entry_jumppad:
0x0: {  	(pc) =	sbr.rel $0x88, $3  }
0x1: {  	(tag) =	ssettag $0x0;
	lr =	simm.s32 $0x1  }
0x2: {  	[smem:$0x3F97] =	sst lr;
	_ =	strace $0xD0000000  }
0x3: {  	_ = 	snop  }
0x4: {  	_ = 	snop  }
0x5: {  	_ = 	snop  }
0x6: {  	_ = 	snop  }
0x7: {  	_ = 	snop  }
__scs_overlays_trampoline_lowered:
0x8: {  	[smem:$0x3FA6] =	sst s0  }
0x9: {  	[smem:$0x3FA7] =	sst s1  }
0xa: {  	[smem:$0x3FA8] =	sst s2  }
0xb: {  	[smem:$0x3FA9] =	sst s3  }
0xc: {  	[smem:$0x3FAA] =	sst s4  }
0xd: {  	[smem:$0x3FAB] =	sst s5  }
0xe: {  	[smem:$0x3FAC] =	sst s6  }
0xf: {  	[smem:$0x3FAD] =	sst s7  }
0x10: {  	[smem:$0x3FAE] =	sst s8  }
0x11: {  	[smem:$0x3FAF] =	sst s9;
	s0 =	simm.s32 @!p0 $0x0  }
0x12: {  	s1 =	sld [smem:$0x3F95];
	s0 =	simm.s32 @p0 $0x1  }
0x13: {  	[smem:$0x3FB0] =	sst s0;
	s0 =	simm.s32 @!p1 $0x0  }
0x14: {  	s2 =	sld [smem:$0x3F94];
	s0 =	simm.s32 @p1 $0x1  }
0x15: {  	[smem:$0x3FB1] =	sst s0;
	s0 =	simm.s32 @!p2 $0x0  }
0x16: {  	s3 =	sld [smem:$0x3FDB];
	s0 =	simm.s32 @p2 $0x1  }
0x17: {  	s4 =	simm.s32 $0x1BF5;
	[smem:$0x3FB3] =	sst s0  }
0x18: {  	s0 =	sld [smem:$0x3F96];
	_ =	swait.ge [sflag:s4], $0x0  }
0x19: {  	s7 =	sld [smem:$0x3F97]  }
0x1a: {  	s8 =	sadd.s32 $0xFFFFE003, lr  }
0x1b: {  	s9 =	sadd.s32 $0xFFFFFEF7, lr;
	s5 =	simm.s32 $0xFFFFFFFF;
	p2 =	slt.u32 s8, $0xFFFFF086  }
0x1c: {  	p1 =	slt.u32 s9, $0xF7A;
	s5 =	simm.s32 @!p2 $0x0  }
0x1d: {  	s5 =	simm.s32 @p1 $0x1;
	p0 =	seq.s32 s7, s2  }
0x1e: {  	s7 =	smul.u32 @!p0 $0xF7A, s2;
	p2 =	seq.s32 @!p0 s5, $0x0  }
0x1f: {  	s9 =	smul.u32 $0xF7A, s1;
	s8 =	simm.s32 @!p0 $0x1BF5;
	p2 =	por !p2, p0  }
0x20: {  	[sflag:s8] =	ssyncset.s32 @!p0 $0xFFFFF086;
	s6 =	sadd.s32 @!p0 s3, s7;
	s7 =	simm.s32 @!p0 $0x108  }
0x21: {  	s3 =	sadd.s32 s3, s9;
	s6 =	sadd.s32 @!p0 $0x88, s6;
	s7 =	simm.s32 @p2 $0x1082  }
0x22: {  	[simem:s7], [sflag:s8] =	dma.local @!p0 [hbm:s6], $0xF7A  }
0x23: {  	s9 =	sor.u32 $0xD0000000, s2;
	s6 =	simm.s32 $0x108;
	_ =	swait.ge @!p0 [sflag:s8], $0x0  }
0x24: {  	s3 =	sadd.s32 $0x88, s3;
	s6 =	simm.s32 @!p1 $0x1082;
	[sflag:s4] =	ssyncset.s32 $0xFFFFF086  }
0x25: {  	[simem:s6], [sflag:s4] =	dma.local [hbm:s3], $0xF7A  }
0x26: {  	[smem:$0x3F97] =	sst s1;
	(tag) =	ssettag s2;
	_ =	strace s9  }
0x27: {  	s1 =	sld [smem:$0x3FA7]  }
0x28: {  	s2 =	sld [smem:$0x3FA8]  }
0x29: {  	s4 =	sld [smem:$0x3FAA]  }
0x2a: {  	p0 =	seq.s32 s5, $0x0;
	s5 =	sld [smem:$0x3FAB]  }
0x2b: {  	s6 =	sld [smem:$0x3FAC]  }
0x2c: {  	s7 =	sld [smem:$0x3FAD]  }
0x2d: {  	s3 =	simm.s32 $0x108;
	s8 =	sld [smem:$0x3FAE]  }
0x2e: {  	s3 =	simm.s32 @!p0 $0x1082;
	s9 =	sld [smem:$0x3FAF]  }
0x2f: {  	lr =	sadd.s32 s0, s3;
	s0 =	sld [smem:$0x3FA6]  }
0x30: {  	s3 =	sld [smem:$0x3FA9]  }
0x31: {  	[smem:$0x3FB2] =	sst s10  }
0x32: {  	s10 =	sld [smem:$0x3FB0];
	_ =	sdelay $0x3  }
0x33: {  	p0 =	seq.s32 s10, $0x1;
	s10 =	sld [smem:$0x3FB2];
	_ =	sdelay $0x3  }
0x34: {  	[smem:$0x3FB2] =	sst s10  }
0x35: {  	s10 =	sld [smem:$0x3FB1];
	_ =	sdelay $0x3  }
0x36: {  	p1 =	seq.s32 s10, $0x1;
	s10 =	sld [smem:$0x3FB2];
	_ =	sdelay $0x3  }
0x37: {  	[smem:$0x3FB2] =	sst s10  }
0x38: {  	s10 =	sld [smem:$0x3FB3]  }
0x39: {  	_ = 	snop;
	(pc) =	sbr.ind lr, $3  }
0x3a: {  	_ = 	snop  }
0x3b: {  	_ = 	snop  }
0x3c: {  	p2 =	seq.s32 s10, $0x1;
	s10 =	sld [smem:$0x3FB2]  }
0x3d: {  	_ =	shalt  }
0x3e: {  	_ =	shalt  }
0x3f: {  	_ =	shalt  }
0x40: {  	_ =	shalt  }
0x41: {  	_ =	shalt  }
0x42: {  	_ =	shalt  }
0x43: {  	_ =	shalt  }
0x44: {  	_ =	shalt  }
0x45: {  	_ =	shalt  }
0x46: {  	_ =	shalt  }
0x47: {  	_ =	shalt  }
0x48: {  	_ =	shalt  }
0x49: {  	_ =	shalt  }
0x4a: {  	_ =	shalt  }
0x4b: {  	_ =	shalt  }
0x4c: {  	_ =	shalt  }
0x4d: {  	_ =	shalt  }
0x4e: {  	_ =	shalt  }
0x4f: {  	_ =	shalt  }
0x50: {  	_ =	shalt  }
0x51: {  	_ =	shalt  }
0x52: {  	_ =	shalt  }
0x53: {  	_ =	shalt  }
0x54: {  	_ =	shalt  }
0x55: {  	_ =	shalt  }
0x56: {  	_ =	shalt  }
0x57: {  	_ =	shalt  }
0x58: {  	_ =	shalt  }
0x59: {  	_ =	shalt  }
0x5a: {  	_ =	shalt  }
0x5b: {  	_ =	shalt  }
0x5c: {  	_ =	shalt  }
0x5d: {  	_ =	shalt  }
0x5e: {  	_ =	shalt  }
0x5f: {  	_ =	shalt  }
0x60: {  	_ =	shalt  }
0x61: {  	_ =	shalt  }
0x62: {  	_ =	shalt  }
0x63: {  	_ =	shalt  }
0x64: {  	_ =	shalt  }
0x65: {  	_ =	shalt  }
0x66: {  	_ =	shalt  }
0x67: {  	_ =	shalt  }
0x68: {  	_ =	shalt  }
0x69: {  	_ =	shalt  }
0x6a: {  	_ =	shalt  }
0x6b: {  	_ =	shalt  }
0x6c: {  	_ =	shalt  }
0x6d: {  	_ =	shalt  }
0x6e: {  	_ =	shalt  }
0x6f: {  	_ =	shalt  }
0x70: {  	_ =	shalt  }
0x71: {  	_ =	shalt  }
0x72: {  	_ =	shalt  }
0x73: {  	_ =	shalt  }
0x74: {  	_ =	shalt  }
0x75: {  	_ =	shalt  }
0x76: {  	_ =	shalt  }
0x77: {  	_ =	shalt  }
0x78: {  	_ =	shalt  }
0x79: {  	_ =	shalt  }
0x7a: {  	_ =	shalt  }
0x7b: {  	_ =	shalt  }
0x7c: {  	_ =	shalt  }
0x7d: {  	_ =	shalt  }
0x7e: {  	_ =	shalt  }
0x7f: {  	_ =	shalt  }
0x80: {  	_ =	shalt  }
0x81: {  	_ =	shalt  }
0x82: {  	_ =	shalt  }
0x83: {  	_ =	shalt  }
0x84: {  	_ =	shalt  }
0x85: {  	_ =	shalt  }
0x86: {  	_ =	shalt  }
0x87: {  	_ =	shalt  }
.Lfunc_end0:
.L_simem_size_0:
called_computation.1_lowered:
.L_overlay_start_0:
0x88: {  	s2 =	sld [smem:$0x3FD9]  }
0x89: {  	s3 =	sld [smem:$0x3FFE];
	_ =	sdelay $0x1  }
0x8a: {  	s1 =	srdreg.scid  }
0x8b: {  	s0 =	sand.u32 $0x1, s1  }
0x8c: {  	s17 =	sshll.u32 s0, $0xA;
	s2 =	sadd.s32 s3, s2  }
0x8d: {  	s2 =	sadd.s32 s2, s17  }
0x8e: {  	[smem:$0x3FBE] =	sst s2  }
0x8f: {  	_ = 	snop  }
0x90: {  	s2 =	sld [smem:$0x3FC7];
	(tm) =	ssettm $0x1  }
0x91: {  	s18 =	sld [smem:$0x3FFB];
	_ =	sdelay $0x3  }
0x92: {  	_ =	strace s18  }
0x93: {  	s3 =	sld [smem:$0x3FFC];
	_ =	sdelay $0x3  }
0x94: {  	_ =	strace s3  }
0x95: {  	s3 =	sld [smem:$0x3FFD];
	_ =	sdelay $0x3  }
0x96: {  	_ =	strace s3  }
0x97: {  	_ =	strace $0x8FFFFFFF  }
0x98: {  	s19 =	sld [smem:$0x3FDB];
	_ =	sdelay $0x1  }
0x99: {  	s4 =	simm.s32 $_scs_section_size  }
0x9a: {  	s5 =	simm.s32 $_size__tile_overlayer_lowered;
	s6 =	simm.s32 $_tile_overlayer_lowered  }
0x9b: {  	s22 =	simm.s32 $0x1BFF;
	s21 =	sshll.u32 s6, $0x1;
	s3 =	sadd.s32 s4, s19  }
0x9c: {  	s7 =	simm.s32 $0x0;
	s20 =	sshll.u32 s5, $0x1;
	s5 =	sadd.s32 s21, s3  }
0x9d: {  	[timem:s7], [sflag:s22] =	dma.local [hbm:s5], s20  }
0x9e: {  	_ =	swait.ge [sflag:s22], s20  }
0x9f: {  	s4 =	ssub.s32 $0x0, s20;
	[sflag:s22] =	ssyncset.done $0x0  }
0xa0: {  	[sflag:s22] =	ssyncadd.s32 s4;
	_ =	sdelay $0x1  }
0xa1: {  	s23 =	simm.s32 $0x1B8B  }
0xa2: {  	_ =	swait.ge [sflag:s23], $0x1  }
0xa3: {  	[sflag:s23] =	ssyncset.done $0x0  }
0xa4: {  	s25 =	simm.s32 $0x1B8E;
	s24 =	sld [smem:$0x3FFE];
	[sflag:s23] =	ssyncadd.s32 $0xFFFFFFFF  }
0xa5: {  	s26 =	simm.s32 $execute0_lowered;
	[smem:$0x3FD2] =	sst s25  }
0xa6: {  	s5 =	sshll.u32 s26, $0x1;
	_ =	strace $0x80000049;
	[dreg:$0x1] =	wrdreg $0xFFFFFFFF  }
0xa7: {  	s28 =	simm.s32 $_size_execute0_lowered;
	s3 =	sadd.s32 s3, s5;
	[dreg:$0x0] =	wrdreg $0x0  }
0xa8: {  	s5 =	sshll.u32 s28, $0x1;
	[dreg:$0x2] =	wrdreg s3  }
0xa9: {  	[dreg:$0x3] =	wrdreg s5  }
0xaa: {  	[dreg:$0x4] =	wrdreg $0xC0  }
0xab: {  	_ =	task [dreg:s7], $0x5FFFF  }
0xac: {  	[dreg:$0x1] =	wrdreg $0xFFFFFFFF  }
0xad: {  	[dreg:$0x0] =	wrdreg $0x60  }
0xae: {  	[dreg:$0x2] =	wrdreg s24  }
0xaf: {  	[dreg:$0x3] =	wrdreg s2  }
0xb0: {  	[dreg:$0x4] =	wrdreg $0x8D300  }
0xb1: {  	[dreg:$0x5] =	wrdreg $0x9  }
0xb2: {  	_ =	task.clear_ibuf [dreg:s7], $0x6FFFF;
	_ =	strace $0x90000049  }
0xb3: {  	s29 =	simm.s32 $0x9;
	_ =	strace $0x8000004B  }
0xb4: {  	_ =	swait.ge [sflag:s29], $0x1  }
0xb5: {  	[sflag:s29] =	ssyncadd.s32 $0xFFFFFFFF  }
0xb6: {  	_ =	strace $0x9000004B  }
0xb7: {  	_ =	sfence  }
0xb8: {  	s30 =	sld [smem:$0x0];
	_ =	sdelay $0x2  }
0xb9: {  	s31 =	sshll.u32 s1, $0xD;
	s1 =	sshrl.u32 s1, $0x2  }
0xba: {  	s3 =	sand.u32 $0x4000, s31;
	s1 =	sadd.s32 s1, s30  }
0xbb: {  	s0 =	sor.u32 s3, s0;
	s1 =	sshll.u32 s1, $0x11  }
0xbc: {  	s0 =	sor.u32 s1, s0  }
0xbd: {  	s0 =	sadd.s32 $0x8F2B, s0  }
0xbe: {  	[sflag:s0] =	ssyncadd.remote.s32 $0x1  }
0xbf: {  	_ =	sfence.sel $0xFFFF  }
0xc0: {  	[dreg:$0x0] =	wrdreg $0xFFFFFFFF;
	(pc) =	sbr.abs _section_cstart, $3  }
0xc1: {  	[dreg:$0x1] =	wrdreg $0xFFFFFFFF  }
0xc2: {  	_ =	task.clear_ibuf [dreg:s7], $0x2FFFF;
	_ =	strace $0x9FFFFFFF  }
0xc3: {  	(tm) =	ssettm $0x7FFFFFFF  }
tec
execute0_lowered:
.L_overlay_start_1:
0x0: {  	(tag) =	ssettag $0x1  }
0x1: {  	s5 =	rddreg [dreg:$0x0]  }
0x2: {  	s7 =	rddreg [dreg:$0x1]  }
0x3: {  	s1 =	rddreg [dreg:$0x2]  }
0x4: {  	s2 =	srdreg.scid;
	s0 =	rddreg [dreg:$0x3];
	s3 =	simm.s32 $0x0  }
0x5: {  	s15 =	simm.s32 $0x10;
	s16 =	simm.s32 $0x7530;
	s19 =	simm.s32 $0x0  }
0x6: {  	s6 =	sand.u32 $0x1, s2;
	s2 =	stileid.u32;
	[smem:$0x7FF] =	sst s3  }
0x7: {  	s4 =	sadd.s32 $0x15A00, s5;
	s8 =	smul.u32 $0x140000, s6;
	s9 =	sshll.u32 s6, $0x4  }
0x8: {  	s10 =	smul.u32 $0x14000, s2;
	_ =	strace $0x8000004A;
	s6 =	ssub.s32 $0x2, s6  }
0x9: {  	s12 =	smul.u32 $0x50000, s2;
	s17 =	sshll.u32 s2, $0x6;
	s9 =	sor.u32 s2, s9  }
0xa: {  	s11 =	sshrl.u32 s6, $0x1;
	s17 =	sor.u32 $0x1C03, s17;
	s9 =	smul.u32 $0x4E2, s9  }
0xb: {  	v0 =	vimm.f32 $0.0e+00;
	v1 =	vimm.s32 $0x0;
	s8 =	sadd.s32 s10, s8;
	s11 =	ssub.s32 s6, s11;
	s31 =	sshrl.u32 s12, $0x2  }
0xc: {  	v2 =	vimm.s32 $0x1;
	v3 =	vimm.s32 $0x2;
	v4 =	vimm.s32 $0x3;
	s18 =	sadd.s32 s10, s1;
	s12 =	simm.s32 $0x2710;
	s8 =	sshrl.u32 s8, $0x3  }
0xd: {  	v5 =	vimm.s32 $0x4;
	v6 =	vimm.s32 $0x5;
	v7 =	vimm.s32 $0x6;
	s10 =	smax.u32 s11, $0x1;
	s11 =	simm.s32 $0x3;
	s18 =	sshrl.u32 s18, $0x3  }
0xe: {  	v8 =	vimm.s32 $0x7;
	v9 =	vimm.s32 $0x8;
	v10 =	vimm.s32 $0x9;
	s13 =	sadd.s32 s9, s5;
	s14 =	sadd.s32 s8, s5;
	s7 =	sadd.s32 s7, s9  }
0xf: {  	v11 =	vimm.s32 $0xA;
	v12 =	vimm.s32 $0xB;
	v13 =	vimm.s32 $0xC;
	s8 =	sadd.s32 s31, s1;
	s5 =	sadd.s32 $0x1E00, s13;
	s6 =	sadd.s32 $0xBC00, s13  }
0x10: {  	v14 =	vimm.s32 $0xD;
	v15 =	vimm.s32 $0xE;
	v16 =	vimm.s32 $0xF;
	s9 =	sadd.s32 $0x3CC00, s14;
	s13 =	simm.s32 $0x4E20;
	s14 =	simm.s32 $0x8530  }
.LBB2_1:
0x11: {  	[tilespmem:s3], [sflag:$0x3] =	stream.linear.gather [hbm4b:s5+s3], $0x2710, $0x38;
	[tilespmem:$0x1CD30] =	vst v63  }
0x12: {  	_ =	swait.ge [sflag:s11], $0x2710  }
0x13: {  	[sflag:s11] =	ssyncset.done $0x0  }
0x14: {  	[sflag:s11] =	ssyncadd.s32 $0xFFFFD8F0  }
0x15: {  	[tilespmem:s12], [sflag:$0x3] =	stream.linear.gather [hbm4b:s6+s3], $0x2710, $0x38;
	[tilespmem:$0x1CD30] =	vst v63  }
0x16: {  	_ =	swait.ge [sflag:s11], $0x2710  }
0x17: {  	[sflag:s11] =	ssyncset.done $0x0  }
0x18: {  	[sflag:s11] =	ssyncadd.s32 $0xFFFFD8F0  }
0x19: {  	[tilespmem:s13], [sflag:$0x3] =	stream.linear.gather [hbm4b:s7+s3], $0x2710, $0x38;
	[tilespmem:$0x1CD30] =	vst v63  }
0x1a: {  	_ =	swait.ge [sflag:s11], $0x2710  }
0x1b: {  	[sflag:s11] =	ssyncset.done $0x0  }
0x1c: {  	[sflag:s11] =	ssyncadd.s32 $0xFFFFD8F0  }
0x1d: {  	[tilespmem:$0x8530] =	vst v0  }
0x1e: {  	[tilespmem:$0x8540] =	vst v0  }
0x1f: {  	[tilespmem:$0x8550] =	vst v0  }
0x20: {  	[tilespmem:$0x8560] =	vst v0  }
0x21: {  	[tilespmem:$0x8570] =	vst v0  }
0x22: {  	[tilespmem:$0x8580] =	vst v0  }
0x23: {  	[tilespmem:$0x8590] =	vst v0  }
0x24: {  	[tilespmem:$0x85A0] =	vst v0  }
0x25: {  	[tilespmem:$0x85B0] =	vst v0  }
0x26: {  	[tilespmem:$0x85C0] =	vst v0  }
0x27: {  	[tilespmem:$0x85D0] =	vst v0  }
0x28: {  	[tilespmem:$0x85E0] =	vst v0  }
0x29: {  	[tilespmem:$0x85F0] =	vst v0  }
0x2a: {  	[tilespmem:$0x8600] =	vst v0  }
0x2b: {  	[tilespmem:$0x8610] =	vst v0  }
0x2c: {  	[tilespmem:$0x8620] =	vst v0  }
0x2d: {  	[tilespmem:$0x8630] =	vst v0  }
0x2e: {  	[tilespmem:$0x8640] =	vst v0  }
0x2f: {  	[tilespmem:$0x8650] =	vst v0  }
0x30: {  	[tilespmem:$0x8660] =	vst v0  }
0x31: {  	[tilespmem:$0x8670] =	vst v0  }
0x32: {  	[tilespmem:$0x8680] =	vst v0  }
0x33: {  	[tilespmem:$0x8690] =	vst v0  }
0x34: {  	[tilespmem:$0x86A0] =	vst v0  }
0x35: {  	[tilespmem:$0x86B0] =	vst v0  }
0x36: {  	[tilespmem:$0x86C0] =	vst v0  }
0x37: {  	[tilespmem:$0x86D0] =	vst v0  }
0x38: {  	[tilespmem:$0x86E0] =	vst v0  }
0x39: {  	[tilespmem:$0x86F0] =	vst v0  }
0x3a: {  	[tilespmem:$0x8700] =	vst v0  }
0x3b: {  	[tilespmem:$0x8710] =	vst v0  }
0x3c: {  	[tilespmem:$0x8720] =	vst v0  }
0x3d: {  	[tilespmem:$0x8730] =	vst v0  }
0x3e: {  	[tilespmem:$0x8740] =	vst v0  }
0x3f: {  	[tilespmem:$0x8750] =	vst v0  }
0x40: {  	[tilespmem:$0x8760] =	vst v0  }
0x41: {  	[tilespmem:$0x8770] =	vst v0  }
0x42: {  	[tilespmem:$0x8780] =	vst v0  }
0x43: {  	[tilespmem:$0x8790] =	vst v0  }
0x44: {  	[tilespmem:$0x87A0] =	vst v0  }
0x45: {  	[tilespmem:$0x87B0] =	vst v0  }
0x46: {  	[tilespmem:$0x87C0] =	vst v0  }
0x47: {  	[tilespmem:$0x87D0] =	vst v0  }
0x48: {  	[tilespmem:$0x87E0] =	vst v0  }
0x49: {  	[tilespmem:$0x87F0] =	vst v0  }
0x4a: {  	[tilespmem:$0x8800] =	vst v0  }
0x4b: {  	[tilespmem:$0x8810] =	vst v0  }
0x4c: {  	[tilespmem:$0x8820] =	vst v0  }
0x4d: {  	[tilespmem:$0x8830] =	vst v0  }
0x4e: {  	[tilespmem:$0x8840] =	vst v0  }
0x4f: {  	[tilespmem:$0x8850] =	vst v0  }
0x50: {  	[tilespmem:$0x8860] =	vst v0  }
0x51: {  	[tilespmem:$0x8870] =	vst v0  }
0x52: {  	[tilespmem:$0x8880] =	vst v0  }
0x53: {  	[tilespmem:$0x8890] =	vst v0  }
0x54: {  	[tilespmem:$0x88A0] =	vst v0  }
0x55: {  	[tilespmem:$0x88B0] =	vst v0  }
0x56: {  	[tilespmem:$0x88C0] =	vst v0  }
0x57: {  	[tilespmem:$0x88D0] =	vst v0  }
0x58: {  	[tilespmem:$0x88E0] =	vst v0  }
0x59: {  	[tilespmem:$0x88F0] =	vst v0  }
0x5a: {  	[tilespmem:$0x8900] =	vst v0  }
0x5b: {  	[tilespmem:$0x8910] =	vst v0  }
0x5c: {  	[tilespmem:$0x8920] =	vst v0  }
0x5d: {  	[tilespmem:$0x8930] =	vst v0  }
0x5e: {  	[tilespmem:$0x8940] =	vst v0  }
0x5f: {  	[tilespmem:$0x8950] =	vst v0  }
0x60: {  	[tilespmem:$0x8960] =	vst v0  }
0x61: {  	[tilespmem:$0x8970] =	vst v0  }
0x62: {  	[tilespmem:$0x8980] =	vst v0  }
0x63: {  	[tilespmem:$0x8990] =	vst v0  }
0x64: {  	[tilespmem:$0x89A0] =	vst v0  }
0x65: {  	[tilespmem:$0x89B0] =	vst v0  }
0x66: {  	[tilespmem:$0x89C0] =	vst v0  }
0x67: {  	[tilespmem:$0x89D0] =	vst v0  }
0x68: {  	[tilespmem:$0x89E0] =	vst v0  }
0x69: {  	[tilespmem:$0x89F0] =	vst v0  }
0x6a: {  	[tilespmem:$0x8A00] =	vst v0  }
0x6b: {  	[tilespmem:$0x8A10] =	vst v0  }
0x6c: {  	[tilespmem:$0x8A20] =	vst v0  }
0x6d: {  	[tilespmem:$0x8A30] =	vst v0  }
0x6e: {  	[tilespmem:$0x8A40] =	vst v0  }
0x6f: {  	[tilespmem:$0x8A50] =	vst v0  }
0x70: {  	[tilespmem:$0x8A60] =	vst v0  }
0x71: {  	[tilespmem:$0x8A70] =	vst v0  }
0x72: {  	[tilespmem:$0x8A80] =	vst v0  }
0x73: {  	[tilespmem:$0x8A90] =	vst v0  }
0x74: {  	[tilespmem:$0x8AA0] =	vst v0  }
0x75: {  	[tilespmem:$0x8AB0] =	vst v0  }
0x76: {  	[tilespmem:$0x8AC0] =	vst v0  }
0x77: {  	[tilespmem:$0x8AD0] =	vst v0  }
0x78: {  	[tilespmem:$0x8AE0] =	vst v0  }
0x79: {  	[tilespmem:$0x8AF0] =	vst v0  }
0x7a: {  	[tilespmem:$0x8B00] =	vst v0  }
0x7b: {  	[tilespmem:$0x8B10] =	vst v0  }
0x7c: {  	[tilespmem:$0x8B20] =	vst v0  }
0x7d: {  	[tilespmem:$0x8B30] =	vst v0  }
0x7e: {  	[tilespmem:$0x8B40] =	vst v0  }
0x7f: {  	[tilespmem:$0x8B50] =	vst v0  }
0x80: {  	[tilespmem:$0x8B60] =	vst v0  }
0x81: {  	[tilespmem:$0x8B70] =	vst v0  }
0x82: {  	[tilespmem:$0x8B80] =	vst v0  }
0x83: {  	[tilespmem:$0x8B90] =	vst v0  }
0x84: {  	[tilespmem:$0x8BA0] =	vst v0  }
0x85: {  	[tilespmem:$0x8BB0] =	vst v0  }
0x86: {  	[tilespmem:$0x8BC0] =	vst v0  }
0x87: {  	[tilespmem:$0x8BD0] =	vst v0  }
0x88: {  	[tilespmem:$0x8BE0] =	vst v0  }
0x89: {  	[tilespmem:$0x8BF0] =	vst v0  }
0x8a: {  	[tilespmem:$0x8C00] =	vst v0  }
0x8b: {  	[tilespmem:$0x8C10] =	vst v0  }
0x8c: {  	[tilespmem:$0x8C20] =	vst v0  }
0x8d: {  	[tilespmem:$0x8C30] =	vst v0  }
0x8e: {  	[tilespmem:$0x8C40] =	vst v0  }
0x8f: {  	[tilespmem:$0x8C50] =	vst v0  }
0x90: {  	[tilespmem:$0x8C60] =	vst v0  }
0x91: {  	[tilespmem:$0x8C70] =	vst v0  }
0x92: {  	[tilespmem:$0x8C80] =	vst v0  }
0x93: {  	[tilespmem:$0x8C90] =	vst v0  }
0x94: {  	[tilespmem:$0x8CA0] =	vst v0  }
0x95: {  	[tilespmem:$0x8CB0] =	vst v0  }
0x96: {  	[tilespmem:$0x8CC0] =	vst v0  }
0x97: {  	[tilespmem:$0x8CD0] =	vst v0  }
0x98: {  	[tilespmem:$0x8CE0] =	vst v0  }
0x99: {  	[tilespmem:$0x8CF0] =	vst v0  }
0x9a: {  	[tilespmem:$0x8D00] =	vst v0  }
0x9b: {  	[tilespmem:$0x8D10] =	vst v0  }
0x9c: {  	s20 =	sadd.s32 $0x0, s8;
	[tilespmem:$0x8D20] =	vst v0  }
0x9d: {  	[spmem:s20] =	stream.linear.scatter [tilespmem:s14], [sflag:$0x3], $0x800, $0x38;
	[tilespmem:$0x1CD30] =	vst v63  }
0x9e: {  	s20 =	simm.s32 $0x2000;
	_ =	swait.ge [sflag:s11], $0x800  }
.LBB2_2:
0x9f: {  	s21 =	sshra.s32 s20, $0x2;
	[sflag:s11] =	ssyncset.done $0x0;
	p0 =	sne.s32 s20, $0x4E000  }
.Ltmp0:
0xa0: {  	s21 =	sadd.s32 s21, s8;
	[sflag:s11] =	ssyncadd.s32 $0xFFFFF800;
	(pc) =	sbr.rel @p0 .LBB2_2-.Ltmp0, $3  }
0xa1: {  	[spmem:s21] =	stream.linear.scatter [tilespmem:s14], [sflag:$0x3], $0x800, $0x38;
	[tilespmem:$0x1CD30] =	vst v63  }
0xa2: {  	s20 =	sadd.s32 $0x2000, s20;
	_ =	sdelay $0x1  }
0xa3: {  	_ =	swait.ge [sflag:s11], $0x800  }
0xa4: {  	[sflag:s11] =	ssyncset.done $0x0  }
0xa5: {  	[sflag:s11] =	ssyncadd.s32 $0xFFFFF800  }
0xa6: {  	s20 =	simm.s32 $0x0;
	s21 =	simm.s32 $0x1;
	[bflag:$0x0] =	sbarrier.arrive $0xFFFF  }
0xa7: {  	[tilespmem:s16], [sflag:$0x1] =	stream.indirect.gather [hbm4b:s4+s15], $0x80, s20, s15, $0xb8;
	[tilespmem:$0x1CD30] =	vst v63  }
.LBB2_4:
0xa8: {  	p0 =	seq.s32 s20, $0x9C00;
	s23 =	sadd.s32 $0xFFFFFFFF, s21  }
0xa9: {  	s22 =	sand.u32 @!p0 $0x1, s21;
	s23 =	sand.u32 $0x1, s23;
	s25 =	sshra.s32 @!p0 s20, $0x2  }
0xaa: {  	s26 =	simm.s32 @!p0 $0x10;
	s24 =	sshll.u32 @!p0 s22, $0xB;
	s25 =	sadd.s32 @!p0 $0x10, s25  }
0xab: {  	s22 =	sadd.s32 @!p0 $0x1, s22;
	s29 =	sadd.s32 $0x1, s23;
	s24 =	sor.u32 @!p0 $0x7530, s24  }
0xac: {  	[tilespmem:s24], [sflag:s22] =	stream.indirect.gather @!p0 [hbm4b:s4+s26], $0x80, s25, s26, $0xb8;
	[tilespmem:$0x1CD30] =	vst v63  }
0xad: {  	_ =	swait.ge [sflag:s29], $0x800  }
0xae: {  	[sflag:s29] =	ssyncset.done $0x0  }
0xaf: {  	s30 =	sshra.s32 s20, $0x2;
	[sflag:s29] =	ssyncadd.s32 $0xFFFFF800  }
0xb0: {  	v17 =	vld [tilespmem:s30+$0x4E20]  }
0xb1: {  	s23 =	sshll.u32 s23, $0xB  }
0xb2: {  	v18 =	vld [tilespmem:s23+$0x7530]  }
0xb3: {  	v19 =	vld [tilespmem:s23+$0x7540]  }
0xb4: {  	v20 =	vld [tilespmem:s23+$0x7550]  }
0xb5: {  	v22 =	vld [tilespmem:s23+$0x7560];
	v21 =	vperm.xlane v17, v1  }
0xb6: {  	v23 =	vld [tilespmem:s23+$0x7570]  }
0xb7: {  	v24 =	vld [tilespmem:s23+$0x7580];
	v18 =	vmul.f32 v18, v21  }
0xb8: {  	v25 =	vld [tilespmem:s23+$0x7590];
	v19 =	vmul.f32 v19, v21  }
0xb9: {  	v38 =	vld [tilespmem:s23+$0x75A0];
	[tilespmem:s23+$0x7530] =	vst v18;
	v18 =	vmul.f32 v20, v21  }
0xba: {  	v39 =	vld [tilespmem:s23+$0x75B0];
	[tilespmem:s23+$0x7540] =	vst v19;
	v19 =	vmul.f32 v22, v21  }
0xbb: {  	v40 =	vld [tilespmem:s23+$0x75C0];
	[tilespmem:s23+$0x7550] =	vst v18;
	v18 =	vmul.f32 v23, v21  }
0xbc: {  	v41 =	vld [tilespmem:s23+$0x75D0];
	[tilespmem:s23+$0x7560] =	vst v19;
	v19 =	vmul.f32 v24, v21  }
0xbd: {  	v26 =	vld [tilespmem:s23+$0x75E0];
	v42 =	vperm.xlane v17, v2;
	[tilespmem:s23+$0x7570] =	vst v18;
	v18 =	vmul.f32 v25, v21  }
0xbe: {  	v43 =	vld [tilespmem:s23+$0x75F0];
	[tilespmem:s23+$0x7580] =	vst v19;
	v19 =	vmul.f32 v38, v21  }
0xbf: {  	v44 =	vld [tilespmem:s23+$0x7600];
	[tilespmem:s23+$0x7590] =	vst v18;
	v18 =	vmul.f32 v39, v42  }
0xc0: {  	v45 =	vld [tilespmem:s23+$0x7610];
	[tilespmem:s23+$0x75A0] =	vst v19;
	v19 =	vmul.f32 v40, v42  }
0xc1: {  	v46 =	vld [tilespmem:s23+$0x7620];
	[tilespmem:s23+$0x75B0] =	vst v18;
	v18 =	vmul.f32 v41, v42  }
0xc2: {  	v47 =	vld [tilespmem:s23+$0x7630];
	[tilespmem:s23+$0x75C0] =	vst v19;
	v19 =	vmul.f32 v26, v42  }
0xc3: {  	v48 =	vld [tilespmem:s23+$0x7640];
	[tilespmem:s23+$0x75D0] =	vst v18;
	v18 =	vmul.f32 v43, v42  }
0xc4: {  	v49 =	vld [tilespmem:s23+$0x7650];
	[tilespmem:s23+$0x75E0] =	vst v19;
	v19 =	vmul.f32 v44, v42  }
0xc5: {  	v51 =	vld [tilespmem:s23+$0x7660];
	v50 =	vperm.xlane v17, v3;
	[tilespmem:s23+$0x75F0] =	vst v18;
	v18 =	vmul.f32 v45, v42  }
0xc6: {  	v52 =	vld [tilespmem:s23+$0x7670];
	[tilespmem:s23+$0x7600] =	vst v19;
	v19 =	vmul.f32 v46, v42  }
0xc7: {  	v53 =	vld [tilespmem:s23+$0x7680];
	[tilespmem:s23+$0x7610] =	vst v18;
	v18 =	vmul.f32 v47, v50  }
0xc8: {  	v54 =	vld [tilespmem:s23+$0x7690];
	[tilespmem:s23+$0x7620] =	vst v19;
	v19 =	vmul.f32 v48, v50  }
0xc9: {  	v55 =	vld [tilespmem:s23+$0x76A0];
	[tilespmem:s23+$0x7630] =	vst v18;
	v18 =	vmul.f32 v49, v50  }
0xca: {  	v56 =	vld [tilespmem:s23+$0x76B0];
	[tilespmem:s23+$0x7640] =	vst v19;
	v19 =	vmul.f32 v51, v50  }
0xcb: {  	v57 =	vld [tilespmem:s23+$0x76C0];
	[tilespmem:s23+$0x7650] =	vst v18;
	v18 =	vmul.f32 v52, v50  }
0xcc: {  	v58 =	vld [tilespmem:s23+$0x76D0];
	[tilespmem:s23+$0x7660] =	vst v19;
	v19 =	vmul.f32 v53, v50  }
0xcd: {  	v60 =	vld [tilespmem:s23+$0x76E0];
	v59 =	vperm.xlane v17, v4;
	[tilespmem:s23+$0x7670] =	vst v18;
	v18 =	vmul.f32 v54, v50  }
0xce: {  	v61 =	vld [tilespmem:s23+$0x76F0];
	[tilespmem:s23+$0x7680] =	vst v19;
	v19 =	vmul.f32 v55, v50  }
0xcf: {  	v62 =	vld [tilespmem:s23+$0x7700];
	[tilespmem:s23+$0x7690] =	vst v18;
	v18 =	vmul.f32 v56, v59  }
0xd0: {  	v63 =	vld [tilespmem:s23+$0x7710];
	[tilespmem:s23+$0x76A0] =	vst v19;
	v19 =	vmul.f32 v57, v59  }
0xd1: {  	v28 =	vld [tilespmem:s23+$0x7720];
	[tilespmem:s23+$0x76B0] =	vst v18;
	v18 =	vmul.f32 v58, v59  }
0xd2: {  	v29 =	vld [tilespmem:s23+$0x7730];
	[tilespmem:s23+$0x76C0] =	vst v19;
	v19 =	vmul.f32 v60, v59  }
0xd3: {  	v30 =	vld [tilespmem:s23+$0x7740];
	[tilespmem:s23+$0x76D0] =	vst v18;
	v18 =	vmul.f32 v61, v59  }
0xd4: {  	v31 =	vld [tilespmem:s23+$0x7750];
	[tilespmem:s23+$0x76E0] =	vst v19;
	v19 =	vmul.f32 v62, v59  }
0xd5: {  	v33 =	vld [tilespmem:s23+$0x7760];
	v32 =	vperm.xlane v17, v5;
	[tilespmem:s23+$0x76F0] =	vst v18;
	v18 =	vmul.f32 v63, v59  }
0xd6: {  	v34 =	vld [tilespmem:s23+$0x7770];
	[tilespmem:s23+$0x7700] =	vst v19;
	v19 =	vmul.f32 v28, v59  }
0xd7: {  	v35 =	vld [tilespmem:s23+$0x7780];
	[tilespmem:s23+$0x7710] =	vst v18;
	v18 =	vmul.f32 v29, v32  }
0xd8: {  	v36 =	vld [tilespmem:s23+$0x7790];
	[tilespmem:s23+$0x7720] =	vst v19;
	v19 =	vmul.f32 v30, v32  }
0xd9: {  	v37 =	vld [tilespmem:s23+$0x77A0];
	[tilespmem:s23+$0x7730] =	vst v18;
	v18 =	vmul.f32 v31, v32  }
0xda: {  	v38 =	vld [tilespmem:s23+$0x77B0];
	[tilespmem:s23+$0x7740] =	vst v19;
	v19 =	vmul.f32 v33, v32  }
0xdb: {  	v39 =	vld [tilespmem:s23+$0x77C0];
	[tilespmem:s23+$0x7750] =	vst v18;
	v18 =	vmul.f32 v34, v32  }
0xdc: {  	v40 =	vld [tilespmem:s23+$0x77D0];
	[tilespmem:s23+$0x7760] =	vst v19;
	v19 =	vmul.f32 v35, v32  }
0xdd: {  	v41 =	vperm.xlane v17, v6;
	v42 =	vld [tilespmem:s23+$0x77E0];
	[tilespmem:s23+$0x7770] =	vst v18;
	v18 =	vmul.f32 v36, v32  }
0xde: {  	v43 =	vld [tilespmem:s23+$0x77F0];
	[tilespmem:s23+$0x7780] =	vst v19;
	v19 =	vmul.f32 v37, v32  }
0xdf: {  	v44 =	vld [tilespmem:s23+$0x7800];
	[tilespmem:s23+$0x7790] =	vst v18;
	v18 =	vmul.f32 v38, v41  }
0xe0: {  	v45 =	vld [tilespmem:s23+$0x7810];
	[tilespmem:s23+$0x77A0] =	vst v19;
	v19 =	vmul.f32 v39, v41  }
0xe1: {  	v46 =	vld [tilespmem:s23+$0x7820];
	[tilespmem:s23+$0x77B0] =	vst v18;
	v18 =	vmul.f32 v40, v41  }
0xe2: {  	v47 =	vld [tilespmem:s23+$0x7830];
	[tilespmem:s23+$0x77C0] =	vst v19;
	v19 =	vmul.f32 v42, v41  }
0xe3: {  	v48 =	vld [tilespmem:s23+$0x7840];
	[tilespmem:s23+$0x77D0] =	vst v18;
	v18 =	vmul.f32 v43, v41  }
0xe4: {  	v49 =	vld [tilespmem:s23+$0x7850];
	[tilespmem:s23+$0x77E0] =	vst v19;
	v19 =	vmul.f32 v44, v41  }
0xe5: {  	v51 =	vld [tilespmem:s23+$0x7860];
	v50 =	vperm.xlane v17, v7;
	[tilespmem:s23+$0x77F0] =	vst v18;
	v18 =	vmul.f32 v45, v41  }
0xe6: {  	v52 =	vld [tilespmem:s23+$0x7870];
	[tilespmem:s23+$0x7800] =	vst v19;
	v19 =	vmul.f32 v46, v41  }
0xe7: {  	v53 =	vld [tilespmem:s23+$0x7880];
	[tilespmem:s23+$0x7810] =	vst v18;
	v18 =	vmul.f32 v47, v50  }
0xe8: {  	v54 =	vld [tilespmem:s23+$0x7890];
	[tilespmem:s23+$0x7820] =	vst v19;
	v19 =	vmul.f32 v48, v50  }
0xe9: {  	v55 =	vld [tilespmem:s23+$0x78A0];
	[tilespmem:s23+$0x7830] =	vst v18;
	v18 =	vmul.f32 v49, v50  }
0xea: {  	v56 =	vld [tilespmem:s23+$0x78B0];
	[tilespmem:s23+$0x7840] =	vst v19;
	v19 =	vmul.f32 v51, v50  }
0xeb: {  	v57 =	vld [tilespmem:s23+$0x78C0];
	[tilespmem:s23+$0x7850] =	vst v18;
	v18 =	vmul.f32 v52, v50  }
0xec: {  	v58 =	vld [tilespmem:s23+$0x78D0];
	[tilespmem:s23+$0x7860] =	vst v19;
	v19 =	vmul.f32 v53, v50  }
0xed: {  	v60 =	vld [tilespmem:s23+$0x78E0];
	v59 =	vperm.xlane v17, v8;
	[tilespmem:s23+$0x7870] =	vst v18;
	v18 =	vmul.f32 v54, v50  }
0xee: {  	v61 =	vld [tilespmem:s23+$0x78F0];
	[tilespmem:s23+$0x7880] =	vst v19;
	v19 =	vmul.f32 v55, v50  }
0xef: {  	v62 =	vld [tilespmem:s23+$0x7900];
	[tilespmem:s23+$0x7890] =	vst v18;
	v18 =	vmul.f32 v56, v59  }
0xf0: {  	v63 =	vld [tilespmem:s23+$0x7910];
	[tilespmem:s23+$0x78A0] =	vst v19;
	v19 =	vmul.f32 v57, v59  }
0xf1: {  	v28 =	vld [tilespmem:s23+$0x7920];
	[tilespmem:s23+$0x78B0] =	vst v18;
	v18 =	vmul.f32 v58, v59  }
0xf2: {  	v29 =	vld [tilespmem:s23+$0x7930];
	[tilespmem:s23+$0x78C0] =	vst v19;
	v19 =	vmul.f32 v60, v59  }
0xf3: {  	v30 =	vld [tilespmem:s23+$0x7940];
	[tilespmem:s23+$0x78D0] =	vst v18;
	v18 =	vmul.f32 v61, v59  }
0xf4: {  	v31 =	vld [tilespmem:s23+$0x7950];
	[tilespmem:s23+$0x78E0] =	vst v19;
	v19 =	vmul.f32 v62, v59  }
0xf5: {  	v33 =	vld [tilespmem:s23+$0x7960];
	v32 =	vperm.xlane v17, v9;
	[tilespmem:s23+$0x78F0] =	vst v18;
	v18 =	vmul.f32 v63, v59  }
0xf6: {  	v34 =	vld [tilespmem:s23+$0x7970];
	[tilespmem:s23+$0x7900] =	vst v19;
	v19 =	vmul.f32 v28, v59  }
0xf7: {  	v35 =	vld [tilespmem:s23+$0x7980];
	[tilespmem:s23+$0x7910] =	vst v18;
	v18 =	vmul.f32 v29, v32  }
0xf8: {  	v36 =	vld [tilespmem:s23+$0x7990];
	[tilespmem:s23+$0x7920] =	vst v19;
	v19 =	vmul.f32 v30, v32  }
0xf9: {  	v37 =	vld [tilespmem:s23+$0x79A0];
	[tilespmem:s23+$0x7930] =	vst v18;
	v18 =	vmul.f32 v31, v32  }
0xfa: {  	v38 =	vld [tilespmem:s23+$0x79B0];
	[tilespmem:s23+$0x7940] =	vst v19;
	v19 =	vmul.f32 v33, v32  }
0xfb: {  	v39 =	vld [tilespmem:s23+$0x79C0];
	[tilespmem:s23+$0x7950] =	vst v18;
	v18 =	vmul.f32 v34, v32  }
0xfc: {  	v40 =	vld [tilespmem:s23+$0x79D0];
	[tilespmem:s23+$0x7960] =	vst v19;
	v19 =	vmul.f32 v35, v32  }
0xfd: {  	v42 =	vld [tilespmem:s23+$0x79E0];
	v41 =	vperm.xlane v17, v10;
	[tilespmem:s23+$0x7970] =	vst v18;
	v18 =	vmul.f32 v36, v32  }
0xfe: {  	v43 =	vld [tilespmem:s23+$0x79F0];
	[tilespmem:s23+$0x7980] =	vst v19;
	v19 =	vmul.f32 v37, v32  }
0xff: {  	v44 =	vld [tilespmem:s23+$0x7A00];
	[tilespmem:s23+$0x7990] =	vst v18;
	v18 =	vmul.f32 v38, v41  }
0x100: {  	v45 =	vld [tilespmem:s23+$0x7A10];
	[tilespmem:s23+$0x79A0] =	vst v19;
	v19 =	vmul.f32 v39, v41  }
0x101: {  	v46 =	vld [tilespmem:s23+$0x7A20];
	[tilespmem:s23+$0x79B0] =	vst v18;
	v18 =	vmul.f32 v40, v41  }
0x102: {  	v47 =	vld [tilespmem:s23+$0x7A30];
	[tilespmem:s23+$0x79C0] =	vst v19;
	v19 =	vmul.f32 v42, v41  }
0x103: {  	v48 =	vld [tilespmem:s23+$0x7A40];
	[tilespmem:s23+$0x79D0] =	vst v18;
	v18 =	vmul.f32 v43, v41  }
0x104: {  	v49 =	vld [tilespmem:s23+$0x7A50];
	[tilespmem:s23+$0x79E0] =	vst v19;
	v19 =	vmul.f32 v44, v41  }
0x105: {  	v51 =	vld [tilespmem:s23+$0x7A60];
	v50 =	vperm.xlane v17, v11;
	[tilespmem:s23+$0x79F0] =	vst v18;
	v18 =	vmul.f32 v45, v41  }
0x106: {  	v52 =	vld [tilespmem:s23+$0x7A70];
	[tilespmem:s23+$0x7A00] =	vst v19;
	v19 =	vmul.f32 v46, v41  }
0x107: {  	v53 =	vld [tilespmem:s23+$0x7A80];
	[tilespmem:s23+$0x7A10] =	vst v18;
	v18 =	vmul.f32 v47, v50  }
0x108: {  	v54 =	vld [tilespmem:s23+$0x7A90];
	[tilespmem:s23+$0x7A20] =	vst v19;
	v19 =	vmul.f32 v48, v50  }
0x109: {  	v55 =	vld [tilespmem:s23+$0x7AA0];
	[tilespmem:s23+$0x7A30] =	vst v18;
	v18 =	vmul.f32 v49, v50  }
0x10a: {  	v56 =	vld [tilespmem:s23+$0x7AB0];
	[tilespmem:s23+$0x7A40] =	vst v19;
	v19 =	vmul.f32 v51, v50  }
0x10b: {  	v57 =	vld [tilespmem:s23+$0x7AC0];
	[tilespmem:s23+$0x7A50] =	vst v18;
	v18 =	vmul.f32 v52, v50  }
0x10c: {  	v58 =	vld [tilespmem:s23+$0x7AD0];
	[tilespmem:s23+$0x7A60] =	vst v19;
	v19 =	vmul.f32 v53, v50  }
0x10d: {  	v60 =	vld [tilespmem:s23+$0x7AE0];
	v59 =	vperm.xlane v17, v12;
	[tilespmem:s23+$0x7A70] =	vst v18;
	v18 =	vmul.f32 v54, v50  }
0x10e: {  	v61 =	vld [tilespmem:s23+$0x7AF0];
	[tilespmem:s23+$0x7A80] =	vst v19;
	v19 =	vmul.f32 v55, v50  }
0x10f: {  	v62 =	vld [tilespmem:s23+$0x7B00];
	[tilespmem:s23+$0x7A90] =	vst v18;
	v18 =	vmul.f32 v56, v59  }
0x110: {  	v63 =	vld [tilespmem:s23+$0x7B10];
	[tilespmem:s23+$0x7AA0] =	vst v19;
	v19 =	vmul.f32 v57, v59  }
0x111: {  	v28 =	vld [tilespmem:s23+$0x7B20];
	[tilespmem:s23+$0x7AB0] =	vst v18;
	v18 =	vmul.f32 v58, v59  }
0x112: {  	v29 =	vld [tilespmem:s23+$0x7B30];
	[tilespmem:s23+$0x7AC0] =	vst v19;
	v19 =	vmul.f32 v60, v59  }
0x113: {  	v30 =	vld [tilespmem:s23+$0x7B40];
	[tilespmem:s23+$0x7AD0] =	vst v18;
	v18 =	vmul.f32 v61, v59  }
0x114: {  	v31 =	vld [tilespmem:s23+$0x7B50];
	[tilespmem:s23+$0x7AE0] =	vst v19;
	v19 =	vmul.f32 v62, v59  }
0x115: {  	v33 =	vld [tilespmem:s23+$0x7B60];
	v32 =	vperm.xlane v17, v13;
	[tilespmem:s23+$0x7AF0] =	vst v18;
	v18 =	vmul.f32 v63, v59  }
0x116: {  	v34 =	vld [tilespmem:s23+$0x7B70];
	[tilespmem:s23+$0x7B00] =	vst v19;
	v19 =	vmul.f32 v28, v59  }
0x117: {  	v35 =	vld [tilespmem:s23+$0x7B80];
	[tilespmem:s23+$0x7B10] =	vst v18;
	v18 =	vmul.f32 v29, v32  }
0x118: {  	v36 =	vld [tilespmem:s23+$0x7B90];
	[tilespmem:s23+$0x7B20] =	vst v19;
	v19 =	vmul.f32 v30, v32  }
0x119: {  	v37 =	vld [tilespmem:s23+$0x7BA0];
	[tilespmem:s23+$0x7B30] =	vst v18;
	v18 =	vmul.f32 v31, v32  }
0x11a: {  	v38 =	vld [tilespmem:s23+$0x7BB0];
	[tilespmem:s23+$0x7B40] =	vst v19;
	v19 =	vmul.f32 v33, v32  }
0x11b: {  	v39 =	vld [tilespmem:s23+$0x7BC0];
	[tilespmem:s23+$0x7B50] =	vst v18;
	v18 =	vmul.f32 v34, v32  }
0x11c: {  	v40 =	vld [tilespmem:s23+$0x7BD0];
	[tilespmem:s23+$0x7B60] =	vst v19;
	v19 =	vmul.f32 v35, v32  }
0x11d: {  	v42 =	vld [tilespmem:s23+$0x7BE0];
	v41 =	vperm.xlane v17, v14;
	[tilespmem:s23+$0x7B70] =	vst v18;
	v18 =	vmul.f32 v36, v32  }
0x11e: {  	v43 =	vld [tilespmem:s23+$0x7BF0];
	[tilespmem:s23+$0x7B80] =	vst v19;
	v19 =	vmul.f32 v37, v32  }
0x11f: {  	v44 =	vld [tilespmem:s23+$0x7C00];
	[tilespmem:s23+$0x7B90] =	vst v18;
	v18 =	vmul.f32 v38, v41  }
0x120: {  	v45 =	vld [tilespmem:s23+$0x7C10];
	[tilespmem:s23+$0x7BA0] =	vst v19;
	v19 =	vmul.f32 v39, v41  }
0x121: {  	v46 =	vld [tilespmem:s23+$0x7C20];
	[tilespmem:s23+$0x7BB0] =	vst v18;
	v18 =	vmul.f32 v40, v41  }
0x122: {  	v47 =	vld [tilespmem:s23+$0x7C30];
	[tilespmem:s23+$0x7BC0] =	vst v19;
	v19 =	vmul.f32 v42, v41  }
0x123: {  	v48 =	vld [tilespmem:s23+$0x7C40];
	[tilespmem:s23+$0x7BD0] =	vst v18;
	v18 =	vmul.f32 v43, v41  }
0x124: {  	v49 =	vld [tilespmem:s23+$0x7C50];
	[tilespmem:s23+$0x7BE0] =	vst v19;
	v19 =	vmul.f32 v44, v41  }
0x125: {  	v51 =	vld [tilespmem:s23+$0x7C60];
	v50 =	vperm.xlane v17, v15;
	[tilespmem:s23+$0x7BF0] =	vst v18;
	v18 =	vmul.f32 v45, v41  }
0x126: {  	v52 =	vld [tilespmem:s23+$0x7C70];
	[tilespmem:s23+$0x7C00] =	vst v19;
	v19 =	vmul.f32 v46, v41  }
0x127: {  	v53 =	vld [tilespmem:s23+$0x7C80];
	[tilespmem:s23+$0x7C10] =	vst v18;
	v18 =	vmul.f32 v47, v50  }
0x128: {  	v54 =	vld [tilespmem:s23+$0x7C90];
	[tilespmem:s23+$0x7C20] =	vst v19;
	v19 =	vmul.f32 v48, v50  }
0x129: {  	v55 =	vld [tilespmem:s23+$0x7CA0];
	[tilespmem:s23+$0x7C30] =	vst v18;
	v18 =	vmul.f32 v49, v50  }
0x12a: {  	v56 =	vld [tilespmem:s23+$0x7CB0];
	[tilespmem:s23+$0x7C40] =	vst v19;
	v19 =	vmul.f32 v51, v50  }
0x12b: {  	v57 =	vld [tilespmem:s23+$0x7CC0];
	[tilespmem:s23+$0x7C50] =	vst v18;
	v18 =	vmul.f32 v52, v50  }
0x12c: {  	v58 =	vld [tilespmem:s23+$0x7CD0];
	[tilespmem:s23+$0x7C60] =	vst v19;
	v19 =	vmul.f32 v53, v50  }
0x12d: {  	v17 =	vperm.xlane v17, v16;
	v59 =	vld [tilespmem:s23+$0x7CE0];
	[tilespmem:s23+$0x7C70] =	vst v18;
	v18 =	vmul.f32 v54, v50  }
0x12e: {  	v60 =	vld [tilespmem:s23+$0x7CF0];
	[tilespmem:s23+$0x7C80] =	vst v19;
	v19 =	vmul.f32 v55, v50  }
0x12f: {  	v61 =	vld [tilespmem:s23+$0x7D00];
	[tilespmem:s23+$0x7C90] =	vst v18;
	v18 =	vmul.f32 v56, v17  }
0x130: {  	v62 =	vld [tilespmem:s23+$0x7D10];
	[tilespmem:s23+$0x7CA0] =	vst v19;
	v19 =	vmul.f32 v57, v17  }
0x131: {  	v63 =	vld [tilespmem:s23+$0x7D20];
	[tilespmem:s23+$0x7CB0] =	vst v18;
	v18 =	vmul.f32 v58, v17  }
0x132: {  	[tilespmem:s23+$0x7CC0] =	vst v19;
	v19 =	vmul.f32 v59, v17  }
0x133: {  	[tilespmem:s23+$0x7CD0] =	vst v18;
	v18 =	vmul.f32 v60, v17  }
0x134: {  	[tilespmem:s23+$0x7CE0] =	vst v19;
	v19 =	vmul.f32 v61, v17  }
0x135: {  	[tilespmem:s23+$0x7CF0] =	vst v18;
	v18 =	vmul.f32 v62, v17  }
0x136: {  	s20 =	sadd.s32 $0x40, s20;
	[tilespmem:s23+$0x7D00] =	vst v19;
	v17 =	vmul.f32 v63, v17  }
0x137: {  	p0 =	sne.s32 s20, $0x9C40;
	[tilespmem:s23+$0x7D10] =	vst v18  }
.Ltmp1:
0x138: {  	s31 =	sor.u32 $0x7530, s23;
	s22 =	sadd.s32 $0x2710, s30;
	[tilespmem:s23+$0x7D20] =	vst v17;
	(pc) =	sbr.rel @p0 .LBB2_4-.Ltmp1, $4  }
0x139: {  	[spmem:s1] =	stream.indirect.scatter.add.f32 [tilespmem:s31], [sflag:$0x3], $0x80, s22, s15, $0xb8;
	[tilespmem:$0x1CD30] =	vst v63  }
0x13a: {  	_ =	swait.ge [sflag:s11], $0x800  }
0x13b: {  	[sflag:s11] =	ssyncset.done $0x0  }
0x13c: {  	s21 =	sadd.s32 $0x1, s21;
	[sflag:s11] =	ssyncadd.s32 $0xFFFFF800  }
0x13d: {  	s19 =	sadd.s32 $0x1, s19  }
0x13e: {  	p0 =	sne.s32 s19, s10  }
.Ltmp2:
0x13f: {  	[bflag:$0x0] =	sbarrier.arrive $0xFFFF;
	(pc) =	sbr.rel @p0 .LBB2_1-.Ltmp2, $4  }
0x140: {  	[hbm:s9], [sflag:s17] =	dma.local [spmem:s18], $0x2800  }
0x141: {  	_ =	swait.ge [sflag:s11], $0x2800  }
0x142: {  	[sflag:s11] =	ssyncset.done $0x0  }
0x143: {  	[sflag:s11] =	ssyncadd.s32 $0xFFFFD800  }
0x144: {  	_ =	sfence.sel $0x180000  }
0x145: {  	[bflag:$0x0] =	sbarrier.arrive $0xFFFF  }
0x146: {  	p0 =	sne.s32 s2, $0x0;
	_ =	strace $0x9000004A  }
0x147: {  	s0 =	sadd.s32 @!p0 $0x100000, s0;
	[bflag:$0x2] =	sbarrier.arrive $0xFFFF  }
0x148: {  	[sflag:s0] =	ssyncadd.tile.s32 @!p0 $0x1;
	_ =	shalt  }
.Lfunc_end2:
_tile_overlayer_lowered:
.L_overlay_start_2:
0x149: {  	(tag) =	ssettag $0x2  }
0x14a: {  	s0 =	rddreg [dreg:$0x0];
	s2 =	stileid.u32  }
0x14b: {  	s1 =	rddreg [dreg:$0x1];
	p0 =	sne.s32 s2, $0x0  }
0x14c: {  	s3 =	rddreg [dreg:$0x2];
	[bflag:$0x3] =	sbarrier.arrive $0xFFFF;
	s2 =	simm.s32 @!p0 $0x1C03  }
0x14d: {  	[timem:s3], [sflag:s2] =	dma.local @!p0 [hbm:s0], s1  }
0x14e: {  	s0 =	simm.s32 @!p0 $0x3  }
0x14f: {  	_ =	swait.ge @!p0 [sflag:s0], s1  }
0x150: {  	s1 =	ssub.s32 @!p0 $0x0, s1;
	[sflag:s0] =	ssyncset.done @!p0 $0x0  }
0x151: {  	[sflag:s0] =	ssyncadd.s32 @!p0 s1  }
0x152: {  	[bflag:$0x3] =	sbarrier.arrive $0xFFFF  }
0x153: {  	_ =	shalt  }

</sc_bundles>
